<compile_context>
chip_gen: v7x
topology: tpu7x:2x2x1
jax: 0.10.2.dev20260603
libtpu: 0.0.44.dev20260713+nightly
codegen_flags: <defaults>
</compile_context>

<pallas_src>
import functools

import jax
import jax.numpy as jnp
from jax import lax
from jax.experimental import pallas as pl
from jax.experimental.pallas import tpu as pltpu
from jax.experimental.pallas import tpu_sc as plsc

D = 128
NP = 10240
NC = 2
NS = 16
NTILES = NC * NS
CHUNK = 80
IB = 16
NB = 4
ROWS_PT = NP // NS
RB = 1024
GRID = NP // RB


@functools.lru_cache(maxsize=None)
def _build_sc_kernels(e_pad: int):
    ept = e_pad // NTILES
    nch = ept // CHUNK
    _mesh = plsc.VectorSubcoreMesh(
        core_axis_name="c", subcore_axis_name="s",
        num_cores=NC, num_subcores=NS)

    @functools.partial(
        pl.kernel,
        out_type=jax.ShapeDtypeStruct((NC, NP), jnp.float32),
        mesh=_mesh,
        scratch_types=[
            pltpu.VMEM((nch, CHUNK), jnp.int32),
            pltpu.VMEM((CHUNK,), jnp.float32),
            pltpu.VMEM((NS, ROWS_PT), jnp.float32),
            pltpu.VMEM((NS, ROWS_PT), jnp.float32),
            pltpu.VMEM((ROWS_PT,), jnp.float32),
            pltpu.VMEM_SHARED((NS * NP,), jnp.float32),
            pltpu.VMEM_SHARED((NS * NP,), jnp.float32),
            pltpu.SemaphoreType.DMA,
            pltpu.SemaphoreType.DMA,
        ],
    )
    def degree_kernel(dst_hbm, ones_hbm, zeros_hbm, out_hbm,
                      didx, ones_v, ca, cb, colsum, h0, h1, s0, s1):
        cid = lax.axis_index("c")
        sid = lax.axis_index("s")
        wid = sid * NC + cid
        hists = [h0, h1]
        sems = [s0, s1]
        pltpu.sync_copy(dst_hbm.at[wid], didx)
        pltpu.sync_copy(ones_hbm, ones_v)
        pltpu.sync_copy(zeros_hbm, h0.at[pl.ds(sid * NP, NP)])
        pltpu.sync_copy(zeros_hbm, h1.at[pl.ds(sid * NP, NP)])

        def body(g, carry):
            for b in range(2):
                c = 2 * g + b

                @pl.when(c >= 2)
                def _():
                    pltpu.make_async_copy(
                        ones_v, hists[b].at[didx.at[c - 2]], sems[b]).wait()

                pltpu.async_copy(ones_v, hists[b].at[didx.at[c]],
                                 sems[b], add=True)
            return carry

        lax.fori_loop(0, nch // 2, body, 0)
        pltpu.make_async_copy(ones_v, h0.at[didx.at[nch - 2]], s0).wait()
        pltpu.make_async_copy(ones_v, h1.at[didx.at[nch - 1]], s1).wait()
        plsc.subcore_barrier()

        for p in range(NS):
            pltpu.sync_copy(
                h0.at[pl.ds(p * NP + sid * ROWS_PT, ROWS_PT)], ca.at[p])
            pltpu.sync_copy(
                h1.at[pl.ds(p * NP + sid * ROWS_PT, ROWS_PT)], cb.at[p])

        def red(v, carry):
            s = ca[0, pl.ds(v * 16, 16)] + cb[0, pl.ds(v * 16, 16)]
            for p in range(1, NS):
                s = s + ca[p, pl.ds(v * 16, 16)] + cb[p, pl.ds(v * 16, 16)]
            colsum[pl.ds(v * 16, 16)] = s
            return carry

        lax.fori_loop(0, ROWS_PT // 16, red, 0)
        pltpu.sync_copy(colsum,
                        out_hbm.at[cid, pl.ds(sid * ROWS_PT, ROWS_PT)])

    nblk = nch // IB

    @functools.partial(
        pl.kernel,
        out_type=jax.ShapeDtypeStruct((NC, NP, D), jnp.float32),
        mesh=_mesh,
        scratch_types=[
            pltpu.VMEM((IB, CHUNK), jnp.int32),
            pltpu.VMEM((IB, CHUNK), jnp.int32),
            pltpu.VMEM_SHARED((NP, D), jnp.float32),
            pltpu.VMEM((CHUNK, D), jnp.float32),
            pltpu.VMEM((CHUNK, D), jnp.float32),
            pltpu.VMEM((CHUNK, D), jnp.float32),
            pltpu.VMEM((CHUNK, D), jnp.float32),
            pltpu.SemaphoreType.DMA,
            pltpu.SemaphoreType.DMA,
            pltpu.SemaphoreType.DMA,
            pltpu.SemaphoreType.DMA,
            pltpu.SemaphoreType.DMA,
            pltpu.SemaphoreType.DMA,
            pltpu.SemaphoreType.DMA,
            pltpu.SemaphoreType.DMA,
        ],
    )
    def agg_kernel(h_hbm, hb_hbm, src_hbm, dst_hbm, zrow_hbm, out_hbm,
                   sidx, didx, acc, ra, rb, rc, rd,
                   g0, g1, g2, g3, s0, s1, s2, s3):
        rows = [ra, rb, rc, rd]
        gsem = [g0, g1, g2, g3]
        ssem = [s0, s1, s2, s3]
        cid = lax.axis_index("c")
        sid = lax.axis_index("s")
        wid = sid * NC + cid

        pltpu.sync_copy(zrow_hbm, rows[0])
        for k in range(ROWS_PT // CHUNK):
            pltpu.sync_copy(rows[0],
                            acc.at[pl.ds(sid * ROWS_PT + k * CHUNK, CHUNK)])
        plsc.subcore_barrier()

        def gather(j, b):
            @pl.when(cid == 0)
            def _():
                pltpu.async_copy(h_hbm.at[sidx.at[j]], rows[b], gsem[b])

            @pl.when(cid == 1)
            def _():
                pltpu.async_copy(hb_hbm.at[sidx.at[j]], rows[b], gsem[b])

        def gwait(j, b):
            pltpu.make_async_copy(h_hbm.at[sidx.at[j]], rows[b],
                                  gsem[b]).wait()

        def sstart(j, b):
            pltpu.async_copy(rows[b], acc.at[didx.at[j]], ssem[b], add=True)

        def swait(j, b):
            pltpu.make_async_copy(rows[b], acc.at[didx.at[j]], ssem[b]).wait()

        def blk(k, carry):
            pltpu.sync_copy(src_hbm.at[wid, pl.ds(k * IB, IB)], sidx)
            pltpu.sync_copy(dst_hbm.at[wid, pl.ds(k * IB, IB)], didx)
            gather(0, 0)
            gather(1, 1)
            gather(2, 2)

            def quad(g, carry2):
                for b in range(NB):
                    j = NB * g + b
                    bn = (b + 3) % NB
                    @pl.when(j >= 1)
                    def _():
                        swait(j - 1, bn)

                    @pl.when(j + 3 < IB)
                    def _():
                        gather(j + 3, bn)

                    gwait(j, b)
                    sstart(j, b)
                return carry2

            lax.fori_loop(0, IB // NB, quad, 0)
            swait(IB - 1, (IB - 1) % NB)
            return carry

        lax.fori_loop(0, nblk, blk, 0)
        plsc.subcore_barrier()
        pltpu.sync_copy(acc.at[pl.ds(sid * ROWS_PT, ROWS_PT)],
                        out_hbm.at[cid, pl.ds(sid * ROWS_PT, ROWS_PT)])

    return degree_kernel, agg_kernel



def _mm1_body(x_ref, deg_ref, w_ref, o_ref, o2_ref):
    dinv = lax.rsqrt(deg_ref[...] + 1.0)
    v = jnp.dot(x_ref[...] * dinv, w_ref[...],
                preferred_element_type=jnp.float32)
    o_ref[...] = v
    o2_ref[...] = v


def _mid_body(acc_ref, h_ref, deg_ref, b_ref, w_ref, o_ref, o2_ref):
    dinv = lax.rsqrt(deg_ref[...] + 1.0)
    t = dinv * (acc_ref[0] + acc_ref[1] + h_ref[...]) + b_ref[...]
    r = jnp.maximum(t, 0.0)
    v = jnp.dot(r * dinv, w_ref[...],
                preferred_element_type=jnp.float32)
    o_ref[...] = v
    o2_ref[...] = v


def _fin_body(acc_ref, h_ref, deg_ref, b_ref, o_ref):
    dinv = lax.rsqrt(deg_ref[...] + 1.0)
    o_ref[...] = dinv * (acc_ref[0] + acc_ref[1] + h_ref[...]) + b_ref[...]


_row = pl.BlockSpec((RB, D), lambda i: (i, 0))
_col = pl.BlockSpec((RB, 1), lambda i: (i, 0))
_wsp = pl.BlockSpec((D, D), lambda i: (0, 0))
_bsp = pl.BlockSpec((1, D), lambda i: (0, 0))
_asp = pl.BlockSpec((NC, RB, D), lambda i: (0, i, 0))
_out = jax.ShapeDtypeStruct((NP, D), jnp.float32)

_mm1 = pl.pallas_call(_mm1_body, grid=(GRID,),
                      in_specs=[_row, _col, _wsp],
                      out_specs=(_row, _row), out_shape=(_out, _out))
_mid = pl.pallas_call(_mid_body, grid=(GRID,),
                      in_specs=[_asp, _row, _col, _bsp, _wsp],
                      out_specs=(_row, _row), out_shape=(_out, _out))
_fin = pl.pallas_call(_fin_body, grid=(GRID,),
                      in_specs=[_asp, _row, _col, _bsp],
                      out_specs=_row, out_shape=_out)



def kernel(x, edge_index, W1, b1, W2, b2):
    n = x.shape[0]
    e = edge_index.shape[1]
    grain = NTILES * CHUNK * IB
    e_pad = ((e + grain - 1) // grain) * grain
    degree_kernel, agg_kernel = _build_sc_kernels(e_pad)

    ept = e_pad // NTILES
    nch = ept // CHUNK
    srcp = jnp.concatenate(
        [edge_index[0].astype(jnp.int32),
         jnp.zeros((e_pad - e,), jnp.int32)])
    dstp = jnp.concatenate(
        [edge_index[1].astype(jnp.int32),
         n + jnp.arange(e_pad - e, dtype=jnp.int32) % (NP - n)])
    src = srcp.reshape(NTILES, nch, CHUNK)
    dst = dstp.reshape(NTILES, nch, CHUNK)
    x_p = jnp.pad(x.astype(jnp.float32), ((0, NP - n), (0, 0)))
    ones_c = jnp.ones((CHUNK,), jnp.float32)
    zeros_n = jnp.zeros((NP,), jnp.float32)
    zrow = jnp.zeros((CHUNK, D), jnp.float32)
    b1r = b1.reshape(1, D).astype(jnp.float32)
    b2r = b2.reshape(1, D).astype(jnp.float32)

    sid_of_tile = (jnp.arange(NTILES, dtype=jnp.int32) // NC)
    dst_deg = (dstp.reshape(NTILES, nch, CHUNK)
               + (sid_of_tile * NP)[:, None, None])
    degp = degree_kernel(dst_deg, ones_c, zeros_n)
    deg = (degp[0] + degp[1]).reshape(NP, 1)

    h1p, h1q = _mm1(x_p, deg, W1)
    acc1 = agg_kernel(h1p, h1q, src, dst, zrow)
    h2p, h2q = _mid(acc1, h1p, deg, b1r, W2)
    acc2 = agg_kernel(h2p, h2q, src, dst, zrow)
    outp = _fin(acc2, h2p, deg, b2r)
    return outp[:n]

# --- scband reference (transcript-rebuilt; emitter-appended) ---
"""Pipeline reference for scband-gcnrelation-predictor-56332791054339 (READ-ONLY COPY).

The authoritative reference and input builder live on the scoring server;
editing this copy changes nothing except your own understanding.
"""

import jax, jax.numpy as jnp
import numpy as np

N_NODES = 10000


def gcn_conv(x, src, dst, W, b, n):
    # PyG GCNConv: add self-loops, symmetric normalization D^-1/2 (A+I) D^-1/2 (X W) + b
    h = x @ W
    loop = jnp.arange(n, dtype=src.dtype)
    src_f = jnp.concatenate([src, loop])
    dst_f = jnp.concatenate([dst, loop])
    deg = jax.ops.segment_sum(jnp.ones_like(dst_f, dtype=h.dtype), dst_f, num_segments=n)
    dinv = jnp.where(deg > 0, 1.0 / jnp.sqrt(deg), 0.0)
    norm = dinv[src_f] * dinv[dst_f]
    msg = h[src_f] * norm[:, None]
    out = jax.ops.segment_sum(msg, dst_f, num_segments=n)
    return out + b


def setup_inputs(seed: int = 0) -> dict:
    key = jax.random.key(seed)
    k1, k2, k3, k4, k5, k6 = jax.random.split(key, 6)
    x = jax.random.normal(k1, (N_NODES, 128), dtype=jnp.float32)
    edge_index = jax.random.randint(k2, (2, 320000), 0, N_NODES, dtype=jnp.int64)
    # GCNConv weights: conv1 (128->128), conv2 (128->128)
    s1 = 1.0 / np.sqrt(128.0)
    W1 = jax.random.uniform(k3, (128, 128), dtype=jnp.float32, minval=-s1, maxval=s1)
    b1 = jnp.zeros((128,), dtype=jnp.float32)
    W2 = jax.random.uniform(k4, (128, 128), dtype=jnp.float32, minval=-s1, maxval=s1)
    b2 = jnp.zeros((128,), dtype=jnp.float32)
    return {"x": x, "edge_index": edge_index, "W1": W1, "b1": b1, "W2": W2, "b2": b2}


def reference(x, edge_index, W1, b1, W2, b2):
    src = edge_index[0]
    dst = edge_index[1]
    n = x.shape[0]
    h = gcn_conv(x, src, dst, W1, b1, n)
    h = jax.nn.relu(h)
    out = gcn_conv(h, src, dst, W2, b2, n)
    return out

if __name__ == "__main__":
    import jax
    _d = setup_inputs()
    print(jax.jit(kernel)(*tuple(_d.values())))

</pallas_src>

<mosaic_0001>
#map = affine_map<(d0, d1) -> (0, 0)>
#map1 = affine_map<(d0, d1) -> (0, 0, 0)>
module attributes {stable_mosaic.version = 14 : i64} {
  func.func @agg_kernel(%arg0: i32, %arg1: i32, %arg2: memref<10240x128xf32, #tpu.memory_space<hbm>>, %arg3: memref<10240x128xf32, #tpu.memory_space<hbm>>, %arg4: memref<32x128x80xi32, #tpu.memory_space<hbm>>, %arg5: memref<32x128x80xi32, #tpu.memory_space<hbm>>, %arg6: memref<80x128xf32, #tpu.memory_space<hbm>>, %arg7: memref<2x10240x128xf32, #tpu.memory_space<hbm>>, %arg8: memref<16x80xi32, #tpu.memory_space<vmem>>, %arg9: memref<16x80xi32, #tpu.memory_space<vmem>>, %arg10: memref<10240x128xf32, #tpu.memory_space<vmem_shared>>, %arg11: memref<80x128xf32, #tpu.memory_space<vmem>>, %arg12: memref<80x128xf32, #tpu.memory_space<vmem>>, %arg13: memref<80x128xf32, #tpu.memory_space<vmem>>, %arg14: memref<80x128xf32, #tpu.memory_space<vmem>>, %arg15: memref<!tpu.dma_semaphore, #tpu.memory_space<semaphore_mem>>, %arg16: memref<!tpu.dma_semaphore, #tpu.memory_space<semaphore_mem>>, %arg17: memref<!tpu.dma_semaphore, #tpu.memory_space<semaphore_mem>>, %arg18: memref<!tpu.dma_semaphore, #tpu.memory_space<semaphore_mem>>, %arg19: memref<!tpu.dma_semaphore, #tpu.memory_space<semaphore_mem>>, %arg20: memref<!tpu.dma_semaphore, #tpu.memory_space<semaphore_mem>>, %arg21: memref<!tpu.dma_semaphore, #tpu.memory_space<semaphore_mem>>, %arg22: memref<!tpu.dma_semaphore, #tpu.memory_space<semaphore_mem>>) attributes {dimension_semantics = [#tpu.dimension_semantics<core_parallel>, #tpu.dimension_semantics<subcore_parallel>], iteration_bounds = array<i64: 2, 16>, scalar_prefetch = 0 : i64, scratch_operands = 15 : i64, tpu.core_type = #tpu.core_type<sc_vector_subcore>, window_params = [{transform_indices = #map}, {transform_indices = #map}, {transform_indices = #map1}, {transform_indices = #map1}, {transform_indices = #map}, {transform_indices = #map1}]} {
    %mul3A = arith.constant 2 : i32
    %mul3A_0 = arith.muli %arg1, %mul3A : i32
    %add3A = arith.addi %mul3A_0, %arg0 : i32
    "tpu.region"() ({
      %run_scoped3A = tpu.sem_alloc : memref<!tpu.dma_semaphore, #tpu.memory_space<semaphore_mem>>
      tpu.enqueue_dma source(%arg6 : memref<80x128xf32, #tpu.memory_space<hbm>>) target(%arg11 : memref<80x128xf32, #tpu.memory_space<vmem>>) target_semaphore(%run_scoped3A : memref<!tpu.dma_semaphore, #tpu.memory_space<semaphore_mem>>)
      tpu.wait_dma2 semaphore(%run_scoped3A : memref<!tpu.dma_semaphore, #tpu.memory_space<semaphore_mem>>) src(%arg6 : memref<80x128xf32, #tpu.memory_space<hbm>>) dst(%arg11 : memref<80x128xf32, #tpu.memory_space<vmem>>)
      tpu.yield
    }) : () -> ()
    %mul3A_1 = arith.constant 640 : i32
    %mul3A_2 = arith.muli %arg1, %mul3A_1 : i32
    %add3A_3 = arith.constant 0 : i32
    %add3A_4 = arith.addi %mul3A_2, %add3A_3 : i32
    "tpu.region"() ({
      %run_scoped3A = tpu.sem_alloc : memref<!tpu.dma_semaphore, #tpu.memory_space<semaphore_mem>>
      %dma_start3A = arith.constant 0 : i32
      %dma_start3A_43 = tpu.memref_slice %arg10[%add3A_4, %dma_start3A] : memref<10240x128xf32, #tpu.memory_space<vmem_shared>> -> memref<80x128xf32, #tpu.memory_space<vmem_shared>>
      %dma_start3A_44 = arith.constant 0 : i32
      %dma_start3A_45 = tpu.memref_slice %arg10[%add3A_4, %dma_start3A_44] : memref<10240x128xf32, #tpu.memory_space<vmem_shared>> -> memref<80x128xf32, #tpu.memory_space<vmem_shared>>
      tpu.enqueue_dma source(%arg11 : memref<80x128xf32, #tpu.memory_space<vmem>>) target(%dma_start3A_45 : memref<80x128xf32, #tpu.memory_space<vmem_shared>>) target_semaphore(%run_scoped3A : memref<!tpu.dma_semaphore, #tpu.memory_space<semaphore_mem>>)
      %dma_wait3A = arith.constant 0 : i32
      %dma_wait3A_46 = tpu.memref_slice %arg10[%add3A_4, %dma_wait3A] : memref<10240x128xf32, #tpu.memory_space<vmem_shared>> -> memref<80x128xf32, #tpu.memory_space<vmem_shared>>
      %dma_wait3A_47 = arith.constant 0 : i32
      %dma_wait3A_48 = tpu.memref_slice %arg10[%add3A_4, %dma_wait3A_47] : memref<10240x128xf32, #tpu.memory_space<vmem_shared>> -> memref<80x128xf32, #tpu.memory_space<vmem_shared>>
      tpu.wait_dma2 semaphore(%run_scoped3A : memref<!tpu.dma_semaphore, #tpu.memory_space<semaphore_mem>>) src(%arg11 : memref<80x128xf32, #tpu.memory_space<vmem>>) dst(%dma_wait3A_48 : memref<80x128xf32, #tpu.memory_space<vmem_shared>>)
      tpu.yield
    }) : () -> ()
    %mul3A_5 = arith.constant 640 : i32
    %mul3A_6 = arith.muli %arg1, %mul3A_5 : i32
    %add3A_7 = arith.constant 80 : i32
    %add3A_8 = arith.addi %mul3A_6, %add3A_7 : i32
    "tpu.region"() ({
      %run_scoped3A = tpu.sem_alloc : memref<!tpu.dma_semaphore, #tpu.memory_space<semaphore_mem>>
      %dma_start3A = arith.constant 0 : i32
      %dma_start3A_43 = tpu.memref_slice %arg10[%add3A_8, %dma_start3A] : memref<10240x128xf32, #tpu.memory_space<vmem_shared>> -> memref<80x128xf32, #tpu.memory_space<vmem_shared>>
      %dma_start3A_44 = arith.constant 0 : i32
      %dma_start3A_45 = tpu.memref_slice %arg10[%add3A_8, %dma_start3A_44] : memref<10240x128xf32, #tpu.memory_space<vmem_shared>> -> memref<80x128xf32, #tpu.memory_space<vmem_shared>>
      tpu.enqueue_dma source(%arg11 : memref<80x128xf32, #tpu.memory_space<vmem>>) target(%dma_start3A_45 : memref<80x128xf32, #tpu.memory_space<vmem_shared>>) target_semaphore(%run_scoped3A : memref<!tpu.dma_semaphore, #tpu.memory_space<semaphore_mem>>)
      %dma_wait3A = arith.constant 0 : i32
      %dma_wait3A_46 = tpu.memref_slice %arg10[%add3A_8, %dma_wait3A] : memref<10240x128xf32, #tpu.memory_space<vmem_shared>> -> memref<80x128xf32, #tpu.memory_space<vmem_shared>>
      %dma_wait3A_47 = arith.constant 0 : i32
      %dma_wait3A_48 = tpu.memref_slice %arg10[%add3A_8, %dma_wait3A_47] : memref<10240x128xf32, #tpu.memory_space<vmem_shared>> -> memref<80x128xf32, #tpu.memory_space<vmem_shared>>
      tpu.wait_dma2 semaphore(%run_scoped3A : memref<!tpu.dma_semaphore, #tpu.memory_space<semaphore_mem>>) src(%arg11 : memref<80x128xf32, #tpu.memory_space<vmem>>) dst(%dma_wait3A_48 : memref<80x128xf32, #tpu.memory_space<vmem_shared>>)
      tpu.yield
    }) : () -> ()
    %mul3A_9 = arith.constant 640 : i32
    %mul3A_10 = arith.muli %arg1, %mul3A_9 : i32
    %add3A_11 = arith.constant 160 : i32
    %add3A_12 = arith.addi %mul3A_10, %add3A_11 : i32
    "tpu.region"() ({
      %run_scoped3A = tpu.sem_alloc : memref<!tpu.dma_semaphore, #tpu.memory_space<semaphore_mem>>
      %dma_start3A = arith.constant 0 : i32
      %dma_start3A_43 = tpu.memref_slice %arg10[%add3A_12, %dma_start3A] : memref<10240x128xf32, #tpu.memory_space<vmem_shared>> -> memref<80x128xf32, #tpu.memory_space<vmem_shared>>
      %dma_start3A_44 = arith.constant 0 : i32
      %dma_start3A_45 = tpu.memref_slice %arg10[%add3A_12, %dma_start3A_44] : memref<10240x128xf32, #tpu.memory_space<vmem_shared>> -> memref<80x128xf32, #tpu.memory_space<vmem_shared>>
      tpu.enqueue_dma source(%arg11 : memref<80x128xf32, #tpu.memory_space<vmem>>) target(%dma_start3A_45 : memref<80x128xf32, #tpu.memory_space<vmem_shared>>) target_semaphore(%run_scoped3A : memref<!tpu.dma_semaphore, #tpu.memory_space<semaphore_mem>>)
      %dma_wait3A = arith.constant 0 : i32
      %dma_wait3A_46 = tpu.memref_slice %arg10[%add3A_12, %dma_wait3A] : memref<10240x128xf32, #tpu.memory_space<vmem_shared>> -> memref<80x128xf32, #tpu.memory_space<vmem_shared>>
      %dma_wait3A_47 = arith.constant 0 : i32
      %dma_wait3A_48 = tpu.memref_slice %arg10[%add3A_12, %dma_wait3A_47] : memref<10240x128xf32, #tpu.memory_space<vmem_shared>> -> memref<80x128xf32, #tpu.memory_space<vmem_shared>>
      tpu.wait_dma2 semaphore(%run_scoped3A : memref<!tpu.dma_semaphore, #tpu.memory_space<semaphore_mem>>) src(%arg11 : memref<80x128xf32, #tpu.memory_space<vmem>>) dst(%dma_wait3A_48 : memref<80x128xf32, #tpu.memory_space<vmem_shared>>)
      tpu.yield
    }) : () -> ()
    %mul3A_13 = arith.constant 640 : i32
    %mul3A_14 = arith.muli %arg1, %mul3A_13 : i32
    %add3A_15 = arith.constant 240 : i32
    %add3A_16 = arith.addi %mul3A_14, %add3A_15 : i32
    "tpu.region"() ({
      %run_scoped3A = tpu.sem_alloc : memref<!tpu.dma_semaphore, #tpu.memory_space<semaphore_mem>>
      %dma_start3A = arith.constant 0 : i32
      %dma_start3A_43 = tpu.memref_slice %arg10[%add3A_16, %dma_start3A] : memref<10240x128xf32, #tpu.memory_space<vmem_shared>> -> memref<80x128xf32, #tpu.memory_space<vmem_shared>>
      %dma_start3A_44 = arith.constant 0 : i32
      %dma_start3A_45 = tpu.memref_slice %arg10[%add3A_16, %dma_start3A_44] : memref<10240x128xf32, #tpu.memory_space<vmem_shared>> -> memref<80x128xf32, #tpu.memory_space<vmem_shared>>
      tpu.enqueue_dma source(%arg11 : memref<80x128xf32, #tpu.memory_space<vmem>>) target(%dma_start3A_45 : memref<80x128xf32, #tpu.memory_space<vmem_shared>>) target_semaphore(%run_scoped3A : memref<!tpu.dma_semaphore, #tpu.memory_space<semaphore_mem>>)
      %dma_wait3A = arith.constant 0 : i32
      %dma_wait3A_46 = tpu.memref_slice %arg10[%add3A_16, %dma_wait3A] : memref<10240x128xf32, #tpu.memory_space<vmem_shared>> -> memref<80x128xf32, #tpu.memory_space<vmem_shared>>
      %dma_wait3A_47 = arith.constant 0 : i32
      %dma_wait3A_48 = tpu.memref_slice %arg10[%add3A_16, %dma_wait3A_47] : memref<10240x128xf32, #tpu.memory_space<vmem_shared>> -> memref<80x128xf32, #tpu.memory_space<vmem_shared>>
      tpu.wait_dma2 semaphore(%run_scoped3A : memref<!tpu.dma_semaphore, #tpu.memory_space<semaphore_mem>>) src(%arg11 : memref<80x128xf32, #tpu.memory_space<vmem>>) dst(%dma_wait3A_48 : memref<80x128xf32, #tpu.memory_space<vmem_shared>>)
      tpu.yield
    }) : () -> ()
    %mul3A_17 = arith.constant 640 : i32
    %mul3A_18 = arith.muli %arg1, %mul3A_17 : i32
    %add3A_19 = arith.constant 320 : i32
    %add3A_20 = arith.addi %mul3A_18, %add3A_19 : i32
    "tpu.region"() ({
      %run_scoped3A = tpu.sem_alloc : memref<!tpu.dma_semaphore, #tpu.memory_space<semaphore_mem>>
      %dma_start3A = arith.constant 0 : i32
      %dma_start3A_43 = tpu.memref_slice %arg10[%add3A_20, %dma_start3A] : memref<10240x128xf32, #tpu.memory_space<vmem_shared>> -> memref<80x128xf32, #tpu.memory_space<vmem_shared>>
      %dma_start3A_44 = arith.constant 0 : i32
      %dma_start3A_45 = tpu.memref_slice %arg10[%add3A_20, %dma_start3A_44] : memref<10240x128xf32, #tpu.memory_space<vmem_shared>> -> memref<80x128xf32, #tpu.memory_space<vmem_shared>>
      tpu.enqueue_dma source(%arg11 : memref<80x128xf32, #tpu.memory_space<vmem>>) target(%dma_start3A_45 : memref<80x128xf32, #tpu.memory_space<vmem_shared>>) target_semaphore(%run_scoped3A : memref<!tpu.dma_semaphore, #tpu.memory_space<semaphore_mem>>)
      %dma_wait3A = arith.constant 0 : i32
      %dma_wait3A_46 = tpu.memref_slice %arg10[%add3A_20, %dma_wait3A] : memref<10240x128xf32, #tpu.memory_space<vmem_shared>> -> memref<80x128xf32, #tpu.memory_space<vmem_shared>>
      %dma_wait3A_47 = arith.constant 0 : i32
      %dma_wait3A_48 = tpu.memref_slice %arg10[%add3A_20, %dma_wait3A_47] : memref<10240x128xf32, #tpu.memory_space<vmem_shared>> -> memref<80x128xf32, #tpu.memory_space<vmem_shared>>
      tpu.wait_dma2 semaphore(%run_scoped3A : memref<!tpu.dma_semaphore, #tpu.memory_space<semaphore_mem>>) src(%arg11 : memref<80x128xf32, #tpu.memory_space<vmem>>) dst(%dma_wait3A_48 : memref<80x128xf32, #tpu.memory_space<vmem_shared>>)
      tpu.yield
    }) : () -> ()
    %mul3A_21 = arith.constant 640 : i32
    %mul3A_22 = arith.muli %arg1, %mul3A_21 : i32
    %add3A_23 = arith.constant 400 : i32
    %add3A_24 = arith.addi %mul3A_22, %add3A_23 : i32
    "tpu.region"() ({
      %run_scoped3A = tpu.sem_alloc : memref<!tpu.dma_semaphore, #tpu.memory_space<semaphore_mem>>
      %dma_start3A = arith.constant 0 : i32
      %dma_start3A_43 = tpu.memref_slice %arg10[%add3A_24, %dma_start3A] : memref<10240x128xf32, #tpu.memory_space<vmem_shared>> -> memref<80x128xf32, #tpu.memory_space<vmem_shared>>
      %dma_start3A_44 = arith.constant 0 : i32
      %dma_start3A_45 = tpu.memref_slice %arg10[%add3A_24, %dma_start3A_44] : memref<10240x128xf32, #tpu.memory_space<vmem_shared>> -> memref<80x128xf32, #tpu.memory_space<vmem_shared>>
      tpu.enqueue_dma source(%arg11 : memref<80x128xf32, #tpu.memory_space<vmem>>) target(%dma_start3A_45 : memref<80x128xf32, #tpu.memory_space<vmem_shared>>) target_semaphore(%run_scoped3A : memref<!tpu.dma_semaphore, #tpu.memory_space<semaphore_mem>>)
      %dma_wait3A = arith.constant 0 : i32
      %dma_wait3A_46 = tpu.memref_slice %arg10[%add3A_24, %dma_wait3A] : memref<10240x128xf32, #tpu.memory_space<vmem_shared>> -> memref<80x128xf32, #tpu.memory_space<vmem_shared>>
      %dma_wait3A_47 = arith.constant 0 : i32
      %dma_wait3A_48 = tpu.memref_slice %arg10[%add3A_24, %dma_wait3A_47] : memref<10240x128xf32, #tpu.memory_space<vmem_shared>> -> memref<80x128xf32, #tpu.memory_space<vmem_shared>>
      tpu.wait_dma2 semaphore(%run_scoped3A : memref<!tpu.dma_semaphore, #tpu.memory_space<semaphore_mem>>) src(%arg11 : memref<80x128xf32, #tpu.memory_space<vmem>>) dst(%dma_wait3A_48 : memref<80x128xf32, #tpu.memory_space<vmem_shared>>)
      tpu.yield
    }) : () -> ()
    %mul3A_25 = arith.constant 640 : i32
    %mul3A_26 = arith.muli %arg1, %mul3A_25 : i32
    %add3A_27 = arith.constant 480 : i32
    %add3A_28 = arith.addi %mul3A_26, %add3A_27 : i32
    "tpu.region"() ({
      %run_scoped3A = tpu.sem_alloc : memref<!tpu.dma_semaphore, #tpu.memory_space<semaphore_mem>>
      %dma_start3A = arith.constant 0 : i32
      %dma_start3A_43 = tpu.memref_slice %arg10[%add3A_28, %dma_start3A] : memref<10240x128xf32, #tpu.memory_space<vmem_shared>> -> memref<80x128xf32, #tpu.memory_space<vmem_shared>>
      %dma_start3A_44 = arith.constant 0 : i32
      %dma_start3A_45 = tpu.memref_slice %arg10[%add3A_28, %dma_start3A_44] : memref<10240x128xf32, #tpu.memory_space<vmem_shared>> -> memref<80x128xf32, #tpu.memory_space<vmem_shared>>
      tpu.enqueue_dma source(%arg11 : memref<80x128xf32, #tpu.memory_space<vmem>>) target(%dma_start3A_45 : memref<80x128xf32, #tpu.memory_space<vmem_shared>>) target_semaphore(%run_scoped3A : memref<!tpu.dma_semaphore, #tpu.memory_space<semaphore_mem>>)
      %dma_wait3A = arith.constant 0 : i32
      %dma_wait3A_46 = tpu.memref_slice %arg10[%add3A_28, %dma_wait3A] : memref<10240x128xf32, #tpu.memory_space<vmem_shared>> -> memref<80x128xf32, #tpu.memory_space<vmem_shared>>
      %dma_wait3A_47 = arith.constant 0 : i32
      %dma_wait3A_48 = tpu.memref_slice %arg10[%add3A_28, %dma_wait3A_47] : memref<10240x128xf32, #tpu.memory_space<vmem_shared>> -> memref<80x128xf32, #tpu.memory_space<vmem_shared>>
      tpu.wait_dma2 semaphore(%run_scoped3A : memref<!tpu.dma_semaphore, #tpu.memory_space<semaphore_mem>>) src(%arg11 : memref<80x128xf32, #tpu.memory_space<vmem>>) dst(%dma_wait3A_48 : memref<80x128xf32, #tpu.memory_space<vmem_shared>>)
      tpu.yield
    }) : () -> ()
    %mul3A_29 = arith.constant 640 : i32
    %mul3A_30 = arith.muli %arg1, %mul3A_29 : i32
    %add3A_31 = arith.constant 560 : i32
    %add3A_32 = arith.addi %mul3A_30, %add3A_31 : i32
    "tpu.region"() ({
      %run_scoped3A = tpu.sem_alloc : memref<!tpu.dma_semaphore, #tpu.memory_space<semaphore_mem>>
      %dma_start3A = arith.constant 0 : i32
      %dma_start3A_43 = tpu.memref_slice %arg10[%add3A_32, %dma_start3A] : memref<10240x128xf32, #tpu.memory_space<vmem_shared>> -> memref<80x128xf32, #tpu.memory_space<vmem_shared>>
      %dma_start3A_44 = arith.constant 0 : i32
      %dma_start3A_45 = tpu.memref_slice %arg10[%add3A_32, %dma_start3A_44] : memref<10240x128xf32, #tpu.memory_space<vmem_shared>> -> memref<80x128xf32, #tpu.memory_space<vmem_shared>>
      tpu.enqueue_dma source(%arg11 : memref<80x128xf32, #tpu.memory_space<vmem>>) target(%dma_start3A_45 : memref<80x128xf32, #tpu.memory_space<vmem_shared>>) target_semaphore(%run_scoped3A : memref<!tpu.dma_semaphore, #tpu.memory_space<semaphore_mem>>)
      %dma_wait3A = arith.constant 0 : i32
      %dma_wait3A_46 = tpu.memref_slice %arg10[%add3A_32, %dma_wait3A] : memref<10240x128xf32, #tpu.memory_space<vmem_shared>> -> memref<80x128xf32, #tpu.memory_space<vmem_shared>>
      %dma_wait3A_47 = arith.constant 0 : i32
      %dma_wait3A_48 = tpu.memref_slice %arg10[%add3A_32, %dma_wait3A_47] : memref<10240x128xf32, #tpu.memory_space<vmem_shared>> -> memref<80x128xf32, #tpu.memory_space<vmem_shared>>
      tpu.wait_dma2 semaphore(%run_scoped3A : memref<!tpu.dma_semaphore, #tpu.memory_space<semaphore_mem>>) src(%arg11 : memref<80x128xf32, #tpu.memory_space<vmem>>) dst(%dma_wait3A_48 : memref<80x128xf32, #tpu.memory_space<vmem_shared>>)
      tpu.yield
    }) : () -> ()
    %barrier3A = arith.constant 0 : index
    tpu.barrier barrier_id(%barrier3A)
    %scan3A = arith.constant 0 : i32
    %scan3A_33 = arith.constant 0 : i32
    %scan3A_34 = arith.constant 8 : i32
    %scan3A_35 = arith.addi %scan3A_33, %scan3A_34 : i32
    %scan3A_36 = arith.constant 1 : i32
    scf.for %scan3A_43 = %scan3A_33 to %scan3A_35 step %scan3A_36  : i32 {
      %mul3A_44 = arith.constant 16 : i32
      %mul3A_45 = arith.muli %scan3A_43, %mul3A_44 : i32
      "tpu.region"() ({
        %run_scoped3A = tpu.sem_alloc : memref<!tpu.dma_semaphore, #tpu.memory_space<semaphore_mem>>
        %dma_start3A = arith.constant 0 : i32
        %dma_start3A_87 = tpu.memref_slice %arg4[%add3A, %mul3A_45, %dma_start3A] : memref<32x128x80xi32, #tpu.memory_space<hbm>> -> memref<1x16x80xi32, #tpu.memory_space<hbm>>
        %dma_start3A_88 = tpu.memref_squeeze %dma_start3A_87 : memref<1x16x80xi32, #tpu.memory_space<hbm>> -> memref<16x80xi32, #tpu.memory_space<hbm>>
        %dma_start3A_89 = arith.constant 0 : i32
        %dma_start3A_90 = tpu.memref_slice %arg4[%add3A, %mul3A_45, %dma_start3A_89] : memref<32x128x80xi32, #tpu.memory_space<hbm>> -> memref<1x16x80xi32, #tpu.memory_space<hbm>>
        %dma_start3A_91 = tpu.memref_squeeze %dma_start3A_90 : memref<1x16x80xi32, #tpu.memory_space<hbm>> -> memref<16x80xi32, #tpu.memory_space<hbm>>
        tpu.enqueue_dma source(%dma_start3A_91 : memref<16x80xi32, #tpu.memory_space<hbm>>) target(%arg8 : memref<16x80xi32, #tpu.memory_space<vmem>>) target_semaphore(%run_scoped3A : memref<!tpu.dma_semaphore, #tpu.memory_space<semaphore_mem>>)
        %dma_wait3A_92 = arith.constant 0 : i32
        %dma_wait3A_93 = tpu.memref_slice %arg4[%add3A, %mul3A_45, %dma_wait3A_92] : memref<32x128x80xi32, #tpu.memory_space<hbm>> -> memref<1x16x80xi32, #tpu.memory_space<hbm>>
        %dma_wait3A_94 = tpu.memref_squeeze %dma_wait3A_93 : memref<1x16x80xi32, #tpu.memory_space<hbm>> -> memref<16x80xi32, #tpu.memory_space<hbm>>
        %dma_wait3A_95 = arith.constant 0 : i32
        %dma_wait3A_96 = tpu.memref_slice %arg4[%add3A, %mul3A_45, %dma_wait3A_95] : memref<32x128x80xi32, #tpu.memory_space<hbm>> -> memref<1x16x80xi32, #tpu.memory_space<hbm>>
        %dma_wait3A_97 = tpu.memref_squeeze %dma_wait3A_96 : memref<1x16x80xi32, #tpu.memory_space<hbm>> -> memref<16x80xi32, #tpu.memory_space<hbm>>
        tpu.wait_dma2 semaphore(%run_scoped3A : memref<!tpu.dma_semaphore, #tpu.memory_space<semaphore_mem>>) src(%dma_wait3A_97 : memref<16x80xi32, #tpu.memory_space<hbm>>) dst(%arg8 : memref<16x80xi32, #tpu.memory_space<vmem>>)
        tpu.yield
      }) : () -> ()
      %mul3A_46 = arith.constant 16 : i32
      %mul3A_47 = arith.muli %scan3A_43, %mul3A_46 : i32
      "tpu.region"() ({
        %run_scoped3A = tpu.sem_alloc : memref<!tpu.dma_semaphore, #tpu.memory_space<semaphore_mem>>
        %dma_start3A = arith.constant 0 : i32
        %dma_start3A_87 = tpu.memref_slice %arg5[%add3A, %mul3A_47, %dma_start3A] : memref<32x128x80xi32, #tpu.memory_space<hbm>> -> memref<1x16x80xi32, #tpu.memory_space<hbm>>
        %dma_start3A_88 = tpu.memref_squeeze %dma_start3A_87 : memref<1x16x80xi32, #tpu.memory_space<hbm>> -> memref<16x80xi32, #tpu.memory_space<hbm>>
        %dma_start3A_89 = arith.constant 0 : i32
        %dma_start3A_90 = tpu.memref_slice %arg5[%add3A, %mul3A_47, %dma_start3A_89] : memref<32x128x80xi32, #tpu.memory_space<hbm>> -> memref<1x16x80xi32, #tpu.memory_space<hbm>>
        %dma_start3A_91 = tpu.memref_squeeze %dma_start3A_90 : memref<1x16x80xi32, #tpu.memory_space<hbm>> -> memref<16x80xi32, #tpu.memory_space<hbm>>
        tpu.enqueue_dma source(%dma_start3A_91 : memref<16x80xi32, #tpu.memory_space<hbm>>) target(%arg9 : memref<16x80xi32, #tpu.memory_space<vmem>>) target_semaphore(%run_scoped3A : memref<!tpu.dma_semaphore, #tpu.memory_space<semaphore_mem>>)
        %dma_wait3A_92 = arith.constant 0 : i32
        %dma_wait3A_93 = tpu.memref_slice %arg5[%add3A, %mul3A_47, %dma_wait3A_92] : memref<32x128x80xi32, #tpu.memory_space<hbm>> -> memref<1x16x80xi32, #tpu.memory_space<hbm>>
        %dma_wait3A_94 = tpu.memref_squeeze %dma_wait3A_93 : memref<1x16x80xi32, #tpu.memory_space<hbm>> -> memref<16x80xi32, #tpu.memory_space<hbm>>
        %dma_wait3A_95 = arith.constant 0 : i32
        %dma_wait3A_96 = tpu.memref_slice %arg5[%add3A, %mul3A_47, %dma_wait3A_95] : memref<32x128x80xi32, #tpu.memory_space<hbm>> -> memref<1x16x80xi32, #tpu.memory_space<hbm>>
        %dma_wait3A_97 = tpu.memref_squeeze %dma_wait3A_96 : memref<1x16x80xi32, #tpu.memory_space<hbm>> -> memref<16x80xi32, #tpu.memory_space<hbm>>
        tpu.wait_dma2 semaphore(%run_scoped3A : memref<!tpu.dma_semaphore, #tpu.memory_space<semaphore_mem>>) src(%dma_wait3A_97 : memref<16x80xi32, #tpu.memory_space<hbm>>) dst(%arg9 : memref<16x80xi32, #tpu.memory_space<vmem>>)
        tpu.yield
      }) : () -> ()
      %eq3A = arith.constant 0 : i32
      %eq3A_48 = arith.cmpi eq, %arg0, %eq3A : i32
      %convert_element_type3A = arith.extui %eq3A_48 : i1 to i32
      %cond3A = arith.constant 0 : i32
      %cond3A_49 = arith.cmpi ne, %convert_element_type3A, %cond3A : i32
      scf.if %cond3A_49 {
        %dma_start3A = arith.constant 0 : i32
        %dma_start3A_87 = arith.constant 0 : i32
        %dma_start3A_88 = tpu.memref_slice %arg8[%dma_start3A, %dma_start3A_87] : memref<16x80xi32, #tpu.memory_space<vmem>> -> memref<1x80xi32, #tpu.memory_space<vmem>>
        %dma_start3A_89 = tpu.memref_squeeze %dma_start3A_88 : memref<1x80xi32, #tpu.memory_space<vmem>> -> memref<80xi32, #tpu.memory_space<vmem>>
        %dma_start3A_90 = arith.constant 0 : i32
        %dma_start3A_91 = arith.constant 0 : i32
        %dma_start3A_92 = tpu.memref_slice %arg2[%dma_start3A_90, %dma_start3A_91] : memref<10240x128xf32, #tpu.memory_space<hbm>> -> memref<10240x128xf32, #tpu.memory_space<hbm>>
        tpu.enqueue_indirect_dma source(%dma_start3A_92 : memref<10240x128xf32, #tpu.memory_space<hbm>>) target(%arg11 : memref<80x128xf32, #tpu.memory_space<vmem>>) offsets(%dma_start3A_89 : memref<80xi32, #tpu.memory_space<vmem>>) semaphore(%arg15 : memref<!tpu.dma_semaphore, #tpu.memory_space<semaphore_mem>>)
      } else {
      }
      %eq3A_50 = arith.constant 1 : i32
      %eq3A_51 = arith.cmpi eq, %arg0, %eq3A_50 : i32
      %convert_element_type3A_52 = arith.extui %eq3A_51 : i1 to i32
      %cond3A_53 = arith.constant 0 : i32
      %cond3A_54 = arith.cmpi ne, %convert_element_type3A_52, %cond3A_53 : i32
      scf.if %cond3A_54 {
        %dma_start3A = arith.constant 0 : i32
        %dma_start3A_87 = arith.constant 0 : i32
        %dma_start3A_88 = tpu.memref_slice %arg8[%dma_start3A, %dma_start3A_87] : memref<16x80xi32, #tpu.memory_space<vmem>> -> memref<1x80xi32, #tpu.memory_space<vmem>>
        %dma_start3A_89 = tpu.memref_squeeze %dma_start3A_88 : memref<1x80xi32, #tpu.memory_space<vmem>> -> memref<80xi32, #tpu.memory_space<vmem>>
        %dma_start3A_90 = arith.constant 0 : i32
        %dma_start3A_91 = arith.constant 0 : i32
        %dma_start3A_92 = tpu.memref_slice %arg3[%dma_start3A_90, %dma_start3A_91] : memref<10240x128xf32, #tpu.memory_space<hbm>> -> memref<10240x128xf32, #tpu.memory_space<hbm>>
        tpu.enqueue_indirect_dma source(%dma_start3A_92 : memref<10240x128xf32, #tpu.memory_space<hbm>>) target(%arg11 : memref<80x128xf32, #tpu.memory_space<vmem>>) offsets(%dma_start3A_89 : memref<80xi32, #tpu.memory_space<vmem>>) semaphore(%arg15 : memref<!tpu.dma_semaphore, #tpu.memory_space<semaphore_mem>>)
      } else {
      }
      %eq3A_55 = arith.constant 0 : i32
      %eq3A_56 = arith.cmpi eq, %arg0, %eq3A_55 : i32
      %convert_element_type3A_57 = arith.extui %eq3A_56 : i1 to i32
      %cond3A_58 = arith.constant 0 : i32
      %cond3A_59 = arith.cmpi ne, %convert_element_type3A_57, %cond3A_58 : i32
      scf.if %cond3A_59 {
        %dma_start3A = arith.constant 1 : i32
        %dma_start3A_87 = arith.constant 0 : i32
        %dma_start3A_88 = tpu.memref_slice %arg8[%dma_start3A, %dma_start3A_87] : memref<16x80xi32, #tpu.memory_space<vmem>> -> memref<1x80xi32, #tpu.memory_space<vmem>>
        %dma_start3A_89 = tpu.memref_squeeze %dma_start3A_88 : memref<1x80xi32, #tpu.memory_space<vmem>> -> memref<80xi32, #tpu.memory_space<vmem>>
        %dma_start3A_90 = arith.constant 0 : i32
        %dma_start3A_91 = arith.constant 0 : i32
        %dma_start3A_92 = tpu.memref_slice %arg2[%dma_start3A_90, %dma_start3A_91] : memref<10240x128xf32, #tpu.memory_space<hbm>> -> memref<10240x128xf32, #tpu.memory_space<hbm>>
        tpu.enqueue_indirect_dma source(%dma_start3A_92 : memref<10240x128xf32, #tpu.memory_space<hbm>>) target(%arg12 : memref<80x128xf32, #tpu.memory_space<vmem>>) offsets(%dma_start3A_89 : memref<80xi32, #tpu.memory_space<vmem>>) semaphore(%arg16 : memref<!tpu.dma_semaphore, #tpu.memory_space<semaphore_mem>>)
      } else {
      }
      %eq3A_60 = arith.constant 1 : i32
      %eq3A_61 = arith.cmpi eq, %arg0, %eq3A_60 : i32
      %convert_element_type3A_62 = arith.extui %eq3A_61 : i1 to i32
      %cond3A_63 = arith.constant 0 : i32
      %cond3A_64 = arith.cmpi ne, %convert_element_type3A_62, %cond3A_63 : i32
      scf.if %cond3A_64 {
        %dma_start3A = arith.constant 1 : i32
        %dma_start3A_87 = arith.constant 0 : i32
        %dma_start3A_88 = tpu.memref_slice %arg8[%dma_start3A, %dma_start3A_87] : memref<16x80xi32, #tpu.memory_space<vmem>> -> memref<1x80xi32, #tpu.memory_space<vmem>>
        %dma_start3A_89 = tpu.memref_squeeze %dma_start3A_88 : memref<1x80xi32, #tpu.memory_space<vmem>> -> memref<80xi32, #tpu.memory_space<vmem>>
        %dma_start3A_90 = arith.constant 0 : i32
        %dma_start3A_91 = arith.constant 0 : i32
        %dma_start3A_92 = tpu.memref_slice %arg3[%dma_start3A_90, %dma_start3A_91] : memref<10240x128xf32, #tpu.memory_space<hbm>> -> memref<10240x128xf32, #tpu.memory_space<hbm>>
        tpu.enqueue_indirect_dma source(%dma_start3A_92 : memref<10240x128xf32, #tpu.memory_space<hbm>>) target(%arg12 : memref<80x128xf32, #tpu.memory_space<vmem>>) offsets(%dma_start3A_89 : memref<80xi32, #tpu.memory_space<vmem>>) semaphore(%arg16 : memref<!tpu.dma_semaphore, #tpu.memory_space<semaphore_mem>>)
      } else {
      }
      %eq3A_65 = arith.constant 0 : i32
      %eq3A_66 = arith.cmpi eq, %arg0, %eq3A_65 : i32
      %convert_element_type3A_67 = arith.extui %eq3A_66 : i1 to i32
      %cond3A_68 = arith.constant 0 : i32
      %cond3A_69 = arith.cmpi ne, %convert_element_type3A_67, %cond3A_68 : i32
      scf.if %cond3A_69 {
        %dma_start3A = arith.constant 2 : i32
        %dma_start3A_87 = arith.constant 0 : i32
        %dma_start3A_88 = tpu.memref_slice %arg8[%dma_start3A, %dma_start3A_87] : memref<16x80xi32, #tpu.memory_space<vmem>> -> memref<1x80xi32, #tpu.memory_space<vmem>>
        %dma_start3A_89 = tpu.memref_squeeze %dma_start3A_88 : memref<1x80xi32, #tpu.memory_space<vmem>> -> memref<80xi32, #tpu.memory_space<vmem>>
        %dma_start3A_90 = arith.constant 0 : i32
        %dma_start3A_91 = arith.constant 0 : i32
        %dma_start3A_92 = tpu.memref_slice %arg2[%dma_start3A_90, %dma_start3A_91] : memref<10240x128xf32, #tpu.memory_space<hbm>> -> memref<10240x128xf32, #tpu.memory_space<hbm>>
        tpu.enqueue_indirect_dma source(%dma_start3A_92 : memref<10240x128xf32, #tpu.memory_space<hbm>>) target(%arg13 : memref<80x128xf32, #tpu.memory_space<vmem>>) offsets(%dma_start3A_89 : memref<80xi32, #tpu.memory_space<vmem>>) semaphore(%arg17 : memref<!tpu.dma_semaphore, #tpu.memory_space<semaphore_mem>>)
      } else {
      }
      %eq3A_70 = arith.constant 1 : i32
      %eq3A_71 = arith.cmpi eq, %arg0, %eq3A_70 : i32
      %convert_element_type3A_72 = arith.extui %eq3A_71 : i1 to i32
      %cond3A_73 = arith.constant 0 : i32
      %cond3A_74 = arith.cmpi ne, %convert_element_type3A_72, %cond3A_73 : i32
      scf.if %cond3A_74 {
        %dma_start3A = arith.constant 2 : i32
        %dma_start3A_87 = arith.constant 0 : i32
        %dma_start3A_88 = tpu.memref_slice %arg8[%dma_start3A, %dma_start3A_87] : memref<16x80xi32, #tpu.memory_space<vmem>> -> memref<1x80xi32, #tpu.memory_space<vmem>>
        %dma_start3A_89 = tpu.memref_squeeze %dma_start3A_88 : memref<1x80xi32, #tpu.memory_space<vmem>> -> memref<80xi32, #tpu.memory_space<vmem>>
        %dma_start3A_90 = arith.constant 0 : i32
        %dma_start3A_91 = arith.constant 0 : i32
        %dma_start3A_92 = tpu.memref_slice %arg3[%dma_start3A_90, %dma_start3A_91] : memref<10240x128xf32, #tpu.memory_space<hbm>> -> memref<10240x128xf32, #tpu.memory_space<hbm>>
        tpu.enqueue_indirect_dma source(%dma_start3A_92 : memref<10240x128xf32, #tpu.memory_space<hbm>>) target(%arg13 : memref<80x128xf32, #tpu.memory_space<vmem>>) offsets(%dma_start3A_89 : memref<80xi32, #tpu.memory_space<vmem>>) semaphore(%arg17 : memref<!tpu.dma_semaphore, #tpu.memory_space<semaphore_mem>>)
      } else {
      }
      %scan3A_75 = arith.constant 0 : i32
      %scan3A_76 = arith.constant 0 : i32
      %scan3A_77 = arith.constant 4 : i32
      %scan3A_78 = arith.addi %scan3A_76, %scan3A_77 : i32
      %scan3A_79 = arith.constant 1 : i32
      scf.for %scan3A_87 = %scan3A_76 to %scan3A_78 step %scan3A_79  : i32 {
        %mul3A_88 = arith.constant 4 : i32
        %mul3A_89 = arith.muli %mul3A_88, %scan3A_87 : i32
        %add3A_90 = arith.constant 0 : i32
        %add3A_91 = arith.addi %mul3A_89, %add3A_90 : i32
        %ge3A = arith.constant 1 : i32
        %ge3A_92 = arith.cmpi sge, %add3A_91, %ge3A : i32
        %convert_element_type3A_93 = arith.extui %ge3A_92 : i1 to i32
        %cond3A_94 = arith.constant 0 : i32
        %cond3A_95 = arith.cmpi ne, %convert_element_type3A_93, %cond3A_94 : i32
        scf.if %cond3A_95 {
          %sub3A = arith.constant 1 : i32
          %sub3A_197 = arith.subi %add3A_91, %sub3A : i32
          %dma_wait3A_198 = arith.constant 0 : i32
          %dma_wait3A_199 = tpu.memref_slice %arg9[%sub3A_197, %dma_wait3A_198] : memref<16x80xi32, #tpu.memory_space<vmem>> -> memref<1x80xi32, #tpu.memory_space<vmem>>
          %dma_wait3A_200 = tpu.memref_squeeze %dma_wait3A_199 : memref<1x80xi32, #tpu.memory_space<vmem>> -> memref<80xi32, #tpu.memory_space<vmem>>
          %dma_wait3A_201 = arith.constant 0 : i32
          %dma_wait3A_202 = arith.constant 0 : i32
          %dma_wait3A_203 = tpu.memref_slice %arg10[%dma_wait3A_201, %dma_wait3A_202] : memref<10240x128xf32, #tpu.memory_space<vmem_shared>> -> memref<10240x128xf32, #tpu.memory_space<vmem_shared>>
          tpu.wait_indirect_dma semaphore(%arg22 : memref<!tpu.dma_semaphore, #tpu.memory_space<semaphore_mem>>) src(%arg14 : memref<80x128xf32, #tpu.memory_space<vmem>>) dst(%dma_wait3A_203 : memref<10240x128xf32, #tpu.memory_space<vmem_shared>>)
        } else {
        }
        %add3A_96 = arith.constant 3 : i32
        %add3A_97 = arith.addi %add3A_91, %add3A_96 : i32
        %lt3A = arith.constant 16 : i32
        %lt3A_98 = arith.cmpi slt, %add3A_97, %lt3A : i32
        %convert_element_type3A_99 = arith.extui %lt3A_98 : i1 to i32
        %cond3A_100 = arith.constant 0 : i32
        %cond3A_101 = arith.cmpi ne, %convert_element_type3A_99, %cond3A_100 : i32
        scf.if %cond3A_101 {
          %add3A_197 = arith.constant 3 : i32
          %add3A_198 = arith.addi %add3A_91, %add3A_197 : i32
          %eq3A_199 = arith.constant 0 : i32
          %eq3A_200 = arith.cmpi eq, %arg0, %eq3A_199 : i32
          %convert_element_type3A_201 = arith.extui %eq3A_200 : i1 to i32
          %cond3A_202 = arith.constant 0 : i32
          %cond3A_203 = arith.cmpi ne, %convert_element_type3A_201, %cond3A_202 : i32
          scf.if %cond3A_203 {
            %dma_start3A_209 = arith.constant 0 : i32
            %dma_start3A_210 = tpu.memref_slice %arg8[%add3A_198, %dma_start3A_209] : memref<16x80xi32, #tpu.memory_space<vmem>> -> memref<1x80xi32, #tpu.memory_space<vmem>>
            %dma_start3A_211 = tpu.memref_squeeze %dma_start3A_210 : memref<1x80xi32, #tpu.memory_space<vmem>> -> memref<80xi32, #tpu.memory_space<vmem>>
            %dma_start3A_212 = arith.constant 0 : i32
            %dma_start3A_213 = arith.constant 0 : i32
            %dma_start3A_214 = tpu.memref_slice %arg2[%dma_start3A_212, %dma_start3A_213] : memref<10240x128xf32, #tpu.memory_space<hbm>> -> memref<10240x128xf32, #tpu.memory_space<hbm>>
            tpu.enqueue_indirect_dma source(%dma_start3A_214 : memref<10240x128xf32, #tpu.memory_space<hbm>>) target(%arg14 : memref<80x128xf32, #tpu.memory_space<vmem>>) offsets(%dma_start3A_211 : memref<80xi32, #tpu.memory_space<vmem>>) semaphore(%arg18 : memref<!tpu.dma_semaphore, #tpu.memory_space<semaphore_mem>>)
          } else {
          }
          %eq3A_204 = arith.constant 1 : i32
          %eq3A_205 = arith.cmpi eq, %arg0, %eq3A_204 : i32
          %convert_element_type3A_206 = arith.extui %eq3A_205 : i1 to i32
          %cond3A_207 = arith.constant 0 : i32
          %cond3A_208 = arith.cmpi ne, %convert_element_type3A_206, %cond3A_207 : i32
          scf.if %cond3A_208 {
            %dma_start3A_209 = arith.constant 0 : i32
            %dma_start3A_210 = tpu.memref_slice %arg8[%add3A_198, %dma_start3A_209] : memref<16x80xi32, #tpu.memory_space<vmem>> -> memref<1x80xi32, #tpu.memory_space<vmem>>
            %dma_start3A_211 = tpu.memref_squeeze %dma_start3A_210 : memref<1x80xi32, #tpu.memory_space<vmem>> -> memref<80xi32, #tpu.memory_space<vmem>>
            %dma_start3A_212 = arith.constant 0 : i32
            %dma_start3A_213 = arith.constant 0 : i32
            %dma_start3A_214 = tpu.memref_slice %arg3[%dma_start3A_212, %dma_start3A_213] : memref<10240x128xf32, #tpu.memory_space<hbm>> -> memref<10240x128xf32, #tpu.memory_space<hbm>>
            tpu.enqueue_indirect_dma source(%dma_start3A_214 : memref<10240x128xf32, #tpu.memory_space<hbm>>) target(%arg14 : memref<80x128xf32, #tpu.memory_space<vmem>>) offsets(%dma_start3A_211 : memref<80xi32, #tpu.memory_space<vmem>>) semaphore(%arg18 : memref<!tpu.dma_semaphore, #tpu.memory_space<semaphore_mem>>)
          } else {
          }
        } else {
        }
        %dma_wait3A_102 = arith.constant 0 : i32
        %dma_wait3A_103 = tpu.memref_slice %arg8[%add3A_91, %dma_wait3A_102] : memref<16x80xi32, #tpu.memory_space<vmem>> -> memref<1x80xi32, #tpu.memory_space<vmem>>
        %dma_wait3A_104 = tpu.memref_squeeze %dma_wait3A_103 : memref<1x80xi32, #tpu.memory_space<vmem>> -> memref<80xi32, #tpu.memory_space<vmem>>
        %dma_wait3A_105 = arith.constant 0 : i32
        %dma_wait3A_106 = arith.constant 0 : i32
        %dma_wait3A_107 = tpu.memref_slice %arg2[%dma_wait3A_105, %dma_wait3A_106] : memref<10240x128xf32, #tpu.memory_space<hbm>> -> memref<10240x128xf32, #tpu.memory_space<hbm>>
        tpu.wait_indirect_dma semaphore(%arg15 : memref<!tpu.dma_semaphore, #tpu.memory_space<semaphore_mem>>) src(%dma_wait3A_107 : memref<10240x128xf32, #tpu.memory_space<hbm>>) dst(%arg11 : memref<80x128xf32, #tpu.memory_space<vmem>>)
        %dma_start3A = arith.constant 0 : i32
        %dma_start3A_108 = tpu.memref_slice %arg9[%add3A_91, %dma_start3A] : memref<16x80xi32, #tpu.memory_space<vmem>> -> memref<1x80xi32, #tpu.memory_space<vmem>>
        %dma_start3A_109 = tpu.memref_squeeze %dma_start3A_108 : memref<1x80xi32, #tpu.memory_space<vmem>> -> memref<80xi32, #tpu.memory_space<vmem>>
        %dma_start3A_110 = arith.constant 0 : i32
        %dma_start3A_111 = arith.constant 0 : i32
        %dma_start3A_112 = tpu.memref_slice %arg10[%dma_start3A_110, %dma_start3A_111] : memref<10240x128xf32, #tpu.memory_space<vmem_shared>> -> memref<10240x128xf32, #tpu.memory_space<vmem_shared>>
        tpu.enqueue_indirect_dma source(%arg11 : memref<80x128xf32, #tpu.memory_space<vmem>>) target(%dma_start3A_112 : memref<10240x128xf32, #tpu.memory_space<vmem_shared>>) offsets(%dma_start3A_109 : memref<80xi32, #tpu.memory_space<vmem>>) semaphore(%arg19 : memref<!tpu.dma_semaphore, #tpu.memory_space<semaphore_mem>>) {add = true}
        %mul3A_113 = arith.constant 4 : i32
        %mul3A_114 = arith.muli %mul3A_113, %scan3A_87 : i32
        %add3A_115 = arith.constant 1 : i32
        %add3A_116 = arith.addi %mul3A_114, %add3A_115 : i32
        %ge3A_117 = arith.constant 1 : i32
        %ge3A_118 = arith.cmpi sge, %add3A_116, %ge3A_117 : i32
        %convert_element_type3A_119 = arith.extui %ge3A_118 : i1 to i32
        %cond3A_120 = arith.constant 0 : i32
        %cond3A_121 = arith.cmpi ne, %convert_element_type3A_119, %cond3A_120 : i32
        scf.if %cond3A_121 {
          %sub3A = arith.constant 1 : i32
          %sub3A_197 = arith.subi %add3A_116, %sub3A : i32
          %dma_wait3A_198 = arith.constant 0 : i32
          %dma_wait3A_199 = tpu.memref_slice %arg9[%sub3A_197, %dma_wait3A_198] : memref<16x80xi32, #tpu.memory_space<vmem>> -> memref<1x80xi32, #tpu.memory_space<vmem>>
          %dma_wait3A_200 = tpu.memref_squeeze %dma_wait3A_199 : memref<1x80xi32, #tpu.memory_space<vmem>> -> memref<80xi32, #tpu.memory_space<vmem>>
          %dma_wait3A_201 = arith.constant 0 : i32
          %dma_wait3A_202 = arith.constant 0 : i32
          %dma_wait3A_203 = tpu.memref_slice %arg10[%dma_wait3A_201, %dma_wait3A_202] : memref<10240x128xf32, #tpu.memory_space<vmem_shared>> -> memref<10240x128xf32, #tpu.memory_space<vmem_shared>>
          tpu.wait_indirect_dma semaphore(%arg19 : memref<!tpu.dma_semaphore, #tpu.memory_space<semaphore_mem>>) src(%arg11 : memref<80x128xf32, #tpu.memory_space<vmem>>) dst(%dma_wait3A_203 : memref<10240x128xf32, #tpu.memory_space<vmem_shared>>)
        } else {
        }
        %add3A_122 = arith.constant 3 : i32
        %add3A_123 = arith.addi %add3A_116, %add3A_122 : i32
        %lt3A_124 = arith.constant 16 : i32
        %lt3A_125 = arith.cmpi slt, %add3A_123, %lt3A_124 : i32
        %convert_element_type3A_126 = arith.extui %lt3A_125 : i1 to i32
        %cond3A_127 = arith.constant 0 : i32
        %cond3A_128 = arith.cmpi ne, %convert_element_type3A_126, %cond3A_127 : i32
        scf.if %cond3A_128 {
          %add3A_197 = arith.constant 3 : i32
          %add3A_198 = arith.addi %add3A_116, %add3A_197 : i32
          %eq3A_199 = arith.constant 0 : i32
          %eq3A_200 = arith.cmpi eq, %arg0, %eq3A_199 : i32
          %convert_element_type3A_201 = arith.extui %eq3A_200 : i1 to i32
          %cond3A_202 = arith.constant 0 : i32
          %cond3A_203 = arith.cmpi ne, %convert_element_type3A_201, %cond3A_202 : i32
          scf.if %cond3A_203 {
            %dma_start3A_209 = arith.constant 0 : i32
            %dma_start3A_210 = tpu.memref_slice %arg8[%add3A_198, %dma_start3A_209] : memref<16x80xi32, #tpu.memory_space<vmem>> -> memref<1x80xi32, #tpu.memory_space<vmem>>
            %dma_start3A_211 = tpu.memref_squeeze %dma_start3A_210 : memref<1x80xi32, #tpu.memory_space<vmem>> -> memref<80xi32, #tpu.memory_space<vmem>>
            %dma_start3A_212 = arith.constant 0 : i32
            %dma_start3A_213 = arith.constant 0 : i32
            %dma_start3A_214 = tpu.memref_slice %arg2[%dma_start3A_212, %dma_start3A_213] : memref<10240x128xf32, #tpu.memory_space<hbm>> -> memref<10240x128xf32, #tpu.memory_space<hbm>>
            tpu.enqueue_indirect_dma source(%dma_start3A_214 : memref<10240x128xf32, #tpu.memory_space<hbm>>) target(%arg11 : memref<80x128xf32, #tpu.memory_space<vmem>>) offsets(%dma_start3A_211 : memref<80xi32, #tpu.memory_space<vmem>>) semaphore(%arg15 : memref<!tpu.dma_semaphore, #tpu.memory_space<semaphore_mem>>)
          } else {
          }
          %eq3A_204 = arith.constant 1 : i32
          %eq3A_205 = arith.cmpi eq, %arg0, %eq3A_204 : i32
          %convert_element_type3A_206 = arith.extui %eq3A_205 : i1 to i32
          %cond3A_207 = arith.constant 0 : i32
          %cond3A_208 = arith.cmpi ne, %convert_element_type3A_206, %cond3A_207 : i32
          scf.if %cond3A_208 {
            %dma_start3A_209 = arith.constant 0 : i32
            %dma_start3A_210 = tpu.memref_slice %arg8[%add3A_198, %dma_start3A_209] : memref<16x80xi32, #tpu.memory_space<vmem>> -> memref<1x80xi32, #tpu.memory_space<vmem>>
            %dma_start3A_211 = tpu.memref_squeeze %dma_start3A_210 : memref<1x80xi32, #tpu.memory_space<vmem>> -> memref<80xi32, #tpu.memory_space<vmem>>
            %dma_start3A_212 = arith.constant 0 : i32
            %dma_start3A_213 = arith.constant 0 : i32
            %dma_start3A_214 = tpu.memref_slice %arg3[%dma_start3A_212, %dma_start3A_213] : memref<10240x128xf32, #tpu.memory_space<hbm>> -> memref<10240x128xf32, #tpu.memory_space<hbm>>
            tpu.enqueue_indirect_dma source(%dma_start3A_214 : memref<10240x128xf32, #tpu.memory_space<hbm>>) target(%arg11 : memref<80x128xf32, #tpu.memory_space<vmem>>) offsets(%dma_start3A_211 : memref<80xi32, #tpu.memory_space<vmem>>) semaphore(%arg15 : memref<!tpu.dma_semaphore, #tpu.memory_space<semaphore_mem>>)
          } else {
          }
        } else {
        }
        %dma_wait3A_129 = arith.constant 0 : i32
        %dma_wait3A_130 = tpu.memref_slice %arg8[%add3A_116, %dma_wait3A_129] : memref<16x80xi32, #tpu.memory_space<vmem>> -> memref<1x80xi32, #tpu.memory_space<vmem>>
        %dma_wait3A_131 = tpu.memref_squeeze %dma_wait3A_130 : memref<1x80xi32, #tpu.memory_space<vmem>> -> memref<80xi32, #tpu.memory_space<vmem>>
        %dma_wait3A_132 = arith.constant 0 : i32
        %dma_wait3A_133 = arith.constant 0 : i32
        %dma_wait3A_134 = tpu.memref_slice %arg2[%dma_wait3A_132, %dma_wait3A_133] : memref<10240x128xf32, #tpu.memory_space<hbm>> -> memref<10240x128xf32, #tpu.memory_space<hbm>>
        tpu.wait_indirect_dma semaphore(%arg16 : memref<!tpu.dma_semaphore, #tpu.memory_space<semaphore_mem>>) src(%dma_wait3A_134 : memref<10240x128xf32, #tpu.memory_space<hbm>>) dst(%arg12 : memref<80x128xf32, #tpu.memory_space<vmem>>)
        %dma_start3A_135 = arith.constant 0 : i32
        %dma_start3A_136 = tpu.memref_slice %arg9[%add3A_116, %dma_start3A_135] : memref<16x80xi32, #tpu.memory_space<vmem>> -> memref<1x80xi32, #tpu.memory_space<vmem>>
        %dma_start3A_137 = tpu.memref_squeeze %dma_start3A_136 : memref<1x80xi32, #tpu.memory_space<vmem>> -> memref<80xi32, #tpu.memory_space<vmem>>
        %dma_start3A_138 = arith.constant 0 : i32
        %dma_start3A_139 = arith.constant 0 : i32
        %dma_start3A_140 = tpu.memref_slice %arg10[%dma_start3A_138, %dma_start3A_139] : memref<10240x128xf32, #tpu.memory_space<vmem_shared>> -> memref<10240x128xf32, #tpu.memory_space<vmem_shared>>
        tpu.enqueue_indirect_dma source(%arg12 : memref<80x128xf32, #tpu.memory_space<vmem>>) target(%dma_start3A_140 : memref<10240x128xf32, #tpu.memory_space<vmem_shared>>) offsets(%dma_start3A_137 : memref<80xi32, #tpu.memory_space<vmem>>) semaphore(%arg20 : memref<!tpu.dma_semaphore, #tpu.memory_space<semaphore_mem>>) {add = true}
        %mul3A_141 = arith.constant 4 : i32
        %mul3A_142 = arith.muli %mul3A_141, %scan3A_87 : i32
        %add3A_143 = arith.constant 2 : i32
        %add3A_144 = arith.addi %mul3A_142, %add3A_143 : i32
        %ge3A_145 = arith.constant 1 : i32
        %ge3A_146 = arith.cmpi sge, %add3A_144, %ge3A_145 : i32
        %convert_element_type3A_147 = arith.extui %ge3A_146 : i1 to i32
        %cond3A_148 = arith.constant 0 : i32
        %cond3A_149 = arith.cmpi ne, %convert_element_type3A_147, %cond3A_148 : i32
        scf.if %cond3A_149 {
          %sub3A = arith.constant 1 : i32
          %sub3A_197 = arith.subi %add3A_144, %sub3A : i32
          %dma_wait3A_198 = arith.constant 0 : i32
          %dma_wait3A_199 = tpu.memref_slice %arg9[%sub3A_197, %dma_wait3A_198] : memref<16x80xi32, #tpu.memory_space<vmem>> -> memref<1x80xi32, #tpu.memory_space<vmem>>
          %dma_wait3A_200 = tpu.memref_squeeze %dma_wait3A_199 : memref<1x80xi32, #tpu.memory_space<vmem>> -> memref<80xi32, #tpu.memory_space<vmem>>
          %dma_wait3A_201 = arith.constant 0 : i32
          %dma_wait3A_202 = arith.constant 0 : i32
          %dma_wait3A_203 = tpu.memref_slice %arg10[%dma_wait3A_201, %dma_wait3A_202] : memref<10240x128xf32, #tpu.memory_space<vmem_shared>> -> memref<10240x128xf32, #tpu.memory_space<vmem_shared>>
          tpu.wait_indirect_dma semaphore(%arg20 : memref<!tpu.dma_semaphore, #tpu.memory_space<semaphore_mem>>) src(%arg12 : memref<80x128xf32, #tpu.memory_space<vmem>>) dst(%dma_wait3A_203 : memref<10240x128xf32, #tpu.memory_space<vmem_shared>>)
        } else {
        }
        %add3A_150 = arith.constant 3 : i32
        %add3A_151 = arith.addi %add3A_144, %add3A_150 : i32
        %lt3A_152 = arith.constant 16 : i32
        %lt3A_153 = arith.cmpi slt, %add3A_151, %lt3A_152 : i32
        %convert_element_type3A_154 = arith.extui %lt3A_153 : i1 to i32
        %cond3A_155 = arith.constant 0 : i32
        %cond3A_156 = arith.cmpi ne, %convert_element_type3A_154, %cond3A_155 : i32
        scf.if %cond3A_156 {
          %add3A_197 = arith.constant 3 : i32
          %add3A_198 = arith.addi %add3A_144, %add3A_197 : i32
          %eq3A_199 = arith.constant 0 : i32
          %eq3A_200 = arith.cmpi eq, %arg0, %eq3A_199 : i32
          %convert_element_type3A_201 = arith.extui %eq3A_200 : i1 to i32
          %cond3A_202 = arith.constant 0 : i32
          %cond3A_203 = arith.cmpi ne, %convert_element_type3A_201, %cond3A_202 : i32
          scf.if %cond3A_203 {
            %dma_start3A_209 = arith.constant 0 : i32
            %dma_start3A_210 = tpu.memref_slice %arg8[%add3A_198, %dma_start3A_209] : memref<16x80xi32, #tpu.memory_space<vmem>> -> memref<1x80xi32, #tpu.memory_space<vmem>>
            %dma_start3A_211 = tpu.memref_squeeze %dma_start3A_210 : memref<1x80xi32, #tpu.memory_space<vmem>> -> memref<80xi32, #tpu.memory_space<vmem>>
            %dma_start3A_212 = arith.constant 0 : i32
            %dma_start3A_213 = arith.constant 0 : i32
            %dma_start3A_214 = tpu.memref_slice %arg2[%dma_start3A_212, %dma_start3A_213] : memref<10240x128xf32, #tpu.memory_space<hbm>> -> memref<10240x128xf32, #tpu.memory_space<hbm>>
            tpu.enqueue_indirect_dma source(%dma_start3A_214 : memref<10240x128xf32, #tpu.memory_space<hbm>>) target(%arg12 : memref<80x128xf32, #tpu.memory_space<vmem>>) offsets(%dma_start3A_211 : memref<80xi32, #tpu.memory_space<vmem>>) semaphore(%arg16 : memref<!tpu.dma_semaphore, #tpu.memory_space<semaphore_mem>>)
          } else {
          }
          %eq3A_204 = arith.constant 1 : i32
          %eq3A_205 = arith.cmpi eq, %arg0, %eq3A_204 : i32
          %convert_element_type3A_206 = arith.extui %eq3A_205 : i1 to i32
          %cond3A_207 = arith.constant 0 : i32
          %cond3A_208 = arith.cmpi ne, %convert_element_type3A_206, %cond3A_207 : i32
          scf.if %cond3A_208 {
            %dma_start3A_209 = arith.constant 0 : i32
            %dma_start3A_210 = tpu.memref_slice %arg8[%add3A_198, %dma_start3A_209] : memref<16x80xi32, #tpu.memory_space<vmem>> -> memref<1x80xi32, #tpu.memory_space<vmem>>
            %dma_start3A_211 = tpu.memref_squeeze %dma_start3A_210 : memref<1x80xi32, #tpu.memory_space<vmem>> -> memref<80xi32, #tpu.memory_space<vmem>>
            %dma_start3A_212 = arith.constant 0 : i32
            %dma_start3A_213 = arith.constant 0 : i32
            %dma_start3A_214 = tpu.memref_slice %arg3[%dma_start3A_212, %dma_start3A_213] : memref<10240x128xf32, #tpu.memory_space<hbm>> -> memref<10240x128xf32, #tpu.memory_space<hbm>>
            tpu.enqueue_indirect_dma source(%dma_start3A_214 : memref<10240x128xf32, #tpu.memory_space<hbm>>) target(%arg12 : memref<80x128xf32, #tpu.memory_space<vmem>>) offsets(%dma_start3A_211 : memref<80xi32, #tpu.memory_space<vmem>>) semaphore(%arg16 : memref<!tpu.dma_semaphore, #tpu.memory_space<semaphore_mem>>)
          } else {
          }
        } else {
        }
        %dma_wait3A_157 = arith.constant 0 : i32
        %dma_wait3A_158 = tpu.memref_slice %arg8[%add3A_144, %dma_wait3A_157] : memref<16x80xi32, #tpu.memory_space<vmem>> -> memref<1x80xi32, #tpu.memory_space<vmem>>
        %dma_wait3A_159 = tpu.memref_squeeze %dma_wait3A_158 : memref<1x80xi32, #tpu.memory_space<vmem>> -> memref<80xi32, #tpu.memory_space<vmem>>
        %dma_wait3A_160 = arith.constant 0 : i32
        %dma_wait3A_161 = arith.constant 0 : i32
        %dma_wait3A_162 = tpu.memref_slice %arg2[%dma_wait3A_160, %dma_wait3A_161] : memref<10240x128xf32, #tpu.memory_space<hbm>> -> memref<10240x128xf32, #tpu.memory_space<hbm>>
        tpu.wait_indirect_dma semaphore(%arg17 : memref<!tpu.dma_semaphore, #tpu.memory_space<semaphore_mem>>) src(%dma_wait3A_162 : memref<10240x128xf32, #tpu.memory_space<hbm>>) dst(%arg13 : memref<80x128xf32, #tpu.memory_space<vmem>>)
        %dma_start3A_163 = arith.constant 0 : i32
        %dma_start3A_164 = tpu.memref_slice %arg9[%add3A_144, %dma_start3A_163] : memref<16x80xi32, #tpu.memory_space<vmem>> -> memref<1x80xi32, #tpu.memory_space<vmem>>
        %dma_start3A_165 = tpu.memref_squeeze %dma_start3A_164 : memref<1x80xi32, #tpu.memory_space<vmem>> -> memref<80xi32, #tpu.memory_space<vmem>>
        %dma_start3A_166 = arith.constant 0 : i32
        %dma_start3A_167 = arith.constant 0 : i32
        %dma_start3A_168 = tpu.memref_slice %arg10[%dma_start3A_166, %dma_start3A_167] : memref<10240x128xf32, #tpu.memory_space<vmem_shared>> -> memref<10240x128xf32, #tpu.memory_space<vmem_shared>>
        tpu.enqueue_indirect_dma source(%arg13 : memref<80x128xf32, #tpu.memory_space<vmem>>) target(%dma_start3A_168 : memref<10240x128xf32, #tpu.memory_space<vmem_shared>>) offsets(%dma_start3A_165 : memref<80xi32, #tpu.memory_space<vmem>>) semaphore(%arg21 : memref<!tpu.dma_semaphore, #tpu.memory_space<semaphore_mem>>) {add = true}
        %mul3A_169 = arith.constant 4 : i32
        %mul3A_170 = arith.muli %mul3A_169, %scan3A_87 : i32
        %add3A_171 = arith.constant 3 : i32
        %add3A_172 = arith.addi %mul3A_170, %add3A_171 : i32
        %ge3A_173 = arith.constant 1 : i32
        %ge3A_174 = arith.cmpi sge, %add3A_172, %ge3A_173 : i32
        %convert_element_type3A_175 = arith.extui %ge3A_174 : i1 to i32
        %cond3A_176 = arith.constant 0 : i32
        %cond3A_177 = arith.cmpi ne, %convert_element_type3A_175, %cond3A_176 : i32
        scf.if %cond3A_177 {
          %sub3A = arith.constant 1 : i32
          %sub3A_197 = arith.subi %add3A_172, %sub3A : i32
          %dma_wait3A_198 = arith.constant 0 : i32
          %dma_wait3A_199 = tpu.memref_slice %arg9[%sub3A_197, %dma_wait3A_198] : memref<16x80xi32, #tpu.memory_space<vmem>> -> memref<1x80xi32, #tpu.memory_space<vmem>>
          %dma_wait3A_200 = tpu.memref_squeeze %dma_wait3A_199 : memref<1x80xi32, #tpu.memory_space<vmem>> -> memref<80xi32, #tpu.memory_space<vmem>>
          %dma_wait3A_201 = arith.constant 0 : i32
          %dma_wait3A_202 = arith.constant 0 : i32
          %dma_wait3A_203 = tpu.memref_slice %arg10[%dma_wait3A_201, %dma_wait3A_202] : memref<10240x128xf32, #tpu.memory_space<vmem_shared>> -> memref<10240x128xf32, #tpu.memory_space<vmem_shared>>
          tpu.wait_indirect_dma semaphore(%arg21 : memref<!tpu.dma_semaphore, #tpu.memory_space<semaphore_mem>>) src(%arg13 : memref<80x128xf32, #tpu.memory_space<vmem>>) dst(%dma_wait3A_203 : memref<10240x128xf32, #tpu.memory_space<vmem_shared>>)
        } else {
        }
        %add3A_178 = arith.constant 3 : i32
        %add3A_179 = arith.addi %add3A_172, %add3A_178 : i32
        %lt3A_180 = arith.constant 16 : i32
        %lt3A_181 = arith.cmpi slt, %add3A_179, %lt3A_180 : i32
        %convert_element_type3A_182 = arith.extui %lt3A_181 : i1 to i32
        %cond3A_183 = arith.constant 0 : i32
        %cond3A_184 = arith.cmpi ne, %convert_element_type3A_182, %cond3A_183 : i32
        scf.if %cond3A_184 {
          %add3A_197 = arith.constant 3 : i32
          %add3A_198 = arith.addi %add3A_172, %add3A_197 : i32
          %eq3A_199 = arith.constant 0 : i32
          %eq3A_200 = arith.cmpi eq, %arg0, %eq3A_199 : i32
          %convert_element_type3A_201 = arith.extui %eq3A_200 : i1 to i32
          %cond3A_202 = arith.constant 0 : i32
          %cond3A_203 = arith.cmpi ne, %convert_element_type3A_201, %cond3A_202 : i32
          scf.if %cond3A_203 {
            %dma_start3A_209 = arith.constant 0 : i32
            %dma_start3A_210 = tpu.memref_slice %arg8[%add3A_198, %dma_start3A_209] : memref<16x80xi32, #tpu.memory_space<vmem>> -> memref<1x80xi32, #tpu.memory_space<vmem>>
            %dma_start3A_211 = tpu.memref_squeeze %dma_start3A_210 : memref<1x80xi32, #tpu.memory_space<vmem>> -> memref<80xi32, #tpu.memory_space<vmem>>
            %dma_start3A_212 = arith.constant 0 : i32
            %dma_start3A_213 = arith.constant 0 : i32
            %dma_start3A_214 = tpu.memref_slice %arg2[%dma_start3A_212, %dma_start3A_213] : memref<10240x128xf32, #tpu.memory_space<hbm>> -> memref<10240x128xf32, #tpu.memory_space<hbm>>
            tpu.enqueue_indirect_dma source(%dma_start3A_214 : memref<10240x128xf32, #tpu.memory_space<hbm>>) target(%arg13 : memref<80x128xf32, #tpu.memory_space<vmem>>) offsets(%dma_start3A_211 : memref<80xi32, #tpu.memory_space<vmem>>) semaphore(%arg17 : memref<!tpu.dma_semaphore, #tpu.memory_space<semaphore_mem>>)
          } else {
          }
          %eq3A_204 = arith.constant 1 : i32
          %eq3A_205 = arith.cmpi eq, %arg0, %eq3A_204 : i32
          %convert_element_type3A_206 = arith.extui %eq3A_205 : i1 to i32
          %cond3A_207 = arith.constant 0 : i32
          %cond3A_208 = arith.cmpi ne, %convert_element_type3A_206, %cond3A_207 : i32
          scf.if %cond3A_208 {
            %dma_start3A_209 = arith.constant 0 : i32
            %dma_start3A_210 = tpu.memref_slice %arg8[%add3A_198, %dma_start3A_209] : memref<16x80xi32, #tpu.memory_space<vmem>> -> memref<1x80xi32, #tpu.memory_space<vmem>>
            %dma_start3A_211 = tpu.memref_squeeze %dma_start3A_210 : memref<1x80xi32, #tpu.memory_space<vmem>> -> memref<80xi32, #tpu.memory_space<vmem>>
            %dma_start3A_212 = arith.constant 0 : i32
            %dma_start3A_213 = arith.constant 0 : i32
            %dma_start3A_214 = tpu.memref_slice %arg3[%dma_start3A_212, %dma_start3A_213] : memref<10240x128xf32, #tpu.memory_space<hbm>> -> memref<10240x128xf32, #tpu.memory_space<hbm>>
            tpu.enqueue_indirect_dma source(%dma_start3A_214 : memref<10240x128xf32, #tpu.memory_space<hbm>>) target(%arg13 : memref<80x128xf32, #tpu.memory_space<vmem>>) offsets(%dma_start3A_211 : memref<80xi32, #tpu.memory_space<vmem>>) semaphore(%arg17 : memref<!tpu.dma_semaphore, #tpu.memory_space<semaphore_mem>>)
          } else {
          }
        } else {
        }
        %dma_wait3A_185 = arith.constant 0 : i32
        %dma_wait3A_186 = tpu.memref_slice %arg8[%add3A_172, %dma_wait3A_185] : memref<16x80xi32, #tpu.memory_space<vmem>> -> memref<1x80xi32, #tpu.memory_space<vmem>>
        %dma_wait3A_187 = tpu.memref_squeeze %dma_wait3A_186 : memref<1x80xi32, #tpu.memory_space<vmem>> -> memref<80xi32, #tpu.memory_space<vmem>>
        %dma_wait3A_188 = arith.constant 0 : i32
        %dma_wait3A_189 = arith.constant 0 : i32
        %dma_wait3A_190 = tpu.memref_slice %arg2[%dma_wait3A_188, %dma_wait3A_189] : memref<10240x128xf32, #tpu.memory_space<hbm>> -> memref<10240x128xf32, #tpu.memory_space<hbm>>
        tpu.wait_indirect_dma semaphore(%arg18 : memref<!tpu.dma_semaphore, #tpu.memory_space<semaphore_mem>>) src(%dma_wait3A_190 : memref<10240x128xf32, #tpu.memory_space<hbm>>) dst(%arg14 : memref<80x128xf32, #tpu.memory_space<vmem>>)
        %dma_start3A_191 = arith.constant 0 : i32
        %dma_start3A_192 = tpu.memref_slice %arg9[%add3A_172, %dma_start3A_191] : memref<16x80xi32, #tpu.memory_space<vmem>> -> memref<1x80xi32, #tpu.memory_space<vmem>>
        %dma_start3A_193 = tpu.memref_squeeze %dma_start3A_192 : memref<1x80xi32, #tpu.memory_space<vmem>> -> memref<80xi32, #tpu.memory_space<vmem>>
        %dma_start3A_194 = arith.constant 0 : i32
        %dma_start3A_195 = arith.constant 0 : i32
        %dma_start3A_196 = tpu.memref_slice %arg10[%dma_start3A_194, %dma_start3A_195] : memref<10240x128xf32, #tpu.memory_space<vmem_shared>> -> memref<10240x128xf32, #tpu.memory_space<vmem_shared>>
        tpu.enqueue_indirect_dma source(%arg14 : memref<80x128xf32, #tpu.memory_space<vmem>>) target(%dma_start3A_196 : memref<10240x128xf32, #tpu.memory_space<vmem_shared>>) offsets(%dma_start3A_193 : memref<80xi32, #tpu.memory_space<vmem>>) semaphore(%arg22 : memref<!tpu.dma_semaphore, #tpu.memory_space<semaphore_mem>>) {add = true}
      }
      %scan3A_80 = arith.constant 4 : i32
      %dma_wait3A = arith.constant 15 : i32
      %dma_wait3A_81 = arith.constant 0 : i32
      %dma_wait3A_82 = tpu.memref_slice %arg9[%dma_wait3A, %dma_wait3A_81] : memref<16x80xi32, #tpu.memory_space<vmem>> -> memref<1x80xi32, #tpu.memory_space<vmem>>
      %dma_wait3A_83 = tpu.memref_squeeze %dma_wait3A_82 : memref<1x80xi32, #tpu.memory_space<vmem>> -> memref<80xi32, #tpu.memory_space<vmem>>
      %dma_wait3A_84 = arith.constant 0 : i32
      %dma_wait3A_85 = arith.constant 0 : i32
      %dma_wait3A_86 = tpu.memref_slice %arg10[%dma_wait3A_84, %dma_wait3A_85] : memref<10240x128xf32, #tpu.memory_space<vmem_shared>> -> memref<10240x128xf32, #tpu.memory_space<vmem_shared>>
      tpu.wait_indirect_dma semaphore(%arg22 : memref<!tpu.dma_semaphore, #tpu.memory_space<semaphore_mem>>) src(%arg14 : memref<80x128xf32, #tpu.memory_space<vmem>>) dst(%dma_wait3A_86 : memref<10240x128xf32, #tpu.memory_space<vmem_shared>>)
    }
    %scan3A_37 = arith.constant 8 : i32
    %barrier3A_38 = arith.constant 0 : index
    tpu.barrier barrier_id(%barrier3A_38)
    %mul3A_39 = arith.constant 640 : i32
    %mul3A_40 = arith.muli %arg1, %mul3A_39 : i32
    %mul3A_41 = arith.constant 640 : i32
    %mul3A_42 = arith.muli %arg1, %mul3A_41 : i32
    "tpu.region"() ({
      %run_scoped3A = tpu.sem_alloc : memref<!tpu.dma_semaphore, #tpu.memory_space<semaphore_mem>>
      %dma_start3A = arith.constant 0 : i32
      %dma_start3A_43 = tpu.memref_slice %arg7[%arg0, %mul3A_42, %dma_start3A] : memref<2x10240x128xf32, #tpu.memory_space<hbm>> -> memref<1x640x128xf32, #tpu.memory_space<hbm>>
      %dma_start3A_44 = tpu.memref_squeeze %dma_start3A_43 : memref<1x640x128xf32, #tpu.memory_space<hbm>> -> memref<640x128xf32, #tpu.memory_space<hbm>>
      %dma_start3A_45 = arith.constant 0 : i32
      %dma_start3A_46 = tpu.memref_slice %arg10[%mul3A_40, %dma_start3A_45] : memref<10240x128xf32, #tpu.memory_space<vmem_shared>> -> memref<640x128xf32, #tpu.memory_space<vmem_shared>>
      tpu.enqueue_dma source(%dma_start3A_46 : memref<640x128xf32, #tpu.memory_space<vmem_shared>>) target(%dma_start3A_44 : memref<640x128xf32, #tpu.memory_space<hbm>>) target_semaphore(%run_scoped3A : memref<!tpu.dma_semaphore, #tpu.memory_space<semaphore_mem>>)
      %dma_wait3A = arith.constant 0 : i32
      %dma_wait3A_47 = tpu.memref_slice %arg7[%arg0, %mul3A_42, %dma_wait3A] : memref<2x10240x128xf32, #tpu.memory_space<hbm>> -> memref<1x640x128xf32, #tpu.memory_space<hbm>>
      %dma_wait3A_48 = tpu.memref_squeeze %dma_wait3A_47 : memref<1x640x128xf32, #tpu.memory_space<hbm>> -> memref<640x128xf32, #tpu.memory_space<hbm>>
      %dma_wait3A_49 = arith.constant 0 : i32
      %dma_wait3A_50 = tpu.memref_slice %arg10[%mul3A_40, %dma_wait3A_49] : memref<10240x128xf32, #tpu.memory_space<vmem_shared>> -> memref<640x128xf32, #tpu.memory_space<vmem_shared>>
      tpu.wait_dma2 semaphore(%run_scoped3A : memref<!tpu.dma_semaphore, #tpu.memory_space<semaphore_mem>>) src(%dma_wait3A_50 : memref<640x128xf32, #tpu.memory_space<vmem_shared>>) dst(%dma_wait3A_48 : memref<640x128xf32, #tpu.memory_space<hbm>>)
      tpu.yield
    }) : () -> ()
    return
  }
}

#map = affine_map<(d0, d1) -> (0, 0)>
#map1 = affine_map<(d0, d1) -> (0, 0, 0)>
module attributes {stable_mosaic.version = 14 : i64} {
  func.func @agg_kernel(%arg0: i32, %arg1: i32, %arg2: memref<10240x128xf32, #tpu.memory_space<hbm>>, %arg3: memref<10240x128xf32, #tpu.memory_space<hbm>>, %arg4: memref<32x128x80xi32, #tpu.memory_space<hbm>>, %arg5: memref<32x128x80xi32, #tpu.memory_space<hbm>>, %arg6: memref<80x128xf32, #tpu.memory_space<hbm>>, %arg7: memref<2x10240x128xf32, #tpu.memory_space<hbm>>, %arg8: memref<16x80xi32, #tpu.memory_space<vmem>>, %arg9: memref<16x80xi32, #tpu.memory_space<vmem>>, %arg10: memref<10240x128xf32, #tpu.memory_space<vmem_shared>>, %arg11: memref<80x128xf32, #tpu.memory_space<vmem>>, %arg12: memref<80x128xf32, #tpu.memory_space<vmem>>, %arg13: memref<80x128xf32, #tpu.memory_space<vmem>>, %arg14: memref<80x128xf32, #tpu.memory_space<vmem>>, %arg15: memref<!tpu.dma_semaphore, #tpu.memory_space<semaphore_mem>>, %arg16: memref<!tpu.dma_semaphore, #tpu.memory_space<semaphore_mem>>, %arg17: memref<!tpu.dma_semaphore, #tpu.memory_space<semaphore_mem>>, %arg18: memref<!tpu.dma_semaphore, #tpu.memory_space<semaphore_mem>>, %arg19: memref<!tpu.dma_semaphore, #tpu.memory_space<semaphore_mem>>, %arg20: memref<!tpu.dma_semaphore, #tpu.memory_space<semaphore_mem>>, %arg21: memref<!tpu.dma_semaphore, #tpu.memory_space<semaphore_mem>>, %arg22: memref<!tpu.dma_semaphore, #tpu.memory_space<semaphore_mem>>) attributes {dimension_semantics = [#tpu.dimension_semantics<core_parallel>, #tpu.dimension_semantics<subcore_parallel>], iteration_bounds = array<i64: 2, 16>, scalar_prefetch = 0 : i64, scratch_operands = 15 : i64, tpu.core_type = #tpu.core_type<sc_vector_subcore>, window_params = [{transform_indices = #map}, {transform_indices = #map}, {transform_indices = #map1}, {transform_indices = #map1}, {transform_indices = #map}, {transform_indices = #map1}]} {
    %mul3A = arith.constant 2 : i32
    %mul3A_0 = arith.muli %arg1, %mul3A : i32
    %add3A = arith.addi %mul3A_0, %arg0 : i32
    "tpu.region"() ({
      %run_scoped3A = tpu.sem_alloc : memref<!tpu.dma_semaphore, #tpu.memory_space<semaphore_mem>>
      tpu.enqueue_dma source(%arg6 : memref<80x128xf32, #tpu.memory_space<hbm>>) target(%arg11 : memref<80x128xf32, #tpu.memory_space<vmem>>) target_semaphore(%run_scoped3A : memref<!tpu.dma_semaphore, #tpu.memory_space<semaphore_mem>>)
      tpu.wait_dma2 semaphore(%run_scoped3A : memref<!tpu.dma_semaphore, #tpu.memory_space<semaphore_mem>>) src(%arg6 : memref<80x128xf32, #tpu.memory_space<hbm>>) dst(%arg11 : memref<80x128xf32, #tpu.memory_space<vmem>>)
      tpu.yield
    }) : () -> ()
    %mul3A_1 = arith.constant 640 : i32
    %mul3A_2 = arith.muli %arg1, %mul3A_1 : i32
    %add3A_3 = arith.constant 0 : i32
    %add3A_4 = arith.addi %mul3A_2, %add3A_3 : i32
    "tpu.region"() ({
      %run_scoped3A = tpu.sem_alloc : memref<!tpu.dma_semaphore, #tpu.memory_space<semaphore_mem>>
      %dma_start3A = arith.constant 0 : i32
      %dma_start3A_43 = tpu.memref_slice %arg10[%add3A_4, %dma_start3A] : memref<10240x128xf32, #tpu.memory_space<vmem_shared>> -> memref<80x128xf32, #tpu.memory_space<vmem_shared>>
      %dma_start3A_44 = arith.constant 0 : i32
      %dma_start3A_45 = tpu.memref_slice %arg10[%add3A_4, %dma_start3A_44] : memref<10240x128xf32, #tpu.memory_space<vmem_shared>> -> memref<80x128xf32, #tpu.memory_space<vmem_shared>>
      tpu.enqueue_dma source(%arg11 : memref<80x128xf32, #tpu.memory_space<vmem>>) target(%dma_start3A_45 : memref<80x128xf32, #tpu.memory_space<vmem_shared>>) target_semaphore(%run_scoped3A : memref<!tpu.dma_semaphore, #tpu.memory_space<semaphore_mem>>)
      %dma_wait3A = arith.constant 0 : i32
      %dma_wait3A_46 = tpu.memref_slice %arg10[%add3A_4, %dma_wait3A] : memref<10240x128xf32, #tpu.memory_space<vmem_shared>> -> memref<80x128xf32, #tpu.memory_space<vmem_shared>>
      %dma_wait3A_47 = arith.constant 0 : i32
      %dma_wait3A_48 = tpu.memref_slice %arg10[%add3A_4, %dma_wait3A_47] : memref<10240x128xf32, #tpu.memory_space<vmem_shared>> -> memref<80x128xf32, #tpu.memory_space<vmem_shared>>
      tpu.wait_dma2 semaphore(%run_scoped3A : memref<!tpu.dma_semaphore, #tpu.memory_space<semaphore_mem>>) src(%arg11 : memref<80x128xf32, #tpu.memory_space<vmem>>) dst(%dma_wait3A_48 : memref<80x128xf32, #tpu.memory_space<vmem_shared>>)
      tpu.yield
    }) : () -> ()
    %mul3A_5 = arith.constant 640 : i32
    %mul3A_6 = arith.muli %arg1, %mul3A_5 : i32
    %add3A_7 = arith.constant 80 : i32
    %add3A_8 = arith.addi %mul3A_6, %add3A_7 : i32
    "tpu.region"() ({
      %run_scoped3A = tpu.sem_alloc : memref<!tpu.dma_semaphore, #tpu.memory_space<semaphore_mem>>
      %dma_start3A = arith.constant 0 : i32
      %dma_start3A_43 = tpu.memref_slice %arg10[%add3A_8, %dma_start3A] : memref<10240x128xf32, #tpu.memory_space<vmem_shared>> -> memref<80x128xf32, #tpu.memory_space<vmem_shared>>
      %dma_start3A_44 = arith.constant 0 : i32
      %dma_start3A_45 = tpu.memref_slice %arg10[%add3A_8, %dma_start3A_44] : memref<10240x128xf32, #tpu.memory_space<vmem_shared>> -> memref<80x128xf32, #tpu.memory_space<vmem_shared>>
      tpu.enqueue_dma source(%arg11 : memref<80x128xf32, #tpu.memory_space<vmem>>) target(%dma_start3A_45 : memref<80x128xf32, #tpu.memory_space<vmem_shared>>) target_semaphore(%run_scoped3A : memref<!tpu.dma_semaphore, #tpu.memory_space<semaphore_mem>>)
      %dma_wait3A = arith.constant 0 : i32
      %dma_wait3A_46 = tpu.memref_slice %arg10[%add3A_8, %dma_wait3A] : memref<10240x128xf32, #tpu.memory_space<vmem_shared>> -> memref<80x128xf32, #tpu.memory_space<vmem_shared>>
      %dma_wait3A_47 = arith.constant 0 : i32
      %dma_wait3A_48 = tpu.memref_slice %arg10[%add3A_8, %dma_wait3A_47] : memref<10240x128xf32, #tpu.memory_space<vmem_shared>> -> memref<80x128xf32, #tpu.memory_space<vmem_shared>>
      tpu.wait_dma2 semaphore(%run_scoped3A : memref<!tpu.dma_semaphore, #tpu.memory_space<semaphore_mem>>) src(%arg11 : memref<80x128xf32, #tpu.memory_space<vmem>>) dst(%dma_wait3A_48 : memref<80x128xf32, #tpu.memory_space<vmem_shared>>)
      tpu.yield
    }) : () -> ()
    %mul3A_9 = arith.constant 640 : i32
    %mul3A_10 = arith.muli %arg1, %mul3A_9 : i32
    %add3A_11 = arith.constant 160 : i32
    %add3A_12 = arith.addi %mul3A_10, %add3A_11 : i32
    "tpu.region"() ({
      %run_scoped3A = tpu.sem_alloc : memref<!tpu.dma_semaphore, #tpu.memory_space<semaphore_mem>>
      %dma_start3A = arith.constant 0 : i32
      %dma_start3A_43 = tpu.memref_slice %arg10[%add3A_12, %dma_start3A] : memref<10240x128xf32, #tpu.memory_space<vmem_shared>> -> memref<80x128xf32, #tpu.memory_space<vmem_shared>>
      %dma_start3A_44 = arith.constant 0 : i32
      %dma_start3A_45 = tpu.memref_slice %arg10[%add3A_12, %dma_start3A_44] : memref<10240x128xf32, #tpu.memory_space<vmem_shared>> -> memref<80x128xf32, #tpu.memory_space<vmem_shared>>
      tpu.enqueue_dma source(%arg11 : memref<80x128xf32, #tpu.memory_space<vmem>>) target(%dma_start3A_45 : memref<80x128xf32, #tpu.memory_space<vmem_shared>>) target_semaphore(%run_scoped3A : memref<!tpu.dma_semaphore, #tpu.memory_space<semaphore_mem>>)
      %dma_wait3A = arith.constant 0 : i32
      %dma_wait3A_46 = tpu.memref_slice %arg10[%add3A_12, %dma_wait3A] : memref<10240x128xf32, #tpu.memory_space<vmem_shared>> -> memref<80x128xf32, #tpu.memory_space<vmem_shared>>
      %dma_wait3A_47 = arith.constant 0 : i32
      %dma_wait3A_48 = tpu.memref_slice %arg10[%add3A_12, %dma_wait3A_47] : memref<10240x128xf32, #tpu.memory_space<vmem_shared>> -> memref<80x128xf32, #tpu.memory_space<vmem_shared>>
      tpu.wait_dma2 semaphore(%run_scoped3A : memref<!tpu.dma_semaphore, #tpu.memory_space<semaphore_mem>>) src(%arg11 : memref<80x128xf32, #tpu.memory_space<vmem>>) dst(%dma_wait3A_48 : memref<80x128xf32, #tpu.memory_space<vmem_shared>>)
      tpu.yield
    }) : () -> ()
    %mul3A_13 = arith.constant 640 : i32
    %mul3A_14 = arith.muli %arg1, %mul3A_13 : i32
    %add3A_15 = arith.constant 240 : i32
    %add3A_16 = arith.addi %mul3A_14, %add3A_15 : i32
    "tpu.region"() ({
      %run_scoped3A = tpu.sem_alloc : memref<!tpu.dma_semaphore, #tpu.memory_space<semaphore_mem>>
      %dma_start3A = arith.constant 0 : i32
      %dma_start3A_43 = tpu.memref_slice %arg10[%add3A_16, %dma_start3A] : memref<10240x128xf32, #tpu.memory_space<vmem_shared>> -> memref<80x128xf32, #tpu.memory_space<vmem_shared>>
      %dma_start3A_44 = arith.constant 0 : i32
      %dma_start3A_45 = tpu.memref_slice %arg10[%add3A_16, %dma_start3A_44] : memref<10240x128xf32, #tpu.memory_space<vmem_shared>> -> memref<80x128xf32, #tpu.memory_space<vmem_shared>>
      tpu.enqueue_dma source(%arg11 : memref<80x128xf32, #tpu.memory_space<vmem>>) target(%dma_start3A_45 : memref<80x128xf32, #tpu.memory_space<vmem_shared>>) target_semaphore(%run_scoped3A : memref<!tpu.dma_semaphore, #tpu.memory_space<semaphore_mem>>)
      %dma_wait3A = arith.constant 0 : i32
      %dma_wait3A_46 = tpu.memref_slice %arg10[%add3A_16, %dma_wait3A] : memref<10240x128xf32, #tpu.memory_space<vmem_shared>> -> memref<80x128xf32, #tpu.memory_space<vmem_shared>>
      %dma_wait3A_47 = arith.constant 0 : i32
      %dma_wait3A_48 = tpu.memref_slice %arg10[%add3A_16, %dma_wait3A_47] : memref<10240x128xf32, #tpu.memory_space<vmem_shared>> -> memref<80x128xf32, #tpu.memory_space<vmem_shared>>
      tpu.wait_dma2 semaphore(%run_scoped3A : memref<!tpu.dma_semaphore, #tpu.memory_space<semaphore_mem>>) src(%arg11 : memref<80x128xf32, #tpu.memory_space<vmem>>) dst(%dma_wait3A_48 : memref<80x128xf32, #tpu.memory_space<vmem_shared>>)
      tpu.yield
    }) : () -> ()
    %mul3A_17 = arith.constant 640 : i32
    %mul3A_18 = arith.muli %arg1, %mul3A_17 : i32
    %add3A_19 = arith.constant 320 : i32
    %add3A_20 = arith.addi %mul3A_18, %add3A_19 : i32
    "tpu.region"() ({
      %run_scoped3A = tpu.sem_alloc : memref<!tpu.dma_semaphore, #tpu.memory_space<semaphore_mem>>
      %dma_start3A = arith.constant 0 : i32
      %dma_start3A_43 = tpu.memref_slice %arg10[%add3A_20, %dma_start3A] : memref<10240x128xf32, #tpu.memory_space<vmem_shared>> -> memref<80x128xf32, #tpu.memory_space<vmem_shared>>
      %dma_start3A_44 = arith.constant 0 : i32
      %dma_start3A_45 = tpu.memref_slice %arg10[%add3A_20, %dma_start3A_44] : memref<10240x128xf32, #tpu.memory_space<vmem_shared>> -> memref<80x128xf32, #tpu.memory_space<vmem_shared>>
      tpu.enqueue_dma source(%arg11 : memref<80x128xf32, #tpu.memory_space<vmem>>) target(%dma_start3A_45 : memref<80x128xf32, #tpu.memory_space<vmem_shared>>) target_semaphore(%run_scoped3A : memref<!tpu.dma_semaphore, #tpu.memory_space<semaphore_mem>>)
      %dma_wait3A = arith.constant 0 : i32
      %dma_wait3A_46 = tpu.memref_slice %arg10[%add3A_20, %dma_wait3A] : memref<10240x128xf32, #tpu.memory_space<vmem_shared>> -> memref<80x128xf32, #tpu.memory_space<vmem_shared>>
      %dma_wait3A_47 = arith.constant 0 : i32
      %dma_wait3A_48 = tpu.memref_slice %arg10[%add3A_20, %dma_wait3A_47] : memref<10240x128xf32, #tpu.memory_space<vmem_shared>> -> memref<80x128xf32, #tpu.memory_space<vmem_shared>>
      tpu.wait_dma2 semaphore(%run_scoped3A : memref<!tpu.dma_semaphore, #tpu.memory_space<semaphore_mem>>) src(%arg11 : memref<80x128xf32, #tpu.memory_space<vmem>>) dst(%dma_wait3A_48 : memref<80x128xf32, #tpu.memory_space<vmem_shared>>)
      tpu.yield
    }) : () -> ()
    %mul3A_21 = arith.constant 640 : i32
    %mul3A_22 = arith.muli %arg1, %mul3A_21 : i32
    %add3A_23 = arith.constant 400 : i32
    %add3A_24 = arith.addi %mul3A_22, %add3A_23 : i32
    "tpu.region"() ({
      %run_scoped3A = tpu.sem_alloc : memref<!tpu.dma_semaphore, #tpu.memory_space<semaphore_mem>>
      %dma_start3A = arith.constant 0 : i32
      %dma_start3A_43 = tpu.memref_slice %arg10[%add3A_24, %dma_start3A] : memref<10240x128xf32, #tpu.memory_space<vmem_shared>> -> memref<80x128xf32, #tpu.memory_space<vmem_shared>>
      %dma_start3A_44 = arith.constant 0 : i32
      %dma_start3A_45 = tpu.memref_slice %arg10[%add3A_24, %dma_start3A_44] : memref<10240x128xf32, #tpu.memory_space<vmem_shared>> -> memref<80x128xf32, #tpu.memory_space<vmem_shared>>
      tpu.enqueue_dma source(%arg11 : memref<80x128xf32, #tpu.memory_space<vmem>>) target(%dma_start3A_45 : memref<80x128xf32, #tpu.memory_space<vmem_shared>>) target_semaphore(%run_scoped3A : memref<!tpu.dma_semaphore, #tpu.memory_space<semaphore_mem>>)
      %dma_wait3A = arith.constant 0 : i32
      %dma_wait3A_46 = tpu.memref_slice %arg10[%add3A_24, %dma_wait3A] : memref<10240x128xf32, #tpu.memory_space<vmem_shared>> -> memref<80x128xf32, #tpu.memory_space<vmem_shared>>
      %dma_wait3A_47 = arith.constant 0 : i32
      %dma_wait3A_48 = tpu.memref_slice %arg10[%add3A_24, %dma_wait3A_47] : memref<10240x128xf32, #tpu.memory_space<vmem_shared>> -> memref<80x128xf32, #tpu.memory_space<vmem_shared>>
      tpu.wait_dma2 semaphore(%run_scoped3A : memref<!tpu.dma_semaphore, #tpu.memory_space<semaphore_mem>>) src(%arg11 : memref<80x128xf32, #tpu.memory_space<vmem>>) dst(%dma_wait3A_48 : memref<80x128xf32, #tpu.memory_space<vmem_shared>>)
      tpu.yield
    }) : () -> ()
    %mul3A_25 = arith.constant 640 : i32
    %mul3A_26 = arith.muli %arg1, %mul3A_25 : i32
    %add3A_27 = arith.constant 480 : i32
    %add3A_28 = arith.addi %mul3A_26, %add3A_27 : i32
    "tpu.region"() ({
      %run_scoped3A = tpu.sem_alloc : memref<!tpu.dma_semaphore, #tpu.memory_space<semaphore_mem>>
      %dma_start3A = arith.constant 0 : i32
      %dma_start3A_43 = tpu.memref_slice %arg10[%add3A_28, %dma_start3A] : memref<10240x128xf32, #tpu.memory_space<vmem_shared>> -> memref<80x128xf32, #tpu.memory_space<vmem_shared>>
      %dma_start3A_44 = arith.constant 0 : i32
      %dma_start3A_45 = tpu.memref_slice %arg10[%add3A_28, %dma_start3A_44] : memref<10240x128xf32, #tpu.memory_space<vmem_shared>> -> memref<80x128xf32, #tpu.memory_space<vmem_shared>>
      tpu.enqueue_dma source(%arg11 : memref<80x128xf32, #tpu.memory_space<vmem>>) target(%dma_start3A_45 : memref<80x128xf32, #tpu.memory_space<vmem_shared>>) target_semaphore(%run_scoped3A : memref<!tpu.dma_semaphore, #tpu.memory_space<semaphore_mem>>)
      %dma_wait3A = arith.constant 0 : i32
      %dma_wait3A_46 = tpu.memref_slice %arg10[%add3A_28, %dma_wait3A] : memref<10240x128xf32, #tpu.memory_space<vmem_shared>> -> memref<80x128xf32, #tpu.memory_space<vmem_shared>>
      %dma_wait3A_47 = arith.constant 0 : i32
      %dma_wait3A_48 = tpu.memref_slice %arg10[%add3A_28, %dma_wait3A_47] : memref<10240x128xf32, #tpu.memory_space<vmem_shared>> -> memref<80x128xf32, #tpu.memory_space<vmem_shared>>
      tpu.wait_dma2 semaphore(%run_scoped3A : memref<!tpu.dma_semaphore, #tpu.memory_space<semaphore_mem>>) src(%arg11 : memref<80x128xf32, #tpu.memory_space<vmem>>) dst(%dma_wait3A_48 : memref<80x128xf32, #tpu.memory_space<vmem_shared>>)
      tpu.yield
    }) : () -> ()
    %mul3A_29 = arith.constant 640 : i32
    %mul3A_30 = arith.muli %arg1, %mul3A_29 : i32
    %add3A_31 = arith.constant 560 : i32
    %add3A_32 = arith.addi %mul3A_30, %add3A_31 : i32
    "tpu.region"() ({
      %run_scoped3A = tpu.sem_alloc : memref<!tpu.dma_semaphore, #tpu.memory_space<semaphore_mem>>
      %dma_start3A = arith.constant 0 : i32
      %dma_start3A_43 = tpu.memref_slice %arg10[%add3A_32, %dma_start3A] : memref<10240x128xf32, #tpu.memory_space<vmem_shared>> -> memref<80x128xf32, #tpu.memory_space<vmem_shared>>
      %dma_start3A_44 = arith.constant 0 : i32
      %dma_start3A_45 = tpu.memref_slice %arg10[%add3A_32, %dma_start3A_44] : memref<10240x128xf32, #tpu.memory_space<vmem_shared>> -> memref<80x128xf32, #tpu.memory_space<vmem_shared>>
      tpu.enqueue_dma source(%arg11 : memref<80x128xf32, #tpu.memory_space<vmem>>) target(%dma_start3A_45 : memref<80x128xf32, #tpu.memory_space<vmem_shared>>) target_semaphore(%run_scoped3A : memref<!tpu.dma_semaphore, #tpu.memory_space<semaphore_mem>>)
      %dma_wait3A = arith.constant 0 : i32
      %dma_wait3A_46 = tpu.memref_slice %arg10[%add3A_32, %dma_wait3A] : memref<10240x128xf32, #tpu.memory_space<vmem_shared>> -> memref<80x128xf32, #tpu.memory_space<vmem_shared>>
      %dma_wait3A_47 = arith.constant 0 : i32
      %dma_wait3A_48 = tpu.memref_slice %arg10[%add3A_32, %dma_wait3A_47] : memref<10240x128xf32, #tpu.memory_space<vmem_shared>> -> memref<80x128xf32, #tpu.memory_space<vmem_shared>>
      tpu.wait_dma2 semaphore(%run_scoped3A : memref<!tpu.dma_semaphore, #tpu.memory_space<semaphore_mem>>) src(%arg11 : memref<80x128xf32, #tpu.memory_space<vmem>>) dst(%dma_wait3A_48 : memref<80x128xf32, #tpu.memory_space<vmem_shared>>)
      tpu.yield
    }) : () -> ()
    %barrier3A = arith.constant 0 : index
    tpu.barrier barrier_id(%barrier3A)
    %scan3A = arith.constant 0 : i32
    %scan3A_33 = arith.constant 0 : i32
    %scan3A_34 = arith.constant 8 : i32
    %scan3A_35 = arith.addi %scan3A_33, %scan3A_34 : i32
    %scan3A_36 = arith.constant 1 : i32
    scf.for %scan3A_43 = %scan3A_33 to %scan3A_35 step %scan3A_36  : i32 {
      %mul3A_44 = arith.constant 16 : i32
      %mul3A_45 = arith.muli %scan3A_43, %mul3A_44 : i32
      "tpu.region"() ({
        %run_scoped3A = tpu.sem_alloc : memref<!tpu.dma_semaphore, #tpu.memory_space<semaphore_mem>>
        %dma_start3A = arith.constant 0 : i32
        %dma_start3A_87 = tpu.memref_slice %arg4[%add3A, %mul3A_45, %dma_start3A] : memref<32x128x80xi32, #tpu.memory_space<hbm>> -> memref<1x16x80xi32, #tpu.memory_space<hbm>>
        %dma_start3A_88 = tpu.memref_squeeze %dma_start3A_87 : memref<1x16x80xi32, #tpu.memory_space<hbm>> -> memref<16x80xi32, #tpu.memory_space<hbm>>
        %dma_start3A_89 = arith.constant 0 : i32
        %dma_start3A_90 = tpu.memref_slice %arg4[%add3A, %mul3A_45, %dma_start3A_89] : memref<32x128x80xi32, #tpu.memory_space<hbm>> -> memref<1x16x80xi32, #tpu.memory_space<hbm>>
        %dma_start3A_91 = tpu.memref_squeeze %dma_start3A_90 : memref<1x16x80xi32, #tpu.memory_space<hbm>> -> memref<16x80xi32, #tpu.memory_space<hbm>>
        tpu.enqueue_dma source(%dma_start3A_91 : memref<16x80xi32, #tpu.memory_space<hbm>>) target(%arg8 : memref<16x80xi32, #tpu.memory_space<vmem>>) target_semaphore(%run_scoped3A : memref<!tpu.dma_semaphore, #tpu.memory_space<semaphore_mem>>)
        %dma_wait3A_92 = arith.constant 0 : i32
        %dma_wait3A_93 = tpu.memref_slice %arg4[%add3A, %mul3A_45, %dma_wait3A_92] : memref<32x128x80xi32, #tpu.memory_space<hbm>> -> memref<1x16x80xi32, #tpu.memory_space<hbm>>
        %dma_wait3A_94 = tpu.memref_squeeze %dma_wait3A_93 : memref<1x16x80xi32, #tpu.memory_space<hbm>> -> memref<16x80xi32, #tpu.memory_space<hbm>>
        %dma_wait3A_95 = arith.constant 0 : i32
        %dma_wait3A_96 = tpu.memref_slice %arg4[%add3A, %mul3A_45, %dma_wait3A_95] : memref<32x128x80xi32, #tpu.memory_space<hbm>> -> memref<1x16x80xi32, #tpu.memory_space<hbm>>
        %dma_wait3A_97 = tpu.memref_squeeze %dma_wait3A_96 : memref<1x16x80xi32, #tpu.memory_space<hbm>> -> memref<16x80xi32, #tpu.memory_space<hbm>>
        tpu.wait_dma2 semaphore(%run_scoped3A : memref<!tpu.dma_semaphore, #tpu.memory_space<semaphore_mem>>) src(%dma_wait3A_97 : memref<16x80xi32, #tpu.memory_space<hbm>>) dst(%arg8 : memref<16x80xi32, #tpu.memory_space<vmem>>)
        tpu.yield
      }) : () -> ()
      %mul3A_46 = arith.constant 16 : i32
      %mul3A_47 = arith.muli %scan3A_43, %mul3A_46 : i32
      "tpu.region"() ({
        %run_scoped3A = tpu.sem_alloc : memref<!tpu.dma_semaphore, #tpu.memory_space<semaphore_mem>>
        %dma_start3A = arith.constant 0 : i32
        %dma_start3A_87 = tpu.memref_slice %arg5[%add3A, %mul3A_47, %dma_start3A] : memref<32x128x80xi32, #tpu.memory_space<hbm>> -> memref<1x16x80xi32, #tpu.memory_space<hbm>>
        %dma_start3A_88 = tpu.memref_squeeze %dma_start3A_87 : memref<1x16x80xi32, #tpu.memory_space<hbm>> -> memref<16x80xi32, #tpu.memory_space<hbm>>
        %dma_start3A_89 = arith.constant 0 : i32
        %dma_start3A_90 = tpu.memref_slice %arg5[%add3A, %mul3A_47, %dma_start3A_89] : memref<32x128x80xi32, #tpu.memory_space<hbm>> -> memref<1x16x80xi32, #tpu.memory_space<hbm>>
        %dma_start3A_91 = tpu.memref_squeeze %dma_start3A_90 : memref<1x16x80xi32, #tpu.memory_space<hbm>> -> memref<16x80xi32, #tpu.memory_space<hbm>>
        tpu.enqueue_dma source(%dma_start3A_91 : memref<16x80xi32, #tpu.memory_space<hbm>>) target(%arg9 : memref<16x80xi32, #tpu.memory_space<vmem>>) target_semaphore(%run_scoped3A : memref<!tpu.dma_semaphore, #tpu.memory_space<semaphore_mem>>)
        %dma_wait3A_92 = arith.constant 0 : i32
        %dma_wait3A_93 = tpu.memref_slice %arg5[%add3A, %mul3A_47, %dma_wait3A_92] : memref<32x128x80xi32, #tpu.memory_space<hbm>> -> memref<1x16x80xi32, #tpu.memory_space<hbm>>
        %dma_wait3A_94 = tpu.memref_squeeze %dma_wait3A_93 : memref<1x16x80xi32, #tpu.memory_space<hbm>> -> memref<16x80xi32, #tpu.memory_space<hbm>>
        %dma_wait3A_95 = arith.constant 0 : i32
        %dma_wait3A_96 = tpu.memref_slice %arg5[%add3A, %mul3A_47, %dma_wait3A_95] : memref<32x128x80xi32, #tpu.memory_space<hbm>> -> memref<1x16x80xi32, #tpu.memory_space<hbm>>
        %dma_wait3A_97 = tpu.memref_squeeze %dma_wait3A_96 : memref<1x16x80xi32, #tpu.memory_space<hbm>> -> memref<16x80xi32, #tpu.memory_space<hbm>>
        tpu.wait_dma2 semaphore(%run_scoped3A : memref<!tpu.dma_semaphore, #tpu.memory_space<semaphore_mem>>) src(%dma_wait3A_97 : memref<16x80xi32, #tpu.memory_space<hbm>>) dst(%arg9 : memref<16x80xi32, #tpu.memory_space<vmem>>)
        tpu.yield
      }) : () -> ()
      %eq3A = arith.constant 0 : i32
      %eq3A_48 = arith.cmpi eq, %arg0, %eq3A : i32
      %convert_element_type3A = arith.extui %eq3A_48 : i1 to i32
      %cond3A = arith.constant 0 : i32
      %cond3A_49 = arith.cmpi ne, %convert_element_type3A, %cond3A : i32
      scf.if %cond3A_49 {
        %dma_start3A = arith.constant 0 : i32
        %dma_start3A_87 = arith.constant 0 : i32
        %dma_start3A_88 = tpu.memref_slice %arg8[%dma_start3A, %dma_start3A_87] : memref<16x80xi32, #tpu.memory_space<vmem>> -> memref<1x80xi32, #tpu.memory_space<vmem>>
        %dma_start3A_89 = tpu.memref_squeeze %dma_start3A_88 : memref<1x80xi32, #tpu.memory_space<vmem>> -> memref<80xi32, #tpu.memory_space<vmem>>
        %dma_start3A_90 = arith.constant 0 : i32
        %dma_start3A_91 = arith.constant 0 : i32
        %dma_start3A_92 = tpu.memref_slice %arg2[%dma_start3A_90, %dma_start3A_91] : memref<10240x128xf32, #tpu.memory_space<hbm>> -> memref<10240x128xf32, #tpu.memory_space<hbm>>
        tpu.enqueue_indirect_dma source(%dma_start3A_92 : memref<10240x128xf32, #tpu.memory_space<hbm>>) target(%arg11 : memref<80x128xf32, #tpu.memory_space<vmem>>) offsets(%dma_start3A_89 : memref<80xi32, #tpu.memory_space<vmem>>) semaphore(%arg15 : memref<!tpu.dma_semaphore, #tpu.memory_space<semaphore_mem>>)
      } else {
      }
      %eq3A_50 = arith.constant 1 : i32
      %eq3A_51 = arith.cmpi eq, %arg0, %eq3A_50 : i32
      %convert_element_type3A_52 = arith.extui %eq3A_51 : i1 to i32
      %cond3A_53 = arith.constant 0 : i32
      %cond3A_54 = arith.cmpi ne, %convert_element_type3A_52, %cond3A_53 : i32
      scf.if %cond3A_54 {
        %dma_start3A = arith.constant 0 : i32
        %dma_start3A_87 = arith.constant 0 : i32
        %dma_start3A_88 = tpu.memref_slice %arg8[%dma_start3A, %dma_start3A_87] : memref<16x80xi32, #tpu.memory_space<vmem>> -> memref<1x80xi32, #tpu.memory_space<vmem>>
        %dma_start3A_89 = tpu.memref_squeeze %dma_start3A_88 : memref<1x80xi32, #tpu.memory_space<vmem>> -> memref<80xi32, #tpu.memory_space<vmem>>
        %dma_start3A_90 = arith.constant 0 : i32
        %dma_start3A_91 = arith.constant 0 : i32
        %dma_start3A_92 = tpu.memref_slice %arg3[%dma_start3A_90, %dma_start3A_91] : memref<10240x128xf32, #tpu.memory_space<hbm>> -> memref<10240x128xf32, #tpu.memory_space<hbm>>
        tpu.enqueue_indirect_dma source(%dma_start3A_92 : memref<10240x128xf32, #tpu.memory_space<hbm>>) target(%arg11 : memref<80x128xf32, #tpu.memory_space<vmem>>) offsets(%dma_start3A_89 : memref<80xi32, #tpu.memory_space<vmem>>) semaphore(%arg15 : memref<!tpu.dma_semaphore, #tpu.memory_space<semaphore_mem>>)
      } else {
      }
      %eq3A_55 = arith.constant 0 : i32
      %eq3A_56 = arith.cmpi eq, %arg0, %eq3A_55 : i32
      %convert_element_type3A_57 = arith.extui %eq3A_56 : i1 to i32
      %cond3A_58 = arith.constant 0 : i32
      %cond3A_59 = arith.cmpi ne, %convert_element_type3A_57, %cond3A_58 : i32
      scf.if %cond3A_59 {
        %dma_start3A = arith.constant 1 : i32
        %dma_start3A_87 = arith.constant 0 : i32
        %dma_start3A_88 = tpu.memref_slice %arg8[%dma_start3A, %dma_start3A_87] : memref<16x80xi32, #tpu.memory_space<vmem>> -> memref<1x80xi32, #tpu.memory_space<vmem>>
        %dma_start3A_89 = tpu.memref_squeeze %dma_start3A_88 : memref<1x80xi32, #tpu.memory_space<vmem>> -> memref<80xi32, #tpu.memory_space<vmem>>
        %dma_start3A_90 = arith.constant 0 : i32
        %dma_start3A_91 = arith.constant 0 : i32
        %dma_start3A_92 = tpu.memref_slice %arg2[%dma_start3A_90, %dma_start3A_91] : memref<10240x128xf32, #tpu.memory_space<hbm>> -> memref<10240x128xf32, #tpu.memory_space<hbm>>
        tpu.enqueue_indirect_dma source(%dma_start3A_92 : memref<10240x128xf32, #tpu.memory_space<hbm>>) target(%arg12 : memref<80x128xf32, #tpu.memory_space<vmem>>) offsets(%dma_start3A_89 : memref<80xi32, #tpu.memory_space<vmem>>) semaphore(%arg16 : memref<!tpu.dma_semaphore, #tpu.memory_space<semaphore_mem>>)
      } else {
      }
      %eq3A_60 = arith.constant 1 : i32
      %eq3A_61 = arith.cmpi eq, %arg0, %eq3A_60 : i32
      %convert_element_type3A_62 = arith.extui %eq3A_61 : i1 to i32
      %cond3A_63 = arith.constant 0 : i32
      %cond3A_64 = arith.cmpi ne, %convert_element_type3A_62, %cond3A_63 : i32
      scf.if %cond3A_64 {
        %dma_start3A = arith.constant 1 : i32
        %dma_start3A_87 = arith.constant 0 : i32
        %dma_start3A_88 = tpu.memref_slice %arg8[%dma_start3A, %dma_start3A_87] : memref<16x80xi32, #tpu.memory_space<vmem>> -> memref<1x80xi32, #tpu.memory_space<vmem>>
        %dma_start3A_89 = tpu.memref_squeeze %dma_start3A_88 : memref<1x80xi32, #tpu.memory_space<vmem>> -> memref<80xi32, #tpu.memory_space<vmem>>
        %dma_start3A_90 = arith.constant 0 : i32
        %dma_start3A_91 = arith.constant 0 : i32
        %dma_start3A_92 = tpu.memref_slice %arg3[%dma_start3A_90, %dma_start3A_91] : memref<10240x128xf32, #tpu.memory_space<hbm>> -> memref<10240x128xf32, #tpu.memory_space<hbm>>
        tpu.enqueue_indirect_dma source(%dma_start3A_92 : memref<10240x128xf32, #tpu.memory_space<hbm>>) target(%arg12 : memref<80x128xf32, #tpu.memory_space<vmem>>) offsets(%dma_start3A_89 : memref<80xi32, #tpu.memory_space<vmem>>) semaphore(%arg16 : memref<!tpu.dma_semaphore, #tpu.memory_space<semaphore_mem>>)
      } else {
      }
      %eq3A_65 = arith.constant 0 : i32
      %eq3A_66 = arith.cmpi eq, %arg0, %eq3A_65 : i32
      %convert_element_type3A_67 = arith.extui %eq3A_66 : i1 to i32
      %cond3A_68 = arith.constant 0 : i32
      %cond3A_69 = arith.cmpi ne, %convert_element_type3A_67, %cond3A_68 : i32
      scf.if %cond3A_69 {
        %dma_start3A = arith.constant 2 : i32
        %dma_start3A_87 = arith.constant 0 : i32
        %dma_start3A_88 = tpu.memref_slice %arg8[%dma_start3A, %dma_start3A_87] : memref<16x80xi32, #tpu.memory_space<vmem>> -> memref<1x80xi32, #tpu.memory_space<vmem>>
        %dma_start3A_89 = tpu.memref_squeeze %dma_start3A_88 : memref<1x80xi32, #tpu.memory_space<vmem>> -> memref<80xi32, #tpu.memory_space<vmem>>
        %dma_start3A_90 = arith.constant 0 : i32
        %dma_start3A_91 = arith.constant 0 : i32
        %dma_start3A_92 = tpu.memref_slice %arg2[%dma_start3A_90, %dma_start3A_91] : memref<10240x128xf32, #tpu.memory_space<hbm>> -> memref<10240x128xf32, #tpu.memory_space<hbm>>
        tpu.enqueue_indirect_dma source(%dma_start3A_92 : memref<10240x128xf32, #tpu.memory_space<hbm>>) target(%arg13 : memref<80x128xf32, #tpu.memory_space<vmem>>) offsets(%dma_start3A_89 : memref<80xi32, #tpu.memory_space<vmem>>) semaphore(%arg17 : memref<!tpu.dma_semaphore, #tpu.memory_space<semaphore_mem>>)
      } else {
      }
      %eq3A_70 = arith.constant 1 : i32
      %eq3A_71 = arith.cmpi eq, %arg0, %eq3A_70 : i32
      %convert_element_type3A_72 = arith.extui %eq3A_71 : i1 to i32
      %cond3A_73 = arith.constant 0 : i32
      %cond3A_74 = arith.cmpi ne, %convert_element_type3A_72, %cond3A_73 : i32
      scf.if %cond3A_74 {
        %dma_start3A = arith.constant 2 : i32
        %dma_start3A_87 = arith.constant 0 : i32
        %dma_start3A_88 = tpu.memref_slice %arg8[%dma_start3A, %dma_start3A_87] : memref<16x80xi32, #tpu.memory_space<vmem>> -> memref<1x80xi32, #tpu.memory_space<vmem>>
        %dma_start3A_89 = tpu.memref_squeeze %dma_start3A_88 : memref<1x80xi32, #tpu.memory_space<vmem>> -> memref<80xi32, #tpu.memory_space<vmem>>
        %dma_start3A_90 = arith.constant 0 : i32
        %dma_start3A_91 = arith.constant 0 : i32
        %dma_start3A_92 = tpu.memref_slice %arg3[%dma_start3A_90, %dma_start3A_91] : memref<10240x128xf32, #tpu.memory_space<hbm>> -> memref<10240x128xf32, #tpu.memory_space<hbm>>
        tpu.enqueue_indirect_dma source(%dma_start3A_92 : memref<10240x128xf32, #tpu.memory_space<hbm>>) target(%arg13 : memref<80x128xf32, #tpu.memory_space<vmem>>) offsets(%dma_start3A_89 : memref<80xi32, #tpu.memory_space<vmem>>) semaphore(%arg17 : memref<!tpu.dma_semaphore, #tpu.memory_space<semaphore_mem>>)
      } else {
      }
      %scan3A_75 = arith.constant 0 : i32
      %scan3A_76 = arith.constant 0 : i32
      %scan3A_77 = arith.constant 4 : i32
      %scan3A_78 = arith.addi %scan3A_76, %scan3A_77 : i32
      %scan3A_79 = arith.constant 1 : i32
      scf.for %scan3A_87 = %scan3A_76 to %scan3A_78 step %scan3A_79  : i32 {
        %mul3A_88 = arith.constant 4 : i32
        %mul3A_89 = arith.muli %mul3A_88, %scan3A_87 : i32
        %add3A_90 = arith.constant 0 : i32
        %add3A_91 = arith.addi %mul3A_89, %add3A_90 : i32
        %ge3A = arith.constant 1 : i32
        %ge3A_92 = arith.cmpi sge, %add3A_91, %ge3A : i32
        %convert_element_type3A_93 = arith.extui %ge3A_92 : i1 to i32
        %cond3A_94 = arith.constant 0 : i32
        %cond3A_95 = arith.cmpi ne, %convert_element_type3A_93, %cond3A_94 : i32
        scf.if %cond3A_95 {
          %sub3A = arith.constant 1 : i32
          %sub3A_197 = arith.subi %add3A_91, %sub3A : i32
          %dma_wait3A_198 = arith.constant 0 : i32
          %dma_wait3A_199 = tpu.memref_slice %arg9[%sub3A_197, %dma_wait3A_198] : memref<16x80xi32, #tpu.memory_space<vmem>> -> memref<1x80xi32, #tpu.memory_space<vmem>>
          %dma_wait3A_200 = tpu.memref_squeeze %dma_wait3A_199 : memref<1x80xi32, #tpu.memory_space<vmem>> -> memref<80xi32, #tpu.memory_space<vmem>>
          %dma_wait3A_201 = arith.constant 0 : i32
          %dma_wait3A_202 = arith.constant 0 : i32
          %dma_wait3A_203 = tpu.memref_slice %arg10[%dma_wait3A_201, %dma_wait3A_202] : memref<10240x128xf32, #tpu.memory_space<vmem_shared>> -> memref<10240x128xf32, #tpu.memory_space<vmem_shared>>
          tpu.wait_indirect_dma semaphore(%arg22 : memref<!tpu.dma_semaphore, #tpu.memory_space<semaphore_mem>>) src(%arg14 : memref<80x128xf32, #tpu.memory_space<vmem>>) dst(%dma_wait3A_203 : memref<10240x128xf32, #tpu.memory_space<vmem_shared>>)
        } else {
        }
        %add3A_96 = arith.constant 3 : i32
        %add3A_97 = arith.addi %add3A_91, %add3A_96 : i32
        %lt3A = arith.constant 16 : i32
        %lt3A_98 = arith.cmpi slt, %add3A_97, %lt3A : i32
        %convert_element_type3A_99 = arith.extui %lt3A_98 : i1 to i32
        %cond3A_100 = arith.constant 0 : i32
        %cond3A_101 = arith.cmpi ne, %convert_element_type3A_99, %cond3A_100 : i32
        scf.if %cond3A_101 {
          %add3A_197 = arith.constant 3 : i32
          %add3A_198 = arith.addi %add3A_91, %add3A_197 : i32
          %eq3A_199 = arith.constant 0 : i32
          %eq3A_200 = arith.cmpi eq, %arg0, %eq3A_199 : i32
          %convert_element_type3A_201 = arith.extui %eq3A_200 : i1 to i32
          %cond3A_202 = arith.constant 0 : i32
          %cond3A_203 = arith.cmpi ne, %convert_element_type3A_201, %cond3A_202 : i32
          scf.if %cond3A_203 {
            %dma_start3A_209 = arith.constant 0 : i32
            %dma_start3A_210 = tpu.memref_slice %arg8[%add3A_198, %dma_start3A_209] : memref<16x80xi32, #tpu.memory_space<vmem>> -> memref<1x80xi32, #tpu.memory_space<vmem>>
            %dma_start3A_211 = tpu.memref_squeeze %dma_start3A_210 : memref<1x80xi32, #tpu.memory_space<vmem>> -> memref<80xi32, #tpu.memory_space<vmem>>
            %dma_start3A_212 = arith.constant 0 : i32
            %dma_start3A_213 = arith.constant 0 : i32
            %dma_start3A_214 = tpu.memref_slice %arg2[%dma_start3A_212, %dma_start3A_213] : memref<10240x128xf32, #tpu.memory_space<hbm>> -> memref<10240x128xf32, #tpu.memory_space<hbm>>
            tpu.enqueue_indirect_dma source(%dma_start3A_214 : memref<10240x128xf32, #tpu.memory_space<hbm>>) target(%arg14 : memref<80x128xf32, #tpu.memory_space<vmem>>) offsets(%dma_start3A_211 : memref<80xi32, #tpu.memory_space<vmem>>) semaphore(%arg18 : memref<!tpu.dma_semaphore, #tpu.memory_space<semaphore_mem>>)
          } else {
          }
          %eq3A_204 = arith.constant 1 : i32
          %eq3A_205 = arith.cmpi eq, %arg0, %eq3A_204 : i32
          %convert_element_type3A_206 = arith.extui %eq3A_205 : i1 to i32
          %cond3A_207 = arith.constant 0 : i32
          %cond3A_208 = arith.cmpi ne, %convert_element_type3A_206, %cond3A_207 : i32
          scf.if %cond3A_208 {
            %dma_start3A_209 = arith.constant 0 : i32
            %dma_start3A_210 = tpu.memref_slice %arg8[%add3A_198, %dma_start3A_209] : memref<16x80xi32, #tpu.memory_space<vmem>> -> memref<1x80xi32, #tpu.memory_space<vmem>>
            %dma_start3A_211 = tpu.memref_squeeze %dma_start3A_210 : memref<1x80xi32, #tpu.memory_space<vmem>> -> memref<80xi32, #tpu.memory_space<vmem>>
            %dma_start3A_212 = arith.constant 0 : i32
            %dma_start3A_213 = arith.constant 0 : i32
            %dma_start3A_214 = tpu.memref_slice %arg3[%dma_start3A_212, %dma_start3A_213] : memref<10240x128xf32, #tpu.memory_space<hbm>> -> memref<10240x128xf32, #tpu.memory_space<hbm>>
            tpu.enqueue_indirect_dma source(%dma_start3A_214 : memref<10240x128xf32, #tpu.memory_space<hbm>>) target(%arg14 : memref<80x128xf32, #tpu.memory_space<vmem>>) offsets(%dma_start3A_211 : memref<80xi32, #tpu.memory_space<vmem>>) semaphore(%arg18 : memref<!tpu.dma_semaphore, #tpu.memory_space<semaphore_mem>>)
          } else {
          }
        } else {
        }
        %dma_wait3A_102 = arith.constant 0 : i32
        %dma_wait3A_103 = tpu.memref_slice %arg8[%add3A_91, %dma_wait3A_102] : memref<16x80xi32, #tpu.memory_space<vmem>> -> memref<1x80xi32, #tpu.memory_space<vmem>>
        %dma_wait3A_104 = tpu.memref_squeeze %dma_wait3A_103 : memref<1x80xi32, #tpu.memory_space<vmem>> -> memref<80xi32, #tpu.memory_space<vmem>>
        %dma_wait3A_105 = arith.constant 0 : i32
        %dma_wait3A_106 = arith.constant 0 : i32
        %dma_wait3A_107 = tpu.memref_slice %arg2[%dma_wait3A_105, %dma_wait3A_106] : memref<10240x128xf32, #tpu.memory_space<hbm>> -> memref<10240x128xf32, #tpu.memory_space<hbm>>
        tpu.wait_indirect_dma semaphore(%arg15 : memref<!tpu.dma_semaphore, #tpu.memory_space<semaphore_mem>>) src(%dma_wait3A_107 : memref<10240x128xf32, #tpu.memory_space<hbm>>) dst(%arg11 : memref<80x128xf32, #tpu.memory_space<vmem>>)
        %dma_start3A = arith.constant 0 : i32
        %dma_start3A_108 = tpu.memref_slice %arg9[%add3A_91, %dma_start3A] : memref<16x80xi32, #tpu.memory_space<vmem>> -> memref<1x80xi32, #tpu.memory_space<vmem>>
        %dma_start3A_109 = tpu.memref_squeeze %dma_start3A_108 : memref<1x80xi32, #tpu.memory_space<vmem>> -> memref<80xi32, #tpu.memory_space<vmem>>
        %dma_start3A_110 = arith.constant 0 : i32
        %dma_start3A_111 = arith.constant 0 : i32
        %dma_start3A_112 = tpu.memref_slice %arg10[%dma_start3A_110, %dma_start3A_111] : memref<10240x128xf32, #tpu.memory_space<vmem_shared>> -> memref<10240x128xf32, #tpu.memory_space<vmem_shared>>
        tpu.enqueue_indirect_dma source(%arg11 : memref<80x128xf32, #tpu.memory_space<vmem>>) target(%dma_start3A_112 : memref<10240x128xf32, #tpu.memory_space<vmem_shared>>) offsets(%dma_start3A_109 : memref<80xi32, #tpu.memory_space<vmem>>) semaphore(%arg19 : memref<!tpu.dma_semaphore, #tpu.memory_space<semaphore_mem>>) {add = true}
        %mul3A_113 = arith.constant 4 : i32
        %mul3A_114 = arith.muli %mul3A_113, %scan3A_87 : i32
        %add3A_115 = arith.constant 1 : i32
        %add3A_116 = arith.addi %mul3A_114, %add3A_115 : i32
        %ge3A_117 = arith.constant 1 : i32
        %ge3A_118 = arith.cmpi sge, %add3A_116, %ge3A_117 : i32
        %convert_element_type3A_119 = arith.extui %ge3A_118 : i1 to i32
        %cond3A_120 = arith.constant 0 : i32
        %cond3A_121 = arith.cmpi ne, %convert_element_type3A_119, %cond3A_120 : i32
        scf.if %cond3A_121 {
          %sub3A = arith.constant 1 : i32
          %sub3A_197 = arith.subi %add3A_116, %sub3A : i32
          %dma_wait3A_198 = arith.constant 0 : i32
          %dma_wait3A_199 = tpu.memref_slice %arg9[%sub3A_197, %dma_wait3A_198] : memref<16x80xi32, #tpu.memory_space<vmem>> -> memref<1x80xi32, #tpu.memory_space<vmem>>
          %dma_wait3A_200 = tpu.memref_squeeze %dma_wait3A_199 : memref<1x80xi32, #tpu.memory_space<vmem>> -> memref<80xi32, #tpu.memory_space<vmem>>
          %dma_wait3A_201 = arith.constant 0 : i32
          %dma_wait3A_202 = arith.constant 0 : i32
          %dma_wait3A_203 = tpu.memref_slice %arg10[%dma_wait3A_201, %dma_wait3A_202] : memref<10240x128xf32, #tpu.memory_space<vmem_shared>> -> memref<10240x128xf32, #tpu.memory_space<vmem_shared>>
          tpu.wait_indirect_dma semaphore(%arg19 : memref<!tpu.dma_semaphore, #tpu.memory_space<semaphore_mem>>) src(%arg11 : memref<80x128xf32, #tpu.memory_space<vmem>>) dst(%dma_wait3A_203 : memref<10240x128xf32, #tpu.memory_space<vmem_shared>>)
        } else {
        }
        %add3A_122 = arith.constant 3 : i32
        %add3A_123 = arith.addi %add3A_116, %add3A_122 : i32
        %lt3A_124 = arith.constant 16 : i32
        %lt3A_125 = arith.cmpi slt, %add3A_123, %lt3A_124 : i32
        %convert_element_type3A_126 = arith.extui %lt3A_125 : i1 to i32
        %cond3A_127 = arith.constant 0 : i32
        %cond3A_128 = arith.cmpi ne, %convert_element_type3A_126, %cond3A_127 : i32
        scf.if %cond3A_128 {
          %add3A_197 = arith.constant 3 : i32
          %add3A_198 = arith.addi %add3A_116, %add3A_197 : i32
          %eq3A_199 = arith.constant 0 : i32
          %eq3A_200 = arith.cmpi eq, %arg0, %eq3A_199 : i32
          %convert_element_type3A_201 = arith.extui %eq3A_200 : i1 to i32
          %cond3A_202 = arith.constant 0 : i32
          %cond3A_203 = arith.cmpi ne, %convert_element_type3A_201, %cond3A_202 : i32
          scf.if %cond3A_203 {
            %dma_start3A_209 = arith.constant 0 : i32
            %dma_start3A_210 = tpu.memref_slice %arg8[%add3A_198, %dma_start3A_209] : memref<16x80xi32, #tpu.memory_space<vmem>> -> memref<1x80xi32, #tpu.memory_space<vmem>>
            %dma_start3A_211 = tpu.memref_squeeze %dma_start3A_210 : memref<1x80xi32, #tpu.memory_space<vmem>> -> memref<80xi32, #tpu.memory_space<vmem>>
            %dma_start3A_212 = arith.constant 0 : i32
            %dma_start3A_213 = arith.constant 0 : i32
            %dma_start3A_214 = tpu.memref_slice %arg2[%dma_start3A_212, %dma_start3A_213] : memref<10240x128xf32, #tpu.memory_space<hbm>> -> memref<10240x128xf32, #tpu.memory_space<hbm>>
            tpu.enqueue_indirect_dma source(%dma_start3A_214 : memref<10240x128xf32, #tpu.memory_space<hbm>>) target(%arg11 : memref<80x128xf32, #tpu.memory_space<vmem>>) offsets(%dma_start3A_211 : memref<80xi32, #tpu.memory_space<vmem>>) semaphore(%arg15 : memref<!tpu.dma_semaphore, #tpu.memory_space<semaphore_mem>>)
          } else {
          }
          %eq3A_204 = arith.constant 1 : i32
          %eq3A_205 = arith.cmpi eq, %arg0, %eq3A_204 : i32
          %convert_element_type3A_206 = arith.extui %eq3A_205 : i1 to i32
          %cond3A_207 = arith.constant 0 : i32
          %cond3A_208 = arith.cmpi ne, %convert_element_type3A_206, %cond3A_207 : i32
          scf.if %cond3A_208 {
            %dma_start3A_209 = arith.constant 0 : i32
            %dma_start3A_210 = tpu.memref_slice %arg8[%add3A_198, %dma_start3A_209] : memref<16x80xi32, #tpu.memory_space<vmem>> -> memref<1x80xi32, #tpu.memory_space<vmem>>
            %dma_start3A_211 = tpu.memref_squeeze %dma_start3A_210 : memref<1x80xi32, #tpu.memory_space<vmem>> -> memref<80xi32, #tpu.memory_space<vmem>>
            %dma_start3A_212 = arith.constant 0 : i32
            %dma_start3A_213 = arith.constant 0 : i32
            %dma_start3A_214 = tpu.memref_slice %arg3[%dma_start3A_212, %dma_start3A_213] : memref<10240x128xf32, #tpu.memory_space<hbm>> -> memref<10240x128xf32, #tpu.memory_space<hbm>>
            tpu.enqueue_indirect_dma source(%dma_start3A_214 : memref<10240x128xf32, #tpu.memory_space<hbm>>) target(%arg11 : memref<80x128xf32, #tpu.memory_space<vmem>>) offsets(%dma_start3A_211 : memref<80xi32, #tpu.memory_space<vmem>>) semaphore(%arg15 : memref<!tpu.dma_semaphore, #tpu.memory_space<semaphore_mem>>)
          } else {
          }
        } else {
        }
        %dma_wait3A_129 = arith.constant 0 : i32
        %dma_wait3A_130 = tpu.memref_slice %arg8[%add3A_116, %dma_wait3A_129] : memref<16x80xi32, #tpu.memory_space<vmem>> -> memref<1x80xi32, #tpu.memory_space<vmem>>
        %dma_wait3A_131 = tpu.memref_squeeze %dma_wait3A_130 : memref<1x80xi32, #tpu.memory_space<vmem>> -> memref<80xi32, #tpu.memory_space<vmem>>
        %dma_wait3A_132 = arith.constant 0 : i32
        %dma_wait3A_133 = arith.constant 0 : i32
        %dma_wait3A_134 = tpu.memref_slice %arg2[%dma_wait3A_132, %dma_wait3A_133] : memref<10240x128xf32, #tpu.memory_space<hbm>> -> memref<10240x128xf32, #tpu.memory_space<hbm>>
        tpu.wait_indirect_dma semaphore(%arg16 : memref<!tpu.dma_semaphore, #tpu.memory_space<semaphore_mem>>) src(%dma_wait3A_134 : memref<10240x128xf32, #tpu.memory_space<hbm>>) dst(%arg12 : memref<80x128xf32, #tpu.memory_space<vmem>>)
        %dma_start3A_135 = arith.constant 0 : i32
        %dma_start3A_136 = tpu.memref_slice %arg9[%add3A_116, %dma_start3A_135] : memref<16x80xi32, #tpu.memory_space<vmem>> -> memref<1x80xi32, #tpu.memory_space<vmem>>
        %dma_start3A_137 = tpu.memref_squeeze %dma_start3A_136 : memref<1x80xi32, #tpu.memory_space<vmem>> -> memref<80xi32, #tpu.memory_space<vmem>>
        %dma_start3A_138 = arith.constant 0 : i32
        %dma_start3A_139 = arith.constant 0 : i32
        %dma_start3A_140 = tpu.memref_slice %arg10[%dma_start3A_138, %dma_start3A_139] : memref<10240x128xf32, #tpu.memory_space<vmem_shared>> -> memref<10240x128xf32, #tpu.memory_space<vmem_shared>>
        tpu.enqueue_indirect_dma source(%arg12 : memref<80x128xf32, #tpu.memory_space<vmem>>) target(%dma_start3A_140 : memref<10240x128xf32, #tpu.memory_space<vmem_shared>>) offsets(%dma_start3A_137 : memref<80xi32, #tpu.memory_space<vmem>>) semaphore(%arg20 : memref<!tpu.dma_semaphore, #tpu.memory_space<semaphore_mem>>) {add = true}
        %mul3A_141 = arith.constant 4 : i32
        %mul3A_142 = arith.muli %mul3A_141, %scan3A_87 : i32
        %add3A_143 = arith.constant 2 : i32
        %add3A_144 = arith.addi %mul3A_142, %add3A_143 : i32
        %ge3A_145 = arith.constant 1 : i32
        %ge3A_146 = arith.cmpi sge, %add3A_144, %ge3A_145 : i32
        %convert_element_type3A_147 = arith.extui %ge3A_146 : i1 to i32
        %cond3A_148 = arith.constant 0 : i32
        %cond3A_149 = arith.cmpi ne, %convert_element_type3A_147, %cond3A_148 : i32
        scf.if %cond3A_149 {
          %sub3A = arith.constant 1 : i32
          %sub3A_197 = arith.subi %add3A_144, %sub3A : i32
          %dma_wait3A_198 = arith.constant 0 : i32
          %dma_wait3A_199 = tpu.memref_slice %arg9[%sub3A_197, %dma_wait3A_198] : memref<16x80xi32, #tpu.memory_space<vmem>> -> memref<1x80xi32, #tpu.memory_space<vmem>>
          %dma_wait3A_200 = tpu.memref_squeeze %dma_wait3A_199 : memref<1x80xi32, #tpu.memory_space<vmem>> -> memref<80xi32, #tpu.memory_space<vmem>>
          %dma_wait3A_201 = arith.constant 0 : i32
          %dma_wait3A_202 = arith.constant 0 : i32
          %dma_wait3A_203 = tpu.memref_slice %arg10[%dma_wait3A_201, %dma_wait3A_202] : memref<10240x128xf32, #tpu.memory_space<vmem_shared>> -> memref<10240x128xf32, #tpu.memory_space<vmem_shared>>
          tpu.wait_indirect_dma semaphore(%arg20 : memref<!tpu.dma_semaphore, #tpu.memory_space<semaphore_mem>>) src(%arg12 : memref<80x128xf32, #tpu.memory_space<vmem>>) dst(%dma_wait3A_203 : memref<10240x128xf32, #tpu.memory_space<vmem_shared>>)
        } else {
        }
        %add3A_150 = arith.constant 3 : i32
        %add3A_151 = arith.addi %add3A_144, %add3A_150 : i32
        %lt3A_152 = arith.constant 16 : i32
        %lt3A_153 = arith.cmpi slt, %add3A_151, %lt3A_152 : i32
        %convert_element_type3A_154 = arith.extui %lt3A_153 : i1 to i32
        %cond3A_155 = arith.constant 0 : i32
        %cond3A_156 = arith.cmpi ne, %convert_element_type3A_154, %cond3A_155 : i32
        scf.if %cond3A_156 {
          %add3A_197 = arith.constant 3 : i32
          %add3A_198 = arith.addi %add3A_144, %add3A_197 : i32
          %eq3A_199 = arith.constant 0 : i32
          %eq3A_200 = arith.cmpi eq, %arg0, %eq3A_199 : i32
          %convert_element_type3A_201 = arith.extui %eq3A_200 : i1 to i32
          %cond3A_202 = arith.constant 0 : i32
          %cond3A_203 = arith.cmpi ne, %convert_element_type3A_201, %cond3A_202 : i32
          scf.if %cond3A_203 {
            %dma_start3A_209 = arith.constant 0 : i32
            %dma_start3A_210 = tpu.memref_slice %arg8[%add3A_198, %dma_start3A_209] : memref<16x80xi32, #tpu.memory_space<vmem>> -> memref<1x80xi32, #tpu.memory_space<vmem>>
            %dma_start3A_211 = tpu.memref_squeeze %dma_start3A_210 : memref<1x80xi32, #tpu.memory_space<vmem>> -> memref<80xi32, #tpu.memory_space<vmem>>
            %dma_start3A_212 = arith.constant 0 : i32
            %dma_start3A_213 = arith.constant 0 : i32
            %dma_start3A_214 = tpu.memref_slice %arg2[%dma_start3A_212, %dma_start3A_213] : memref<10240x128xf32, #tpu.memory_space<hbm>> -> memref<10240x128xf32, #tpu.memory_space<hbm>>
            tpu.enqueue_indirect_dma source(%dma_start3A_214 : memref<10240x128xf32, #tpu.memory_space<hbm>>) target(%arg12 : memref<80x128xf32, #tpu.memory_space<vmem>>) offsets(%dma_start3A_211 : memref<80xi32, #tpu.memory_space<vmem>>) semaphore(%arg16 : memref<!tpu.dma_semaphore, #tpu.memory_space<semaphore_mem>>)
          } else {
          }
          %eq3A_204 = arith.constant 1 : i32
          %eq3A_205 = arith.cmpi eq, %arg0, %eq3A_204 : i32
          %convert_element_type3A_206 = arith.extui %eq3A_205 : i1 to i32
          %cond3A_207 = arith.constant 0 : i32
          %cond3A_208 = arith.cmpi ne, %convert_element_type3A_206, %cond3A_207 : i32
          scf.if %cond3A_208 {
            %dma_start3A_209 = arith.constant 0 : i32
            %dma_start3A_210 = tpu.memref_slice %arg8[%add3A_198, %dma_start3A_209] : memref<16x80xi32, #tpu.memory_space<vmem>> -> memref<1x80xi32, #tpu.memory_space<vmem>>
            %dma_start3A_211 = tpu.memref_squeeze %dma_start3A_210 : memref<1x80xi32, #tpu.memory_space<vmem>> -> memref<80xi32, #tpu.memory_space<vmem>>
            %dma_start3A_212 = arith.constant 0 : i32
            %dma_start3A_213 = arith.constant 0 : i32
            %dma_start3A_214 = tpu.memref_slice %arg3[%dma_start3A_212, %dma_start3A_213] : memref<10240x128xf32, #tpu.memory_space<hbm>> -> memref<10240x128xf32, #tpu.memory_space<hbm>>
            tpu.enqueue_indirect_dma source(%dma_start3A_214 : memref<10240x128xf32, #tpu.memory_space<hbm>>) target(%arg12 : memref<80x128xf32, #tpu.memory_space<vmem>>) offsets(%dma_start3A_211 : memref<80xi32, #tpu.memory_space<vmem>>) semaphore(%arg16 : memref<!tpu.dma_semaphore, #tpu.memory_space<semaphore_mem>>)
          } else {
          }
        } else {
        }
        %dma_wait3A_157 = arith.constant 0 : i32
        %dma_wait3A_158 = tpu.memref_slice %arg8[%add3A_144, %dma_wait3A_157] : memref<16x80xi32, #tpu.memory_space<vmem>> -> memref<1x80xi32, #tpu.memory_space<vmem>>
        %dma_wait3A_159 = tpu.memref_squeeze %dma_wait3A_158 : memref<1x80xi32, #tpu.memory_space<vmem>> -> memref<80xi32, #tpu.memory_space<vmem>>
        %dma_wait3A_160 = arith.constant 0 : i32
        %dma_wait3A_161 = arith.constant 0 : i32
        %dma_wait3A_162 = tpu.memref_slice %arg2[%dma_wait3A_160, %dma_wait3A_161] : memref<10240x128xf32, #tpu.memory_space<hbm>> -> memref<10240x128xf32, #tpu.memory_space<hbm>>
        tpu.wait_indirect_dma semaphore(%arg17 : memref<!tpu.dma_semaphore, #tpu.memory_space<semaphore_mem>>) src(%dma_wait3A_162 : memref<10240x128xf32, #tpu.memory_space<hbm>>) dst(%arg13 : memref<80x128xf32, #tpu.memory_space<vmem>>)
        %dma_start3A_163 = arith.constant 0 : i32
        %dma_start3A_164 = tpu.memref_slice %arg9[%add3A_144, %dma_start3A_163] : memref<16x80xi32, #tpu.memory_space<vmem>> -> memref<1x80xi32, #tpu.memory_space<vmem>>
        %dma_start3A_165 = tpu.memref_squeeze %dma_start3A_164 : memref<1x80xi32, #tpu.memory_space<vmem>> -> memref<80xi32, #tpu.memory_space<vmem>>
        %dma_start3A_166 = arith.constant 0 : i32
        %dma_start3A_167 = arith.constant 0 : i32
        %dma_start3A_168 = tpu.memref_slice %arg10[%dma_start3A_166, %dma_start3A_167] : memref<10240x128xf32, #tpu.memory_space<vmem_shared>> -> memref<10240x128xf32, #tpu.memory_space<vmem_shared>>
        tpu.enqueue_indirect_dma source(%arg13 : memref<80x128xf32, #tpu.memory_space<vmem>>) target(%dma_start3A_168 : memref<10240x128xf32, #tpu.memory_space<vmem_shared>>) offsets(%dma_start3A_165 : memref<80xi32, #tpu.memory_space<vmem>>) semaphore(%arg21 : memref<!tpu.dma_semaphore, #tpu.memory_space<semaphore_mem>>) {add = true}
        %mul3A_169 = arith.constant 4 : i32
        %mul3A_170 = arith.muli %mul3A_169, %scan3A_87 : i32
        %add3A_171 = arith.constant 3 : i32
        %add3A_172 = arith.addi %mul3A_170, %add3A_171 : i32
        %ge3A_173 = arith.constant 1 : i32
        %ge3A_174 = arith.cmpi sge, %add3A_172, %ge3A_173 : i32
        %convert_element_type3A_175 = arith.extui %ge3A_174 : i1 to i32
        %cond3A_176 = arith.constant 0 : i32
        %cond3A_177 = arith.cmpi ne, %convert_element_type3A_175, %cond3A_176 : i32
        scf.if %cond3A_177 {
          %sub3A = arith.constant 1 : i32
          %sub3A_197 = arith.subi %add3A_172, %sub3A : i32
          %dma_wait3A_198 = arith.constant 0 : i32
          %dma_wait3A_199 = tpu.memref_slice %arg9[%sub3A_197, %dma_wait3A_198] : memref<16x80xi32, #tpu.memory_space<vmem>> -> memref<1x80xi32, #tpu.memory_space<vmem>>
          %dma_wait3A_200 = tpu.memref_squeeze %dma_wait3A_199 : memref<1x80xi32, #tpu.memory_space<vmem>> -> memref<80xi32, #tpu.memory_space<vmem>>
          %dma_wait3A_201 = arith.constant 0 : i32
          %dma_wait3A_202 = arith.constant 0 : i32
          %dma_wait3A_203 = tpu.memref_slice %arg10[%dma_wait3A_201, %dma_wait3A_202] : memref<10240x128xf32, #tpu.memory_space<vmem_shared>> -> memref<10240x128xf32, #tpu.memory_space<vmem_shared>>
          tpu.wait_indirect_dma semaphore(%arg21 : memref<!tpu.dma_semaphore, #tpu.memory_space<semaphore_mem>>) src(%arg13 : memref<80x128xf32, #tpu.memory_space<vmem>>) dst(%dma_wait3A_203 : memref<10240x128xf32, #tpu.memory_space<vmem_shared>>)
        } else {
        }
        %add3A_178 = arith.constant 3 : i32
        %add3A_179 = arith.addi %add3A_172, %add3A_178 : i32
        %lt3A_180 = arith.constant 16 : i32
        %lt3A_181 = arith.cmpi slt, %add3A_179, %lt3A_180 : i32
        %convert_element_type3A_182 = arith.extui %lt3A_181 : i1 to i32
        %cond3A_183 = arith.constant 0 : i32
        %cond3A_184 = arith.cmpi ne, %convert_element_type3A_182, %cond3A_183 : i32
        scf.if %cond3A_184 {
          %add3A_197 = arith.constant 3 : i32
          %add3A_198 = arith.addi %add3A_172, %add3A_197 : i32
          %eq3A_199 = arith.constant 0 : i32
          %eq3A_200 = arith.cmpi eq, %arg0, %eq3A_199 : i32
          %convert_element_type3A_201 = arith.extui %eq3A_200 : i1 to i32
          %cond3A_202 = arith.constant 0 : i32
          %cond3A_203 = arith.cmpi ne, %convert_element_type3A_201, %cond3A_202 : i32
          scf.if %cond3A_203 {
            %dma_start3A_209 = arith.constant 0 : i32
            %dma_start3A_210 = tpu.memref_slice %arg8[%add3A_198, %dma_start3A_209] : memref<16x80xi32, #tpu.memory_space<vmem>> -> memref<1x80xi32, #tpu.memory_space<vmem>>
            %dma_start3A_211 = tpu.memref_squeeze %dma_start3A_210 : memref<1x80xi32, #tpu.memory_space<vmem>> -> memref<80xi32, #tpu.memory_space<vmem>>
            %dma_start3A_212 = arith.constant 0 : i32
            %dma_start3A_213 = arith.constant 0 : i32
            %dma_start3A_214 = tpu.memref_slice %arg2[%dma_start3A_212, %dma_start3A_213] : memref<10240x128xf32, #tpu.memory_space<hbm>> -> memref<10240x128xf32, #tpu.memory_space<hbm>>
            tpu.enqueue_indirect_dma source(%dma_start3A_214 : memref<10240x128xf32, #tpu.memory_space<hbm>>) target(%arg13 : memref<80x128xf32, #tpu.memory_space<vmem>>) offsets(%dma_start3A_211 : memref<80xi32, #tpu.memory_space<vmem>>) semaphore(%arg17 : memref<!tpu.dma_semaphore, #tpu.memory_space<semaphore_mem>>)
          } else {
          }
          %eq3A_204 = arith.constant 1 : i32
          %eq3A_205 = arith.cmpi eq, %arg0, %eq3A_204 : i32
          %convert_element_type3A_206 = arith.extui %eq3A_205 : i1 to i32
          %cond3A_207 = arith.constant 0 : i32
          %cond3A_208 = arith.cmpi ne, %convert_element_type3A_206, %cond3A_207 : i32
          scf.if %cond3A_208 {
            %dma_start3A_209 = arith.constant 0 : i32
            %dma_start3A_210 = tpu.memref_slice %arg8[%add3A_198, %dma_start3A_209] : memref<16x80xi32, #tpu.memory_space<vmem>> -> memref<1x80xi32, #tpu.memory_space<vmem>>
            %dma_start3A_211 = tpu.memref_squeeze %dma_start3A_210 : memref<1x80xi32, #tpu.memory_space<vmem>> -> memref<80xi32, #tpu.memory_space<vmem>>
            %dma_start3A_212 = arith.constant 0 : i32
            %dma_start3A_213 = arith.constant 0 : i32
            %dma_start3A_214 = tpu.memref_slice %arg3[%dma_start3A_212, %dma_start3A_213] : memref<10240x128xf32, #tpu.memory_space<hbm>> -> memref<10240x128xf32, #tpu.memory_space<hbm>>
            tpu.enqueue_indirect_dma source(%dma_start3A_214 : memref<10240x128xf32, #tpu.memory_space<hbm>>) target(%arg13 : memref<80x128xf32, #tpu.memory_space<vmem>>) offsets(%dma_start3A_211 : memref<80xi32, #tpu.memory_space<vmem>>) semaphore(%arg17 : memref<!tpu.dma_semaphore, #tpu.memory_space<semaphore_mem>>)
          } else {
          }
        } else {
        }
        %dma_wait3A_185 = arith.constant 0 : i32
        %dma_wait3A_186 = tpu.memref_slice %arg8[%add3A_172, %dma_wait3A_185] : memref<16x80xi32, #tpu.memory_space<vmem>> -> memref<1x80xi32, #tpu.memory_space<vmem>>
        %dma_wait3A_187 = tpu.memref_squeeze %dma_wait3A_186 : memref<1x80xi32, #tpu.memory_space<vmem>> -> memref<80xi32, #tpu.memory_space<vmem>>
        %dma_wait3A_188 = arith.constant 0 : i32
        %dma_wait3A_189 = arith.constant 0 : i32
        %dma_wait3A_190 = tpu.memref_slice %arg2[%dma_wait3A_188, %dma_wait3A_189] : memref<10240x128xf32, #tpu.memory_space<hbm>> -> memref<10240x128xf32, #tpu.memory_space<hbm>>
        tpu.wait_indirect_dma semaphore(%arg18 : memref<!tpu.dma_semaphore, #tpu.memory_space<semaphore_mem>>) src(%dma_wait3A_190 : memref<10240x128xf32, #tpu.memory_space<hbm>>) dst(%arg14 : memref<80x128xf32, #tpu.memory_space<vmem>>)
        %dma_start3A_191 = arith.constant 0 : i32
        %dma_start3A_192 = tpu.memref_slice %arg9[%add3A_172, %dma_start3A_191] : memref<16x80xi32, #tpu.memory_space<vmem>> -> memref<1x80xi32, #tpu.memory_space<vmem>>
        %dma_start3A_193 = tpu.memref_squeeze %dma_start3A_192 : memref<1x80xi32, #tpu.memory_space<vmem>> -> memref<80xi32, #tpu.memory_space<vmem>>
        %dma_start3A_194 = arith.constant 0 : i32
        %dma_start3A_195 = arith.constant 0 : i32
        %dma_start3A_196 = tpu.memref_slice %arg10[%dma_start3A_194, %dma_start3A_195] : memref<10240x128xf32, #tpu.memory_space<vmem_shared>> -> memref<10240x128xf32, #tpu.memory_space<vmem_shared>>
        tpu.enqueue_indirect_dma source(%arg14 : memref<80x128xf32, #tpu.memory_space<vmem>>) target(%dma_start3A_196 : memref<10240x128xf32, #tpu.memory_space<vmem_shared>>) offsets(%dma_start3A_193 : memref<80xi32, #tpu.memory_space<vmem>>) semaphore(%arg22 : memref<!tpu.dma_semaphore, #tpu.memory_space<semaphore_mem>>) {add = true}
      }
      %scan3A_80 = arith.constant 4 : i32
      %dma_wait3A = arith.constant 15 : i32
      %dma_wait3A_81 = arith.constant 0 : i32
      %dma_wait3A_82 = tpu.memref_slice %arg9[%dma_wait3A, %dma_wait3A_81] : memref<16x80xi32, #tpu.memory_space<vmem>> -> memref<1x80xi32, #tpu.memory_space<vmem>>
      %dma_wait3A_83 = tpu.memref_squeeze %dma_wait3A_82 : memref<1x80xi32, #tpu.memory_space<vmem>> -> memref<80xi32, #tpu.memory_space<vmem>>
      %dma_wait3A_84 = arith.constant 0 : i32
      %dma_wait3A_85 = arith.constant 0 : i32
      %dma_wait3A_86 = tpu.memref_slice %arg10[%dma_wait3A_84, %dma_wait3A_85] : memref<10240x128xf32, #tpu.memory_space<vmem_shared>> -> memref<10240x128xf32, #tpu.memory_space<vmem_shared>>
      tpu.wait_indirect_dma semaphore(%arg22 : memref<!tpu.dma_semaphore, #tpu.memory_space<semaphore_mem>>) src(%arg14 : memref<80x128xf32, #tpu.memory_space<vmem>>) dst(%dma_wait3A_86 : memref<10240x128xf32, #tpu.memory_space<vmem_shared>>)
    }
    %scan3A_37 = arith.constant 8 : i32
    %barrier3A_38 = arith.constant 0 : index
    tpu.barrier barrier_id(%barrier3A_38)
    %mul3A_39 = arith.constant 640 : i32
    %mul3A_40 = arith.muli %arg1, %mul3A_39 : i32
    %mul3A_41 = arith.constant 640 : i32
    %mul3A_42 = arith.muli %arg1, %mul3A_41 : i32
    "tpu.region"() ({
      %run_scoped3A = tpu.sem_alloc : memref<!tpu.dma_semaphore, #tpu.memory_space<semaphore_mem>>
      %dma_start3A = arith.constant 0 : i32
      %dma_start3A_43 = tpu.memref_slice %arg7[%arg0, %mul3A_42, %dma_start3A] : memref<2x10240x128xf32, #tpu.memory_space<hbm>> -> memref<1x640x128xf32, #tpu.memory_space<hbm>>
      %dma_start3A_44 = tpu.memref_squeeze %dma_start3A_43 : memref<1x640x128xf32, #tpu.memory_space<hbm>> -> memref<640x128xf32, #tpu.memory_space<hbm>>
      %dma_start3A_45 = arith.constant 0 : i32
      %dma_start3A_46 = tpu.memref_slice %arg10[%mul3A_40, %dma_start3A_45] : memref<10240x128xf32, #tpu.memory_space<vmem_shared>> -> memref<640x128xf32, #tpu.memory_space<vmem_shared>>
      tpu.enqueue_dma source(%dma_start3A_46 : memref<640x128xf32, #tpu.memory_space<vmem_shared>>) target(%dma_start3A_44 : memref<640x128xf32, #tpu.memory_space<hbm>>) target_semaphore(%run_scoped3A : memref<!tpu.dma_semaphore, #tpu.memory_space<semaphore_mem>>)
      %dma_wait3A = arith.constant 0 : i32
      %dma_wait3A_47 = tpu.memref_slice %arg7[%arg0, %mul3A_42, %dma_wait3A] : memref<2x10240x128xf32, #tpu.memory_space<hbm>> -> memref<1x640x128xf32, #tpu.memory_space<hbm>>
      %dma_wait3A_48 = tpu.memref_squeeze %dma_wait3A_47 : memref<1x640x128xf32, #tpu.memory_space<hbm>> -> memref<640x128xf32, #tpu.memory_space<hbm>>
      %dma_wait3A_49 = arith.constant 0 : i32
      %dma_wait3A_50 = tpu.memref_slice %arg10[%mul3A_40, %dma_wait3A_49] : memref<10240x128xf32, #tpu.memory_space<vmem_shared>> -> memref<640x128xf32, #tpu.memory_space<vmem_shared>>
      tpu.wait_dma2 semaphore(%run_scoped3A : memref<!tpu.dma_semaphore, #tpu.memory_space<semaphore_mem>>) src(%dma_wait3A_50 : memref<640x128xf32, #tpu.memory_space<vmem_shared>>) dst(%dma_wait3A_48 : memref<640x128xf32, #tpu.memory_space<hbm>>)
      tpu.yield
    }) : () -> ()
    return
  }
}

#map = affine_map<(d0, d1) -> (0, 0, 0)>
#map1 = affine_map<(d0, d1) -> (0)>
#map2 = affine_map<(d0, d1) -> (0, 0)>
module attributes {stable_mosaic.version = 14 : i64} {
  func.func @degree_kernel(%arg0: i32, %arg1: i32, %arg2: memref<32x128x80xi32, #tpu.memory_space<hbm>>, %arg3: memref<80xf32, #tpu.memory_space<hbm>>, %arg4: memref<10240xf32, #tpu.memory_space<hbm>>, %arg5: memref<2x10240xf32, #tpu.memory_space<hbm>>, %arg6: memref<128x80xi32, #tpu.memory_space<vmem>>, %arg7: memref<80xf32, #tpu.memory_space<vmem>>, %arg8: memref<16x640xf32, #tpu.memory_space<vmem>>, %arg9: memref<16x640xf32, #tpu.memory_space<vmem>>, %arg10: memref<640xf32, #tpu.memory_space<vmem>>, %arg11: memref<163840xf32, #tpu.memory_space<vmem_shared>>, %arg12: memref<163840xf32, #tpu.memory_space<vmem_shared>>, %arg13: memref<!tpu.dma_semaphore, #tpu.memory_space<semaphore_mem>>, %arg14: memref<!tpu.dma_semaphore, #tpu.memory_space<semaphore_mem>>) attributes {dimension_semantics = [#tpu.dimension_semantics<core_parallel>, #tpu.dimension_semantics<subcore_parallel>], iteration_bounds = array<i64: 2, 16>, scalar_prefetch = 0 : i64, scratch_operands = 9 : i64, tpu.core_type = #tpu.core_type<sc_vector_subcore>, window_params = [{transform_indices = #map}, {transform_indices = #map1}, {transform_indices = #map1}, {transform_indices = #map2}]} {
    %mul3A = arith.constant 2 : i32
    %mul3A_0 = arith.muli %arg1, %mul3A : i32
    %add3A = arith.addi %mul3A_0, %arg0 : i32
    "tpu.region"() ({
      %run_scoped3A_188 = tpu.sem_alloc : memref<!tpu.dma_semaphore, #tpu.memory_space<semaphore_mem>>
      %dma_start3A = arith.constant 0 : i32
      %dma_start3A_189 = arith.constant 0 : i32
      %dma_start3A_190 = tpu.memref_slice %arg2[%add3A, %dma_start3A, %dma_start3A_189] : memref<32x128x80xi32, #tpu.memory_space<hbm>> -> memref<1x128x80xi32, #tpu.memory_space<hbm>>
      %dma_start3A_191 = tpu.memref_squeeze %dma_start3A_190 : memref<1x128x80xi32, #tpu.memory_space<hbm>> -> memref<128x80xi32, #tpu.memory_space<hbm>>
      %dma_start3A_192 = arith.constant 0 : i32
      %dma_start3A_193 = arith.constant 0 : i32
      %dma_start3A_194 = tpu.memref_slice %arg2[%add3A, %dma_start3A_192, %dma_start3A_193] : memref<32x128x80xi32, #tpu.memory_space<hbm>> -> memref<1x128x80xi32, #tpu.memory_space<hbm>>
      %dma_start3A_195 = tpu.memref_squeeze %dma_start3A_194 : memref<1x128x80xi32, #tpu.memory_space<hbm>> -> memref<128x80xi32, #tpu.memory_space<hbm>>
      tpu.enqueue_dma source(%dma_start3A_195 : memref<128x80xi32, #tpu.memory_space<hbm>>) target(%arg6 : memref<128x80xi32, #tpu.memory_space<vmem>>) target_semaphore(%run_scoped3A_188 : memref<!tpu.dma_semaphore, #tpu.memory_space<semaphore_mem>>)
      %dma_wait3A_196 = arith.constant 0 : i32
      %dma_wait3A_197 = arith.constant 0 : i32
      %dma_wait3A_198 = tpu.memref_slice %arg2[%add3A, %dma_wait3A_196, %dma_wait3A_197] : memref<32x128x80xi32, #tpu.memory_space<hbm>> -> memref<1x128x80xi32, #tpu.memory_space<hbm>>
      %dma_wait3A_199 = tpu.memref_squeeze %dma_wait3A_198 : memref<1x128x80xi32, #tpu.memory_space<hbm>> -> memref<128x80xi32, #tpu.memory_space<hbm>>
      %dma_wait3A_200 = arith.constant 0 : i32
      %dma_wait3A_201 = arith.constant 0 : i32
      %dma_wait3A_202 = tpu.memref_slice %arg2[%add3A, %dma_wait3A_200, %dma_wait3A_201] : memref<32x128x80xi32, #tpu.memory_space<hbm>> -> memref<1x128x80xi32, #tpu.memory_space<hbm>>
      %dma_wait3A_203 = tpu.memref_squeeze %dma_wait3A_202 : memref<1x128x80xi32, #tpu.memory_space<hbm>> -> memref<128x80xi32, #tpu.memory_space<hbm>>
      tpu.wait_dma2 semaphore(%run_scoped3A_188 : memref<!tpu.dma_semaphore, #tpu.memory_space<semaphore_mem>>) src(%dma_wait3A_203 : memref<128x80xi32, #tpu.memory_space<hbm>>) dst(%arg6 : memref<128x80xi32, #tpu.memory_space<vmem>>)
      tpu.yield
    }) : () -> ()
    "tpu.region"() ({
      %run_scoped3A_188 = tpu.sem_alloc : memref<!tpu.dma_semaphore, #tpu.memory_space<semaphore_mem>>
      tpu.enqueue_dma source(%arg3 : memref<80xf32, #tpu.memory_space<hbm>>) target(%arg7 : memref<80xf32, #tpu.memory_space<vmem>>) target_semaphore(%run_scoped3A_188 : memref<!tpu.dma_semaphore, #tpu.memory_space<semaphore_mem>>)
      tpu.wait_dma2 semaphore(%run_scoped3A_188 : memref<!tpu.dma_semaphore, #tpu.memory_space<semaphore_mem>>) src(%arg3 : memref<80xf32, #tpu.memory_space<hbm>>) dst(%arg7 : memref<80xf32, #tpu.memory_space<vmem>>)
      tpu.yield
    }) : () -> ()
    %mul3A_1 = arith.constant 10240 : i32
    %mul3A_2 = arith.muli %arg1, %mul3A_1 : i32
    "tpu.region"() ({
      %run_scoped3A_188 = tpu.sem_alloc : memref<!tpu.dma_semaphore, #tpu.memory_space<semaphore_mem>>
      %dma_start3A = tpu.memref_slice %arg11[%mul3A_2] : memref<163840xf32, #tpu.memory_space<vmem_shared>> -> memref<10240xf32, #tpu.memory_space<vmem_shared>>
      tpu.enqueue_dma source(%arg4 : memref<10240xf32, #tpu.memory_space<hbm>>) target(%dma_start3A : memref<10240xf32, #tpu.memory_space<vmem_shared>>) target_semaphore(%run_scoped3A_188 : memref<!tpu.dma_semaphore, #tpu.memory_space<semaphore_mem>>)
      %dma_wait3A_189 = tpu.memref_slice %arg11[%mul3A_2] : memref<163840xf32, #tpu.memory_space<vmem_shared>> -> memref<10240xf32, #tpu.memory_space<vmem_shared>>
      tpu.wait_dma2 semaphore(%run_scoped3A_188 : memref<!tpu.dma_semaphore, #tpu.memory_space<semaphore_mem>>) src(%arg4 : memref<10240xf32, #tpu.memory_space<hbm>>) dst(%dma_wait3A_189 : memref<10240xf32, #tpu.memory_space<vmem_shared>>)
      tpu.yield
    }) : () -> ()
    %mul3A_3 = arith.constant 10240 : i32
    %mul3A_4 = arith.muli %arg1, %mul3A_3 : i32
    "tpu.region"() ({
      %run_scoped3A_188 = tpu.sem_alloc : memref<!tpu.dma_semaphore, #tpu.memory_space<semaphore_mem>>
      %dma_start3A = tpu.memref_slice %arg12[%mul3A_4] : memref<163840xf32, #tpu.memory_space<vmem_shared>> -> memref<10240xf32, #tpu.memory_space<vmem_shared>>
      tpu.enqueue_dma source(%arg4 : memref<10240xf32, #tpu.memory_space<hbm>>) target(%dma_start3A : memref<10240xf32, #tpu.memory_space<vmem_shared>>) target_semaphore(%run_scoped3A_188 : memref<!tpu.dma_semaphore, #tpu.memory_space<semaphore_mem>>)
      %dma_wait3A_189 = tpu.memref_slice %arg12[%mul3A_4] : memref<163840xf32, #tpu.memory_space<vmem_shared>> -> memref<10240xf32, #tpu.memory_space<vmem_shared>>
      tpu.wait_dma2 semaphore(%run_scoped3A_188 : memref<!tpu.dma_semaphore, #tpu.memory_space<semaphore_mem>>) src(%arg4 : memref<10240xf32, #tpu.memory_space<hbm>>) dst(%dma_wait3A_189 : memref<10240xf32, #tpu.memory_space<vmem_shared>>)
      tpu.yield
    }) : () -> ()
    %scan3A = arith.constant 0 : i32
    %scan3A_5 = arith.constant 0 : i32
    %scan3A_6 = arith.constant 64 : i32
    %scan3A_7 = arith.addi %scan3A_5, %scan3A_6 : i32
    %scan3A_8 = arith.constant 1 : i32
    scf.for %scan3A_188 = %scan3A_5 to %scan3A_7 step %scan3A_8  : i32 {
      %mul3A_189 = arith.constant 2 : i32
      %mul3A_190 = arith.muli %mul3A_189, %scan3A_188 : i32
      %add3A_191 = arith.constant 0 : i32
      %add3A_192 = arith.addi %mul3A_190, %add3A_191 : i32
      %ge3A = arith.constant 2 : i32
      %ge3A_193 = arith.cmpi sge, %add3A_192, %ge3A : i32
      %convert_element_type3A = arith.extui %ge3A_193 : i1 to i32
      %cond3A = arith.constant 0 : i32
      %cond3A_194 = arith.cmpi ne, %convert_element_type3A, %cond3A : i32
      scf.if %cond3A_194 {
        %sub3A = arith.constant 2 : i32
        %sub3A_213 = arith.subi %add3A_192, %sub3A : i32
        %dma_wait3A_214 = arith.constant 0 : i32
        %dma_wait3A_215 = tpu.memref_slice %arg6[%sub3A_213, %dma_wait3A_214] : memref<128x80xi32, #tpu.memory_space<vmem>> -> memref<1x80xi32, #tpu.memory_space<vmem>>
        %dma_wait3A_216 = tpu.memref_squeeze %dma_wait3A_215 : memref<1x80xi32, #tpu.memory_space<vmem>> -> memref<80xi32, #tpu.memory_space<vmem>>
        %dma_wait3A_217 = arith.constant 0 : i32
        %dma_wait3A_218 = tpu.memref_slice %arg11[%dma_wait3A_217] : memref<163840xf32, #tpu.memory_space<vmem_shared>> -> memref<163840xf32, #tpu.memory_space<vmem_shared>>
        tpu.wait_indirect_dma semaphore(%arg13 : memref<!tpu.dma_semaphore, #tpu.memory_space<semaphore_mem>>) src(%arg7 : memref<80xf32, #tpu.memory_space<vmem>>) dst(%dma_wait3A_218 : memref<163840xf32, #tpu.memory_space<vmem_shared>>)
      } else {
      }
      %dma_start3A = arith.constant 0 : i32
      %dma_start3A_195 = tpu.memref_slice %arg6[%add3A_192, %dma_start3A] : memref<128x80xi32, #tpu.memory_space<vmem>> -> memref<1x80xi32, #tpu.memory_space<vmem>>
      %dma_start3A_196 = tpu.memref_squeeze %dma_start3A_195 : memref<1x80xi32, #tpu.memory_space<vmem>> -> memref<80xi32, #tpu.memory_space<vmem>>
      %dma_start3A_197 = arith.constant 0 : i32
      %dma_start3A_198 = tpu.memref_slice %arg11[%dma_start3A_197] : memref<163840xf32, #tpu.memory_space<vmem_shared>> -> memref<163840xf32, #tpu.memory_space<vmem_shared>>
      tpu.enqueue_indirect_dma source(%arg7 : memref<80xf32, #tpu.memory_space<vmem>>) target(%dma_start3A_198 : memref<163840xf32, #tpu.memory_space<vmem_shared>>) offsets(%dma_start3A_196 : memref<80xi32, #tpu.memory_space<vmem>>) semaphore(%arg13 : memref<!tpu.dma_semaphore, #tpu.memory_space<semaphore_mem>>) {add = true}
      %mul3A_199 = arith.constant 2 : i32
      %mul3A_200 = arith.muli %mul3A_199, %scan3A_188 : i32
      %add3A_201 = arith.constant 1 : i32
      %add3A_202 = arith.addi %mul3A_200, %add3A_201 : i32
      %ge3A_203 = arith.constant 2 : i32
      %ge3A_204 = arith.cmpi sge, %add3A_202, %ge3A_203 : i32
      %convert_element_type3A_205 = arith.extui %ge3A_204 : i1 to i32
      %cond3A_206 = arith.constant 0 : i32
      %cond3A_207 = arith.cmpi ne, %convert_element_type3A_205, %cond3A_206 : i32
      scf.if %cond3A_207 {
        %sub3A = arith.constant 2 : i32
        %sub3A_213 = arith.subi %add3A_202, %sub3A : i32
        %dma_wait3A_214 = arith.constant 0 : i32
        %dma_wait3A_215 = tpu.memref_slice %arg6[%sub3A_213, %dma_wait3A_214] : memref<128x80xi32, #tpu.memory_space<vmem>> -> memref<1x80xi32, #tpu.memory_space<vmem>>
        %dma_wait3A_216 = tpu.memref_squeeze %dma_wait3A_215 : memref<1x80xi32, #tpu.memory_space<vmem>> -> memref<80xi32, #tpu.memory_space<vmem>>
        %dma_wait3A_217 = arith.constant 0 : i32
        %dma_wait3A_218 = tpu.memref_slice %arg12[%dma_wait3A_217] : memref<163840xf32, #tpu.memory_space<vmem_shared>> -> memref<163840xf32, #tpu.memory_space<vmem_shared>>
        tpu.wait_indirect_dma semaphore(%arg14 : memref<!tpu.dma_semaphore, #tpu.memory_space<semaphore_mem>>) src(%arg7 : memref<80xf32, #tpu.memory_space<vmem>>) dst(%dma_wait3A_218 : memref<163840xf32, #tpu.memory_space<vmem_shared>>)
      } else {
      }
      %dma_start3A_208 = arith.constant 0 : i32
      %dma_start3A_209 = tpu.memref_slice %arg6[%add3A_202, %dma_start3A_208] : memref<128x80xi32, #tpu.memory_space<vmem>> -> memref<1x80xi32, #tpu.memory_space<vmem>>
      %dma_start3A_210 = tpu.memref_squeeze %dma_start3A_209 : memref<1x80xi32, #tpu.memory_space<vmem>> -> memref<80xi32, #tpu.memory_space<vmem>>
      %dma_start3A_211 = arith.constant 0 : i32
      %dma_start3A_212 = tpu.memref_slice %arg12[%dma_start3A_211] : memref<163840xf32, #tpu.memory_space<vmem_shared>> -> memref<163840xf32, #tpu.memory_space<vmem_shared>>
      tpu.enqueue_indirect_dma source(%arg7 : memref<80xf32, #tpu.memory_space<vmem>>) target(%dma_start3A_212 : memref<163840xf32, #tpu.memory_space<vmem_shared>>) offsets(%dma_start3A_210 : memref<80xi32, #tpu.memory_space<vmem>>) semaphore(%arg14 : memref<!tpu.dma_semaphore, #tpu.memory_space<semaphore_mem>>) {add = true}
    }
    %scan3A_9 = arith.constant 64 : i32
    %dma_wait3A = arith.constant 126 : i32
    %dma_wait3A_10 = arith.constant 0 : i32
    %dma_wait3A_11 = tpu.memref_slice %arg6[%dma_wait3A, %dma_wait3A_10] : memref<128x80xi32, #tpu.memory_space<vmem>> -> memref<1x80xi32, #tpu.memory_space<vmem>>
    %dma_wait3A_12 = tpu.memref_squeeze %dma_wait3A_11 : memref<1x80xi32, #tpu.memory_space<vmem>> -> memref<80xi32, #tpu.memory_space<vmem>>
    %dma_wait3A_13 = arith.constant 0 : i32
    %dma_wait3A_14 = tpu.memref_slice %arg11[%dma_wait3A_13] : memref<163840xf32, #tpu.memory_space<vmem_shared>> -> memref<163840xf32, #tpu.memory_space<vmem_shared>>
    tpu.wait_indirect_dma semaphore(%arg13 : memref<!tpu.dma_semaphore, #tpu.memory_space<semaphore_mem>>) src(%arg7 : memref<80xf32, #tpu.memory_space<vmem>>) dst(%dma_wait3A_14 : memref<163840xf32, #tpu.memory_space<vmem_shared>>)
    %dma_wait3A_15 = arith.constant 127 : i32
    %dma_wait3A_16 = arith.constant 0 : i32
    %dma_wait3A_17 = tpu.memref_slice %arg6[%dma_wait3A_15, %dma_wait3A_16] : memref<128x80xi32, #tpu.memory_space<vmem>> -> memref<1x80xi32, #tpu.memory_space<vmem>>
    %dma_wait3A_18 = tpu.memref_squeeze %dma_wait3A_17 : memref<1x80xi32, #tpu.memory_space<vmem>> -> memref<80xi32, #tpu.memory_space<vmem>>
    %dma_wait3A_19 = arith.constant 0 : i32
    %dma_wait3A_20 = tpu.memref_slice %arg12[%dma_wait3A_19] : memref<163840xf32, #tpu.memory_space<vmem_shared>> -> memref<163840xf32, #tpu.memory_space<vmem_shared>>
    tpu.wait_indirect_dma semaphore(%arg14 : memref<!tpu.dma_semaphore, #tpu.memory_space<semaphore_mem>>) src(%arg7 : memref<80xf32, #tpu.memory_space<vmem>>) dst(%dma_wait3A_20 : memref<163840xf32, #tpu.memory_space<vmem_shared>>)
    %barrier3A = arith.constant 0 : index
    tpu.barrier barrier_id(%barrier3A)
    %mul3A_21 = arith.constant 640 : i32
    %mul3A_22 = arith.muli %arg1, %mul3A_21 : i32
    %add3A_23 = arith.constant 0 : i32
    %add3A_24 = arith.addi %add3A_23, %mul3A_22 : i32
    %run_scoped3A = arith.constant 0 : i32
    "tpu.region"() ({
      %run_scoped3A_188 = tpu.sem_alloc : memref<!tpu.dma_semaphore, #tpu.memory_space<semaphore_mem>>
      %dma_start3A = arith.constant 0 : i32
      %dma_start3A_189 = tpu.memref_slice %arg8[%run_scoped3A, %dma_start3A] : memref<16x640xf32, #tpu.memory_space<vmem>> -> memref<1x640xf32, #tpu.memory_space<vmem>>
      %dma_start3A_190 = tpu.memref_squeeze %dma_start3A_189 : memref<1x640xf32, #tpu.memory_space<vmem>> -> memref<640xf32, #tpu.memory_space<vmem>>
      %dma_start3A_191 = tpu.memref_slice %arg11[%add3A_24] : memref<163840xf32, #tpu.memory_space<vmem_shared>> -> memref<640xf32, #tpu.memory_space<vmem_shared>>
      %dma_start3A_192 = arith.constant 0 : i32
      %dma_start3A_193 = tpu.memref_slice %arg8[%run_scoped3A, %dma_start3A_192] : memref<16x640xf32, #tpu.memory_space<vmem>> -> memref<1x640xf32, #tpu.memory_space<vmem>>
      %dma_start3A_194 = tpu.memref_squeeze %dma_start3A_193 : memref<1x640xf32, #tpu.memory_space<vmem>> -> memref<640xf32, #tpu.memory_space<vmem>>
      %dma_start3A_195 = tpu.memref_slice %arg11[%add3A_24] : memref<163840xf32, #tpu.memory_space<vmem_shared>> -> memref<640xf32, #tpu.memory_space<vmem_shared>>
      tpu.enqueue_dma source(%dma_start3A_195 : memref<640xf32, #tpu.memory_space<vmem_shared>>) target(%dma_start3A_194 : memref<640xf32, #tpu.memory_space<vmem>>) target_semaphore(%run_scoped3A_188 : memref<!tpu.dma_semaphore, #tpu.memory_space<semaphore_mem>>)
      %dma_wait3A_196 = arith.constant 0 : i32
      %dma_wait3A_197 = tpu.memref_slice %arg8[%run_scoped3A, %dma_wait3A_196] : memref<16x640xf32, #tpu.memory_space<vmem>> -> memref<1x640xf32, #tpu.memory_space<vmem>>
      %dma_wait3A_198 = tpu.memref_squeeze %dma_wait3A_197 : memref<1x640xf32, #tpu.memory_space<vmem>> -> memref<640xf32, #tpu.memory_space<vmem>>
      %dma_wait3A_199 = tpu.memref_slice %arg11[%add3A_24] : memref<163840xf32, #tpu.memory_space<vmem_shared>> -> memref<640xf32, #tpu.memory_space<vmem_shared>>
      %dma_wait3A_200 = arith.constant 0 : i32
      %dma_wait3A_201 = tpu.memref_slice %arg8[%run_scoped3A, %dma_wait3A_200] : memref<16x640xf32, #tpu.memory_space<vmem>> -> memref<1x640xf32, #tpu.memory_space<vmem>>
      %dma_wait3A_202 = tpu.memref_squeeze %dma_wait3A_201 : memref<1x640xf32, #tpu.memory_space<vmem>> -> memref<640xf32, #tpu.memory_space<vmem>>
      %dma_wait3A_203 = tpu.memref_slice %arg11[%add3A_24] : memref<163840xf32, #tpu.memory_space<vmem_shared>> -> memref<640xf32, #tpu.memory_space<vmem_shared>>
      tpu.wait_dma2 semaphore(%run_scoped3A_188 : memref<!tpu.dma_semaphore, #tpu.memory_space<semaphore_mem>>) src(%dma_wait3A_203 : memref<640xf32, #tpu.memory_space<vmem_shared>>) dst(%dma_wait3A_202 : memref<640xf32, #tpu.memory_space<vmem>>)
      tpu.yield
    }) : () -> ()
    %mul3A_25 = arith.constant 640 : i32
    %mul3A_26 = arith.muli %arg1, %mul3A_25 : i32
    %add3A_27 = arith.constant 0 : i32
    %add3A_28 = arith.addi %add3A_27, %mul3A_26 : i32
    %run_scoped3A_29 = arith.constant 0 : i32
    "tpu.region"() ({
      %run_scoped3A_188 = tpu.sem_alloc : memref<!tpu.dma_semaphore, #tpu.memory_space<semaphore_mem>>
      %dma_start3A = arith.constant 0 : i32
      %dma_start3A_189 = tpu.memref_slice %arg9[%run_scoped3A_29, %dma_start3A] : memref<16x640xf32, #tpu.memory_space<vmem>> -> memref<1x640xf32, #tpu.memory_space<vmem>>
      %dma_start3A_190 = tpu.memref_squeeze %dma_start3A_189 : memref<1x640xf32, #tpu.memory_space<vmem>> -> memref<640xf32, #tpu.memory_space<vmem>>
      %dma_start3A_191 = tpu.memref_slice %arg12[%add3A_28] : memref<163840xf32, #tpu.memory_space<vmem_shared>> -> memref<640xf32, #tpu.memory_space<vmem_shared>>
      %dma_start3A_192 = arith.constant 0 : i32
      %dma_start3A_193 = tpu.memref_slice %arg9[%run_scoped3A_29, %dma_start3A_192] : memref<16x640xf32, #tpu.memory_space<vmem>> -> memref<1x640xf32, #tpu.memory_space<vmem>>
      %dma_start3A_194 = tpu.memref_squeeze %dma_start3A_193 : memref<1x640xf32, #tpu.memory_space<vmem>> -> memref<640xf32, #tpu.memory_space<vmem>>
      %dma_start3A_195 = tpu.memref_slice %arg12[%add3A_28] : memref<163840xf32, #tpu.memory_space<vmem_shared>> -> memref<640xf32, #tpu.memory_space<vmem_shared>>
      tpu.enqueue_dma source(%dma_start3A_195 : memref<640xf32, #tpu.memory_space<vmem_shared>>) target(%dma_start3A_194 : memref<640xf32, #tpu.memory_space<vmem>>) target_semaphore(%run_scoped3A_188 : memref<!tpu.dma_semaphore, #tpu.memory_space<semaphore_mem>>)
      %dma_wait3A_196 = arith.constant 0 : i32
      %dma_wait3A_197 = tpu.memref_slice %arg9[%run_scoped3A_29, %dma_wait3A_196] : memref<16x640xf32, #tpu.memory_space<vmem>> -> memref<1x640xf32, #tpu.memory_space<vmem>>
      %dma_wait3A_198 = tpu.memref_squeeze %dma_wait3A_197 : memref<1x640xf32, #tpu.memory_space<vmem>> -> memref<640xf32, #tpu.memory_space<vmem>>
      %dma_wait3A_199 = tpu.memref_slice %arg12[%add3A_28] : memref<163840xf32, #tpu.memory_space<vmem_shared>> -> memref<640xf32, #tpu.memory_space<vmem_shared>>
      %dma_wait3A_200 = arith.constant 0 : i32
      %dma_wait3A_201 = tpu.memref_slice %arg9[%run_scoped3A_29, %dma_wait3A_200] : memref<16x640xf32, #tpu.memory_space<vmem>> -> memref<1x640xf32, #tpu.memory_space<vmem>>
      %dma_wait3A_202 = tpu.memref_squeeze %dma_wait3A_201 : memref<1x640xf32, #tpu.memory_space<vmem>> -> memref<640xf32, #tpu.memory_space<vmem>>
      %dma_wait3A_203 = tpu.memref_slice %arg12[%add3A_28] : memref<163840xf32, #tpu.memory_space<vmem_shared>> -> memref<640xf32, #tpu.memory_space<vmem_shared>>
      tpu.wait_dma2 semaphore(%run_scoped3A_188 : memref<!tpu.dma_semaphore, #tpu.memory_space<semaphore_mem>>) src(%dma_wait3A_203 : memref<640xf32, #tpu.memory_space<vmem_shared>>) dst(%dma_wait3A_202 : memref<640xf32, #tpu.memory_space<vmem>>)
      tpu.yield
    }) : () -> ()
    %mul3A_30 = arith.constant 640 : i32
    %mul3A_31 = arith.muli %arg1, %mul3A_30 : i32
    %add3A_32 = arith.constant 10240 : i32
    %add3A_33 = arith.addi %add3A_32, %mul3A_31 : i32
    %run_scoped3A_34 = arith.constant 1 : i32
    "tpu.region"() ({
      %run_scoped3A_188 = tpu.sem_alloc : memref<!tpu.dma_semaphore, #tpu.memory_space<semaphore_mem>>
      %dma_start3A = arith.constant 0 : i32
      %dma_start3A_189 = tpu.memref_slice %arg8[%run_scoped3A_34, %dma_start3A] : memref<16x640xf32, #tpu.memory_space<vmem>> -> memref<1x640xf32, #tpu.memory_space<vmem>>
      %dma_start3A_190 = tpu.memref_squeeze %dma_start3A_189 : memref<1x640xf32, #tpu.memory_space<vmem>> -> memref<640xf32, #tpu.memory_space<vmem>>
      %dma_start3A_191 = tpu.memref_slice %arg11[%add3A_33] : memref<163840xf32, #tpu.memory_space<vmem_shared>> -> memref<640xf32, #tpu.memory_space<vmem_shared>>
      %dma_start3A_192 = arith.constant 0 : i32
      %dma_start3A_193 = tpu.memref_slice %arg8[%run_scoped3A_34, %dma_start3A_192] : memref<16x640xf32, #tpu.memory_space<vmem>> -> memref<1x640xf32, #tpu.memory_space<vmem>>
      %dma_start3A_194 = tpu.memref_squeeze %dma_start3A_193 : memref<1x640xf32, #tpu.memory_space<vmem>> -> memref<640xf32, #tpu.memory_space<vmem>>
      %dma_start3A_195 = tpu.memref_slice %arg11[%add3A_33] : memref<163840xf32, #tpu.memory_space<vmem_shared>> -> memref<640xf32, #tpu.memory_space<vmem_shared>>
      tpu.enqueue_dma source(%dma_start3A_195 : memref<640xf32, #tpu.memory_space<vmem_shared>>) target(%dma_start3A_194 : memref<640xf32, #tpu.memory_space<vmem>>) target_semaphore(%run_scoped3A_188 : memref<!tpu.dma_semaphore, #tpu.memory_space<semaphore_mem>>)
      %dma_wait3A_196 = arith.constant 0 : i32
      %dma_wait3A_197 = tpu.memref_slice %arg8[%run_scoped3A_34, %dma_wait3A_196] : memref<16x640xf32, #tpu.memory_space<vmem>> -> memref<1x640xf32, #tpu.memory_space<vmem>>
      %dma_wait3A_198 = tpu.memref_squeeze %dma_wait3A_197 : memref<1x640xf32, #tpu.memory_space<vmem>> -> memref<640xf32, #tpu.memory_space<vmem>>
      %dma_wait3A_199 = tpu.memref_slice %arg11[%add3A_33] : memref<163840xf32, #tpu.memory_space<vmem_shared>> -> memref<640xf32, #tpu.memory_space<vmem_shared>>
      %dma_wait3A_200 = arith.constant 0 : i32
      %dma_wait3A_201 = tpu.memref_slice %arg8[%run_scoped3A_34, %dma_wait3A_200] : memref<16x640xf32, #tpu.memory_space<vmem>> -> memref<1x640xf32, #tpu.memory_space<vmem>>
      %dma_wait3A_202 = tpu.memref_squeeze %dma_wait3A_201 : memref<1x640xf32, #tpu.memory_space<vmem>> -> memref<640xf32, #tpu.memory_space<vmem>>
      %dma_wait3A_203 = tpu.memref_slice %arg11[%add3A_33] : memref<163840xf32, #tpu.memory_space<vmem_shared>> -> memref<640xf32, #tpu.memory_space<vmem_shared>>
      tpu.wait_dma2 semaphore(%run_scoped3A_188 : memref<!tpu.dma_semaphore, #tpu.memory_space<semaphore_mem>>) src(%dma_wait3A_203 : memref<640xf32, #tpu.memory_space<vmem_shared>>) dst(%dma_wait3A_202 : memref<640xf32, #tpu.memory_space<vmem>>)
      tpu.yield
    }) : () -> ()
    %mul3A_35 = arith.constant 640 : i32
    %mul3A_36 = arith.muli %arg1, %mul3A_35 : i32
    %add3A_37 = arith.constant 10240 : i32
    %add3A_38 = arith.addi %add3A_37, %mul3A_36 : i32
    %run_scoped3A_39 = arith.constant 1 : i32
    "tpu.region"() ({
      %run_scoped3A_188 = tpu.sem_alloc : memref<!tpu.dma_semaphore, #tpu.memory_space<semaphore_mem>>
      %dma_start3A = arith.constant 0 : i32
      %dma_start3A_189 = tpu.memref_slice %arg9[%run_scoped3A_39, %dma_start3A] : memref<16x640xf32, #tpu.memory_space<vmem>> -> memref<1x640xf32, #tpu.memory_space<vmem>>
      %dma_start3A_190 = tpu.memref_squeeze %dma_start3A_189 : memref<1x640xf32, #tpu.memory_space<vmem>> -> memref<640xf32, #tpu.memory_space<vmem>>
      %dma_start3A_191 = tpu.memref_slice %arg12[%add3A_38] : memref<163840xf32, #tpu.memory_space<vmem_shared>> -> memref<640xf32, #tpu.memory_space<vmem_shared>>
      %dma_start3A_192 = arith.constant 0 : i32
      %dma_start3A_193 = tpu.memref_slice %arg9[%run_scoped3A_39, %dma_start3A_192] : memref<16x640xf32, #tpu.memory_space<vmem>> -> memref<1x640xf32, #tpu.memory_space<vmem>>
      %dma_start3A_194 = tpu.memref_squeeze %dma_start3A_193 : memref<1x640xf32, #tpu.memory_space<vmem>> -> memref<640xf32, #tpu.memory_space<vmem>>
      %dma_start3A_195 = tpu.memref_slice %arg12[%add3A_38] : memref<163840xf32, #tpu.memory_space<vmem_shared>> -> memref<640xf32, #tpu.memory_space<vmem_shared>>
      tpu.enqueue_dma source(%dma_start3A_195 : memref<640xf32, #tpu.memory_space<vmem_shared>>) target(%dma_start3A_194 : memref<640xf32, #tpu.memory_space<vmem>>) target_semaphore(%run_scoped3A_188 : memref<!tpu.dma_semaphore, #tpu.memory_space<semaphore_mem>>)
      %dma_wait3A_196 = arith.constant 0 : i32
      %dma_wait3A_197 = tpu.memref_slice %arg9[%run_scoped3A_39, %dma_wait3A_196] : memref<16x640xf32, #tpu.memory_space<vmem>> -> memref<1x640xf32, #tpu.memory_space<vmem>>
      %dma_wait3A_198 = tpu.memref_squeeze %dma_wait3A_197 : memref<1x640xf32, #tpu.memory_space<vmem>> -> memref<640xf32, #tpu.memory_space<vmem>>
      %dma_wait3A_199 = tpu.memref_slice %arg12[%add3A_38] : memref<163840xf32, #tpu.memory_space<vmem_shared>> -> memref<640xf32, #tpu.memory_space<vmem_shared>>
      %dma_wait3A_200 = arith.constant 0 : i32
      %dma_wait3A_201 = tpu.memref_slice %arg9[%run_scoped3A_39, %dma_wait3A_200] : memref<16x640xf32, #tpu.memory_space<vmem>> -> memref<1x640xf32, #tpu.memory_space<vmem>>
      %dma_wait3A_202 = tpu.memref_squeeze %dma_wait3A_201 : memref<1x640xf32, #tpu.memory_space<vmem>> -> memref<640xf32, #tpu.memory_space<vmem>>
      %dma_wait3A_203 = tpu.memref_slice %arg12[%add3A_38] : memref<163840xf32, #tpu.memory_space<vmem_shared>> -> memref<640xf32, #tpu.memory_space<vmem_shared>>
      tpu.wait_dma2 semaphore(%run_scoped3A_188 : memref<!tpu.dma_semaphore, #tpu.memory_space<semaphore_mem>>) src(%dma_wait3A_203 : memref<640xf32, #tpu.memory_space<vmem_shared>>) dst(%dma_wait3A_202 : memref<640xf32, #tpu.memory_space<vmem>>)
      tpu.yield
    }) : () -> ()
    %mul3A_40 = arith.constant 640 : i32
    %mul3A_41 = arith.muli %arg1, %mul3A_40 : i32
    %add3A_42 = arith.constant 20480 : i32
    %add3A_43 = arith.addi %add3A_42, %mul3A_41 : i32
    %run_scoped3A_44 = arith.constant 2 : i32
    "tpu.region"() ({
      %run_scoped3A_188 = tpu.sem_alloc : memref<!tpu.dma_semaphore, #tpu.memory_space<semaphore_mem>>
      %dma_start3A = arith.constant 0 : i32
      %dma_start3A_189 = tpu.memref_slice %arg8[%run_scoped3A_44, %dma_start3A] : memref<16x640xf32, #tpu.memory_space<vmem>> -> memref<1x640xf32, #tpu.memory_space<vmem>>
      %dma_start3A_190 = tpu.memref_squeeze %dma_start3A_189 : memref<1x640xf32, #tpu.memory_space<vmem>> -> memref<640xf32, #tpu.memory_space<vmem>>
      %dma_start3A_191 = tpu.memref_slice %arg11[%add3A_43] : memref<163840xf32, #tpu.memory_space<vmem_shared>> -> memref<640xf32, #tpu.memory_space<vmem_shared>>
      %dma_start3A_192 = arith.constant 0 : i32
      %dma_start3A_193 = tpu.memref_slice %arg8[%run_scoped3A_44, %dma_start3A_192] : memref<16x640xf32, #tpu.memory_space<vmem>> -> memref<1x640xf32, #tpu.memory_space<vmem>>
      %dma_start3A_194 = tpu.memref_squeeze %dma_start3A_193 : memref<1x640xf32, #tpu.memory_space<vmem>> -> memref<640xf32, #tpu.memory_space<vmem>>
      %dma_start3A_195 = tpu.memref_slice %arg11[%add3A_43] : memref<163840xf32, #tpu.memory_space<vmem_shared>> -> memref<640xf32, #tpu.memory_space<vmem_shared>>
      tpu.enqueue_dma source(%dma_start3A_195 : memref<640xf32, #tpu.memory_space<vmem_shared>>) target(%dma_start3A_194 : memref<640xf32, #tpu.memory_space<vmem>>) target_semaphore(%run_scoped3A_188 : memref<!tpu.dma_semaphore, #tpu.memory_space<semaphore_mem>>)
      %dma_wait3A_196 = arith.constant 0 : i32
      %dma_wait3A_197 = tpu.memref_slice %arg8[%run_scoped3A_44, %dma_wait3A_196] : memref<16x640xf32, #tpu.memory_space<vmem>> -> memref<1x640xf32, #tpu.memory_space<vmem>>
      %dma_wait3A_198 = tpu.memref_squeeze %dma_wait3A_197 : memref<1x640xf32, #tpu.memory_space<vmem>> -> memref<640xf32, #tpu.memory_space<vmem>>
      %dma_wait3A_199 = tpu.memref_slice %arg11[%add3A_43] : memref<163840xf32, #tpu.memory_space<vmem_shared>> -> memref<640xf32, #tpu.memory_space<vmem_shared>>
      %dma_wait3A_200 = arith.constant 0 : i32
      %dma_wait3A_201 = tpu.memref_slice %arg8[%run_scoped3A_44, %dma_wait3A_200] : memref<16x640xf32, #tpu.memory_space<vmem>> -> memref<1x640xf32, #tpu.memory_space<vmem>>
      %dma_wait3A_202 = tpu.memref_squeeze %dma_wait3A_201 : memref<1x640xf32, #tpu.memory_space<vmem>> -> memref<640xf32, #tpu.memory_space<vmem>>
      %dma_wait3A_203 = tpu.memref_slice %arg11[%add3A_43] : memref<163840xf32, #tpu.memory_space<vmem_shared>> -> memref<640xf32, #tpu.memory_space<vmem_shared>>
      tpu.wait_dma2 semaphore(%run_scoped3A_188 : memref<!tpu.dma_semaphore, #tpu.memory_space<semaphore_mem>>) src(%dma_wait3A_203 : memref<640xf32, #tpu.memory_space<vmem_shared>>) dst(%dma_wait3A_202 : memref<640xf32, #tpu.memory_space<vmem>>)
      tpu.yield
    }) : () -> ()
    %mul3A_45 = arith.constant 640 : i32
    %mul3A_46 = arith.muli %arg1, %mul3A_45 : i32
    %add3A_47 = arith.constant 20480 : i32
    %add3A_48 = arith.addi %add3A_47, %mul3A_46 : i32
    %run_scoped3A_49 = arith.constant 2 : i32
    "tpu.region"() ({
      %run_scoped3A_188 = tpu.sem_alloc : memref<!tpu.dma_semaphore, #tpu.memory_space<semaphore_mem>>
      %dma_start3A = arith.constant 0 : i32
      %dma_start3A_189 = tpu.memref_slice %arg9[%run_scoped3A_49, %dma_start3A] : memref<16x640xf32, #tpu.memory_space<vmem>> -> memref<1x640xf32, #tpu.memory_space<vmem>>
      %dma_start3A_190 = tpu.memref_squeeze %dma_start3A_189 : memref<1x640xf32, #tpu.memory_space<vmem>> -> memref<640xf32, #tpu.memory_space<vmem>>
      %dma_start3A_191 = tpu.memref_slice %arg12[%add3A_48] : memref<163840xf32, #tpu.memory_space<vmem_shared>> -> memref<640xf32, #tpu.memory_space<vmem_shared>>
      %dma_start3A_192 = arith.constant 0 : i32
      %dma_start3A_193 = tpu.memref_slice %arg9[%run_scoped3A_49, %dma_start3A_192] : memref<16x640xf32, #tpu.memory_space<vmem>> -> memref<1x640xf32, #tpu.memory_space<vmem>>
      %dma_start3A_194 = tpu.memref_squeeze %dma_start3A_193 : memref<1x640xf32, #tpu.memory_space<vmem>> -> memref<640xf32, #tpu.memory_space<vmem>>
      %dma_start3A_195 = tpu.memref_slice %arg12[%add3A_48] : memref<163840xf32, #tpu.memory_space<vmem_shared>> -> memref<640xf32, #tpu.memory_space<vmem_shared>>
      tpu.enqueue_dma source(%dma_start3A_195 : memref<640xf32, #tpu.memory_space<vmem_shared>>) target(%dma_start3A_194 : memref<640xf32, #tpu.memory_space<vmem>>) target_semaphore(%run_scoped3A_188 : memref<!tpu.dma_semaphore, #tpu.memory_space<semaphore_mem>>)
      %dma_wait3A_196 = arith.constant 0 : i32
      %dma_wait3A_197 = tpu.memref_slice %arg9[%run_scoped3A_49, %dma_wait3A_196] : memref<16x640xf32, #tpu.memory_space<vmem>> -> memref<1x640xf32, #tpu.memory_space<vmem>>
      %dma_wait3A_198 = tpu.memref_squeeze %dma_wait3A_197 : memref<1x640xf32, #tpu.memory_space<vmem>> -> memref<640xf32, #tpu.memory_space<vmem>>
      %dma_wait3A_199 = tpu.memref_slice %arg12[%add3A_48] : memref<163840xf32, #tpu.memory_space<vmem_shared>> -> memref<640xf32, #tpu.memory_space<vmem_shared>>
      %dma_wait3A_200 = arith.constant 0 : i32
      %dma_wait3A_201 = tpu.memref_slice %arg9[%run_scoped3A_49, %dma_wait3A_200] : memref<16x640xf32, #tpu.memory_space<vmem>> -> memref<1x640xf32, #tpu.memory_space<vmem>>
      %dma_wait3A_202 = tpu.memref_squeeze %dma_wait3A_201 : memref<1x640xf32, #tpu.memory_space<vmem>> -> memref<640xf32, #tpu.memory_space<vmem>>
      %dma_wait3A_203 = tpu.memref_slice %arg12[%add3A_48] : memref<163840xf32, #tpu.memory_space<vmem_shared>> -> memref<640xf32, #tpu.memory_space<vmem_shared>>
      tpu.wait_dma2 semaphore(%run_scoped3A_188 : memref<!tpu.dma_semaphore, #tpu.memory_space<semaphore_mem>>) src(%dma_wait3A_203 : memref<640xf32, #tpu.memory_space<vmem_shared>>) dst(%dma_wait3A_202 : memref<640xf32, #tpu.memory_space<vmem>>)
      tpu.yield
    }) : () -> ()
    %mul3A_50 = arith.constant 640 : i32
    %mul3A_51 = arith.muli %arg1, %mul3A_50 : i32
    %add3A_52 = arith.constant 30720 : i32
    %add3A_53 = arith.addi %add3A_52, %mul3A_51 : i32
    %run_scoped3A_54 = arith.constant 3 : i32
    "tpu.region"() ({
      %run_scoped3A_188 = tpu.sem_alloc : memref<!tpu.dma_semaphore, #tpu.memory_space<semaphore_mem>>
      %dma_start3A = arith.constant 0 : i32
      %dma_start3A_189 = tpu.memref_slice %arg8[%run_scoped3A_54, %dma_start3A] : memref<16x640xf32, #tpu.memory_space<vmem>> -> memref<1x640xf32, #tpu.memory_space<vmem>>
      %dma_start3A_190 = tpu.memref_squeeze %dma_start3A_189 : memref<1x640xf32, #tpu.memory_space<vmem>> -> memref<640xf32, #tpu.memory_space<vmem>>
      %dma_start3A_191 = tpu.memref_slice %arg11[%add3A_53] : memref<163840xf32, #tpu.memory_space<vmem_shared>> -> memref<640xf32, #tpu.memory_space<vmem_shared>>
      %dma_start3A_192 = arith.constant 0 : i32
      %dma_start3A_193 = tpu.memref_slice %arg8[%run_scoped3A_54, %dma_start3A_192] : memref<16x640xf32, #tpu.memory_space<vmem>> -> memref<1x640xf32, #tpu.memory_space<vmem>>
      %dma_start3A_194 = tpu.memref_squeeze %dma_start3A_193 : memref<1x640xf32, #tpu.memory_space<vmem>> -> memref<640xf32, #tpu.memory_space<vmem>>
      %dma_start3A_195 = tpu.memref_slice %arg11[%add3A_53] : memref<163840xf32, #tpu.memory_space<vmem_shared>> -> memref<640xf32, #tpu.memory_space<vmem_shared>>
      tpu.enqueue_dma source(%dma_start3A_195 : memref<640xf32, #tpu.memory_space<vmem_shared>>) target(%dma_start3A_194 : memref<640xf32, #tpu.memory_space<vmem>>) target_semaphore(%run_scoped3A_188 : memref<!tpu.dma_semaphore, #tpu.memory_space<semaphore_mem>>)
      %dma_wait3A_196 = arith.constant 0 : i32
      %dma_wait3A_197 = tpu.memref_slice %arg8[%run_scoped3A_54, %dma_wait3A_196] : memref<16x640xf32, #tpu.memory_space<vmem>> -> memref<1x640xf32, #tpu.memory_space<vmem>>
      %dma_wait3A_198 = tpu.memref_squeeze %dma_wait3A_197 : memref<1x640xf32, #tpu.memory_space<vmem>> -> memref<640xf32, #tpu.memory_space<vmem>>
      %dma_wait3A_199 = tpu.memref_slice %arg11[%add3A_53] : memref<163840xf32, #tpu.memory_space<vmem_shared>> -> memref<640xf32, #tpu.memory_space<vmem_shared>>
      %dma_wait3A_200 = arith.constant 0 : i32
      %dma_wait3A_201 = tpu.memref_slice %arg8[%run_scoped3A_54, %dma_wait3A_200] : memref<16x640xf32, #tpu.memory_space<vmem>> -> memref<1x640xf32, #tpu.memory_space<vmem>>
      %dma_wait3A_202 = tpu.memref_squeeze %dma_wait3A_201 : memref<1x640xf32, #tpu.memory_space<vmem>> -> memref<640xf32, #tpu.memory_space<vmem>>
      %dma_wait3A_203 = tpu.memref_slice %arg11[%add3A_53] : memref<163840xf32, #tpu.memory_space<vmem_shared>> -> memref<640xf32, #tpu.memory_space<vmem_shared>>
      tpu.wait_dma2 semaphore(%run_scoped3A_188 : memref<!tpu.dma_semaphore, #tpu.memory_space<semaphore_mem>>) src(%dma_wait3A_203 : memref<640xf32, #tpu.memory_space<vmem_shared>>) dst(%dma_wait3A_202 : memref<640xf32, #tpu.memory_space<vmem>>)
      tpu.yield
    }) : () -> ()
    %mul3A_55 = arith.constant 640 : i32
    %mul3A_56 = arith.muli %arg1, %mul3A_55 : i32
    %add3A_57 = arith.constant 30720 : i32
    %add3A_58 = arith.addi %add3A_57, %mul3A_56 : i32
    %run_scoped3A_59 = arith.constant 3 : i32
    "tpu.region"() ({
      %run_scoped3A_188 = tpu.sem_alloc : memref<!tpu.dma_semaphore, #tpu.memory_space<semaphore_mem>>
      %dma_start3A = arith.constant 0 : i32
      %dma_start3A_189 = tpu.memref_slice %arg9[%run_scoped3A_59, %dma_start3A] : memref<16x640xf32, #tpu.memory_space<vmem>> -> memref<1x640xf32, #tpu.memory_space<vmem>>
      %dma_start3A_190 = tpu.memref_squeeze %dma_start3A_189 : memref<1x640xf32, #tpu.memory_space<vmem>> -> memref<640xf32, #tpu.memory_space<vmem>>
      %dma_start3A_191 = tpu.memref_slice %arg12[%add3A_58] : memref<163840xf32, #tpu.memory_space<vmem_shared>> -> memref<640xf32, #tpu.memory_space<vmem_shared>>
      %dma_start3A_192 = arith.constant 0 : i32
      %dma_start3A_193 = tpu.memref_slice %arg9[%run_scoped3A_59, %dma_start3A_192] : memref<16x640xf32, #tpu.memory_space<vmem>> -> memref<1x640xf32, #tpu.memory_space<vmem>>
      %dma_start3A_194 = tpu.memref_squeeze %dma_start3A_193 : memref<1x640xf32, #tpu.memory_space<vmem>> -> memref<640xf32, #tpu.memory_space<vmem>>
      %dma_start3A_195 = tpu.memref_slice %arg12[%add3A_58] : memref<163840xf32, #tpu.memory_space<vmem_shared>> -> memref<640xf32, #tpu.memory_space<vmem_shared>>
      tpu.enqueue_dma source(%dma_start3A_195 : memref<640xf32, #tpu.memory_space<vmem_shared>>) target(%dma_start3A_194 : memref<640xf32, #tpu.memory_space<vmem>>) target_semaphore(%run_scoped3A_188 : memref<!tpu.dma_semaphore, #tpu.memory_space<semaphore_mem>>)
      %dma_wait3A_196 = arith.constant 0 : i32
      %dma_wait3A_197 = tpu.memref_slice %arg9[%run_scoped3A_59, %dma_wait3A_196] : memref<16x640xf32, #tpu.memory_space<vmem>> -> memref<1x640xf32, #tpu.memory_space<vmem>>
      %dma_wait3A_198 = tpu.memref_squeeze %dma_wait3A_197 : memref<1x640xf32, #tpu.memory_space<vmem>> -> memref<640xf32, #tpu.memory_space<vmem>>
      %dma_wait3A_199 = tpu.memref_slice %arg12[%add3A_58] : memref<163840xf32, #tpu.memory_space<vmem_shared>> -> memref<640xf32, #tpu.memory_space<vmem_shared>>
      %dma_wait3A_200 = arith.constant 0 : i32
      %dma_wait3A_201 = tpu.memref_slice %arg9[%run_scoped3A_59, %dma_wait3A_200] : memref<16x640xf32, #tpu.memory_space<vmem>> -> memref<1x640xf32, #tpu.memory_space<vmem>>
      %dma_wait3A_202 = tpu.memref_squeeze %dma_wait3A_201 : memref<1x640xf32, #tpu.memory_space<vmem>> -> memref<640xf32, #tpu.memory_space<vmem>>
      %dma_wait3A_203 = tpu.memref_slice %arg12[%add3A_58] : memref<163840xf32, #tpu.memory_space<vmem_shared>> -> memref<640xf32, #tpu.memory_space<vmem_shared>>
      tpu.wait_dma2 semaphore(%run_scoped3A_188 : memref<!tpu.dma_semaphore, #tpu.memory_space<semaphore_mem>>) src(%dma_wait3A_203 : memref<640xf32, #tpu.memory_space<vmem_shared>>) dst(%dma_wait3A_202 : memref<640xf32, #tpu.memory_space<vmem>>)
      tpu.yield
    }) : () -> ()
    %mul3A_60 = arith.constant 640 : i32
    %mul3A_61 = arith.muli %arg1, %mul3A_60 : i32
    %add3A_62 = arith.constant 40960 : i32
    %add3A_63 = arith.addi %add3A_62, %mul3A_61 : i32
    %run_scoped3A_64 = arith.constant 4 : i32
    "tpu.region"() ({
      %run_scoped3A_188 = tpu.sem_alloc : memref<!tpu.dma_semaphore, #tpu.memory_space<semaphore_mem>>
      %dma_start3A = arith.constant 0 : i32
      %dma_start3A_189 = tpu.memref_slice %arg8[%run_scoped3A_64, %dma_start3A] : memref<16x640xf32, #tpu.memory_space<vmem>> -> memref<1x640xf32, #tpu.memory_space<vmem>>
      %dma_start3A_190 = tpu.memref_squeeze %dma_start3A_189 : memref<1x640xf32, #tpu.memory_space<vmem>> -> memref<640xf32, #tpu.memory_space<vmem>>
      %dma_start3A_191 = tpu.memref_slice %arg11[%add3A_63] : memref<163840xf32, #tpu.memory_space<vmem_shared>> -> memref<640xf32, #tpu.memory_space<vmem_shared>>
      %dma_start3A_192 = arith.constant 0 : i32
      %dma_start3A_193 = tpu.memref_slice %arg8[%run_scoped3A_64, %dma_start3A_192] : memref<16x640xf32, #tpu.memory_space<vmem>> -> memref<1x640xf32, #tpu.memory_space<vmem>>
      %dma_start3A_194 = tpu.memref_squeeze %dma_start3A_193 : memref<1x640xf32, #tpu.memory_space<vmem>> -> memref<640xf32, #tpu.memory_space<vmem>>
      %dma_start3A_195 = tpu.memref_slice %arg11[%add3A_63] : memref<163840xf32, #tpu.memory_space<vmem_shared>> -> memref<640xf32, #tpu.memory_space<vmem_shared>>
      tpu.enqueue_dma source(%dma_start3A_195 : memref<640xf32, #tpu.memory_space<vmem_shared>>) target(%dma_start3A_194 : memref<640xf32, #tpu.memory_space<vmem>>) target_semaphore(%run_scoped3A_188 : memref<!tpu.dma_semaphore, #tpu.memory_space<semaphore_mem>>)
      %dma_wait3A_196 = arith.constant 0 : i32
      %dma_wait3A_197 = tpu.memref_slice %arg8[%run_scoped3A_64, %dma_wait3A_196] : memref<16x640xf32, #tpu.memory_space<vmem>> -> memref<1x640xf32, #tpu.memory_space<vmem>>
      %dma_wait3A_198 = tpu.memref_squeeze %dma_wait3A_197 : memref<1x640xf32, #tpu.memory_space<vmem>> -> memref<640xf32, #tpu.memory_space<vmem>>
      %dma_wait3A_199 = tpu.memref_slice %arg11[%add3A_63] : memref<163840xf32, #tpu.memory_space<vmem_shared>> -> memref<640xf32, #tpu.memory_space<vmem_shared>>
      %dma_wait3A_200 = arith.constant 0 : i32
      %dma_wait3A_201 = tpu.memref_slice %arg8[%run_scoped3A_64, %dma_wait3A_200] : memref<16x640xf32, #tpu.memory_space<vmem>> -> memref<1x640xf32, #tpu.memory_space<vmem>>
      %dma_wait3A_202 = tpu.memref_squeeze %dma_wait3A_201 : memref<1x640xf32, #tpu.memory_space<vmem>> -> memref<640xf32, #tpu.memory_space<vmem>>
      %dma_wait3A_203 = tpu.memref_slice %arg11[%add3A_63] : memref<163840xf32, #tpu.memory_space<vmem_shared>> -> memref<640xf32, #tpu.memory_space<vmem_shared>>
      tpu.wait_dma2 semaphore(%run_scoped3A_188 : memref<!tpu.dma_semaphore, #tpu.memory_space<semaphore_mem>>) src(%dma_wait3A_203 : memref<640xf32, #tpu.memory_space<vmem_shared>>) dst(%dma_wait3A_202 : memref<640xf32, #tpu.memory_space<vmem>>)
      tpu.yield
    }) : () -> ()
    %mul3A_65 = arith.constant 640 : i32
    %mul3A_66 = arith.muli %arg1, %mul3A_65 : i32
    %add3A_67 = arith.constant 40960 : i32
    %add3A_68 = arith.addi %add3A_67, %mul3A_66 : i32
    %run_scoped3A_69 = arith.constant 4 : i32
    "tpu.region"() ({
      %run_scoped3A_188 = tpu.sem_alloc : memref<!tpu.dma_semaphore, #tpu.memory_space<semaphore_mem>>
      %dma_start3A = arith.constant 0 : i32
      %dma_start3A_189 = tpu.memref_slice %arg9[%run_scoped3A_69, %dma_start3A] : memref<16x640xf32, #tpu.memory_space<vmem>> -> memref<1x640xf32, #tpu.memory_space<vmem>>
      %dma_start3A_190 = tpu.memref_squeeze %dma_start3A_189 : memref<1x640xf32, #tpu.memory_space<vmem>> -> memref<640xf32, #tpu.memory_space<vmem>>
      %dma_start3A_191 = tpu.memref_slice %arg12[%add3A_68] : memref<163840xf32, #tpu.memory_space<vmem_shared>> -> memref<640xf32, #tpu.memory_space<vmem_shared>>
      %dma_start3A_192 = arith.constant 0 : i32
      %dma_start3A_193 = tpu.memref_slice %arg9[%run_scoped3A_69, %dma_start3A_192] : memref<16x640xf32, #tpu.memory_space<vmem>> -> memref<1x640xf32, #tpu.memory_space<vmem>>
      %dma_start3A_194 = tpu.memref_squeeze %dma_start3A_193 : memref<1x640xf32, #tpu.memory_space<vmem>> -> memref<640xf32, #tpu.memory_space<vmem>>
      %dma_start3A_195 = tpu.memref_slice %arg12[%add3A_68] : memref<163840xf32, #tpu.memory_space<vmem_shared>> -> memref<640xf32, #tpu.memory_space<vmem_shared>>
      tpu.enqueue_dma source(%dma_start3A_195 : memref<640xf32, #tpu.memory_space<vmem_shared>>) target(%dma_start3A_194 : memref<640xf32, #tpu.memory_space<vmem>>) target_semaphore(%run_scoped3A_188 : memref<!tpu.dma_semaphore, #tpu.memory_space<semaphore_mem>>)
      %dma_wait3A_196 = arith.constant 0 : i32
      %dma_wait3A_197 = tpu.memref_slice %arg9[%run_scoped3A_69, %dma_wait3A_196] : memref<16x640xf32, #tpu.memory_space<vmem>> -> memref<1x640xf32, #tpu.memory_space<vmem>>
      %dma_wait3A_198 = tpu.memref_squeeze %dma_wait3A_197 : memref<1x640xf32, #tpu.memory_space<vmem>> -> memref<640xf32, #tpu.memory_space<vmem>>
      %dma_wait3A_199 = tpu.memref_slice %arg12[%add3A_68] : memref<163840xf32, #tpu.memory_space<vmem_shared>> -> memref<640xf32, #tpu.memory_space<vmem_shared>>
      %dma_wait3A_200 = arith.constant 0 : i32
      %dma_wait3A_201 = tpu.memref_slice %arg9[%run_scoped3A_69, %dma_wait3A_200] : memref<16x640xf32, #tpu.memory_space<vmem>> -> memref<1x640xf32, #tpu.memory_space<vmem>>
      %dma_wait3A_202 = tpu.memref_squeeze %dma_wait3A_201 : memref<1x640xf32, #tpu.memory_space<vmem>> -> memref<640xf32, #tpu.memory_space<vmem>>
      %dma_wait3A_203 = tpu.memref_slice %arg12[%add3A_68] : memref<163840xf32, #tpu.memory_space<vmem_shared>> -> memref<640xf32, #tpu.memory_space<vmem_shared>>
      tpu.wait_dma2 semaphore(%run_scoped3A_188 : memref<!tpu.dma_semaphore, #tpu.memory_space<semaphore_mem>>) src(%dma_wait3A_203 : memref<640xf32, #tpu.memory_space<vmem_shared>>) dst(%dma_wait3A_202 : memref<640xf32, #tpu.memory_space<vmem>>)
      tpu.yield
    }) : () -> ()
    %mul3A_70 = arith.constant 640 : i32
    %mul3A_71 = arith.muli %arg1, %mul3A_70 : i32
    %add3A_72 = arith.constant 51200 : i32
    %add3A_73 = arith.addi %add3A_72, %mul3A_71 : i32
    %run_scoped3A_74 = arith.constant 5 : i32
    "tpu.region"() ({
      %run_scoped3A_188 = tpu.sem_alloc : memref<!tpu.dma_semaphore, #tpu.memory_space<semaphore_mem>>
      %dma_start3A = arith.constant 0 : i32
      %dma_start3A_189 = tpu.memref_slice %arg8[%run_scoped3A_74, %dma_start3A] : memref<16x640xf32, #tpu.memory_space<vmem>> -> memref<1x640xf32, #tpu.memory_space<vmem>>
      %dma_start3A_190 = tpu.memref_squeeze %dma_start3A_189 : memref<1x640xf32, #tpu.memory_space<vmem>> -> memref<640xf32, #tpu.memory_space<vmem>>
      %dma_start3A_191 = tpu.memref_slice %arg11[%add3A_73] : memref<163840xf32, #tpu.memory_space<vmem_shared>> -> memref<640xf32, #tpu.memory_space<vmem_shared>>
      %dma_start3A_192 = arith.constant 0 : i32
      %dma_start3A_193 = tpu.memref_slice %arg8[%run_scoped3A_74, %dma_start3A_192] : memref<16x640xf32, #tpu.memory_space<vmem>> -> memref<1x640xf32, #tpu.memory_space<vmem>>
      %dma_start3A_194 = tpu.memref_squeeze %dma_start3A_193 : memref<1x640xf32, #tpu.memory_space<vmem>> -> memref<640xf32, #tpu.memory_space<vmem>>
      %dma_start3A_195 = tpu.memref_slice %arg11[%add3A_73] : memref<163840xf32, #tpu.memory_space<vmem_shared>> -> memref<640xf32, #tpu.memory_space<vmem_shared>>
      tpu.enqueue_dma source(%dma_start3A_195 : memref<640xf32, #tpu.memory_space<vmem_shared>>) target(%dma_start3A_194 : memref<640xf32, #tpu.memory_space<vmem>>) target_semaphore(%run_scoped3A_188 : memref<!tpu.dma_semaphore, #tpu.memory_space<semaphore_mem>>)
      %dma_wait3A_196 = arith.constant 0 : i32
      %dma_wait3A_197 = tpu.memref_slice %arg8[%run_scoped3A_74, %dma_wait3A_196] : memref<16x640xf32, #tpu.memory_space<vmem>> -> memref<1x640xf32, #tpu.memory_space<vmem>>
      %dma_wait3A_198 = tpu.memref_squeeze %dma_wait3A_197 : memref<1x640xf32, #tpu.memory_space<vmem>> -> memref<640xf32, #tpu.memory_space<vmem>>
      %dma_wait3A_199 = tpu.memref_slice %arg11[%add3A_73] : memref<163840xf32, #tpu.memory_space<vmem_shared>> -> memref<640xf32, #tpu.memory_space<vmem_shared>>
      %dma_wait3A_200 = arith.constant 0 : i32
      %dma_wait3A_201 = tpu.memref_slice %arg8[%run_scoped3A_74, %dma_wait3A_200] : memref<16x640xf32, #tpu.memory_space<vmem>> -> memref<1x640xf32, #tpu.memory_space<vmem>>
      %dma_wait3A_202 = tpu.memref_squeeze %dma_wait3A_201 : memref<1x640xf32, #tpu.memory_space<vmem>> -> memref<640xf32, #tpu.memory_space<vmem>>
      %dma_wait3A_203 = tpu.memref_slice %arg11[%add3A_73] : memref<163840xf32, #tpu.memory_space<vmem_shared>> -> memref<640xf32, #tpu.memory_space<vmem_shared>>
      tpu.wait_dma2 semaphore(%run_scoped3A_188 : memref<!tpu.dma_semaphore, #tpu.memory_space<semaphore_mem>>) src(%dma_wait3A_203 : memref<640xf32, #tpu.memory_space<vmem_shared>>) dst(%dma_wait3A_202 : memref<640xf32, #tpu.memory_space<vmem>>)
      tpu.yield
    }) : () -> ()
    %mul3A_75 = arith.constant 640 : i32
    %mul3A_76 = arith.muli %arg1, %mul3A_75 : i32
    %add3A_77 = arith.constant 51200 : i32
    %add3A_78 = arith.addi %add3A_77, %mul3A_76 : i32
    %run_scoped3A_79 = arith.constant 5 : i32
    "tpu.region"() ({
      %run_scoped3A_188 = tpu.sem_alloc : memref<!tpu.dma_semaphore, #tpu.memory_space<semaphore_mem>>
      %dma_start3A = arith.constant 0 : i32
      %dma_start3A_189 = tpu.memref_slice %arg9[%run_scoped3A_79, %dma_start3A] : memref<16x640xf32, #tpu.memory_space<vmem>> -> memref<1x640xf32, #tpu.memory_space<vmem>>
      %dma_start3A_190 = tpu.memref_squeeze %dma_start3A_189 : memref<1x640xf32, #tpu.memory_space<vmem>> -> memref<640xf32, #tpu.memory_space<vmem>>
      %dma_start3A_191 = tpu.memref_slice %arg12[%add3A_78] : memref<163840xf32, #tpu.memory_space<vmem_shared>> -> memref<640xf32, #tpu.memory_space<vmem_shared>>
      %dma_start3A_192 = arith.constant 0 : i32
      %dma_start3A_193 = tpu.memref_slice %arg9[%run_scoped3A_79, %dma_start3A_192] : memref<16x640xf32, #tpu.memory_space<vmem>> -> memref<1x640xf32, #tpu.memory_space<vmem>>
      %dma_start3A_194 = tpu.memref_squeeze %dma_start3A_193 : memref<1x640xf32, #tpu.memory_space<vmem>> -> memref<640xf32, #tpu.memory_space<vmem>>
      %dma_start3A_195 = tpu.memref_slice %arg12[%add3A_78] : memref<163840xf32, #tpu.memory_space<vmem_shared>> -> memref<640xf32, #tpu.memory_space<vmem_shared>>
      tpu.enqueue_dma source(%dma_start3A_195 : memref<640xf32, #tpu.memory_space<vmem_shared>>) target(%dma_start3A_194 : memref<640xf32, #tpu.memory_space<vmem>>) target_semaphore(%run_scoped3A_188 : memref<!tpu.dma_semaphore, #tpu.memory_space<semaphore_mem>>)
      %dma_wait3A_196 = arith.constant 0 : i32
      %dma_wait3A_197 = tpu.memref_slice %arg9[%run_scoped3A_79, %dma_wait3A_196] : memref<16x640xf32, #tpu.memory_space<vmem>> -> memref<1x640xf32, #tpu.memory_space<vmem>>
      %dma_wait3A_198 = tpu.memref_squeeze %dma_wait3A_197 : memref<1x640xf32, #tpu.memory_space<vmem>> -> memref<640xf32, #tpu.memory_space<vmem>>
      %dma_wait3A_199 = tpu.memref_slice %arg12[%add3A_78] : memref<163840xf32, #tpu.memory_space<vmem_shared>> -> memref<640xf32, #tpu.memory_space<vmem_shared>>
      %dma_wait3A_200 = arith.constant 0 : i32
      %dma_wait3A_201 = tpu.memref_slice %arg9[%run_scoped3A_79, %dma_wait3A_200] : memref<16x640xf32, #tpu.memory_space<vmem>> -> memref<1x640xf32, #tpu.memory_space<vmem>>
      %dma_wait3A_202 = tpu.memref_squeeze %dma_wait3A_201 : memref<1x640xf32, #tpu.memory_space<vmem>> -> memref<640xf32, #tpu.memory_space<vmem>>
      %dma_wait3A_203 = tpu.memref_slice %arg12[%add3A_78] : memref<163840xf32, #tpu.memory_space<vmem_shared>> -> memref<640xf32, #tpu.memory_space<vmem_shared>>
      tpu.wait_dma2 semaphore(%run_scoped3A_188 : memref<!tpu.dma_semaphore, #tpu.memory_space<semaphore_mem>>) src(%dma_wait3A_203 : memref<640xf32, #tpu.memory_space<vmem_shared>>) dst(%dma_wait3A_202 : memref<640xf32, #tpu.memory_space<vmem>>)
      tpu.yield
    }) : () -> ()
    %mul3A_80 = arith.constant 640 : i32
    %mul3A_81 = arith.muli %arg1, %mul3A_80 : i32
    %add3A_82 = arith.constant 61440 : i32
    %add3A_83 = arith.addi %add3A_82, %mul3A_81 : i32
    %run_scoped3A_84 = arith.constant 6 : i32
    "tpu.region"() ({
      %run_scoped3A_188 = tpu.sem_alloc : memref<!tpu.dma_semaphore, #tpu.memory_space<semaphore_mem>>
      %dma_start3A = arith.constant 0 : i32
      %dma_start3A_189 = tpu.memref_slice %arg8[%run_scoped3A_84, %dma_start3A] : memref<16x640xf32, #tpu.memory_space<vmem>> -> memref<1x640xf32, #tpu.memory_space<vmem>>
      %dma_start3A_190 = tpu.memref_squeeze %dma_start3A_189 : memref<1x640xf32, #tpu.memory_space<vmem>> -> memref<640xf32, #tpu.memory_space<vmem>>
      %dma_start3A_191 = tpu.memref_slice %arg11[%add3A_83] : memref<163840xf32, #tpu.memory_space<vmem_shared>> -> memref<640xf32, #tpu.memory_space<vmem_shared>>
      %dma_start3A_192 = arith.constant 0 : i32
      %dma_start3A_193 = tpu.memref_slice %arg8[%run_scoped3A_84, %dma_start3A_192] : memref<16x640xf32, #tpu.memory_space<vmem>> -> memref<1x640xf32, #tpu.memory_space<vmem>>
      %dma_start3A_194 = tpu.memref_squeeze %dma_start3A_193 : memref<1x640xf32, #tpu.memory_space<vmem>> -> memref<640xf32, #tpu.memory_space<vmem>>
      %dma_start3A_195 = tpu.memref_slice %arg11[%add3A_83] : memref<163840xf32, #tpu.memory_space<vmem_shared>> -> memref<640xf32, #tpu.memory_space<vmem_shared>>
      tpu.enqueue_dma source(%dma_start3A_195 : memref<640xf32, #tpu.memory_space<vmem_shared>>) target(%dma_start3A_194 : memref<640xf32, #tpu.memory_space<vmem>>) target_semaphore(%run_scoped3A_188 : memref<!tpu.dma_semaphore, #tpu.memory_space<semaphore_mem>>)
      %dma_wait3A_196 = arith.constant 0 : i32
      %dma_wait3A_197 = tpu.memref_slice %arg8[%run_scoped3A_84, %dma_wait3A_196] : memref<16x640xf32, #tpu.memory_space<vmem>> -> memref<1x640xf32, #tpu.memory_space<vmem>>
      %dma_wait3A_198 = tpu.memref_squeeze %dma_wait3A_197 : memref<1x640xf32, #tpu.memory_space<vmem>> -> memref<640xf32, #tpu.memory_space<vmem>>
      %dma_wait3A_199 = tpu.memref_slice %arg11[%add3A_83] : memref<163840xf32, #tpu.memory_space<vmem_shared>> -> memref<640xf32, #tpu.memory_space<vmem_shared>>
      %dma_wait3A_200 = arith.constant 0 : i32
      %dma_wait3A_201 = tpu.memref_slice %arg8[%run_scoped3A_84, %dma_wait3A_200] : memref<16x640xf32, #tpu.memory_space<vmem>> -> memref<1x640xf32, #tpu.memory_space<vmem>>
      %dma_wait3A_202 = tpu.memref_squeeze %dma_wait3A_201 : memref<1x640xf32, #tpu.memory_space<vmem>> -> memref<640xf32, #tpu.memory_space<vmem>>
      %dma_wait3A_203 = tpu.memref_slice %arg11[%add3A_83] : memref<163840xf32, #tpu.memory_space<vmem_shared>> -> memref<640xf32, #tpu.memory_space<vmem_shared>>
      tpu.wait_dma2 semaphore(%run_scoped3A_188 : memref<!tpu.dma_semaphore, #tpu.memory_space<semaphore_mem>>) src(%dma_wait3A_203 : memref<640xf32, #tpu.memory_space<vmem_shared>>) dst(%dma_wait3A_202 : memref<640xf32, #tpu.memory_space<vmem>>)
      tpu.yield
    }) : () -> ()
    %mul3A_85 = arith.constant 640 : i32
    %mul3A_86 = arith.muli %arg1, %mul3A_85 : i32
    %add3A_87 = arith.constant 61440 : i32
    %add3A_88 = arith.addi %add3A_87, %mul3A_86 : i32
    %run_scoped3A_89 = arith.constant 6 : i32
    "tpu.region"() ({
      %run_scoped3A_188 = tpu.sem_alloc : memref<!tpu.dma_semaphore, #tpu.memory_space<semaphore_mem>>
      %dma_start3A = arith.constant 0 : i32
      %dma_start3A_189 = tpu.memref_slice %arg9[%run_scoped3A_89, %dma_start3A] : memref<16x640xf32, #tpu.memory_space<vmem>> -> memref<1x640xf32, #tpu.memory_space<vmem>>
      %dma_start3A_190 = tpu.memref_squeeze %dma_start3A_189 : memref<1x640xf32, #tpu.memory_space<vmem>> -> memref<640xf32, #tpu.memory_space<vmem>>
      %dma_start3A_191 = tpu.memref_slice %arg12[%add3A_88] : memref<163840xf32, #tpu.memory_space<vmem_shared>> -> memref<640xf32, #tpu.memory_space<vmem_shared>>
      %dma_start3A_192 = arith.constant 0 : i32
      %dma_start3A_193 = tpu.memref_slice %arg9[%run_scoped3A_89, %dma_start3A_192] : memref<16x640xf32, #tpu.memory_space<vmem>> -> memref<1x640xf32, #tpu.memory_space<vmem>>
      %dma_start3A_194 = tpu.memref_squeeze %dma_start3A_193 : memref<1x640xf32, #tpu.memory_space<vmem>> -> memref<640xf32, #tpu.memory_space<vmem>>
      %dma_start3A_195 = tpu.memref_slice %arg12[%add3A_88] : memref<163840xf32, #tpu.memory_space<vmem_shared>> -> memref<640xf32, #tpu.memory_space<vmem_shared>>
      tpu.enqueue_dma source(%dma_start3A_195 : memref<640xf32, #tpu.memory_space<vmem_shared>>) target(%dma_start3A_194 : memref<640xf32, #tpu.memory_space<vmem>>) target_semaphore(%run_scoped3A_188 : memref<!tpu.dma_semaphore, #tpu.memory_space<semaphore_mem>>)
      %dma_wait3A_196 = arith.constant 0 : i32
      %dma_wait3A_197 = tpu.memref_slice %arg9[%run_scoped3A_89, %dma_wait3A_196] : memref<16x640xf32, #tpu.memory_space<vmem>> -> memref<1x640xf32, #tpu.memory_space<vmem>>
      %dma_wait3A_198 = tpu.memref_squeeze %dma_wait3A_197 : memref<1x640xf32, #tpu.memory_space<vmem>> -> memref<640xf32, #tpu.memory_space<vmem>>
      %dma_wait3A_199 = tpu.memref_slice %arg12[%add3A_88] : memref<163840xf32, #tpu.memory_space<vmem_shared>> -> memref<640xf32, #tpu.memory_space<vmem_shared>>
      %dma_wait3A_200 = arith.constant 0 : i32
      %dma_wait3A_201 = tpu.memref_slice %arg9[%run_scoped3A_89, %dma_wait3A_200] : memref<16x640xf32, #tpu.memory_space<vmem>> -> memref<1x640xf32, #tpu.memory_space<vmem>>
      %dma_wait3A_202 = tpu.memref_squeeze %dma_wait3A_201 : memref<1x640xf32, #tpu.memory_space<vmem>> -> memref<640xf32, #tpu.memory_space<vmem>>
      %dma_wait3A_203 = tpu.memref_slice %arg12[%add3A_88] : memref<163840xf32, #tpu.memory_space<vmem_shared>> -> memref<640xf32, #tpu.memory_space<vmem_shared>>
      tpu.wait_dma2 semaphore(%run_scoped3A_188 : memref<!tpu.dma_semaphore, #tpu.memory_space<semaphore_mem>>) src(%dma_wait3A_203 : memref<640xf32, #tpu.memory_space<vmem_shared>>) dst(%dma_wait3A_202 : memref<640xf32, #tpu.memory_space<vmem>>)
      tpu.yield
    }) : () -> ()
    %mul3A_90 = arith.constant 640 : i32
    %mul3A_91 = arith.muli %arg1, %mul3A_90 : i32
    %add3A_92 = arith.constant 71680 : i32
    %add3A_93 = arith.addi %add3A_92, %mul3A_91 : i32
    %run_scoped3A_94 = arith.constant 7 : i32
    "tpu.region"() ({
      %run_scoped3A_188 = tpu.sem_alloc : memref<!tpu.dma_semaphore, #tpu.memory_space<semaphore_mem>>
      %dma_start3A = arith.constant 0 : i32
      %dma_start3A_189 = tpu.memref_slice %arg8[%run_scoped3A_94, %dma_start3A] : memref<16x640xf32, #tpu.memory_space<vmem>> -> memref<1x640xf32, #tpu.memory_space<vmem>>
      %dma_start3A_190 = tpu.memref_squeeze %dma_start3A_189 : memref<1x640xf32, #tpu.memory_space<vmem>> -> memref<640xf32, #tpu.memory_space<vmem>>
      %dma_start3A_191 = tpu.memref_slice %arg11[%add3A_93] : memref<163840xf32, #tpu.memory_space<vmem_shared>> -> memref<640xf32, #tpu.memory_space<vmem_shared>>
      %dma_start3A_192 = arith.constant 0 : i32
      %dma_start3A_193 = tpu.memref_slice %arg8[%run_scoped3A_94, %dma_start3A_192] : memref<16x640xf32, #tpu.memory_space<vmem>> -> memref<1x640xf32, #tpu.memory_space<vmem>>
      %dma_start3A_194 = tpu.memref_squeeze %dma_start3A_193 : memref<1x640xf32, #tpu.memory_space<vmem>> -> memref<640xf32, #tpu.memory_space<vmem>>
      %dma_start3A_195 = tpu.memref_slice %arg11[%add3A_93] : memref<163840xf32, #tpu.memory_space<vmem_shared>> -> memref<640xf32, #tpu.memory_space<vmem_shared>>
      tpu.enqueue_dma source(%dma_start3A_195 : memref<640xf32, #tpu.memory_space<vmem_shared>>) target(%dma_start3A_194 : memref<640xf32, #tpu.memory_space<vmem>>) target_semaphore(%run_scoped3A_188 : memref<!tpu.dma_semaphore, #tpu.memory_space<semaphore_mem>>)
      %dma_wait3A_196 = arith.constant 0 : i32
      %dma_wait3A_197 = tpu.memref_slice %arg8[%run_scoped3A_94, %dma_wait3A_196] : memref<16x640xf32, #tpu.memory_space<vmem>> -> memref<1x640xf32, #tpu.memory_space<vmem>>
      %dma_wait3A_198 = tpu.memref_squeeze %dma_wait3A_197 : memref<1x640xf32, #tpu.memory_space<vmem>> -> memref<640xf32, #tpu.memory_space<vmem>>
      %dma_wait3A_199 = tpu.memref_slice %arg11[%add3A_93] : memref<163840xf32, #tpu.memory_space<vmem_shared>> -> memref<640xf32, #tpu.memory_space<vmem_shared>>
      %dma_wait3A_200 = arith.constant 0 : i32
      %dma_wait3A_201 = tpu.memref_slice %arg8[%run_scoped3A_94, %dma_wait3A_200] : memref<16x640xf32, #tpu.memory_space<vmem>> -> memref<1x640xf32, #tpu.memory_space<vmem>>
      %dma_wait3A_202 = tpu.memref_squeeze %dma_wait3A_201 : memref<1x640xf32, #tpu.memory_space<vmem>> -> memref<640xf32, #tpu.memory_space<vmem>>
      %dma_wait3A_203 = tpu.memref_slice %arg11[%add3A_93] : memref<163840xf32, #tpu.memory_space<vmem_shared>> -> memref<640xf32, #tpu.memory_space<vmem_shared>>
      tpu.wait_dma2 semaphore(%run_scoped3A_188 : memref<!tpu.dma_semaphore, #tpu.memory_space<semaphore_mem>>) src(%dma_wait3A_203 : memref<640xf32, #tpu.memory_space<vmem_shared>>) dst(%dma_wait3A_202 : memref<640xf32, #tpu.memory_space<vmem>>)
      tpu.yield
    }) : () -> ()
    %mul3A_95 = arith.constant 640 : i32
    %mul3A_96 = arith.muli %arg1, %mul3A_95 : i32
    %add3A_97 = arith.constant 71680 : i32
    %add3A_98 = arith.addi %add3A_97, %mul3A_96 : i32
    %run_scoped3A_99 = arith.constant 7 : i32
    "tpu.region"() ({
      %run_scoped3A_188 = tpu.sem_alloc : memref<!tpu.dma_semaphore, #tpu.memory_space<semaphore_mem>>
      %dma_start3A = arith.constant 0 : i32
      %dma_start3A_189 = tpu.memref_slice %arg9[%run_scoped3A_99, %dma_start3A] : memref<16x640xf32, #tpu.memory_space<vmem>> -> memref<1x640xf32, #tpu.memory_space<vmem>>
      %dma_start3A_190 = tpu.memref_squeeze %dma_start3A_189 : memref<1x640xf32, #tpu.memory_space<vmem>> -> memref<640xf32, #tpu.memory_space<vmem>>
      %dma_start3A_191 = tpu.memref_slice %arg12[%add3A_98] : memref<163840xf32, #tpu.memory_space<vmem_shared>> -> memref<640xf32, #tpu.memory_space<vmem_shared>>
      %dma_start3A_192 = arith.constant 0 : i32
      %dma_start3A_193 = tpu.memref_slice %arg9[%run_scoped3A_99, %dma_start3A_192] : memref<16x640xf32, #tpu.memory_space<vmem>> -> memref<1x640xf32, #tpu.memory_space<vmem>>
      %dma_start3A_194 = tpu.memref_squeeze %dma_start3A_193 : memref<1x640xf32, #tpu.memory_space<vmem>> -> memref<640xf32, #tpu.memory_space<vmem>>
      %dma_start3A_195 = tpu.memref_slice %arg12[%add3A_98] : memref<163840xf32, #tpu.memory_space<vmem_shared>> -> memref<640xf32, #tpu.memory_space<vmem_shared>>
      tpu.enqueue_dma source(%dma_start3A_195 : memref<640xf32, #tpu.memory_space<vmem_shared>>) target(%dma_start3A_194 : memref<640xf32, #tpu.memory_space<vmem>>) target_semaphore(%run_scoped3A_188 : memref<!tpu.dma_semaphore, #tpu.memory_space<semaphore_mem>>)
      %dma_wait3A_196 = arith.constant 0 : i32
      %dma_wait3A_197 = tpu.memref_slice %arg9[%run_scoped3A_99, %dma_wait3A_196] : memref<16x640xf32, #tpu.memory_space<vmem>> -> memref<1x640xf32, #tpu.memory_space<vmem>>
      %dma_wait3A_198 = tpu.memref_squeeze %dma_wait3A_197 : memref<1x640xf32, #tpu.memory_space<vmem>> -> memref<640xf32, #tpu.memory_space<vmem>>
      %dma_wait3A_199 = tpu.memref_slice %arg12[%add3A_98] : memref<163840xf32, #tpu.memory_space<vmem_shared>> -> memref<640xf32, #tpu.memory_space<vmem_shared>>
      %dma_wait3A_200 = arith.constant 0 : i32
      %dma_wait3A_201 = tpu.memref_slice %arg9[%run_scoped3A_99, %dma_wait3A_200] : memref<16x640xf32, #tpu.memory_space<vmem>> -> memref<1x640xf32, #tpu.memory_space<vmem>>
      %dma_wait3A_202 = tpu.memref_squeeze %dma_wait3A_201 : memref<1x640xf32, #tpu.memory_space<vmem>> -> memref<640xf32, #tpu.memory_space<vmem>>
      %dma_wait3A_203 = tpu.memref_slice %arg12[%add3A_98] : memref<163840xf32, #tpu.memory_space<vmem_shared>> -> memref<640xf32, #tpu.memory_space<vmem_shared>>
      tpu.wait_dma2 semaphore(%run_scoped3A_188 : memref<!tpu.dma_semaphore, #tpu.memory_space<semaphore_mem>>) src(%dma_wait3A_203 : memref<640xf32, #tpu.memory_space<vmem_shared>>) dst(%dma_wait3A_202 : memref<640xf32, #tpu.memory_space<vmem>>)
      tpu.yield
    }) : () -> ()
    %mul3A_100 = arith.constant 640 : i32
    %mul3A_101 = arith.muli %arg1, %mul3A_100 : i32
    %add3A_102 = arith.constant 81920 : i32
    %add3A_103 = arith.addi %add3A_102, %mul3A_101 : i32
    %run_scoped3A_104 = arith.constant 8 : i32
    "tpu.region"() ({
      %run_scoped3A_188 = tpu.sem_alloc : memref<!tpu.dma_semaphore, #tpu.memory_space<semaphore_mem>>
      %dma_start3A = arith.constant 0 : i32
      %dma_start3A_189 = tpu.memref_slice %arg8[%run_scoped3A_104, %dma_start3A] : memref<16x640xf32, #tpu.memory_space<vmem>> -> memref<1x640xf32, #tpu.memory_space<vmem>>
      %dma_start3A_190 = tpu.memref_squeeze %dma_start3A_189 : memref<1x640xf32, #tpu.memory_space<vmem>> -> memref<640xf32, #tpu.memory_space<vmem>>
      %dma_start3A_191 = tpu.memref_slice %arg11[%add3A_103] : memref<163840xf32, #tpu.memory_space<vmem_shared>> -> memref<640xf32, #tpu.memory_space<vmem_shared>>
      %dma_start3A_192 = arith.constant 0 : i32
      %dma_start3A_193 = tpu.memref_slice %arg8[%run_scoped3A_104, %dma_start3A_192] : memref<16x640xf32, #tpu.memory_space<vmem>> -> memref<1x640xf32, #tpu.memory_space<vmem>>
      %dma_start3A_194 = tpu.memref_squeeze %dma_start3A_193 : memref<1x640xf32, #tpu.memory_space<vmem>> -> memref<640xf32, #tpu.memory_space<vmem>>
      %dma_start3A_195 = tpu.memref_slice %arg11[%add3A_103] : memref<163840xf32, #tpu.memory_space<vmem_shared>> -> memref<640xf32, #tpu.memory_space<vmem_shared>>
      tpu.enqueue_dma source(%dma_start3A_195 : memref<640xf32, #tpu.memory_space<vmem_shared>>) target(%dma_start3A_194 : memref<640xf32, #tpu.memory_space<vmem>>) target_semaphore(%run_scoped3A_188 : memref<!tpu.dma_semaphore, #tpu.memory_space<semaphore_mem>>)
      %dma_wait3A_196 = arith.constant 0 : i32
      %dma_wait3A_197 = tpu.memref_slice %arg8[%run_scoped3A_104, %dma_wait3A_196] : memref<16x640xf32, #tpu.memory_space<vmem>> -> memref<1x640xf32, #tpu.memory_space<vmem>>
      %dma_wait3A_198 = tpu.memref_squeeze %dma_wait3A_197 : memref<1x640xf32, #tpu.memory_space<vmem>> -> memref<640xf32, #tpu.memory_space<vmem>>
      %dma_wait3A_199 = tpu.memref_slice %arg11[%add3A_103] : memref<163840xf32, #tpu.memory_space<vmem_shared>> -> memref<640xf32, #tpu.memory_space<vmem_shared>>
      %dma_wait3A_200 = arith.constant 0 : i32
      %dma_wait3A_201 = tpu.memref_slice %arg8[%run_scoped3A_104, %dma_wait3A_200] : memref<16x640xf32, #tpu.memory_space<vmem>> -> memref<1x640xf32, #tpu.memory_space<vmem>>
      %dma_wait3A_202 = tpu.memref_squeeze %dma_wait3A_201 : memref<1x640xf32, #tpu.memory_space<vmem>> -> memref<640xf32, #tpu.memory_space<vmem>>
      %dma_wait3A_203 = tpu.memref_slice %arg11[%add3A_103] : memref<163840xf32, #tpu.memory_space<vmem_shared>> -> memref<640xf32, #tpu.memory_space<vmem_shared>>
      tpu.wait_dma2 semaphore(%run_scoped3A_188 : memref<!tpu.dma_semaphore, #tpu.memory_space<semaphore_mem>>) src(%dma_wait3A_203 : memref<640xf32, #tpu.memory_space<vmem_shared>>) dst(%dma_wait3A_202 : memref<640xf32, #tpu.memory_space<vmem>>)
      tpu.yield
    }) : () -> ()
    %mul3A_105 = arith.constant 640 : i32
    %mul3A_106 = arith.muli %arg1, %mul3A_105 : i32
    %add3A_107 = arith.constant 81920 : i32
    %add3A_108 = arith.addi %add3A_107, %mul3A_106 : i32
    %run_scoped3A_109 = arith.constant 8 : i32
    "tpu.region"() ({
      %run_scoped3A_188 = tpu.sem_alloc : memref<!tpu.dma_semaphore, #tpu.memory_space<semaphore_mem>>
      %dma_start3A = arith.constant 0 : i32
      %dma_start3A_189 = tpu.memref_slice %arg9[%run_scoped3A_109, %dma_start3A] : memref<16x640xf32, #tpu.memory_space<vmem>> -> memref<1x640xf32, #tpu.memory_space<vmem>>
      %dma_start3A_190 = tpu.memref_squeeze %dma_start3A_189 : memref<1x640xf32, #tpu.memory_space<vmem>> -> memref<640xf32, #tpu.memory_space<vmem>>
      %dma_start3A_191 = tpu.memref_slice %arg12[%add3A_108] : memref<163840xf32, #tpu.memory_space<vmem_shared>> -> memref<640xf32, #tpu.memory_space<vmem_shared>>
      %dma_start3A_192 = arith.constant 0 : i32
      %dma_start3A_193 = tpu.memref_slice %arg9[%run_scoped3A_109, %dma_start3A_192] : memref<16x640xf32, #tpu.memory_space<vmem>> -> memref<1x640xf32, #tpu.memory_space<vmem>>
      %dma_start3A_194 = tpu.memref_squeeze %dma_start3A_193 : memref<1x640xf32, #tpu.memory_space<vmem>> -> memref<640xf32, #tpu.memory_space<vmem>>
      %dma_start3A_195 = tpu.memref_slice %arg12[%add3A_108] : memref<163840xf32, #tpu.memory_space<vmem_shared>> -> memref<640xf32, #tpu.memory_space<vmem_shared>>
      tpu.enqueue_dma source(%dma_start3A_195 : memref<640xf32, #tpu.memory_space<vmem_shared>>) target(%dma_start3A_194 : memref<640xf32, #tpu.memory_space<vmem>>) target_semaphore(%run_scoped3A_188 : memref<!tpu.dma_semaphore, #tpu.memory_space<semaphore_mem>>)
      %dma_wait3A_196 = arith.constant 0 : i32
      %dma_wait3A_197 = tpu.memref_slice %arg9[%run_scoped3A_109, %dma_wait3A_196] : memref<16x640xf32, #tpu.memory_space<vmem>> -> memref<1x640xf32, #tpu.memory_space<vmem>>
      %dma_wait3A_198 = tpu.memref_squeeze %dma_wait3A_197 : memref<1x640xf32, #tpu.memory_space<vmem>> -> memref<640xf32, #tpu.memory_space<vmem>>
      %dma_wait3A_199 = tpu.memref_slice %arg12[%add3A_108] : memref<163840xf32, #tpu.memory_space<vmem_shared>> -> memref<640xf32, #tpu.memory_space<vmem_shared>>
      %dma_wait3A_200 = arith.constant 0 : i32
      %dma_wait3A_201 = tpu.memref_slice %arg9[%run_scoped3A_109, %dma_wait3A_200] : memref<16x640xf32, #tpu.memory_space<vmem>> -> memref<1x640xf32, #tpu.memory_space<vmem>>
      %dma_wait3A_202 = tpu.memref_squeeze %dma_wait3A_201 : memref<1x640xf32, #tpu.memory_space<vmem>> -> memref<640xf32, #tpu.memory_space<vmem>>
      %dma_wait3A_203 = tpu.memref_slice %arg12[%add3A_108] : memref<163840xf32, #tpu.memory_space<vmem_shared>> -> memref<640xf32, #tpu.memory_space<vmem_shared>>
      tpu.wait_dma2 semaphore(%run_scoped3A_188 : memref<!tpu.dma_semaphore, #tpu.memory_space<semaphore_mem>>) src(%dma_wait3A_203 : memref<640xf32, #tpu.memory_space<vmem_shared>>) dst(%dma_wait3A_202 : memref<640xf32, #tpu.memory_space<vmem>>)
      tpu.yield
    }) : () -> ()
    %mul3A_110 = arith.constant 640 : i32
    %mul3A_111 = arith.muli %arg1, %mul3A_110 : i32
    %add3A_112 = arith.constant 92160 : i32
    %add3A_113 = arith.addi %add3A_112, %mul3A_111 : i32
    %run_scoped3A_114 = arith.constant 9 : i32
    "tpu.region"() ({
      %run_scoped3A_188 = tpu.sem_alloc : memref<!tpu.dma_semaphore, #tpu.memory_space<semaphore_mem>>
      %dma_start3A = arith.constant 0 : i32
      %dma_start3A_189 = tpu.memref_slice %arg8[%run_scoped3A_114, %dma_start3A] : memref<16x640xf32, #tpu.memory_space<vmem>> -> memref<1x640xf32, #tpu.memory_space<vmem>>
      %dma_start3A_190 = tpu.memref_squeeze %dma_start3A_189 : memref<1x640xf32, #tpu.memory_space<vmem>> -> memref<640xf32, #tpu.memory_space<vmem>>
      %dma_start3A_191 = tpu.memref_slice %arg11[%add3A_113] : memref<163840xf32, #tpu.memory_space<vmem_shared>> -> memref<640xf32, #tpu.memory_space<vmem_shared>>
      %dma_start3A_192 = arith.constant 0 : i32
      %dma_start3A_193 = tpu.memref_slice %arg8[%run_scoped3A_114, %dma_start3A_192] : memref<16x640xf32, #tpu.memory_space<vmem>> -> memref<1x640xf32, #tpu.memory_space<vmem>>
      %dma_start3A_194 = tpu.memref_squeeze %dma_start3A_193 : memref<1x640xf32, #tpu.memory_space<vmem>> -> memref<640xf32, #tpu.memory_space<vmem>>
      %dma_start3A_195 = tpu.memref_slice %arg11[%add3A_113] : memref<163840xf32, #tpu.memory_space<vmem_shared>> -> memref<640xf32, #tpu.memory_space<vmem_shared>>
      tpu.enqueue_dma source(%dma_start3A_195 : memref<640xf32, #tpu.memory_space<vmem_shared>>) target(%dma_start3A_194 : memref<640xf32, #tpu.memory_space<vmem>>) target_semaphore(%run_scoped3A_188 : memref<!tpu.dma_semaphore, #tpu.memory_space<semaphore_mem>>)
      %dma_wait3A_196 = arith.constant 0 : i32
      %dma_wait3A_197 = tpu.memref_slice %arg8[%run_scoped3A_114, %dma_wait3A_196] : memref<16x640xf32, #tpu.memory_space<vmem>> -> memref<1x640xf32, #tpu.memory_space<vmem>>
      %dma_wait3A_198 = tpu.memref_squeeze %dma_wait3A_197 : memref<1x640xf32, #tpu.memory_space<vmem>> -> memref<640xf32, #tpu.memory_space<vmem>>
      %dma_wait3A_199 = tpu.memref_slice %arg11[%add3A_113] : memref<163840xf32, #tpu.memory_space<vmem_shared>> -> memref<640xf32, #tpu.memory_space<vmem_shared>>
      %dma_wait3A_200 = arith.constant 0 : i32
      %dma_wait3A_201 = tpu.memref_slice %arg8[%run_scoped3A_114, %dma_wait3A_200] : memref<16x640xf32, #tpu.memory_space<vmem>> -> memref<1x640xf32, #tpu.memory_space<vmem>>
      %dma_wait3A_202 = tpu.memref_squeeze %dma_wait3A_201 : memref<1x640xf32, #tpu.memory_space<vmem>> -> memref<640xf32, #tpu.memory_space<vmem>>
      %dma_wait3A_203 = tpu.memref_slice %arg11[%add3A_113] : memref<163840xf32, #tpu.memory_space<vmem_shared>> -> memref<640xf32, #tpu.memory_space<vmem_shared>>
      tpu.wait_dma2 semaphore(%run_scoped3A_188 : memref<!tpu.dma_semaphore, #tpu.memory_space<semaphore_mem>>) src(%dma_wait3A_203 : memref<640xf32, #tpu.memory_space<vmem_shared>>) dst(%dma_wait3A_202 : memref<640xf32, #tpu.memory_space<vmem>>)
      tpu.yield
    }) : () -> ()
    %mul3A_115 = arith.constant 640 : i32
    %mul3A_116 = arith.muli %arg1, %mul3A_115 : i32
    %add3A_117 = arith.constant 92160 : i32
    %add3A_118 = arith.addi %add3A_117, %mul3A_116 : i32
    %run_scoped3A_119 = arith.constant 9 : i32
    "tpu.region"() ({
      %run_scoped3A_188 = tpu.sem_alloc : memref<!tpu.dma_semaphore, #tpu.memory_space<semaphore_mem>>
      %dma_start3A = arith.constant 0 : i32
      %dma_start3A_189 = tpu.memref_slice %arg9[%run_scoped3A_119, %dma_start3A] : memref<16x640xf32, #tpu.memory_space<vmem>> -> memref<1x640xf32, #tpu.memory_space<vmem>>
      %dma_start3A_190 = tpu.memref_squeeze %dma_start3A_189 : memref<1x640xf32, #tpu.memory_space<vmem>> -> memref<640xf32, #tpu.memory_space<vmem>>
      %dma_start3A_191 = tpu.memref_slice %arg12[%add3A_118] : memref<163840xf32, #tpu.memory_space<vmem_shared>> -> memref<640xf32, #tpu.memory_space<vmem_shared>>
      %dma_start3A_192 = arith.constant 0 : i32
      %dma_start3A_193 = tpu.memref_slice %arg9[%run_scoped3A_119, %dma_start3A_192] : memref<16x640xf32, #tpu.memory_space<vmem>> -> memref<1x640xf32, #tpu.memory_space<vmem>>
      %dma_start3A_194 = tpu.memref_squeeze %dma_start3A_193 : memref<1x640xf32, #tpu.memory_space<vmem>> -> memref<640xf32, #tpu.memory_space<vmem>>
      %dma_start3A_195 = tpu.memref_slice %arg12[%add3A_118] : memref<163840xf32, #tpu.memory_space<vmem_shared>> -> memref<640xf32, #tpu.memory_space<vmem_shared>>
      tpu.enqueue_dma source(%dma_start3A_195 : memref<640xf32, #tpu.memory_space<vmem_shared>>) target(%dma_start3A_194 : memref<640xf32, #tpu.memory_space<vmem>>) target_semaphore(%run_scoped3A_188 : memref<!tpu.dma_semaphore, #tpu.memory_space<semaphore_mem>>)
      %dma_wait3A_196 = arith.constant 0 : i32
      %dma_wait3A_197 = tpu.memref_slice %arg9[%run_scoped3A_119, %dma_wait3A_196] : memref<16x640xf32, #tpu.memory_space<vmem>> -> memref<1x640xf32, #tpu.memory_space<vmem>>
      %dma_wait3A_198 = tpu.memref_squeeze %dma_wait3A_197 : memref<1x640xf32, #tpu.memory_space<vmem>> -> memref<640xf32, #tpu.memory_space<vmem>>
      %dma_wait3A_199 = tpu.memref_slice %arg12[%add3A_118] : memref<163840xf32, #tpu.memory_space<vmem_shared>> -> memref<640xf32, #tpu.memory_space<vmem_shared>>
      %dma_wait3A_200 = arith.constant 0 : i32
      %dma_wait3A_201 = tpu.memref_slice %arg9[%run_scoped3A_119, %dma_wait3A_200] : memref<16x640xf32, #tpu.memory_space<vmem>> -> memref<1x640xf32, #tpu.memory_space<vmem>>
      %dma_wait3A_202 = tpu.memref_squeeze %dma_wait3A_201 : memref<1x640xf32, #tpu.memory_space<vmem>> -> memref<640xf32, #tpu.memory_space<vmem>>
      %dma_wait3A_203 = tpu.memref_slice %arg12[%add3A_118] : memref<163840xf32, #tpu.memory_space<vmem_shared>> -> memref<640xf32, #tpu.memory_space<vmem_shared>>
      tpu.wait_dma2 semaphore(%run_scoped3A_188 : memref<!tpu.dma_semaphore, #tpu.memory_space<semaphore_mem>>) src(%dma_wait3A_203 : memref<640xf32, #tpu.memory_space<vmem_shared>>) dst(%dma_wait3A_202 : memref<640xf32, #tpu.memory_space<vmem>>)
      tpu.yield
    }) : () -> ()
    %mul3A_120 = arith.constant 640 : i32
    %mul3A_121 = arith.muli %arg1, %mul3A_120 : i32
    %add3A_122 = arith.constant 102400 : i32
    %add3A_123 = arith.addi %add3A_122, %mul3A_121 : i32
    %run_scoped3A_124 = arith.constant 10 : i32
    "tpu.region"() ({
      %run_scoped3A_188 = tpu.sem_alloc : memref<!tpu.dma_semaphore, #tpu.memory_space<semaphore_mem>>
      %dma_start3A = arith.constant 0 : i32
      %dma_start3A_189 = tpu.memref_slice %arg8[%run_scoped3A_124, %dma_start3A] : memref<16x640xf32, #tpu.memory_space<vmem>> -> memref<1x640xf32, #tpu.memory_space<vmem>>
      %dma_start3A_190 = tpu.memref_squeeze %dma_start3A_189 : memref<1x640xf32, #tpu.memory_space<vmem>> -> memref<640xf32, #tpu.memory_space<vmem>>
      %dma_start3A_191 = tpu.memref_slice %arg11[%add3A_123] : memref<163840xf32, #tpu.memory_space<vmem_shared>> -> memref<640xf32, #tpu.memory_space<vmem_shared>>
      %dma_start3A_192 = arith.constant 0 : i32
      %dma_start3A_193 = tpu.memref_slice %arg8[%run_scoped3A_124, %dma_start3A_192] : memref<16x640xf32, #tpu.memory_space<vmem>> -> memref<1x640xf32, #tpu.memory_space<vmem>>
      %dma_start3A_194 = tpu.memref_squeeze %dma_start3A_193 : memref<1x640xf32, #tpu.memory_space<vmem>> -> memref<640xf32, #tpu.memory_space<vmem>>
      %dma_start3A_195 = tpu.memref_slice %arg11[%add3A_123] : memref<163840xf32, #tpu.memory_space<vmem_shared>> -> memref<640xf32, #tpu.memory_space<vmem_shared>>
      tpu.enqueue_dma source(%dma_start3A_195 : memref<640xf32, #tpu.memory_space<vmem_shared>>) target(%dma_start3A_194 : memref<640xf32, #tpu.memory_space<vmem>>) target_semaphore(%run_scoped3A_188 : memref<!tpu.dma_semaphore, #tpu.memory_space<semaphore_mem>>)
      %dma_wait3A_196 = arith.constant 0 : i32
      %dma_wait3A_197 = tpu.memref_slice %arg8[%run_scoped3A_124, %dma_wait3A_196] : memref<16x640xf32, #tpu.memory_space<vmem>> -> memref<1x640xf32, #tpu.memory_space<vmem>>
      %dma_wait3A_198 = tpu.memref_squeeze %dma_wait3A_197 : memref<1x640xf32, #tpu.memory_space<vmem>> -> memref<640xf32, #tpu.memory_space<vmem>>
      %dma_wait3A_199 = tpu.memref_slice %arg11[%add3A_123] : memref<163840xf32, #tpu.memory_space<vmem_shared>> -> memref<640xf32, #tpu.memory_space<vmem_shared>>
      %dma_wait3A_200 = arith.constant 0 : i32
      %dma_wait3A_201 = tpu.memref_slice %arg8[%run_scoped3A_124, %dma_wait3A_200] : memref<16x640xf32, #tpu.memory_space<vmem>> -> memref<1x640xf32, #tpu.memory_space<vmem>>
      %dma_wait3A_202 = tpu.memref_squeeze %dma_wait3A_201 : memref<1x640xf32, #tpu.memory_space<vmem>> -> memref<640xf32, #tpu.memory_space<vmem>>
      %dma_wait3A_203 = tpu.memref_slice %arg11[%add3A_123] : memref<163840xf32, #tpu.memory_space<vmem_shared>> -> memref<640xf32, #tpu.memory_space<vmem_shared>>
      tpu.wait_dma2 semaphore(%run_scoped3A_188 : memref<!tpu.dma_semaphore, #tpu.memory_space<semaphore_mem>>) src(%dma_wait3A_203 : memref<640xf32, #tpu.memory_space<vmem_shared>>) dst(%dma_wait3A_202 : memref<640xf32, #tpu.memory_space<vmem>>)
      tpu.yield
    }) : () -> ()
    %mul3A_125 = arith.constant 640 : i32
    %mul3A_126 = arith.muli %arg1, %mul3A_125 : i32
    %add3A_127 = arith.constant 102400 : i32
    %add3A_128 = arith.addi %add3A_127, %mul3A_126 : i32
    %run_scoped3A_129 = arith.constant 10 : i32
    "tpu.region"() ({
      %run_scoped3A_188 = tpu.sem_alloc : memref<!tpu.dma_semaphore, #tpu.memory_space<semaphore_mem>>
      %dma_start3A = arith.constant 0 : i32
      %dma_start3A_189 = tpu.memref_slice %arg9[%run_scoped3A_129, %dma_start3A] : memref<16x640xf32, #tpu.memory_space<vmem>> -> memref<1x640xf32, #tpu.memory_space<vmem>>
      %dma_start3A_190 = tpu.memref_squeeze %dma_start3A_189 : memref<1x640xf32, #tpu.memory_space<vmem>> -> memref<640xf32, #tpu.memory_space<vmem>>
      %dma_start3A_191 = tpu.memref_slice %arg12[%add3A_128] : memref<163840xf32, #tpu.memory_space<vmem_shared>> -> memref<640xf32, #tpu.memory_space<vmem_shared>>
      %dma_start3A_192 = arith.constant 0 : i32
      %dma_start3A_193 = tpu.memref_slice %arg9[%run_scoped3A_129, %dma_start3A_192] : memref<16x640xf32, #tpu.memory_space<vmem>> -> memref<1x640xf32, #tpu.memory_space<vmem>>
      %dma_start3A_194 = tpu.memref_squeeze %dma_start3A_193 : memref<1x640xf32, #tpu.memory_space<vmem>> -> memref<640xf32, #tpu.memory_space<vmem>>
      %dma_start3A_195 = tpu.memref_slice %arg12[%add3A_128] : memref<163840xf32, #tpu.memory_space<vmem_shared>> -> memref<640xf32, #tpu.memory_space<vmem_shared>>
      tpu.enqueue_dma source(%dma_start3A_195 : memref<640xf32, #tpu.memory_space<vmem_shared>>) target(%dma_start3A_194 : memref<640xf32, #tpu.memory_space<vmem>>) target_semaphore(%run_scoped3A_188 : memref<!tpu.dma_semaphore, #tpu.memory_space<semaphore_mem>>)
      %dma_wait3A_196 = arith.constant 0 : i32
      %dma_wait3A_197 = tpu.memref_slice %arg9[%run_scoped3A_129, %dma_wait3A_196] : memref<16x640xf32, #tpu.memory_space<vmem>> -> memref<1x640xf32, #tpu.memory_space<vmem>>
      %dma_wait3A_198 = tpu.memref_squeeze %dma_wait3A_197 : memref<1x640xf32, #tpu.memory_space<vmem>> -> memref<640xf32, #tpu.memory_space<vmem>>
      %dma_wait3A_199 = tpu.memref_slice %arg12[%add3A_128] : memref<163840xf32, #tpu.memory_space<vmem_shared>> -> memref<640xf32, #tpu.memory_space<vmem_shared>>
      %dma_wait3A_200 = arith.constant 0 : i32
      %dma_wait3A_201 = tpu.memref_slice %arg9[%run_scoped3A_129, %dma_wait3A_200] : memref<16x640xf32, #tpu.memory_space<vmem>> -> memref<1x640xf32, #tpu.memory_space<vmem>>
      %dma_wait3A_202 = tpu.memref_squeeze %dma_wait3A_201 : memref<1x640xf32, #tpu.memory_space<vmem>> -> memref<640xf32, #tpu.memory_space<vmem>>
      %dma_wait3A_203 = tpu.memref_slice %arg12[%add3A_128] : memref<163840xf32, #tpu.memory_space<vmem_shared>> -> memref<640xf32, #tpu.memory_space<vmem_shared>>
      tpu.wait_dma2 semaphore(%run_scoped3A_188 : memref<!tpu.dma_semaphore, #tpu.memory_space<semaphore_mem>>) src(%dma_wait3A_203 : memref<640xf32, #tpu.memory_space<vmem_shared>>) dst(%dma_wait3A_202 : memref<640xf32, #tpu.memory_space<vmem>>)
      tpu.yield
    }) : () -> ()
    %mul3A_130 = arith.constant 640 : i32
    %mul3A_131 = arith.muli %arg1, %mul3A_130 : i32
    %add3A_132 = arith.constant 112640 : i32
    %add3A_133 = arith.addi %add3A_132, %mul3A_131 : i32
    %run_scoped3A_134 = arith.constant 11 : i32
    "tpu.region"() ({
      %run_scoped3A_188 = tpu.sem_alloc : memref<!tpu.dma_semaphore, #tpu.memory_space<semaphore_mem>>
      %dma_start3A = arith.constant 0 : i32
      %dma_start3A_189 = tpu.memref_slice %arg8[%run_scoped3A_134, %dma_start3A] : memref<16x640xf32, #tpu.memory_space<vmem>> -> memref<1x640xf32, #tpu.memory_space<vmem>>
      %dma_start3A_190 = tpu.memref_squeeze %dma_start3A_189 : memref<1x640xf32, #tpu.memory_space<vmem>> -> memref<640xf32, #tpu.memory_space<vmem>>
      %dma_start3A_191 = tpu.memref_slice %arg11[%add3A_133] : memref<163840xf32, #tpu.memory_space<vmem_shared>> -> memref<640xf32, #tpu.memory_space<vmem_shared>>
      %dma_start3A_192 = arith.constant 0 : i32
      %dma_start3A_193 = tpu.memref_slice %arg8[%run_scoped3A_134, %dma_start3A_192] : memref<16x640xf32, #tpu.memory_space<vmem>> -> memref<1x640xf32, #tpu.memory_space<vmem>>
      %dma_start3A_194 = tpu.memref_squeeze %dma_start3A_193 : memref<1x640xf32, #tpu.memory_space<vmem>> -> memref<640xf32, #tpu.memory_space<vmem>>
      %dma_start3A_195 = tpu.memref_slice %arg11[%add3A_133] : memref<163840xf32, #tpu.memory_space<vmem_shared>> -> memref<640xf32, #tpu.memory_space<vmem_shared>>
      tpu.enqueue_dma source(%dma_start3A_195 : memref<640xf32, #tpu.memory_space<vmem_shared>>) target(%dma_start3A_194 : memref<640xf32, #tpu.memory_space<vmem>>) target_semaphore(%run_scoped3A_188 : memref<!tpu.dma_semaphore, #tpu.memory_space<semaphore_mem>>)
      %dma_wait3A_196 = arith.constant 0 : i32
      %dma_wait3A_197 = tpu.memref_slice %arg8[%run_scoped3A_134, %dma_wait3A_196] : memref<16x640xf32, #tpu.memory_space<vmem>> -> memref<1x640xf32, #tpu.memory_space<vmem>>
      %dma_wait3A_198 = tpu.memref_squeeze %dma_wait3A_197 : memref<1x640xf32, #tpu.memory_space<vmem>> -> memref<640xf32, #tpu.memory_space<vmem>>
      %dma_wait3A_199 = tpu.memref_slice %arg11[%add3A_133] : memref<163840xf32, #tpu.memory_space<vmem_shared>> -> memref<640xf32, #tpu.memory_space<vmem_shared>>
      %dma_wait3A_200 = arith.constant 0 : i32
      %dma_wait3A_201 = tpu.memref_slice %arg8[%run_scoped3A_134, %dma_wait3A_200] : memref<16x640xf32, #tpu.memory_space<vmem>> -> memref<1x640xf32, #tpu.memory_space<vmem>>
      %dma_wait3A_202 = tpu.memref_squeeze %dma_wait3A_201 : memref<1x640xf32, #tpu.memory_space<vmem>> -> memref<640xf32, #tpu.memory_space<vmem>>
      %dma_wait3A_203 = tpu.memref_slice %arg11[%add3A_133] : memref<163840xf32, #tpu.memory_space<vmem_shared>> -> memref<640xf32, #tpu.memory_space<vmem_shared>>
      tpu.wait_dma2 semaphore(%run_scoped3A_188 : memref<!tpu.dma_semaphore, #tpu.memory_space<semaphore_mem>>) src(%dma_wait3A_203 : memref<640xf32, #tpu.memory_space<vmem_shared>>) dst(%dma_wait3A_202 : memref<640xf32, #tpu.memory_space<vmem>>)
      tpu.yield
    }) : () -> ()
    %mul3A_135 = arith.constant 640 : i32
    %mul3A_136 = arith.muli %arg1, %mul3A_135 : i32
    %add3A_137 = arith.constant 112640 : i32
    %add3A_138 = arith.addi %add3A_137, %mul3A_136 : i32
    %run_scoped3A_139 = arith.constant 11 : i32
    "tpu.region"() ({
      %run_scoped3A_188 = tpu.sem_alloc : memref<!tpu.dma_semaphore, #tpu.memory_space<semaphore_mem>>
      %dma_start3A = arith.constant 0 : i32
      %dma_start3A_189 = tpu.memref_slice %arg9[%run_scoped3A_139, %dma_start3A] : memref<16x640xf32, #tpu.memory_space<vmem>> -> memref<1x640xf32, #tpu.memory_space<vmem>>
      %dma_start3A_190 = tpu.memref_squeeze %dma_start3A_189 : memref<1x640xf32, #tpu.memory_space<vmem>> -> memref<640xf32, #tpu.memory_space<vmem>>
      %dma_start3A_191 = tpu.memref_slice %arg12[%add3A_138] : memref<163840xf32, #tpu.memory_space<vmem_shared>> -> memref<640xf32, #tpu.memory_space<vmem_shared>>
      %dma_start3A_192 = arith.constant 0 : i32
      %dma_start3A_193 = tpu.memref_slice %arg9[%run_scoped3A_139, %dma_start3A_192] : memref<16x640xf32, #tpu.memory_space<vmem>> -> memref<1x640xf32, #tpu.memory_space<vmem>>
      %dma_start3A_194 = tpu.memref_squeeze %dma_start3A_193 : memref<1x640xf32, #tpu.memory_space<vmem>> -> memref<640xf32, #tpu.memory_space<vmem>>
      %dma_start3A_195 = tpu.memref_slice %arg12[%add3A_138] : memref<163840xf32, #tpu.memory_space<vmem_shared>> -> memref<640xf32, #tpu.memory_space<vmem_shared>>
      tpu.enqueue_dma source(%dma_start3A_195 : memref<640xf32, #tpu.memory_space<vmem_shared>>) target(%dma_start3A_194 : memref<640xf32, #tpu.memory_space<vmem>>) target_semaphore(%run_scoped3A_188 : memref<!tpu.dma_semaphore, #tpu.memory_space<semaphore_mem>>)
      %dma_wait3A_196 = arith.constant 0 : i32
      %dma_wait3A_197 = tpu.memref_slice %arg9[%run_scoped3A_139, %dma_wait3A_196] : memref<16x640xf32, #tpu.memory_space<vmem>> -> memref<1x640xf32, #tpu.memory_space<vmem>>
      %dma_wait3A_198 = tpu.memref_squeeze %dma_wait3A_197 : memref<1x640xf32, #tpu.memory_space<vmem>> -> memref<640xf32, #tpu.memory_space<vmem>>
      %dma_wait3A_199 = tpu.memref_slice %arg12[%add3A_138] : memref<163840xf32, #tpu.memory_space<vmem_shared>> -> memref<640xf32, #tpu.memory_space<vmem_shared>>
      %dma_wait3A_200 = arith.constant 0 : i32
      %dma_wait3A_201 = tpu.memref_slice %arg9[%run_scoped3A_139, %dma_wait3A_200] : memref<16x640xf32, #tpu.memory_space<vmem>> -> memref<1x640xf32, #tpu.memory_space<vmem>>
      %dma_wait3A_202 = tpu.memref_squeeze %dma_wait3A_201 : memref<1x640xf32, #tpu.memory_space<vmem>> -> memref<640xf32, #tpu.memory_space<vmem>>
      %dma_wait3A_203 = tpu.memref_slice %arg12[%add3A_138] : memref<163840xf32, #tpu.memory_space<vmem_shared>> -> memref<640xf32, #tpu.memory_space<vmem_shared>>
      tpu.wait_dma2 semaphore(%run_scoped3A_188 : memref<!tpu.dma_semaphore, #tpu.memory_space<semaphore_mem>>) src(%dma_wait3A_203 : memref<640xf32, #tpu.memory_space<vmem_shared>>) dst(%dma_wait3A_202 : memref<640xf32, #tpu.memory_space<vmem>>)
      tpu.yield
    }) : () -> ()
    %mul3A_140 = arith.constant 640 : i32
    %mul3A_141 = arith.muli %arg1, %mul3A_140 : i32
    %add3A_142 = arith.constant 122880 : i32
    %add3A_143 = arith.addi %add3A_142, %mul3A_141 : i32
    %run_scoped3A_144 = arith.constant 12 : i32
    "tpu.region"() ({
      %run_scoped3A_188 = tpu.sem_alloc : memref<!tpu.dma_semaphore, #tpu.memory_space<semaphore_mem>>
      %dma_start3A = arith.constant 0 : i32
      %dma_start3A_189 = tpu.memref_slice %arg8[%run_scoped3A_144, %dma_start3A] : memref<16x640xf32, #tpu.memory_space<vmem>> -> memref<1x640xf32, #tpu.memory_space<vmem>>
      %dma_start3A_190 = tpu.memref_squeeze %dma_start3A_189 : memref<1x640xf32, #tpu.memory_space<vmem>> -> memref<640xf32, #tpu.memory_space<vmem>>
      %dma_start3A_191 = tpu.memref_slice %arg11[%add3A_143] : memref<163840xf32, #tpu.memory_space<vmem_shared>> -> memref<640xf32, #tpu.memory_space<vmem_shared>>
      %dma_start3A_192 = arith.constant 0 : i32
      %dma_start3A_193 = tpu.memref_slice %arg8[%run_scoped3A_144, %dma_start3A_192] : memref<16x640xf32, #tpu.memory_space<vmem>> -> memref<1x640xf32, #tpu.memory_space<vmem>>
      %dma_start3A_194 = tpu.memref_squeeze %dma_start3A_193 : memref<1x640xf32, #tpu.memory_space<vmem>> -> memref<640xf32, #tpu.memory_space<vmem>>
      %dma_start3A_195 = tpu.memref_slice %arg11[%add3A_143] : memref<163840xf32, #tpu.memory_space<vmem_shared>> -> memref<640xf32, #tpu.memory_space<vmem_shared>>
      tpu.enqueue_dma source(%dma_start3A_195 : memref<640xf32, #tpu.memory_space<vmem_shared>>) target(%dma_start3A_194 : memref<640xf32, #tpu.memory_space<vmem>>) target_semaphore(%run_scoped3A_188 : memref<!tpu.dma_semaphore, #tpu.memory_space<semaphore_mem>>)
      %dma_wait3A_196 = arith.constant 0 : i32
      %dma_wait3A_197 = tpu.memref_slice %arg8[%run_scoped3A_144, %dma_wait3A_196] : memref<16x640xf32, #tpu.memory_space<vmem>> -> memref<1x640xf32, #tpu.memory_space<vmem>>
      %dma_wait3A_198 = tpu.memref_squeeze %dma_wait3A_197 : memref<1x640xf32, #tpu.memory_space<vmem>> -> memref<640xf32, #tpu.memory_space<vmem>>
      %dma_wait3A_199 = tpu.memref_slice %arg11[%add3A_143] : memref<163840xf32, #tpu.memory_space<vmem_shared>> -> memref<640xf32, #tpu.memory_space<vmem_shared>>
      %dma_wait3A_200 = arith.constant 0 : i32
      %dma_wait3A_201 = tpu.memref_slice %arg8[%run_scoped3A_144, %dma_wait3A_200] : memref<16x640xf32, #tpu.memory_space<vmem>> -> memref<1x640xf32, #tpu.memory_space<vmem>>
      %dma_wait3A_202 = tpu.memref_squeeze %dma_wait3A_201 : memref<1x640xf32, #tpu.memory_space<vmem>> -> memref<640xf32, #tpu.memory_space<vmem>>
      %dma_wait3A_203 = tpu.memref_slice %arg11[%add3A_143] : memref<163840xf32, #tpu.memory_space<vmem_shared>> -> memref<640xf32, #tpu.memory_space<vmem_shared>>
      tpu.wait_dma2 semaphore(%run_scoped3A_188 : memref<!tpu.dma_semaphore, #tpu.memory_space<semaphore_mem>>) src(%dma_wait3A_203 : memref<640xf32, #tpu.memory_space<vmem_shared>>) dst(%dma_wait3A_202 : memref<640xf32, #tpu.memory_space<vmem>>)
      tpu.yield
    }) : () -> ()
    %mul3A_145 = arith.constant 640 : i32
    %mul3A_146 = arith.muli %arg1, %mul3A_145 : i32
    %add3A_147 = arith.constant 122880 : i32
    %add3A_148 = arith.addi %add3A_147, %mul3A_146 : i32
    %run_scoped3A_149 = arith.constant 12 : i32
    "tpu.region"() ({
      %run_scoped3A_188 = tpu.sem_alloc : memref<!tpu.dma_semaphore, #tpu.memory_space<semaphore_mem>>
      %dma_start3A = arith.constant 0 : i32
      %dma_start3A_189 = tpu.memref_slice %arg9[%run_scoped3A_149, %dma_start3A] : memref<16x640xf32, #tpu.memory_space<vmem>> -> memref<1x640xf32, #tpu.memory_space<vmem>>
      %dma_start3A_190 = tpu.memref_squeeze %dma_start3A_189 : memref<1x640xf32, #tpu.memory_space<vmem>> -> memref<640xf32, #tpu.memory_space<vmem>>
      %dma_start3A_191 = tpu.memref_slice %arg12[%add3A_148] : memref<163840xf32, #tpu.memory_space<vmem_shared>> -> memref<640xf32, #tpu.memory_space<vmem_shared>>
      %dma_start3A_192 = arith.constant 0 : i32
      %dma_start3A_193 = tpu.memref_slice %arg9[%run_scoped3A_149, %dma_start3A_192] : memref<16x640xf32, #tpu.memory_space<vmem>> -> memref<1x640xf32, #tpu.memory_space<vmem>>
      %dma_start3A_194 = tpu.memref_squeeze %dma_start3A_193 : memref<1x640xf32, #tpu.memory_space<vmem>> -> memref<640xf32, #tpu.memory_space<vmem>>
      %dma_start3A_195 = tpu.memref_slice %arg12[%add3A_148] : memref<163840xf32, #tpu.memory_space<vmem_shared>> -> memref<640xf32, #tpu.memory_space<vmem_shared>>
      tpu.enqueue_dma source(%dma_start3A_195 : memref<640xf32, #tpu.memory_space<vmem_shared>>) target(%dma_start3A_194 : memref<640xf32, #tpu.memory_space<vmem>>) target_semaphore(%run_scoped3A_188 : memref<!tpu.dma_semaphore, #tpu.memory_space<semaphore_mem>>)
      %dma_wait3A_196 = arith.constant 0 : i32
      %dma_wait3A_197 = tpu.memref_slice %arg9[%run_scoped3A_149, %dma_wait3A_196] : memref<16x640xf32, #tpu.memory_space<vmem>> -> memref<1x640xf32, #tpu.memory_space<vmem>>
      %dma_wait3A_198 = tpu.memref_squeeze %dma_wait3A_197 : memref<1x640xf32, #tpu.memory_space<vmem>> -> memref<640xf32, #tpu.memory_space<vmem>>
      %dma_wait3A_199 = tpu.memref_slice %arg12[%add3A_148] : memref<163840xf32, #tpu.memory_space<vmem_shared>> -> memref<640xf32, #tpu.memory_space<vmem_shared>>
      %dma_wait3A_200 = arith.constant 0 : i32
      %dma_wait3A_201 = tpu.memref_slice %arg9[%run_scoped3A_149, %dma_wait3A_200] : memref<16x640xf32, #tpu.memory_space<vmem>> -> memref<1x640xf32, #tpu.memory_space<vmem>>
      %dma_wait3A_202 = tpu.memref_squeeze %dma_wait3A_201 : memref<1x640xf32, #tpu.memory_space<vmem>> -> memref<640xf32, #tpu.memory_space<vmem>>
      %dma_wait3A_203 = tpu.memref_slice %arg12[%add3A_148] : memref<163840xf32, #tpu.memory_space<vmem_shared>> -> memref<640xf32, #tpu.memory_space<vmem_shared>>
      tpu.wait_dma2 semaphore(%run_scoped3A_188 : memref<!tpu.dma_semaphore, #tpu.memory_space<semaphore_mem>>) src(%dma_wait3A_203 : memref<640xf32, #tpu.memory_space<vmem_shared>>) dst(%dma_wait3A_202 : memref<640xf32, #tpu.memory_space<vmem>>)
      tpu.yield
    }) : () -> ()
    %mul3A_150 = arith.constant 640 : i32
    %mul3A_151 = arith.muli %arg1, %mul3A_150 : i32
    %add3A_152 = arith.constant 133120 : i32
    %add3A_153 = arith.addi %add3A_152, %mul3A_151 : i32
    %run_scoped3A_154 = arith.constant 13 : i32
    "tpu.region"() ({
      %run_scoped3A_188 = tpu.sem_alloc : memref<!tpu.dma_semaphore, #tpu.memory_space<semaphore_mem>>
      %dma_start3A = arith.constant 0 : i32
      %dma_start3A_189 = tpu.memref_slice %arg8[%run_scoped3A_154, %dma_start3A] : memref<16x640xf32, #tpu.memory_space<vmem>> -> memref<1x640xf32, #tpu.memory_space<vmem>>
      %dma_start3A_190 = tpu.memref_squeeze %dma_start3A_189 : memref<1x640xf32, #tpu.memory_space<vmem>> -> memref<640xf32, #tpu.memory_space<vmem>>
      %dma_start3A_191 = tpu.memref_slice %arg11[%add3A_153] : memref<163840xf32, #tpu.memory_space<vmem_shared>> -> memref<640xf32, #tpu.memory_space<vmem_shared>>
      %dma_start3A_192 = arith.constant 0 : i32
      %dma_start3A_193 = tpu.memref_slice %arg8[%run_scoped3A_154, %dma_start3A_192] : memref<16x640xf32, #tpu.memory_space<vmem>> -> memref<1x640xf32, #tpu.memory_space<vmem>>
      %dma_start3A_194 = tpu.memref_squeeze %dma_start3A_193 : memref<1x640xf32, #tpu.memory_space<vmem>> -> memref<640xf32, #tpu.memory_space<vmem>>
      %dma_start3A_195 = tpu.memref_slice %arg11[%add3A_153] : memref<163840xf32, #tpu.memory_space<vmem_shared>> -> memref<640xf32, #tpu.memory_space<vmem_shared>>
      tpu.enqueue_dma source(%dma_start3A_195 : memref<640xf32, #tpu.memory_space<vmem_shared>>) target(%dma_start3A_194 : memref<640xf32, #tpu.memory_space<vmem>>) target_semaphore(%run_scoped3A_188 : memref<!tpu.dma_semaphore, #tpu.memory_space<semaphore_mem>>)
      %dma_wait3A_196 = arith.constant 0 : i32
      %dma_wait3A_197 = tpu.memref_slice %arg8[%run_scoped3A_154, %dma_wait3A_196] : memref<16x640xf32, #tpu.memory_space<vmem>> -> memref<1x640xf32, #tpu.memory_space<vmem>>
      %dma_wait3A_198 = tpu.memref_squeeze %dma_wait3A_197 : memref<1x640xf32, #tpu.memory_space<vmem>> -> memref<640xf32, #tpu.memory_space<vmem>>
      %dma_wait3A_199 = tpu.memref_slice %arg11[%add3A_153] : memref<163840xf32, #tpu.memory_space<vmem_shared>> -> memref<640xf32, #tpu.memory_space<vmem_shared>>
      %dma_wait3A_200 = arith.constant 0 : i32
      %dma_wait3A_201 = tpu.memref_slice %arg8[%run_scoped3A_154, %dma_wait3A_200] : memref<16x640xf32, #tpu.memory_space<vmem>> -> memref<1x640xf32, #tpu.memory_space<vmem>>
      %dma_wait3A_202 = tpu.memref_squeeze %dma_wait3A_201 : memref<1x640xf32, #tpu.memory_space<vmem>> -> memref<640xf32, #tpu.memory_space<vmem>>
      %dma_wait3A_203 = tpu.memref_slice %arg11[%add3A_153] : memref<163840xf32, #tpu.memory_space<vmem_shared>> -> memref<640xf32, #tpu.memory_space<vmem_shared>>
      tpu.wait_dma2 semaphore(%run_scoped3A_188 : memref<!tpu.dma_semaphore, #tpu.memory_space<semaphore_mem>>) src(%dma_wait3A_203 : memref<640xf32, #tpu.memory_space<vmem_shared>>) dst(%dma_wait3A_202 : memref<640xf32, #tpu.memory_space<vmem>>)
      tpu.yield
    }) : () -> ()
    %mul3A_155 = arith.constant 640 : i32
    %mul3A_156 = arith.muli %arg1, %mul3A_155 : i32
    %add3A_157 = arith.constant 133120 : i32
    %add3A_158 = arith.addi %add3A_157, %mul3A_156 : i32
    %run_scoped3A_159 = arith.constant 13 : i32
    "tpu.region"() ({
      %run_scoped3A_188 = tpu.sem_alloc : memref<!tpu.dma_semaphore, #tpu.memory_space<semaphore_mem>>
      %dma_start3A = arith.constant 0 : i32
      %dma_start3A_189 = tpu.memref_slice %arg9[%run_scoped3A_159, %dma_start3A] : memref<16x640xf32, #tpu.memory_space<vmem>> -> memref<1x640xf32, #tpu.memory_space<vmem>>
      %dma_start3A_190 = tpu.memref_squeeze %dma_start3A_189 : memref<1x640xf32, #tpu.memory_space<vmem>> -> memref<640xf32, #tpu.memory_space<vmem>>
      %dma_start3A_191 = tpu.memref_slice %arg12[%add3A_158] : memref<163840xf32, #tpu.memory_space<vmem_shared>> -> memref<640xf32, #tpu.memory_space<vmem_shared>>
      %dma_start3A_192 = arith.constant 0 : i32
      %dma_start3A_193 = tpu.memref_slice %arg9[%run_scoped3A_159, %dma_start3A_192] : memref<16x640xf32, #tpu.memory_space<vmem>> -> memref<1x640xf32, #tpu.memory_space<vmem>>
      %dma_start3A_194 = tpu.memref_squeeze %dma_start3A_193 : memref<1x640xf32, #tpu.memory_space<vmem>> -> memref<640xf32, #tpu.memory_space<vmem>>
      %dma_start3A_195 = tpu.memref_slice %arg12[%add3A_158] : memref<163840xf32, #tpu.memory_space<vmem_shared>> -> memref<640xf32, #tpu.memory_space<vmem_shared>>
      tpu.enqueue_dma source(%dma_start3A_195 : memref<640xf32, #tpu.memory_space<vmem_shared>>) target(%dma_start3A_194 : memref<640xf32, #tpu.memory_space<vmem>>) target_semaphore(%run_scoped3A_188 : memref<!tpu.dma_semaphore, #tpu.memory_space<semaphore_mem>>)
      %dma_wait3A_196 = arith.constant 0 : i32
      %dma_wait3A_197 = tpu.memref_slice %arg9[%run_scoped3A_159, %dma_wait3A_196] : memref<16x640xf32, #tpu.memory_space<vmem>> -> memref<1x640xf32, #tpu.memory_space<vmem>>
      %dma_wait3A_198 = tpu.memref_squeeze %dma_wait3A_197 : memref<1x640xf32, #tpu.memory_space<vmem>> -> memref<640xf32, #tpu.memory_space<vmem>>
      %dma_wait3A_199 = tpu.memref_slice %arg12[%add3A_158] : memref<163840xf32, #tpu.memory_space<vmem_shared>> -> memref<640xf32, #tpu.memory_space<vmem_shared>>
      %dma_wait3A_200 = arith.constant 0 : i32
      %dma_wait3A_201 = tpu.memref_slice %arg9[%run_scoped3A_159, %dma_wait3A_200] : memref<16x640xf32, #tpu.memory_space<vmem>> -> memref<1x640xf32, #tpu.memory_space<vmem>>
      %dma_wait3A_202 = tpu.memref_squeeze %dma_wait3A_201 : memref<1x640xf32, #tpu.memory_space<vmem>> -> memref<640xf32, #tpu.memory_space<vmem>>
      %dma_wait3A_203 = tpu.memref_slice %arg12[%add3A_158] : memref<163840xf32, #tpu.memory_space<vmem_shared>> -> memref<640xf32, #tpu.memory_space<vmem_shared>>
      tpu.wait_dma2 semaphore(%run_scoped3A_188 : memref<!tpu.dma_semaphore, #tpu.memory_space<semaphore_mem>>) src(%dma_wait3A_203 : memref<640xf32, #tpu.memory_space<vmem_shared>>) dst(%dma_wait3A_202 : memref<640xf32, #tpu.memory_space<vmem>>)
      tpu.yield
    }) : () -> ()
    %mul3A_160 = arith.constant 640 : i32
    %mul3A_161 = arith.muli %arg1, %mul3A_160 : i32
    %add3A_162 = arith.constant 143360 : i32
    %add3A_163 = arith.addi %add3A_162, %mul3A_161 : i32
    %run_scoped3A_164 = arith.constant 14 : i32
    "tpu.region"() ({
      %run_scoped3A_188 = tpu.sem_alloc : memref<!tpu.dma_semaphore, #tpu.memory_space<semaphore_mem>>
      %dma_start3A = arith.constant 0 : i32
      %dma_start3A_189 = tpu.memref_slice %arg8[%run_scoped3A_164, %dma_start3A] : memref<16x640xf32, #tpu.memory_space<vmem>> -> memref<1x640xf32, #tpu.memory_space<vmem>>
      %dma_start3A_190 = tpu.memref_squeeze %dma_start3A_189 : memref<1x640xf32, #tpu.memory_space<vmem>> -> memref<640xf32, #tpu.memory_space<vmem>>
      %dma_start3A_191 = tpu.memref_slice %arg11[%add3A_163] : memref<163840xf32, #tpu.memory_space<vmem_shared>> -> memref<640xf32, #tpu.memory_space<vmem_shared>>
      %dma_start3A_192 = arith.constant 0 : i32
      %dma_start3A_193 = tpu.memref_slice %arg8[%run_scoped3A_164, %dma_start3A_192] : memref<16x640xf32, #tpu.memory_space<vmem>> -> memref<1x640xf32, #tpu.memory_space<vmem>>
      %dma_start3A_194 = tpu.memref_squeeze %dma_start3A_193 : memref<1x640xf32, #tpu.memory_space<vmem>> -> memref<640xf32, #tpu.memory_space<vmem>>
      %dma_start3A_195 = tpu.memref_slice %arg11[%add3A_163] : memref<163840xf32, #tpu.memory_space<vmem_shared>> -> memref<640xf32, #tpu.memory_space<vmem_shared>>
      tpu.enqueue_dma source(%dma_start3A_195 : memref<640xf32, #tpu.memory_space<vmem_shared>>) target(%dma_start3A_194 : memref<640xf32, #tpu.memory_space<vmem>>) target_semaphore(%run_scoped3A_188 : memref<!tpu.dma_semaphore, #tpu.memory_space<semaphore_mem>>)
      %dma_wait3A_196 = arith.constant 0 : i32
      %dma_wait3A_197 = tpu.memref_slice %arg8[%run_scoped3A_164, %dma_wait3A_196] : memref<16x640xf32, #tpu.memory_space<vmem>> -> memref<1x640xf32, #tpu.memory_space<vmem>>
      %dma_wait3A_198 = tpu.memref_squeeze %dma_wait3A_197 : memref<1x640xf32, #tpu.memory_space<vmem>> -> memref<640xf32, #tpu.memory_space<vmem>>
      %dma_wait3A_199 = tpu.memref_slice %arg11[%add3A_163] : memref<163840xf32, #tpu.memory_space<vmem_shared>> -> memref<640xf32, #tpu.memory_space<vmem_shared>>
      %dma_wait3A_200 = arith.constant 0 : i32
      %dma_wait3A_201 = tpu.memref_slice %arg8[%run_scoped3A_164, %dma_wait3A_200] : memref<16x640xf32, #tpu.memory_space<vmem>> -> memref<1x640xf32, #tpu.memory_space<vmem>>
      %dma_wait3A_202 = tpu.memref_squeeze %dma_wait3A_201 : memref<1x640xf32, #tpu.memory_space<vmem>> -> memref<640xf32, #tpu.memory_space<vmem>>
      %dma_wait3A_203 = tpu.memref_slice %arg11[%add3A_163] : memref<163840xf32, #tpu.memory_space<vmem_shared>> -> memref<640xf32, #tpu.memory_space<vmem_shared>>
      tpu.wait_dma2 semaphore(%run_scoped3A_188 : memref<!tpu.dma_semaphore, #tpu.memory_space<semaphore_mem>>) src(%dma_wait3A_203 : memref<640xf32, #tpu.memory_space<vmem_shared>>) dst(%dma_wait3A_202 : memref<640xf32, #tpu.memory_space<vmem>>)
      tpu.yield
    }) : () -> ()
    %mul3A_165 = arith.constant 640 : i32
    %mul3A_166 = arith.muli %arg1, %mul3A_165 : i32
    %add3A_167 = arith.constant 143360 : i32
    %add3A_168 = arith.addi %add3A_167, %mul3A_166 : i32
    %run_scoped3A_169 = arith.constant 14 : i32
    "tpu.region"() ({
      %run_scoped3A_188 = tpu.sem_alloc : memref<!tpu.dma_semaphore, #tpu.memory_space<semaphore_mem>>
      %dma_start3A = arith.constant 0 : i32
      %dma_start3A_189 = tpu.memref_slice %arg9[%run_scoped3A_169, %dma_start3A] : memref<16x640xf32, #tpu.memory_space<vmem>> -> memref<1x640xf32, #tpu.memory_space<vmem>>
      %dma_start3A_190 = tpu.memref_squeeze %dma_start3A_189 : memref<1x640xf32, #tpu.memory_space<vmem>> -> memref<640xf32, #tpu.memory_space<vmem>>
      %dma_start3A_191 = tpu.memref_slice %arg12[%add3A_168] : memref<163840xf32, #tpu.memory_space<vmem_shared>> -> memref<640xf32, #tpu.memory_space<vmem_shared>>
      %dma_start3A_192 = arith.constant 0 : i32
      %dma_start3A_193 = tpu.memref_slice %arg9[%run_scoped3A_169, %dma_start3A_192] : memref<16x640xf32, #tpu.memory_space<vmem>> -> memref<1x640xf32, #tpu.memory_space<vmem>>
      %dma_start3A_194 = tpu.memref_squeeze %dma_start3A_193 : memref<1x640xf32, #tpu.memory_space<vmem>> -> memref<640xf32, #tpu.memory_space<vmem>>
      %dma_start3A_195 = tpu.memref_slice %arg12[%add3A_168] : memref<163840xf32, #tpu.memory_space<vmem_shared>> -> memref<640xf32, #tpu.memory_space<vmem_shared>>
      tpu.enqueue_dma source(%dma_start3A_195 : memref<640xf32, #tpu.memory_space<vmem_shared>>) target(%dma_start3A_194 : memref<640xf32, #tpu.memory_space<vmem>>) target_semaphore(%run_scoped3A_188 : memref<!tpu.dma_semaphore, #tpu.memory_space<semaphore_mem>>)
      %dma_wait3A_196 = arith.constant 0 : i32
      %dma_wait3A_197 = tpu.memref_slice %arg9[%run_scoped3A_169, %dma_wait3A_196] : memref<16x640xf32, #tpu.memory_space<vmem>> -> memref<1x640xf32, #tpu.memory_space<vmem>>
      %dma_wait3A_198 = tpu.memref_squeeze %dma_wait3A_197 : memref<1x640xf32, #tpu.memory_space<vmem>> -> memref<640xf32, #tpu.memory_space<vmem>>
      %dma_wait3A_199 = tpu.memref_slice %arg12[%add3A_168] : memref<163840xf32, #tpu.memory_space<vmem_shared>> -> memref<640xf32, #tpu.memory_space<vmem_shared>>
      %dma_wait3A_200 = arith.constant 0 : i32
      %dma_wait3A_201 = tpu.memref_slice %arg9[%run_scoped3A_169, %dma_wait3A_200] : memref<16x640xf32, #tpu.memory_space<vmem>> -> memref<1x640xf32, #tpu.memory_space<vmem>>
      %dma_wait3A_202 = tpu.memref_squeeze %dma_wait3A_201 : memref<1x640xf32, #tpu.memory_space<vmem>> -> memref<640xf32, #tpu.memory_space<vmem>>
      %dma_wait3A_203 = tpu.memref_slice %arg12[%add3A_168] : memref<163840xf32, #tpu.memory_space<vmem_shared>> -> memref<640xf32, #tpu.memory_space<vmem_shared>>
      tpu.wait_dma2 semaphore(%run_scoped3A_188 : memref<!tpu.dma_semaphore, #tpu.memory_space<semaphore_mem>>) src(%dma_wait3A_203 : memref<640xf32, #tpu.memory_space<vmem_shared>>) dst(%dma_wait3A_202 : memref<640xf32, #tpu.memory_space<vmem>>)
      tpu.yield
    }) : () -> ()
    %mul3A_170 = arith.constant 640 : i32
    %mul3A_171 = arith.muli %arg1, %mul3A_170 : i32
    %add3A_172 = arith.constant 153600 : i32
    %add3A_173 = arith.addi %add3A_172, %mul3A_171 : i32
    %run_scoped3A_174 = arith.constant 15 : i32
    "tpu.region"() ({
      %run_scoped3A_188 = tpu.sem_alloc : memref<!tpu.dma_semaphore, #tpu.memory_space<semaphore_mem>>
      %dma_start3A = arith.constant 0 : i32
      %dma_start3A_189 = tpu.memref_slice %arg8[%run_scoped3A_174, %dma_start3A] : memref<16x640xf32, #tpu.memory_space<vmem>> -> memref<1x640xf32, #tpu.memory_space<vmem>>
      %dma_start3A_190 = tpu.memref_squeeze %dma_start3A_189 : memref<1x640xf32, #tpu.memory_space<vmem>> -> memref<640xf32, #tpu.memory_space<vmem>>
      %dma_start3A_191 = tpu.memref_slice %arg11[%add3A_173] : memref<163840xf32, #tpu.memory_space<vmem_shared>> -> memref<640xf32, #tpu.memory_space<vmem_shared>>
      %dma_start3A_192 = arith.constant 0 : i32
      %dma_start3A_193 = tpu.memref_slice %arg8[%run_scoped3A_174, %dma_start3A_192] : memref<16x640xf32, #tpu.memory_space<vmem>> -> memref<1x640xf32, #tpu.memory_space<vmem>>
      %dma_start3A_194 = tpu.memref_squeeze %dma_start3A_193 : memref<1x640xf32, #tpu.memory_space<vmem>> -> memref<640xf32, #tpu.memory_space<vmem>>
      %dma_start3A_195 = tpu.memref_slice %arg11[%add3A_173] : memref<163840xf32, #tpu.memory_space<vmem_shared>> -> memref<640xf32, #tpu.memory_space<vmem_shared>>
      tpu.enqueue_dma source(%dma_start3A_195 : memref<640xf32, #tpu.memory_space<vmem_shared>>) target(%dma_start3A_194 : memref<640xf32, #tpu.memory_space<vmem>>) target_semaphore(%run_scoped3A_188 : memref<!tpu.dma_semaphore, #tpu.memory_space<semaphore_mem>>)
      %dma_wait3A_196 = arith.constant 0 : i32
      %dma_wait3A_197 = tpu.memref_slice %arg8[%run_scoped3A_174, %dma_wait3A_196] : memref<16x640xf32, #tpu.memory_space<vmem>> -> memref<1x640xf32, #tpu.memory_space<vmem>>
      %dma_wait3A_198 = tpu.memref_squeeze %dma_wait3A_197 : memref<1x640xf32, #tpu.memory_space<vmem>> -> memref<640xf32, #tpu.memory_space<vmem>>
      %dma_wait3A_199 = tpu.memref_slice %arg11[%add3A_173] : memref<163840xf32, #tpu.memory_space<vmem_shared>> -> memref<640xf32, #tpu.memory_space<vmem_shared>>
      %dma_wait3A_200 = arith.constant 0 : i32
      %dma_wait3A_201 = tpu.memref_slice %arg8[%run_scoped3A_174, %dma_wait3A_200] : memref<16x640xf32, #tpu.memory_space<vmem>> -> memref<1x640xf32, #tpu.memory_space<vmem>>
      %dma_wait3A_202 = tpu.memref_squeeze %dma_wait3A_201 : memref<1x640xf32, #tpu.memory_space<vmem>> -> memref<640xf32, #tpu.memory_space<vmem>>
      %dma_wait3A_203 = tpu.memref_slice %arg11[%add3A_173] : memref<163840xf32, #tpu.memory_space<vmem_shared>> -> memref<640xf32, #tpu.memory_space<vmem_shared>>
      tpu.wait_dma2 semaphore(%run_scoped3A_188 : memref<!tpu.dma_semaphore, #tpu.memory_space<semaphore_mem>>) src(%dma_wait3A_203 : memref<640xf32, #tpu.memory_space<vmem_shared>>) dst(%dma_wait3A_202 : memref<640xf32, #tpu.memory_space<vmem>>)
      tpu.yield
    }) : () -> ()
    %mul3A_175 = arith.constant 640 : i32
    %mul3A_176 = arith.muli %arg1, %mul3A_175 : i32
    %add3A_177 = arith.constant 153600 : i32
    %add3A_178 = arith.addi %add3A_177, %mul3A_176 : i32
    %run_scoped3A_179 = arith.constant 15 : i32
    "tpu.region"() ({
      %run_scoped3A_188 = tpu.sem_alloc : memref<!tpu.dma_semaphore, #tpu.memory_space<semaphore_mem>>
      %dma_start3A = arith.constant 0 : i32
      %dma_start3A_189 = tpu.memref_slice %arg9[%run_scoped3A_179, %dma_start3A] : memref<16x640xf32, #tpu.memory_space<vmem>> -> memref<1x640xf32, #tpu.memory_space<vmem>>
      %dma_start3A_190 = tpu.memref_squeeze %dma_start3A_189 : memref<1x640xf32, #tpu.memory_space<vmem>> -> memref<640xf32, #tpu.memory_space<vmem>>
      %dma_start3A_191 = tpu.memref_slice %arg12[%add3A_178] : memref<163840xf32, #tpu.memory_space<vmem_shared>> -> memref<640xf32, #tpu.memory_space<vmem_shared>>
      %dma_start3A_192 = arith.constant 0 : i32
      %dma_start3A_193 = tpu.memref_slice %arg9[%run_scoped3A_179, %dma_start3A_192] : memref<16x640xf32, #tpu.memory_space<vmem>> -> memref<1x640xf32, #tpu.memory_space<vmem>>
      %dma_start3A_194 = tpu.memref_squeeze %dma_start3A_193 : memref<1x640xf32, #tpu.memory_space<vmem>> -> memref<640xf32, #tpu.memory_space<vmem>>
      %dma_start3A_195 = tpu.memref_slice %arg12[%add3A_178] : memref<163840xf32, #tpu.memory_space<vmem_shared>> -> memref<640xf32, #tpu.memory_space<vmem_shared>>
      tpu.enqueue_dma source(%dma_start3A_195 : memref<640xf32, #tpu.memory_space<vmem_shared>>) target(%dma_start3A_194 : memref<640xf32, #tpu.memory_space<vmem>>) target_semaphore(%run_scoped3A_188 : memref<!tpu.dma_semaphore, #tpu.memory_space<semaphore_mem>>)
      %dma_wait3A_196 = arith.constant 0 : i32
      %dma_wait3A_197 = tpu.memref_slice %arg9[%run_scoped3A_179, %dma_wait3A_196] : memref<16x640xf32, #tpu.memory_space<vmem>> -> memref<1x640xf32, #tpu.memory_space<vmem>>
      %dma_wait3A_198 = tpu.memref_squeeze %dma_wait3A_197 : memref<1x640xf32, #tpu.memory_space<vmem>> -> memref<640xf32, #tpu.memory_space<vmem>>
      %dma_wait3A_199 = tpu.memref_slice %arg12[%add3A_178] : memref<163840xf32, #tpu.memory_space<vmem_shared>> -> memref<640xf32, #tpu.memory_space<vmem_shared>>
      %dma_wait3A_200 = arith.constant 0 : i32
      %dma_wait3A_201 = tpu.memref_slice %arg9[%run_scoped3A_179, %dma_wait3A_200] : memref<16x640xf32, #tpu.memory_space<vmem>> -> memref<1x640xf32, #tpu.memory_space<vmem>>
      %dma_wait3A_202 = tpu.memref_squeeze %dma_wait3A_201 : memref<1x640xf32, #tpu.memory_space<vmem>> -> memref<640xf32, #tpu.memory_space<vmem>>
      %dma_wait3A_203 = tpu.memref_slice %arg12[%add3A_178] : memref<163840xf32, #tpu.memory_space<vmem_shared>> -> memref<640xf32, #tpu.memory_space<vmem_shared>>
      tpu.wait_dma2 semaphore(%run_scoped3A_188 : memref<!tpu.dma_semaphore, #tpu.memory_space<semaphore_mem>>) src(%dma_wait3A_203 : memref<640xf32, #tpu.memory_space<vmem_shared>>) dst(%dma_wait3A_202 : memref<640xf32, #tpu.memory_space<vmem>>)
      tpu.yield
    }) : () -> ()
    %scan3A_180 = arith.constant 0 : i32
    %scan3A_181 = arith.constant 0 : i32
    %scan3A_182 = arith.constant 40 : i32
    %scan3A_183 = arith.addi %scan3A_181, %scan3A_182 : i32
    %scan3A_184 = arith.constant 1 : i32
    scf.for %scan3A_188 = %scan3A_181 to %scan3A_183 step %scan3A_184  : i32 {
      %mul3A_189 = arith.constant 16 : i32
      %mul3A_190 = arith.muli %scan3A_188, %mul3A_189 : i32
      %get3A = arith.constant 0 : i32
      %get3A_191 = arith.index_cast %get3A : i32 to index
      %get3A_192 = arith.index_cast %mul3A_190 : i32 to index
      %get3A_193 = tpu.vector_load %arg8[%get3A_191, %get3A_192] {strides = array<i32>} : memref<16x640xf32, #tpu.memory_space<vmem>>, vector<1x16xf32>,
      %get3A_194 = vector.shape_cast %get3A_193 : vector<1x16xf32> to vector<16xf32>
      %mul3A_195 = arith.constant 16 : i32
      %mul3A_196 = arith.muli %scan3A_188, %mul3A_195 : i32
      %get3A_197 = arith.constant 0 : i32
      %get3A_198 = arith.index_cast %get3A_197 : i32 to index
      %get3A_199 = arith.index_cast %mul3A_196 : i32 to index
      %get3A_200 = tpu.vector_load %arg9[%get3A_198, %get3A_199] {strides = array<i32>} : memref<16x640xf32, #tpu.memory_space<vmem>>, vector<1x16xf32>,
      %get3A_201 = vector.shape_cast %get3A_200 : vector<1x16xf32> to vector<16xf32>
      %add3A_202 = arith.addf %get3A_194, %get3A_201 : vector<16xf32>
      %mul3A_203 = arith.constant 16 : i32
      %mul3A_204 = arith.muli %scan3A_188, %mul3A_203 : i32
      %get3A_205 = arith.constant 1 : i32
      %get3A_206 = arith.index_cast %get3A_205 : i32 to index
      %get3A_207 = arith.index_cast %mul3A_204 : i32 to index
      %get3A_208 = tpu.vector_load %arg8[%get3A_206, %get3A_207] {strides = array<i32>} : memref<16x640xf32, #tpu.memory_space<vmem>>, vector<1x16xf32>,
      %get3A_209 = vector.shape_cast %get3A_208 : vector<1x16xf32> to vector<16xf32>
      %add3A_210 = arith.addf %add3A_202, %get3A_209 : vector<16xf32>
      %mul3A_211 = arith.constant 16 : i32
      %mul3A_212 = arith.muli %scan3A_188, %mul3A_211 : i32
      %get3A_213 = arith.constant 1 : i32
      %get3A_214 = arith.index_cast %get3A_213 : i32 to index
      %get3A_215 = arith.index_cast %mul3A_212 : i32 to index
      %get3A_216 = tpu.vector_load %arg9[%get3A_214, %get3A_215] {strides = array<i32>} : memref<16x640xf32, #tpu.memory_space<vmem>>, vector<1x16xf32>,
      %get3A_217 = vector.shape_cast %get3A_216 : vector<1x16xf32> to vector<16xf32>
      %add3A_218 = arith.addf %add3A_210, %get3A_217 : vector<16xf32>
      %mul3A_219 = arith.constant 16 : i32
      %mul3A_220 = arith.muli %scan3A_188, %mul3A_219 : i32
      %get3A_221 = arith.constant 2 : i32
      %get3A_222 = arith.index_cast %get3A_221 : i32 to index
      %get3A_223 = arith.index_cast %mul3A_220 : i32 to index
      %get3A_224 = tpu.vector_load %arg8[%get3A_222, %get3A_223] {strides = array<i32>} : memref<16x640xf32, #tpu.memory_space<vmem>>, vector<1x16xf32>,
      %get3A_225 = vector.shape_cast %get3A_224 : vector<1x16xf32> to vector<16xf32>
      %add3A_226 = arith.addf %add3A_218, %get3A_225 : vector<16xf32>
      %mul3A_227 = arith.constant 16 : i32
      %mul3A_228 = arith.muli %scan3A_188, %mul3A_227 : i32
      %get3A_229 = arith.constant 2 : i32
      %get3A_230 = arith.index_cast %get3A_229 : i32 to index
      %get3A_231 = arith.index_cast %mul3A_228 : i32 to index
      %get3A_232 = tpu.vector_load %arg9[%get3A_230, %get3A_231] {strides = array<i32>} : memref<16x640xf32, #tpu.memory_space<vmem>>, vector<1x16xf32>,
      %get3A_233 = vector.shape_cast %get3A_232 : vector<1x16xf32> to vector<16xf32>
      %add3A_234 = arith.addf %add3A_226, %get3A_233 : vector<16xf32>
      %mul3A_235 = arith.constant 16 : i32
      %mul3A_236 = arith.muli %scan3A_188, %mul3A_235 : i32
      %get3A_237 = arith.constant 3 : i32
      %get3A_238 = arith.index_cast %get3A_237 : i32 to index
      %get3A_239 = arith.index_cast %mul3A_236 : i32 to index
      %get3A_240 = tpu.vector_load %arg8[%get3A_238, %get3A_239] {strides = array<i32>} : memref<16x640xf32, #tpu.memory_space<vmem>>, vector<1x16xf32>,
      %get3A_241 = vector.shape_cast %get3A_240 : vector<1x16xf32> to vector<16xf32>
      %add3A_242 = arith.addf %add3A_234, %get3A_241 : vector<16xf32>
      %mul3A_243 = arith.constant 16 : i32
      %mul3A_244 = arith.muli %scan3A_188, %mul3A_243 : i32
      %get3A_245 = arith.constant 3 : i32
      %get3A_246 = arith.index_cast %get3A_245 : i32 to index
      %get3A_247 = arith.index_cast %mul3A_244 : i32 to index
      %get3A_248 = tpu.vector_load %arg9[%get3A_246, %get3A_247] {strides = array<i32>} : memref<16x640xf32, #tpu.memory_space<vmem>>, vector<1x16xf32>,
      %get3A_249 = vector.shape_cast %get3A_248 : vector<1x16xf32> to vector<16xf32>
      %add3A_250 = arith.addf %add3A_242, %get3A_249 : vector<16xf32>
      %mul3A_251 = arith.constant 16 : i32
      %mul3A_252 = arith.muli %scan3A_188, %mul3A_251 : i32
      %get3A_253 = arith.constant 4 : i32
      %get3A_254 = arith.index_cast %get3A_253 : i32 to index
      %get3A_255 = arith.index_cast %mul3A_252 : i32 to index
      %get3A_256 = tpu.vector_load %arg8[%get3A_254, %get3A_255] {strides = array<i32>} : memref<16x640xf32, #tpu.memory_space<vmem>>, vector<1x16xf32>,
      %get3A_257 = vector.shape_cast %get3A_256 : vector<1x16xf32> to vector<16xf32>
      %add3A_258 = arith.addf %add3A_250, %get3A_257 : vector<16xf32>
      %mul3A_259 = arith.constant 16 : i32
      %mul3A_260 = arith.muli %scan3A_188, %mul3A_259 : i32
      %get3A_261 = arith.constant 4 : i32
      %get3A_262 = arith.index_cast %get3A_261 : i32 to index
      %get3A_263 = arith.index_cast %mul3A_260 : i32 to index
      %get3A_264 = tpu.vector_load %arg9[%get3A_262, %get3A_263] {strides = array<i32>} : memref<16x640xf32, #tpu.memory_space<vmem>>, vector<1x16xf32>,
      %get3A_265 = vector.shape_cast %get3A_264 : vector<1x16xf32> to vector<16xf32>
      %add3A_266 = arith.addf %add3A_258, %get3A_265 : vector<16xf32>
      %mul3A_267 = arith.constant 16 : i32
      %mul3A_268 = arith.muli %scan3A_188, %mul3A_267 : i32
      %get3A_269 = arith.constant 5 : i32
      %get3A_270 = arith.index_cast %get3A_269 : i32 to index
      %get3A_271 = arith.index_cast %mul3A_268 : i32 to index
      %get3A_272 = tpu.vector_load %arg8[%get3A_270, %get3A_271] {strides = array<i32>} : memref<16x640xf32, #tpu.memory_space<vmem>>, vector<1x16xf32>,
      %get3A_273 = vector.shape_cast %get3A_272 : vector<1x16xf32> to vector<16xf32>
      %add3A_274 = arith.addf %add3A_266, %get3A_273 : vector<16xf32>
      %mul3A_275 = arith.constant 16 : i32
      %mul3A_276 = arith.muli %scan3A_188, %mul3A_275 : i32
      %get3A_277 = arith.constant 5 : i32
      %get3A_278 = arith.index_cast %get3A_277 : i32 to index
      %get3A_279 = arith.index_cast %mul3A_276 : i32 to index
      %get3A_280 = tpu.vector_load %arg9[%get3A_278, %get3A_279] {strides = array<i32>} : memref<16x640xf32, #tpu.memory_space<vmem>>, vector<1x16xf32>,
      %get3A_281 = vector.shape_cast %get3A_280 : vector<1x16xf32> to vector<16xf32>
      %add3A_282 = arith.addf %add3A_274, %get3A_281 : vector<16xf32>
      %mul3A_283 = arith.constant 16 : i32
      %mul3A_284 = arith.muli %scan3A_188, %mul3A_283 : i32
      %get3A_285 = arith.constant 6 : i32
      %get3A_286 = arith.index_cast %get3A_285 : i32 to index
      %get3A_287 = arith.index_cast %mul3A_284 : i32 to index
      %get3A_288 = tpu.vector_load %arg8[%get3A_286, %get3A_287] {strides = array<i32>} : memref<16x640xf32, #tpu.memory_space<vmem>>, vector<1x16xf32>,
      %get3A_289 = vector.shape_cast %get3A_288 : vector<1x16xf32> to vector<16xf32>
      %add3A_290 = arith.addf %add3A_282, %get3A_289 : vector<16xf32>
      %mul3A_291 = arith.constant 16 : i32
      %mul3A_292 = arith.muli %scan3A_188, %mul3A_291 : i32
      %get3A_293 = arith.constant 6 : i32
      %get3A_294 = arith.index_cast %get3A_293 : i32 to index
      %get3A_295 = arith.index_cast %mul3A_292 : i32 to index
      %get3A_296 = tpu.vector_load %arg9[%get3A_294, %get3A_295] {strides = array<i32>} : memref<16x640xf32, #tpu.memory_space<vmem>>, vector<1x16xf32>,
      %get3A_297 = vector.shape_cast %get3A_296 : vector<1x16xf32> to vector<16xf32>
      %add3A_298 = arith.addf %add3A_290, %get3A_297 : vector<16xf32>
      %mul3A_299 = arith.constant 16 : i32
      %mul3A_300 = arith.muli %scan3A_188, %mul3A_299 : i32
      %get3A_301 = arith.constant 7 : i32
      %get3A_302 = arith.index_cast %get3A_301 : i32 to index
      %get3A_303 = arith.index_cast %mul3A_300 : i32 to index
      %get3A_304 = tpu.vector_load %arg8[%get3A_302, %get3A_303] {strides = array<i32>} : memref<16x640xf32, #tpu.memory_space<vmem>>, vector<1x16xf32>,
      %get3A_305 = vector.shape_cast %get3A_304 : vector<1x16xf32> to vector<16xf32>
      %add3A_306 = arith.addf %add3A_298, %get3A_305 : vector<16xf32>
      %mul3A_307 = arith.constant 16 : i32
      %mul3A_308 = arith.muli %scan3A_188, %mul3A_307 : i32
      %get3A_309 = arith.constant 7 : i32
      %get3A_310 = arith.index_cast %get3A_309 : i32 to index
      %get3A_311 = arith.index_cast %mul3A_308 : i32 to index
      %get3A_312 = tpu.vector_load %arg9[%get3A_310, %get3A_311] {strides = array<i32>} : memref<16x640xf32, #tpu.memory_space<vmem>>, vector<1x16xf32>,
      %get3A_313 = vector.shape_cast %get3A_312 : vector<1x16xf32> to vector<16xf32>
      %add3A_314 = arith.addf %add3A_306, %get3A_313 : vector<16xf32>
      %mul3A_315 = arith.constant 16 : i32
      %mul3A_316 = arith.muli %scan3A_188, %mul3A_315 : i32
      %get3A_317 = arith.constant 8 : i32
      %get3A_318 = arith.index_cast %get3A_317 : i32 to index
      %get3A_319 = arith.index_cast %mul3A_316 : i32 to index
      %get3A_320 = tpu.vector_load %arg8[%get3A_318, %get3A_319] {strides = array<i32>} : memref<16x640xf32, #tpu.memory_space<vmem>>, vector<1x16xf32>,
      %get3A_321 = vector.shape_cast %get3A_320 : vector<1x16xf32> to vector<16xf32>
      %add3A_322 = arith.addf %add3A_314, %get3A_321 : vector<16xf32>
      %mul3A_323 = arith.constant 16 : i32
      %mul3A_324 = arith.muli %scan3A_188, %mul3A_323 : i32
      %get3A_325 = arith.constant 8 : i32
      %get3A_326 = arith.index_cast %get3A_325 : i32 to index
      %get3A_327 = arith.index_cast %mul3A_324 : i32 to index
      %get3A_328 = tpu.vector_load %arg9[%get3A_326, %get3A_327] {strides = array<i32>} : memref<16x640xf32, #tpu.memory_space<vmem>>, vector<1x16xf32>,
      %get3A_329 = vector.shape_cast %get3A_328 : vector<1x16xf32> to vector<16xf32>
      %add3A_330 = arith.addf %add3A_322, %get3A_329 : vector<16xf32>
      %mul3A_331 = arith.constant 16 : i32
      %mul3A_332 = arith.muli %scan3A_188, %mul3A_331 : i32
      %get3A_333 = arith.constant 9 : i32
      %get3A_334 = arith.index_cast %get3A_333 : i32 to index
      %get3A_335 = arith.index_cast %mul3A_332 : i32 to index
      %get3A_336 = tpu.vector_load %arg8[%get3A_334, %get3A_335] {strides = array<i32>} : memref<16x640xf32, #tpu.memory_space<vmem>>, vector<1x16xf32>,
      %get3A_337 = vector.shape_cast %get3A_336 : vector<1x16xf32> to vector<16xf32>
      %add3A_338 = arith.addf %add3A_330, %get3A_337 : vector<16xf32>
      %mul3A_339 = arith.constant 16 : i32
      %mul3A_340 = arith.muli %scan3A_188, %mul3A_339 : i32
      %get3A_341 = arith.constant 9 : i32
      %get3A_342 = arith.index_cast %get3A_341 : i32 to index
      %get3A_343 = arith.index_cast %mul3A_340 : i32 to index
      %get3A_344 = tpu.vector_load %arg9[%get3A_342, %get3A_343] {strides = array<i32>} : memref<16x640xf32, #tpu.memory_space<vmem>>, vector<1x16xf32>,
      %get3A_345 = vector.shape_cast %get3A_344 : vector<1x16xf32> to vector<16xf32>
      %add3A_346 = arith.addf %add3A_338, %get3A_345 : vector<16xf32>
      %mul3A_347 = arith.constant 16 : i32
      %mul3A_348 = arith.muli %scan3A_188, %mul3A_347 : i32
      %get3A_349 = arith.constant 10 : i32
      %get3A_350 = arith.index_cast %get3A_349 : i32 to index
      %get3A_351 = arith.index_cast %mul3A_348 : i32 to index
      %get3A_352 = tpu.vector_load %arg8[%get3A_350, %get3A_351] {strides = array<i32>} : memref<16x640xf32, #tpu.memory_space<vmem>>, vector<1x16xf32>,
      %get3A_353 = vector.shape_cast %get3A_352 : vector<1x16xf32> to vector<16xf32>
      %add3A_354 = arith.addf %add3A_346, %get3A_353 : vector<16xf32>
      %mul3A_355 = arith.constant 16 : i32
      %mul3A_356 = arith.muli %scan3A_188, %mul3A_355 : i32
      %get3A_357 = arith.constant 10 : i32
      %get3A_358 = arith.index_cast %get3A_357 : i32 to index
      %get3A_359 = arith.index_cast %mul3A_356 : i32 to index
      %get3A_360 = tpu.vector_load %arg9[%get3A_358, %get3A_359] {strides = array<i32>} : memref<16x640xf32, #tpu.memory_space<vmem>>, vector<1x16xf32>,
      %get3A_361 = vector.shape_cast %get3A_360 : vector<1x16xf32> to vector<16xf32>
      %add3A_362 = arith.addf %add3A_354, %get3A_361 : vector<16xf32>
      %mul3A_363 = arith.constant 16 : i32
      %mul3A_364 = arith.muli %scan3A_188, %mul3A_363 : i32
      %get3A_365 = arith.constant 11 : i32
      %get3A_366 = arith.index_cast %get3A_365 : i32 to index
      %get3A_367 = arith.index_cast %mul3A_364 : i32 to index
      %get3A_368 = tpu.vector_load %arg8[%get3A_366, %get3A_367] {strides = array<i32>} : memref<16x640xf32, #tpu.memory_space<vmem>>, vector<1x16xf32>,
      %get3A_369 = vector.shape_cast %get3A_368 : vector<1x16xf32> to vector<16xf32>
      %add3A_370 = arith.addf %add3A_362, %get3A_369 : vector<16xf32>
      %mul3A_371 = arith.constant 16 : i32
      %mul3A_372 = arith.muli %scan3A_188, %mul3A_371 : i32
      %get3A_373 = arith.constant 11 : i32
      %get3A_374 = arith.index_cast %get3A_373 : i32 to index
      %get3A_375 = arith.index_cast %mul3A_372 : i32 to index
      %get3A_376 = tpu.vector_load %arg9[%get3A_374, %get3A_375] {strides = array<i32>} : memref<16x640xf32, #tpu.memory_space<vmem>>, vector<1x16xf32>,
      %get3A_377 = vector.shape_cast %get3A_376 : vector<1x16xf32> to vector<16xf32>
      %add3A_378 = arith.addf %add3A_370, %get3A_377 : vector<16xf32>
      %mul3A_379 = arith.constant 16 : i32
      %mul3A_380 = arith.muli %scan3A_188, %mul3A_379 : i32
      %get3A_381 = arith.constant 12 : i32
      %get3A_382 = arith.index_cast %get3A_381 : i32 to index
      %get3A_383 = arith.index_cast %mul3A_380 : i32 to index
      %get3A_384 = tpu.vector_load %arg8[%get3A_382, %get3A_383] {strides = array<i32>} : memref<16x640xf32, #tpu.memory_space<vmem>>, vector<1x16xf32>,
      %get3A_385 = vector.shape_cast %get3A_384 : vector<1x16xf32> to vector<16xf32>
      %add3A_386 = arith.addf %add3A_378, %get3A_385 : vector<16xf32>
      %mul3A_387 = arith.constant 16 : i32
      %mul3A_388 = arith.muli %scan3A_188, %mul3A_387 : i32
      %get3A_389 = arith.constant 12 : i32
      %get3A_390 = arith.index_cast %get3A_389 : i32 to index
      %get3A_391 = arith.index_cast %mul3A_388 : i32 to index
      %get3A_392 = tpu.vector_load %arg9[%get3A_390, %get3A_391] {strides = array<i32>} : memref<16x640xf32, #tpu.memory_space<vmem>>, vector<1x16xf32>,
      %get3A_393 = vector.shape_cast %get3A_392 : vector<1x16xf32> to vector<16xf32>
      %add3A_394 = arith.addf %add3A_386, %get3A_393 : vector<16xf32>
      %mul3A_395 = arith.constant 16 : i32
      %mul3A_396 = arith.muli %scan3A_188, %mul3A_395 : i32
      %get3A_397 = arith.constant 13 : i32
      %get3A_398 = arith.index_cast %get3A_397 : i32 to index
      %get3A_399 = arith.index_cast %mul3A_396 : i32 to index
      %get3A_400 = tpu.vector_load %arg8[%get3A_398, %get3A_399] {strides = array<i32>} : memref<16x640xf32, #tpu.memory_space<vmem>>, vector<1x16xf32>,
      %get3A_401 = vector.shape_cast %get3A_400 : vector<1x16xf32> to vector<16xf32>
      %add3A_402 = arith.addf %add3A_394, %get3A_401 : vector<16xf32>
      %mul3A_403 = arith.constant 16 : i32
      %mul3A_404 = arith.muli %scan3A_188, %mul3A_403 : i32
      %get3A_405 = arith.constant 13 : i32
      %get3A_406 = arith.index_cast %get3A_405 : i32 to index
      %get3A_407 = arith.index_cast %mul3A_404 : i32 to index
      %get3A_408 = tpu.vector_load %arg9[%get3A_406, %get3A_407] {strides = array<i32>} : memref<16x640xf32, #tpu.memory_space<vmem>>, vector<1x16xf32>,
      %get3A_409 = vector.shape_cast %get3A_408 : vector<1x16xf32> to vector<16xf32>
      %add3A_410 = arith.addf %add3A_402, %get3A_409 : vector<16xf32>
      %mul3A_411 = arith.constant 16 : i32
      %mul3A_412 = arith.muli %scan3A_188, %mul3A_411 : i32
      %get3A_413 = arith.constant 14 : i32
      %get3A_414 = arith.index_cast %get3A_413 : i32 to index
      %get3A_415 = arith.index_cast %mul3A_412 : i32 to index
      %get3A_416 = tpu.vector_load %arg8[%get3A_414, %get3A_415] {strides = array<i32>} : memref<16x640xf32, #tpu.memory_space<vmem>>, vector<1x16xf32>,
      %get3A_417 = vector.shape_cast %get3A_416 : vector<1x16xf32> to vector<16xf32>
      %add3A_418 = arith.addf %add3A_410, %get3A_417 : vector<16xf32>
      %mul3A_419 = arith.constant 16 : i32
      %mul3A_420 = arith.muli %scan3A_188, %mul3A_419 : i32
      %get3A_421 = arith.constant 14 : i32
      %get3A_422 = arith.index_cast %get3A_421 : i32 to index
      %get3A_423 = arith.index_cast %mul3A_420 : i32 to index
      %get3A_424 = tpu.vector_load %arg9[%get3A_422, %get3A_423] {strides = array<i32>} : memref<16x640xf32, #tpu.memory_space<vmem>>, vector<1x16xf32>,
      %get3A_425 = vector.shape_cast %get3A_424 : vector<1x16xf32> to vector<16xf32>
      %add3A_426 = arith.addf %add3A_418, %get3A_425 : vector<16xf32>
      %mul3A_427 = arith.constant 16 : i32
      %mul3A_428 = arith.muli %scan3A_188, %mul3A_427 : i32
      %get3A_429 = arith.constant 15 : i32
      %get3A_430 = arith.index_cast %get3A_429 : i32 to index
      %get3A_431 = arith.index_cast %mul3A_428 : i32 to index
      %get3A_432 = tpu.vector_load %arg8[%get3A_430, %get3A_431] {strides = array<i32>} : memref<16x640xf32, #tpu.memory_space<vmem>>, vector<1x16xf32>,
      %get3A_433 = vector.shape_cast %get3A_432 : vector<1x16xf32> to vector<16xf32>
      %add3A_434 = arith.addf %add3A_426, %get3A_433 : vector<16xf32>
      %mul3A_435 = arith.constant 16 : i32
      %mul3A_436 = arith.muli %scan3A_188, %mul3A_435 : i32
      %get3A_437 = arith.constant 15 : i32
      %get3A_438 = arith.index_cast %get3A_437 : i32 to index
      %get3A_439 = arith.index_cast %mul3A_436 : i32 to index
      %get3A_440 = tpu.vector_load %arg9[%get3A_438, %get3A_439] {strides = array<i32>} : memref<16x640xf32, #tpu.memory_space<vmem>>, vector<1x16xf32>,
      %get3A_441 = vector.shape_cast %get3A_440 : vector<1x16xf32> to vector<16xf32>
      %add3A_442 = arith.addf %add3A_434, %get3A_441 : vector<16xf32>
      %mul3A_443 = arith.constant 16 : i32
      %mul3A_444 = arith.muli %scan3A_188, %mul3A_443 : i32
      %swap3A = arith.index_cast %mul3A_444 : i32 to index
      %swap3A_445 = tpu.vector_load %arg10[%swap3A] {strides = array<i32>} : memref<640xf32, #tpu.memory_space<vmem>>, vector<16xf32>,
      %swap3A_446 = vector.shape_cast %swap3A_445 : vector<16xf32> to vector<16xf32>
      %swap3A_447 = vector.shape_cast %add3A_442 : vector<16xf32> to vector<16xf32>
      tpu.vector_store %arg10[%swap3A], %swap3A_447 {strides = array<i32>} : memref<640xf32, #tpu.memory_space<vmem>>, vector<16xf32>,
    }
    %scan3A_185 = arith.constant 40 : i32
    %mul3A_186 = arith.constant 640 : i32
    %mul3A_187 = arith.muli %arg1, %mul3A_186 : i32
    "tpu.region"() ({
      %run_scoped3A_188 = tpu.sem_alloc : memref<!tpu.dma_semaphore, #tpu.memory_space<semaphore_mem>>
      %dma_start3A = tpu.memref_slice %arg5[%arg0, %mul3A_187] : memref<2x10240xf32, #tpu.memory_space<hbm>> -> memref<1x640xf32, #tpu.memory_space<hbm>>
      %dma_start3A_189 = tpu.memref_squeeze %dma_start3A : memref<1x640xf32, #tpu.memory_space<hbm>> -> memref<640xf32, #tpu.memory_space<hbm>>
      %dma_start3A_190 = tpu.memref_slice %arg5[%arg0, %mul3A_187] : memref<2x10240xf32, #tpu.memory_space<hbm>> -> memref<1x640xf32, #tpu.memory_space<hbm>>
      %dma_start3A_191 = tpu.memref_squeeze %dma_start3A_190 : memref<1x640xf32, #tpu.memory_space<hbm>> -> memref<640xf32, #tpu.memory_space<hbm>>
      tpu.enqueue_dma source(%arg10 : memref<640xf32, #tpu.memory_space<vmem>>) target(%dma_start3A_191 : memref<640xf32, #tpu.memory_space<hbm>>) target_semaphore(%run_scoped3A_188 : memref<!tpu.dma_semaphore, #tpu.memory_space<semaphore_mem>>)
      %dma_wait3A_192 = tpu.memref_slice %arg5[%arg0, %mul3A_187] : memref<2x10240xf32, #tpu.memory_space<hbm>> -> memref<1x640xf32, #tpu.memory_space<hbm>>
      %dma_wait3A_193 = tpu.memref_squeeze %dma_wait3A_192 : memref<1x640xf32, #tpu.memory_space<hbm>> -> memref<640xf32, #tpu.memory_space<hbm>>
      %dma_wait3A_194 = tpu.memref_slice %arg5[%arg0, %mul3A_187] : memref<2x10240xf32, #tpu.memory_space<hbm>> -> memref<1x640xf32, #tpu.memory_space<hbm>>
      %dma_wait3A_195 = tpu.memref_squeeze %dma_wait3A_194 : memref<1x640xf32, #tpu.memory_space<hbm>> -> memref<640xf32, #tpu.memory_space<hbm>>
      tpu.wait_dma2 semaphore(%run_scoped3A_188 : memref<!tpu.dma_semaphore, #tpu.memory_space<semaphore_mem>>) src(%arg10 : memref<640xf32, #tpu.memory_space<vmem>>) dst(%dma_wait3A_195 : memref<640xf32, #tpu.memory_space<hbm>>)
      tpu.yield
    }) : () -> ()
    return
  }
}

module attributes {stable_mosaic.version = 14 : i64} {
  func.func @_mm1_body(%arg0: i32, %arg1: memref<1024x128xf32, #tpu.memory_space<vmem>>, %arg2: memref<1024x1xf32, #tpu.memory_space<vmem>>, %arg3: memref<128x128xf32, #tpu.memory_space<vmem>>, %arg4: memref<1024x128xf32, #tpu.memory_space<vmem>>, %arg5: memref<1024x128xf32, #tpu.memory_space<vmem>>) attributes {dimension_semantics = [#tpu.dimension_semantics<arbitrary>], iteration_bounds = array<i64: 10>, scalar_prefetch = 0 : i64, scratch_operands = 0 : i64, tpu.core_type = #tpu.core_type<tc>, window_params = [{transform_indices = @transform_0, window_bounds = array<i64: 1024, 128>}, {transform_indices = @transform_1, window_bounds = array<i64: 1024, 1>}, {pipeline_mode = #tpu.pipeline_mode<synchronous>, transform_indices = @transform_2, window_bounds = array<i64: 128, 128>}, {transform_indices = @transform_3, window_bounds = array<i64: 1024, 128>}, {transform_indices = @transform_4, window_bounds = array<i64: 1024, 128>}]} {
    %get3A = arith.constant 0 : index
    %get3A_0 = arith.constant 0 : index
    %get3A_1 = vector.load %arg2[%get3A, %get3A_0] : memref<1024x1xf32, #tpu.memory_space<vmem>>, vector<1024x1xf32>
    %add3A = arith.constant 1.000000e+00 : f32
    %add3A_2 = vector.broadcast %add3A : f32 to vector<1024x1xf32>
    %add3A_3 = arith.addf %get3A_1, %add3A_2 : vector<1024x1xf32>
    %rsqrt3A = math.rsqrt %add3A_3 : vector<1024x1xf32>
    %get3A_4 = arith.constant 0 : index
    %get3A_5 = arith.constant 0 : index
    %get3A_6 = vector.load %arg1[%get3A_4, %get3A_5] : memref<1024x128xf32, #tpu.memory_space<vmem>>, vector<1024x128xf32>
    %mul3A = vector.broadcast %rsqrt3A : vector<1024x1xf32> to vector<1024x128xf32>
    %mul3A_7 = arith.mulf %get3A_6, %mul3A : vector<1024x128xf32>
    %get3A_8 = arith.constant 0 : index
    %get3A_9 = arith.constant 0 : index
    %get3A_10 = vector.load %arg3[%get3A_8, %get3A_9] : memref<128x128xf32, #tpu.memory_space<vmem>>, vector<128x128xf32>
    %dot_general3A = arith.constant dense<0.000000e+00> : vector<1024x128xf32>
    %dot_general3A_11 = tpu.matmul %mul3A_7, %get3A_10, %dot_general3A {dimension_numbers = #tpu.dot_dimension_numbers<[1], [0], [0], [1], [0, 0, 1, 1], [], []>, transpose_lhs_hint = false} : vector<1024x128xf32>, vector<128x128xf32>, vector<1024x128xf32> -> vector<1024x128xf32>
    %swap3A = arith.constant 0 : index
    %swap3A_12 = arith.constant 0 : index
    %swap3A_13 = vector.load %arg4[%swap3A, %swap3A_12] : memref<1024x128xf32, #tpu.memory_space<vmem>>, vector<1024x128xf32>
    tpu.vector_store %arg4[%swap3A, %swap3A_12], %dot_general3A_11 {strides = array<i32>} : memref<1024x128xf32, #tpu.memory_space<vmem>>, vector<1024x128xf32>,
    %swap3A_14 = arith.constant 0 : index
    %swap3A_15 = arith.constant 0 : index
    %swap3A_16 = vector.load %arg5[%swap3A_14, %swap3A_15] : memref<1024x128xf32, #tpu.memory_space<vmem>>, vector<1024x128xf32>
    tpu.vector_store %arg5[%swap3A_14, %swap3A_15], %dot_general3A_11 {strides = array<i32>} : memref<1024x128xf32, #tpu.memory_space<vmem>>, vector<1024x128xf32>,
    return
  }
  func.func @transform_0(%arg0: i32) -> (i32, i32) {
    %c0_i32 = arith.constant 0 : i32
    %c0_i32_0 = arith.constant 0 : i32
    return %arg0, %c0_i32 : i32, i32
  }
  func.func @transform_1(%arg0: i32) -> (i32, i32) {
    %c0_i32 = arith.constant 0 : i32
    %c0_i32_0 = arith.constant 0 : i32
    return %arg0, %c0_i32 : i32, i32
  }
  func.func @transform_2(%arg0: i32) -> (i32, i32) {
    %c0_i32 = arith.constant 0 : i32
    %c0_i32_0 = arith.constant 0 : i32
    %c0_i32_1 = arith.constant 0 : i32
    return %c0_i32, %c0_i32_0 : i32, i32
  }
  func.func @transform_3(%arg0: i32) -> (i32, i32) {
    %c0_i32 = arith.constant 0 : i32
    %c0_i32_0 = arith.constant 0 : i32
    return %arg0, %c0_i32 : i32, i32
  }
  func.func @transform_4(%arg0: i32) -> (i32, i32) {
    %c0_i32 = arith.constant 0 : i32
    %c0_i32_0 = arith.constant 0 : i32
    return %arg0, %c0_i32 : i32, i32
  }
}

module attributes {stable_mosaic.version = 14 : i64} {
  func.func @_mid_body(%arg0: i32, %arg1: memref<2x1024x128xf32, #tpu.memory_space<vmem>>, %arg2: memref<1024x128xf32, #tpu.memory_space<vmem>>, %arg3: memref<1024x1xf32, #tpu.memory_space<vmem>>, %arg4: memref<1x128xf32, #tpu.memory_space<vmem>>, %arg5: memref<128x128xf32, #tpu.memory_space<vmem>>, %arg6: memref<1024x128xf32, #tpu.memory_space<vmem>>, %arg7: memref<1024x128xf32, #tpu.memory_space<vmem>>) attributes {dimension_semantics = [#tpu.dimension_semantics<arbitrary>], iteration_bounds = array<i64: 10>, scalar_prefetch = 0 : i64, scratch_operands = 0 : i64, tpu.core_type = #tpu.core_type<tc>, window_params = [{transform_indices = @transform_0, window_bounds = array<i64: 2, 1024, 128>}, {transform_indices = @transform_1, window_bounds = array<i64: 1024, 128>}, {transform_indices = @transform_2, window_bounds = array<i64: 1024, 1>}, {pipeline_mode = #tpu.pipeline_mode<synchronous>, transform_indices = @transform_3, window_bounds = array<i64: 1, 128>}, {pipeline_mode = #tpu.pipeline_mode<synchronous>, transform_indices = @transform_4, window_bounds = array<i64: 128, 128>}, {transform_indices = @transform_5, window_bounds = array<i64: 1024, 128>}, {transform_indices = @transform_6, window_bounds = array<i64: 1024, 128>}]} {
    %get3A = arith.constant 0 : index
    %get3A_0 = arith.constant 0 : index
    %get3A_1 = vector.load %arg3[%get3A, %get3A_0] : memref<1024x1xf32, #tpu.memory_space<vmem>>, vector<1024x1xf32>
    %add3A = arith.constant 1.000000e+00 : f32
    %add3A_2 = vector.broadcast %add3A : f32 to vector<1024x1xf32>
    %add3A_3 = arith.addf %get3A_1, %add3A_2 : vector<1024x1xf32>
    %rsqrt3A = math.rsqrt %add3A_3 : vector<1024x1xf32>
    %get3A_4 = arith.constant 0 : index
    %get3A_5 = arith.constant 0 : index
    %get3A_6 = arith.constant 0 : index
    %get3A_7 = vector.load %arg1[%get3A_4, %get3A_5, %get3A_6] : memref<2x1024x128xf32, #tpu.memory_space<vmem>>, vector<1x1024x128xf32>
    %get3A_8 = vector.shape_cast %get3A_7 : vector<1x1024x128xf32> to vector<1024x128xf32>
    %get3A_9 = arith.constant 1 : index
    %get3A_10 = arith.constant 0 : index
    %get3A_11 = arith.constant 0 : index
    %get3A_12 = vector.load %arg1[%get3A_9, %get3A_10, %get3A_11] : memref<2x1024x128xf32, #tpu.memory_space<vmem>>, vector<1x1024x128xf32>
    %get3A_13 = vector.shape_cast %get3A_12 : vector<1x1024x128xf32> to vector<1024x128xf32>
    %add3A_14 = arith.addf %get3A_8, %get3A_13 : vector<1024x128xf32>
    %get3A_15 = arith.constant 0 : index
    %get3A_16 = arith.constant 0 : index
    %get3A_17 = vector.load %arg2[%get3A_15, %get3A_16] : memref<1024x128xf32, #tpu.memory_space<vmem>>, vector<1024x128xf32>
    %add3A_18 = arith.addf %add3A_14, %get3A_17 : vector<1024x128xf32>
    %mul3A = vector.broadcast %rsqrt3A : vector<1024x1xf32> to vector<1024x128xf32>
    %mul3A_19 = arith.mulf %mul3A, %add3A_18 : vector<1024x128xf32>
    %get3A_20 = arith.constant 0 : index
    %get3A_21 = arith.constant 0 : index
    %get3A_22 = vector.load %arg4[%get3A_20, %get3A_21] : memref<1x128xf32, #tpu.memory_space<vmem>>, vector<1x128xf32>
    %add3A_23 = vector.broadcast %get3A_22 : vector<1x128xf32> to vector<1024x128xf32>
    %add3A_24 = arith.addf %mul3A_19, %add3A_23 : vector<1024x128xf32>
    %max3A = arith.constant 0.000000e+00 : f32
    %max3A_25 = vector.broadcast %max3A : f32 to vector<1024x128xf32>
    %max3A_26 = arith.maximumf %add3A_24, %max3A_25 : vector<1024x128xf32>
    %mul3A_27 = vector.broadcast %rsqrt3A : vector<1024x1xf32> to vector<1024x128xf32>
    %mul3A_28 = arith.mulf %max3A_26, %mul3A_27 : vector<1024x128xf32>
    %get3A_29 = arith.constant 0 : index
    %get3A_30 = arith.constant 0 : index
    %get3A_31 = vector.load %arg5[%get3A_29, %get3A_30] : memref<128x128xf32, #tpu.memory_space<vmem>>, vector<128x128xf32>
    %dot_general3A = arith.constant dense<0.000000e+00> : vector<1024x128xf32>
    %dot_general3A_32 = tpu.matmul %mul3A_28, %get3A_31, %dot_general3A {dimension_numbers = #tpu.dot_dimension_numbers<[1], [0], [0], [1], [0, 0, 1, 1], [], []>, transpose_lhs_hint = false} : vector<1024x128xf32>, vector<128x128xf32>, vector<1024x128xf32> -> vector<1024x128xf32>
    %swap3A = arith.constant 0 : index
    %swap3A_33 = arith.constant 0 : index
    %swap3A_34 = vector.load %arg6[%swap3A, %swap3A_33] : memref<1024x128xf32, #tpu.memory_space<vmem>>, vector<1024x128xf32>
    tpu.vector_store %arg6[%swap3A, %swap3A_33], %dot_general3A_32 {strides = array<i32>} : memref<1024x128xf32, #tpu.memory_space<vmem>>, vector<1024x128xf32>,
    %swap3A_35 = arith.constant 0 : index
    %swap3A_36 = arith.constant 0 : index
    %swap3A_37 = vector.load %arg7[%swap3A_35, %swap3A_36] : memref<1024x128xf32, #tpu.memory_space<vmem>>, vector<1024x128xf32>
    tpu.vector_store %arg7[%swap3A_35, %swap3A_36], %dot_general3A_32 {strides = array<i32>} : memref<1024x128xf32, #tpu.memory_space<vmem>>, vector<1024x128xf32>,
    return
  }
  func.func @transform_0(%arg0: i32) -> (i32, i32, i32) {
    %c0_i32 = arith.constant 0 : i32
    %c0_i32_0 = arith.constant 0 : i32
    %c0_i32_1 = arith.constant 0 : i32
    return %c0_i32, %arg0, %c0_i32_0 : i32, i32, i32
  }
  func.func @transform_1(%arg0: i32) -> (i32, i32) {
    %c0_i32 = arith.constant 0 : i32
    %c0_i32_0 = arith.constant 0 : i32
    return %arg0, %c0_i32 : i32, i32
  }
  func.func @transform_2(%arg0: i32) -> (i32, i32) {
    %c0_i32 = arith.constant 0 : i32
    %c0_i32_0 = arith.constant 0 : i32
    return %arg0, %c0_i32 : i32, i32
  }
  func.func @transform_3(%arg0: i32) -> (i32, i32) {
    %c0_i32 = arith.constant 0 : i32
    %c0_i32_0 = arith.constant 0 : i32
    %c0_i32_1 = arith.constant 0 : i32
    return %c0_i32, %c0_i32_0 : i32, i32
  }
  func.func @transform_4(%arg0: i32) -> (i32, i32) {
    %c0_i32 = arith.constant 0 : i32
    %c0_i32_0 = arith.constant 0 : i32
    %c0_i32_1 = arith.constant 0 : i32
    return %c0_i32, %c0_i32_0 : i32, i32
  }
  func.func @transform_5(%arg0: i32) -> (i32, i32) {
    %c0_i32 = arith.constant 0 : i32
    %c0_i32_0 = arith.constant 0 : i32
    return %arg0, %c0_i32 : i32, i32
  }
  func.func @transform_6(%arg0: i32) -> (i32, i32) {
    %c0_i32 = arith.constant 0 : i32
    %c0_i32_0 = arith.constant 0 : i32
    return %arg0, %c0_i32 : i32, i32
  }
}

module attributes {stable_mosaic.version = 14 : i64} {
  func.func @_fin_body(%arg0: i32, %arg1: memref<2x1024x128xf32, #tpu.memory_space<vmem>>, %arg2: memref<1024x128xf32, #tpu.memory_space<vmem>>, %arg3: memref<1024x1xf32, #tpu.memory_space<vmem>>, %arg4: memref<1x128xf32, #tpu.memory_space<vmem>>, %arg5: memref<1024x128xf32, #tpu.memory_space<vmem>>) attributes {dimension_semantics = [#tpu.dimension_semantics<arbitrary>], iteration_bounds = array<i64: 10>, scalar_prefetch = 0 : i64, scratch_operands = 0 : i64, tpu.core_type = #tpu.core_type<tc>, window_params = [{transform_indices = @transform_0, window_bounds = array<i64: 2, 1024, 128>}, {transform_indices = @transform_1, window_bounds = array<i64: 1024, 128>}, {transform_indices = @transform_2, window_bounds = array<i64: 1024, 1>}, {pipeline_mode = #tpu.pipeline_mode<synchronous>, transform_indices = @transform_3, window_bounds = array<i64: 1, 128>}, {transform_indices = @transform_4, window_bounds = array<i64: 1024, 128>}]} {
    %get3A = arith.constant 0 : index
    %get3A_0 = arith.constant 0 : index
    %get3A_1 = vector.load %arg3[%get3A, %get3A_0] : memref<1024x1xf32, #tpu.memory_space<vmem>>, vector<1024x1xf32>
    %add3A = arith.constant 1.000000e+00 : f32
    %add3A_2 = vector.broadcast %add3A : f32 to vector<1024x1xf32>
    %add3A_3 = arith.addf %get3A_1, %add3A_2 : vector<1024x1xf32>
    %rsqrt3A = math.rsqrt %add3A_3 : vector<1024x1xf32>
    %get3A_4 = arith.constant 0 : index
    %get3A_5 = arith.constant 0 : index
    %get3A_6 = arith.constant 0 : index
    %get3A_7 = vector.load %arg1[%get3A_4, %get3A_5, %get3A_6] : memref<2x1024x128xf32, #tpu.memory_space<vmem>>, vector<1x1024x128xf32>
    %get3A_8 = vector.shape_cast %get3A_7 : vector<1x1024x128xf32> to vector<1024x128xf32>
    %get3A_9 = arith.constant 1 : index
    %get3A_10 = arith.constant 0 : index
    %get3A_11 = arith.constant 0 : index
    %get3A_12 = vector.load %arg1[%get3A_9, %get3A_10, %get3A_11] : memref<2x1024x128xf32, #tpu.memory_space<vmem>>, vector<1x1024x128xf32>
    %get3A_13 = vector.shape_cast %get3A_12 : vector<1x1024x128xf32> to vector<1024x128xf32>
    %add3A_14 = arith.addf %get3A_8, %get3A_13 : vector<1024x128xf32>
    %get3A_15 = arith.constant 0 : index
    %get3A_16 = arith.constant 0 : index
    %get3A_17 = vector.load %arg2[%get3A_15, %get3A_16] : memref<1024x128xf32, #tpu.memory_space<vmem>>, vector<1024x128xf32>
    %add3A_18 = arith.addf %add3A_14, %get3A_17 : vector<1024x128xf32>
    %mul3A = vector.broadcast %rsqrt3A : vector<1024x1xf32> to vector<1024x128xf32>
    %mul3A_19 = arith.mulf %mul3A, %add3A_18 : vector<1024x128xf32>
    %get3A_20 = arith.constant 0 : index
    %get3A_21 = arith.constant 0 : index
    %get3A_22 = vector.load %arg4[%get3A_20, %get3A_21] : memref<1x128xf32, #tpu.memory_space<vmem>>, vector<1x128xf32>
    %add3A_23 = vector.broadcast %get3A_22 : vector<1x128xf32> to vector<1024x128xf32>
    %add3A_24 = arith.addf %mul3A_19, %add3A_23 : vector<1024x128xf32>
    %swap3A = arith.constant 0 : index
    %swap3A_25 = arith.constant 0 : index
    %swap3A_26 = vector.load %arg5[%swap3A, %swap3A_25] : memref<1024x128xf32, #tpu.memory_space<vmem>>, vector<1024x128xf32>
    tpu.vector_store %arg5[%swap3A, %swap3A_25], %add3A_24 {strides = array<i32>} : memref<1024x128xf32, #tpu.memory_space<vmem>>, vector<1024x128xf32>,
    return
  }
  func.func @transform_0(%arg0: i32) -> (i32, i32, i32) {
    %c0_i32 = arith.constant 0 : i32
    %c0_i32_0 = arith.constant 0 : i32
    %c0_i32_1 = arith.constant 0 : i32
    return %c0_i32, %arg0, %c0_i32_0 : i32, i32, i32
  }
  func.func @transform_1(%arg0: i32) -> (i32, i32) {
    %c0_i32 = arith.constant 0 : i32
    %c0_i32_0 = arith.constant 0 : i32
    return %arg0, %c0_i32 : i32, i32
  }
  func.func @transform_2(%arg0: i32) -> (i32, i32) {
    %c0_i32 = arith.constant 0 : i32
    %c0_i32_0 = arith.constant 0 : i32
    return %arg0, %c0_i32 : i32, i32
  }
  func.func @transform_3(%arg0: i32) -> (i32, i32) {
    %c0_i32 = arith.constant 0 : i32
    %c0_i32_0 = arith.constant 0 : i32
    %c0_i32_1 = arith.constant 0 : i32
    return %c0_i32, %c0_i32_0 : i32, i32
  }
  func.func @transform_4(%arg0: i32) -> (i32, i32) {
    %c0_i32 = arith.constant 0 : i32
    %c0_i32_0 = arith.constant 0 : i32
    return %arg0, %c0_i32 : i32, i32
  }
}

</mosaic_0001>

<sc_bundles>
// kernel: kernel.11.cloned.1.call-start
scs
__scs_entry_jumppad:
0x0: {  	(pc) =	sbr.rel $0x88, $3  }
0x1: {  	(tag) =	ssettag $0x0;
	lr =	simm.s32 $0x1  }
0x2: {  	[smem:$0x3F9B] =	sst lr;
	_ =	strace $0xD0000000  }
0x3: {  	_ = 	snop  }
0x4: {  	_ = 	snop  }
0x5: {  	_ = 	snop  }
0x6: {  	_ = 	snop  }
0x7: {  	_ = 	snop  }
__scs_overlays_trampoline_lowered:
0x8: {  	[smem:$0x3FAA] =	sst s0  }
0x9: {  	[smem:$0x3FAB] =	sst s1  }
0xa: {  	[smem:$0x3FAC] =	sst s2  }
0xb: {  	[smem:$0x3FAD] =	sst s3  }
0xc: {  	[smem:$0x3FAE] =	sst s4  }
0xd: {  	[smem:$0x3FAF] =	sst s5  }
0xe: {  	[smem:$0x3FB0] =	sst s6  }
0xf: {  	[smem:$0x3FB1] =	sst s7  }
0x10: {  	[smem:$0x3FB2] =	sst s8  }
0x11: {  	[smem:$0x3FB3] =	sst s9;
	s0 =	simm.s32 @!p0 $0x0  }
0x12: {  	s1 =	sld [smem:$0x3F99];
	s0 =	simm.s32 @p0 $0x1  }
0x13: {  	[smem:$0x3FB4] =	sst s0;
	s0 =	simm.s32 @!p1 $0x0  }
0x14: {  	s2 =	sld [smem:$0x3F98];
	s0 =	simm.s32 @p1 $0x1  }
0x15: {  	[smem:$0x3FB5] =	sst s0;
	s0 =	simm.s32 @!p2 $0x0  }
0x16: {  	s3 =	sld [smem:$0x3FDB];
	s0 =	simm.s32 @p2 $0x1  }
0x17: {  	s4 =	simm.s32 $0x1BF5;
	[smem:$0x3FB7] =	sst s0  }
0x18: {  	s0 =	sld [smem:$0x3F9A];
	_ =	swait.ge [sflag:s4], $0x0  }
0x19: {  	s7 =	sld [smem:$0x3F9B]  }
0x1a: {  	s8 =	sadd.s32 $0xFFFFE003, lr  }
0x1b: {  	s9 =	sadd.s32 $0xFFFFFEF7, lr;
	s5 =	simm.s32 $0xFFFFFFFF;
	p2 =	slt.u32 s8, $0xFFFFF086  }
0x1c: {  	p1 =	slt.u32 s9, $0xF7A;
	s5 =	simm.s32 @!p2 $0x0  }
0x1d: {  	s5 =	simm.s32 @p1 $0x1;
	p0 =	seq.s32 s7, s2  }
0x1e: {  	s7 =	smul.u32 @!p0 $0xF7A, s2;
	p2 =	seq.s32 @!p0 s5, $0x0  }
0x1f: {  	s9 =	smul.u32 $0xF7A, s1;
	s8 =	simm.s32 @!p0 $0x1BF5;
	p2 =	por !p2, p0  }
0x20: {  	[sflag:s8] =	ssyncset.s32 @!p0 $0xFFFFF086;
	s6 =	sadd.s32 @!p0 s3, s7;
	s7 =	simm.s32 @!p0 $0x108  }
0x21: {  	s3 =	sadd.s32 s3, s9;
	s6 =	sadd.s32 @!p0 $0x88, s6;
	s7 =	simm.s32 @p2 $0x1082  }
0x22: {  	[simem:s7], [sflag:s8] =	dma.local @!p0 [hbm:s6], $0xF7A  }
0x23: {  	s9 =	sor.u32 $0xD0000000, s2;
	s6 =	simm.s32 $0x108;
	_ =	swait.ge @!p0 [sflag:s8], $0x0  }
0x24: {  	s3 =	sadd.s32 $0x88, s3;
	s6 =	simm.s32 @!p1 $0x1082;
	[sflag:s4] =	ssyncset.s32 $0xFFFFF086  }
0x25: {  	[simem:s6], [sflag:s4] =	dma.local [hbm:s3], $0xF7A  }
0x26: {  	[smem:$0x3F9B] =	sst s1;
	(tag) =	ssettag s2;
	_ =	strace s9  }
0x27: {  	s1 =	sld [smem:$0x3FAB]  }
0x28: {  	s2 =	sld [smem:$0x3FAC]  }
0x29: {  	s4 =	sld [smem:$0x3FAE]  }
0x2a: {  	p0 =	seq.s32 s5, $0x0;
	s5 =	sld [smem:$0x3FAF]  }
0x2b: {  	s6 =	sld [smem:$0x3FB0]  }
0x2c: {  	s7 =	sld [smem:$0x3FB1]  }
0x2d: {  	s3 =	simm.s32 $0x108;
	s8 =	sld [smem:$0x3FB2]  }
0x2e: {  	s3 =	simm.s32 @!p0 $0x1082;
	s9 =	sld [smem:$0x3FB3]  }
0x2f: {  	lr =	sadd.s32 s0, s3;
	s0 =	sld [smem:$0x3FAA]  }
0x30: {  	s3 =	sld [smem:$0x3FAD]  }
0x31: {  	[smem:$0x3FB6] =	sst s10  }
0x32: {  	s10 =	sld [smem:$0x3FB4];
	_ =	sdelay $0x3  }
0x33: {  	p0 =	seq.s32 s10, $0x1;
	s10 =	sld [smem:$0x3FB6];
	_ =	sdelay $0x3  }
0x34: {  	[smem:$0x3FB6] =	sst s10  }
0x35: {  	s10 =	sld [smem:$0x3FB5];
	_ =	sdelay $0x3  }
0x36: {  	p1 =	seq.s32 s10, $0x1;
	s10 =	sld [smem:$0x3FB6];
	_ =	sdelay $0x3  }
0x37: {  	[smem:$0x3FB6] =	sst s10  }
0x38: {  	s10 =	sld [smem:$0x3FB7]  }
0x39: {  	_ = 	snop;
	(pc) =	sbr.ind lr, $3  }
0x3a: {  	_ = 	snop  }
0x3b: {  	_ = 	snop  }
0x3c: {  	p2 =	seq.s32 s10, $0x1;
	s10 =	sld [smem:$0x3FB6]  }
0x3d: {  	_ =	shalt  }
0x3e: {  	_ =	shalt  }
0x3f: {  	_ =	shalt  }
0x40: {  	_ =	shalt  }
0x41: {  	_ =	shalt  }
0x42: {  	_ =	shalt  }
0x43: {  	_ =	shalt  }
0x44: {  	_ =	shalt  }
0x45: {  	_ =	shalt  }
0x46: {  	_ =	shalt  }
0x47: {  	_ =	shalt  }
0x48: {  	_ =	shalt  }
0x49: {  	_ =	shalt  }
0x4a: {  	_ =	shalt  }
0x4b: {  	_ =	shalt  }
0x4c: {  	_ =	shalt  }
0x4d: {  	_ =	shalt  }
0x4e: {  	_ =	shalt  }
0x4f: {  	_ =	shalt  }
0x50: {  	_ =	shalt  }
0x51: {  	_ =	shalt  }
0x52: {  	_ =	shalt  }
0x53: {  	_ =	shalt  }
0x54: {  	_ =	shalt  }
0x55: {  	_ =	shalt  }
0x56: {  	_ =	shalt  }
0x57: {  	_ =	shalt  }
0x58: {  	_ =	shalt  }
0x59: {  	_ =	shalt  }
0x5a: {  	_ =	shalt  }
0x5b: {  	_ =	shalt  }
0x5c: {  	_ =	shalt  }
0x5d: {  	_ =	shalt  }
0x5e: {  	_ =	shalt  }
0x5f: {  	_ =	shalt  }
0x60: {  	_ =	shalt  }
0x61: {  	_ =	shalt  }
0x62: {  	_ =	shalt  }
0x63: {  	_ =	shalt  }
0x64: {  	_ =	shalt  }
0x65: {  	_ =	shalt  }
0x66: {  	_ =	shalt  }
0x67: {  	_ =	shalt  }
0x68: {  	_ =	shalt  }
0x69: {  	_ =	shalt  }
0x6a: {  	_ =	shalt  }
0x6b: {  	_ =	shalt  }
0x6c: {  	_ =	shalt  }
0x6d: {  	_ =	shalt  }
0x6e: {  	_ =	shalt  }
0x6f: {  	_ =	shalt  }
0x70: {  	_ =	shalt  }
0x71: {  	_ =	shalt  }
0x72: {  	_ =	shalt  }
0x73: {  	_ =	shalt  }
0x74: {  	_ =	shalt  }
0x75: {  	_ =	shalt  }
0x76: {  	_ =	shalt  }
0x77: {  	_ =	shalt  }
0x78: {  	_ =	shalt  }
0x79: {  	_ =	shalt  }
0x7a: {  	_ =	shalt  }
0x7b: {  	_ =	shalt  }
0x7c: {  	_ =	shalt  }
0x7d: {  	_ =	shalt  }
0x7e: {  	_ =	shalt  }
0x7f: {  	_ =	shalt  }
0x80: {  	_ =	shalt  }
0x81: {  	_ =	shalt  }
0x82: {  	_ =	shalt  }
0x83: {  	_ =	shalt  }
0x84: {  	_ =	shalt  }
0x85: {  	_ =	shalt  }
0x86: {  	_ =	shalt  }
0x87: {  	_ =	shalt  }
.Lfunc_end0:
.L_simem_size_0:
called_computation.1_lowered:
.L_overlay_start_0:
0x88: {  	s2 =	sld [smem:$0x3FD9]  }
0x89: {  	s3 =	sld [smem:$0x3FFE];
	_ =	sdelay $0x1  }
0x8a: {  	s1 =	srdreg.scid  }
0x8b: {  	s0 =	sand.u32 $0x1, s1  }
0x8c: {  	s17 =	sshll.u32 s0, $0xA;
	s2 =	sadd.s32 s3, s2  }
0x8d: {  	s2 =	sadd.s32 s2, s17  }
0x8e: {  	[smem:$0x3FC2] =	sst s2  }
0x8f: {  	_ = 	snop  }
0x90: {  	s2 =	sld [smem:$0x3FD0];
	(tm) =	ssettm $0x1  }
0x91: {  	s18 =	sld [smem:$0x3FFB];
	_ =	sdelay $0x3  }
0x92: {  	_ =	strace s18  }
0x93: {  	s3 =	sld [smem:$0x3FFC];
	_ =	sdelay $0x3  }
0x94: {  	_ =	strace s3  }
0x95: {  	s3 =	sld [smem:$0x3FFD];
	_ =	sdelay $0x3  }
0x96: {  	_ =	strace s3  }
0x97: {  	_ =	strace $0x8FFFFFFF  }
0x98: {  	s19 =	sld [smem:$0x3FDB];
	_ =	sdelay $0x1  }
0x99: {  	s4 =	simm.s32 $_scs_section_size  }
0x9a: {  	s5 =	simm.s32 $_size__tile_overlayer_lowered;
	s6 =	simm.s32 $_tile_overlayer_lowered  }
0x9b: {  	s22 =	simm.s32 $0x1BFF;
	s21 =	sshll.u32 s6, $0x1;
	s3 =	sadd.s32 s4, s19  }
0x9c: {  	s7 =	simm.s32 $0x0;
	s20 =	sshll.u32 s5, $0x1;
	s5 =	sadd.s32 s21, s3  }
0x9d: {  	[timem:s7], [sflag:s22] =	dma.local [hbm:s5], s20  }
0x9e: {  	_ =	swait.ge [sflag:s22], s20  }
0x9f: {  	s4 =	ssub.s32 $0x0, s20;
	[sflag:s22] =	ssyncset.done $0x0  }
0xa0: {  	[sflag:s22] =	ssyncadd.s32 s4;
	_ =	sdelay $0x1  }
0xa1: {  	s23 =	simm.s32 $0x1B8B  }
0xa2: {  	_ =	swait.ge [sflag:s23], $0x1  }
0xa3: {  	[sflag:s23] =	ssyncset.done $0x0  }
0xa4: {  	s25 =	simm.s32 $0x1B8E;
	s24 =	sld [smem:$0x3FFE];
	[sflag:s23] =	ssyncadd.s32 $0xFFFFFFFF  }
0xa5: {  	s26 =	simm.s32 $execute0_lowered;
	[smem:$0x3FD2] =	sst s25  }
0xa6: {  	s5 =	sshll.u32 s26, $0x1;
	_ =	strace $0x80000049;
	[dreg:$0x1] =	wrdreg $0xFFFFFFFF  }
0xa7: {  	s28 =	simm.s32 $_size_execute0_lowered;
	s3 =	sadd.s32 s3, s5;
	[dreg:$0x0] =	wrdreg $0x0  }
0xa8: {  	s5 =	sshll.u32 s28, $0x1;
	[dreg:$0x2] =	wrdreg s3  }
0xa9: {  	[dreg:$0x3] =	wrdreg s5  }
0xaa: {  	[dreg:$0x4] =	wrdreg $0xC0  }
0xab: {  	_ =	task [dreg:s7], $0x5FFFF  }
0xac: {  	[dreg:$0x1] =	wrdreg $0xFFFFFFFF  }
0xad: {  	[dreg:$0x0] =	wrdreg $0x60  }
0xae: {  	[dreg:$0x2] =	wrdreg s24  }
0xaf: {  	[dreg:$0x3] =	wrdreg s2  }
0xb0: {  	[dreg:$0x4] =	wrdreg $0x10000  }
0xb1: {  	[dreg:$0x5] =	wrdreg $0x9  }
0xb2: {  	_ =	task.clear_ibuf [dreg:s7], $0x6FFFF;
	_ =	strace $0x90000049  }
0xb3: {  	s29 =	simm.s32 $0x9;
	_ =	strace $0x8000004B  }
0xb4: {  	_ =	swait.ge [sflag:s29], $0x1  }
0xb5: {  	[sflag:s29] =	ssyncadd.s32 $0xFFFFFFFF  }
0xb6: {  	_ =	strace $0x9000004B  }
0xb7: {  	_ =	sfence  }
0xb8: {  	s30 =	sld [smem:$0x0];
	_ =	sdelay $0x2  }
0xb9: {  	s31 =	sshll.u32 s1, $0xD;
	s1 =	sshrl.u32 s1, $0x2  }
0xba: {  	s3 =	sand.u32 $0x4000, s31;
	s1 =	sadd.s32 s1, s30  }
0xbb: {  	s0 =	sor.u32 s3, s0;
	s1 =	sshll.u32 s1, $0x11  }
0xbc: {  	s0 =	sor.u32 s1, s0  }
0xbd: {  	s0 =	sadd.s32 $0x8F2B, s0  }
0xbe: {  	[sflag:s0] =	ssyncadd.remote.s32 $0x1  }
0xbf: {  	_ =	sfence.sel $0xFFFF  }
0xc0: {  	[dreg:$0x0] =	wrdreg $0xFFFFFFFF;
	(pc) =	sbr.abs _section_cstart, $3  }
0xc1: {  	[dreg:$0x1] =	wrdreg $0xFFFFFFFF  }
0xc2: {  	_ =	task.clear_ibuf [dreg:s7], $0x2FFFF;
	_ =	strace $0x9FFFFFFF  }
0xc3: {  	(tm) =	ssettm $0x7FFFFFFF  }
tec
execute0_lowered:
.L_overlay_start_1:
0x0: {  	(tag) =	ssettag $0x1  }
0x1: {  	s1 =	rddreg [dreg:$0x0]  }
0x2: {  	s2 =	rddreg [dreg:$0x2];
	s0 =	srdreg.scid;
	s4 =	simm.s32 $0x0  }
0x3: {  	s6 =	stileid.u32;
	s12 =	simm.s32 $0x880;
	[smem:$0x7FF] =	sst s4  }
0x4: {  	s14 =	simm.s32 $0x900;
	_ =	strace $0x8000004A;
	[dreg:$0x6] =	wrdreg s12  }
0x5: {  	s16 =	simm.s32 $0x980;
	s17 =	simm.s32 $0xA00;
	[dreg:$0x7] =	wrdreg s14  }
0x6: {  	s18 =	simm.s32 $0xA80;
	s19 =	simm.s32 $0xB00;
	[dreg:$0x8] =	wrdreg s16  }
0x7: {  	s20 =	simm.s32 $0xB80;
	s21 =	smul.u32 $0x14000, s6;
	[dreg:$0x9] =	wrdreg s17  }
0x8: {  	s0 =	sand.u32 $0x1, s0;
	s22 =	smul.u32 $0x50000, s6;
	[dreg:$0xa] =	wrdreg s18  }
0x9: {  	s7 =	sshll.u32 s6, $0xC;
	s3 =	smul.u32 $0x140000, s0;
	[dreg:$0xb] =	wrdreg s19  }
0xa: {  	s7 =	sadd.s32 s7, s1;
	s24 =	sshll.u32 s0, $0xB;
	[dreg:$0xc] =	wrdreg s20  }
0xb: {  	s4 =	sshrl.u32 s22, $0x2;
	s22 =	simm.s32 $0xC80;
	s3 =	sadd.s32 s21, s3  }
0xc: {  	s9 =	sadd.s32 s4, s2;
	s21 =	simm.s32 $0xC00;
	[dreg:$0xe] =	wrdreg s22  }
0xd: {  	s4 =	sadd.s32 s24, s7;
	s24 =	simm.s32 $0xD80;
	[dreg:$0xd] =	wrdreg s21  }
0xe: {  	s29 =	simm.s32 $0x7;
	[dreg:$0x10] =	wrdreg s24  }
0xf: {  	s30 =	simm.s32 $0x4;
	s25 =	sadd.s32 $0x2800, s9;
	[dreg:$0x15] =	wrdreg s9  }
0x10: {  	s5 =	sadd.s32 $0x24400, s1;
	s26 =	sadd.s32 $0x5000, s9;
	[dreg:$0x16] =	wrdreg s25  }
0x11: {  	s6 =	sadd.s32 $0x4C400, s1;
	s28 =	sadd.s32 $0x7800, s9;
	[dreg:$0x17] =	wrdreg s26  }
0x12: {  	s23 =	ssub.s32 $0x2, s0;
	s10 =	sadd.s32 $0xA000, s9;
	[dreg:$0x18] =	wrdreg s28  }
0x13: {  	p0 =	sne.s32 s0, $0x0;
	s31 =	sadd.s32 $0x3200, s4;
	[dreg:$0x19] =	wrdreg s10  }
0x14: {  	s20 =	simm.s32 $0x1;
	s11 =	sadd.s32 $0xC800, s9;
	[dreg:$0x4] =	wrdreg s31  }
0x15: {  	s8 =	sshrl.u32 s23, $0x1;
	s4 =	sadd.s32 $0x14400, s4;
	[dreg:$0x1a] =	wrdreg s11  }
0x16: {  	s3 =	sshrl.u32 s3, $0x3;
	s13 =	sadd.s32 $0xF000, s9;
	[dreg:$0x5] =	wrdreg s4  }
0x17: {  	s15 =	sadd.s32 $0x11800, s9;
	s1 =	sadd.s32 s3, s1;
	[dreg:$0x1b] =	wrdreg s13  }
0x18: {  	s3 =	ssub.s32 s23, s8;
	[dreg:$0x1c] =	wrdreg s15;
	s23 =	simm.s32 $0xD00  }
0x19: {  	p1 =	seq.s32 s0, $0x0;
	s25 =	simm.s32 $0xE00;
	[dreg:$0xf] =	wrdreg s23  }
0x1a: {  	s0 =	simm.s32 $0x8;
	s26 =	simm.s32 $0xE80;
	[dreg:$0x11] =	wrdreg s25  }
0x1b: {  	s22 =	simm.s32 $0x5;
	s28 =	simm.s32 $0xF00;
	[dreg:$0x12] =	wrdreg s26  }
0x1c: {  	s21 =	simm.s32 $0x50;
	s31 =	simm.s32 $0xF80;
	[dreg:$0x13] =	wrdreg s28  }
0x1d: {  	s1 =	sadd.s32 $0x74400, s1;
	s3 =	smax.u32 s3, $0x1;
	[dreg:$0x14] =	wrdreg s31  }
0x1e: {  	s23 =	simm.s32 $0x2;
	s25 =	simm.s32 $0x6;
	[dreg:$0x1d] =	wrdreg s1  }
0x1f: {  	s26 =	simm.s32 $0x3;
	[dreg:$0x1e] =	wrdreg s3;
	s3 =	simm.s32 $0x0  }
.LBB2_1:
0x20: {  	[dreg:$0x1f] =	wrdreg s3  }
0x21: {  	s1 =	rddreg [dreg:$0x1]  }
0x22: {  	s24 =	simm.s32 $0x0;
	s13 =	simm.s32 $0x15000;
	s7 =	simm.s32 $0x9  }
0x23: {  	[tilespmem:s13], [sflag:$0x9] =	stream.linear.gather [hbm4b:s1+s24], $0x2800, $0x38;
	[tilespmem:$0x1F000] =	vst v63  }
0x24: {  	_ =	swait.ge [sflag:s7], $0x2800  }
0x25: {  	[sflag:s7] =	ssyncset.done $0x0  }
0x26: {  	[sflag:s7] =	ssyncadd.s32 $0xFFFFD800  }
0x27: {  	[spmem:s9] =	stream.linear.scatter [tilespmem:s13], [sflag:$0x9], $0x2800, $0x38;
	[tilespmem:$0x1F000] =	vst v63  }
0x28: {  	_ =	swait.ge [sflag:s7], $0x2800  }
0x29: {  	[sflag:s7] =	ssyncset.done $0x0  }
0x2a: {  	s28 =	rddreg [dreg:$0x16];
	[sflag:s7] =	ssyncadd.s32 $0xFFFFD800  }
0x2b: {  	[spmem:s28] =	stream.linear.scatter [tilespmem:s13], [sflag:$0x9], $0x2800, $0x38;
	[tilespmem:$0x1F000] =	vst v63  }
0x2c: {  	_ =	swait.ge [sflag:s7], $0x2800  }
0x2d: {  	[sflag:s7] =	ssyncset.done $0x0  }
0x2e: {  	s31 =	rddreg [dreg:$0x17];
	[sflag:s7] =	ssyncadd.s32 $0xFFFFD800  }
0x2f: {  	[spmem:s31] =	stream.linear.scatter [tilespmem:s13], [sflag:$0x9], $0x2800, $0x38;
	[tilespmem:$0x1F000] =	vst v63  }
0x30: {  	_ =	swait.ge [sflag:s7], $0x2800  }
0x31: {  	[sflag:s7] =	ssyncset.done $0x0  }
0x32: {  	s4 =	rddreg [dreg:$0x18];
	[sflag:s7] =	ssyncadd.s32 $0xFFFFD800  }
0x33: {  	[spmem:s4] =	stream.linear.scatter [tilespmem:s13], [sflag:$0x9], $0x2800, $0x38;
	[tilespmem:$0x1F000] =	vst v63  }
0x34: {  	_ =	swait.ge [sflag:s7], $0x2800  }
0x35: {  	[sflag:s7] =	ssyncset.done $0x0  }
0x36: {  	s8 =	rddreg [dreg:$0x19];
	[sflag:s7] =	ssyncadd.s32 $0xFFFFD800  }
0x37: {  	[spmem:s8] =	stream.linear.scatter [tilespmem:s13], [sflag:$0x9], $0x2800, $0x38;
	[tilespmem:$0x1F000] =	vst v63  }
0x38: {  	_ =	swait.ge [sflag:s7], $0x2800  }
0x39: {  	[sflag:s7] =	ssyncset.done $0x0  }
0x3a: {  	s9 =	rddreg [dreg:$0x1a];
	[sflag:s7] =	ssyncadd.s32 $0xFFFFD800  }
0x3b: {  	[spmem:s9] =	stream.linear.scatter [tilespmem:s13], [sflag:$0x9], $0x2800, $0x38;
	[tilespmem:$0x1F000] =	vst v63  }
0x3c: {  	_ =	swait.ge [sflag:s7], $0x2800  }
0x3d: {  	[sflag:s7] =	ssyncset.done $0x0  }
0x3e: {  	s10 =	rddreg [dreg:$0x1b];
	[sflag:s7] =	ssyncadd.s32 $0xFFFFD800  }
0x3f: {  	[spmem:s10] =	stream.linear.scatter [tilespmem:s13], [sflag:$0x9], $0x2800, $0x38;
	[tilespmem:$0x1F000] =	vst v63  }
0x40: {  	_ =	swait.ge [sflag:s7], $0x2800  }
0x41: {  	[sflag:s7] =	ssyncset.done $0x0  }
0x42: {  	s11 =	rddreg [dreg:$0x1c];
	[sflag:s7] =	ssyncadd.s32 $0xFFFFD800  }
0x43: {  	[spmem:s11] =	stream.linear.scatter [tilespmem:s13], [sflag:$0x9], $0x2800, $0x38;
	[tilespmem:$0x1F000] =	vst v63  }
0x44: {  	_ =	swait.ge [sflag:s7], $0x2800  }
0x45: {  	[sflag:s7] =	ssyncset.done $0x0  }
0x46: {  	[sflag:s7] =	ssyncadd.s32 $0xFFFFD800  }
0x47: {  	[bflag:$0x0] =	sbarrier.arrive $0xFFFF  }
0x48: {  	s12 =	rddreg [dreg:$0x5]  }
0x49: {  	s1 =	sadd.s32 $0x0, s12  }
0x4a: {  	[tilespmem:s24], [sflag:$0x9] =	stream.linear.gather [hbm4b:s1+s24], $0x800, $0x38;
	[tilespmem:$0x1F000] =	vst v63  }
0x4b: {  	_ =	swait.ge [sflag:s7], $0x800  }
0x4c: {  	s14 =	rddreg [dreg:$0x4];
	[sflag:s7] =	ssyncset.done $0x0  }
0x4d: {  	s4 =	simm.s32 $0x800;
	[sflag:s7] =	ssyncadd.s32 $0xFFFFF800;
	s1 =	sadd.s32 $0x0, s14  }
0x4e: {  	[tilespmem:s4], [sflag:$0x9] =	stream.linear.gather [hbm4b:s1+s24], $0x800, $0x38;
	[tilespmem:$0x1F000] =	vst v63  }
0x4f: {  	_ =	swait.ge [sflag:s7], $0x800  }
0x50: {  	s3 =	simm.s32 @p0 $0x0;
	[sflag:s7] =	ssyncset.done $0x0  }
0x51: {  	s8 =	simm.s32 @p0 $0x50;
	s1 =	simm.s32 @p0 $0x15000;
	[sflag:s7] =	ssyncadd.s32 $0xFFFFF800  }
0x52: {  	[tilespmem:s1], [sflag:$0x1] =	stream.indirect.gather @p0 [hbm4b:s6+s8], $0x80, s3, s8, $0xb8;
	[tilespmem:$0x1F000] =	vst v63  }
0x53: {  	s7 =	simm.s32 @p0 $0x17800;
	s3 =	simm.s32 @p0 $0x80  }
0x54: {  	[tilespmem:s7], [sflag:$0x2] =	stream.indirect.gather @p0 [hbm4b:s6+s8], $0x80, s3, s8, $0xb8;
	[tilespmem:$0x1F000] =	vst v63  }
0x55: {  	s9 =	simm.s32 @p0 $0x1A000;
	s3 =	simm.s32 @p0 $0x100  }
0x56: {  	[tilespmem:s9], [sflag:$0x3] =	stream.indirect.gather @p0 [hbm4b:s6+s8], $0x80, s3, s8, $0xb8;
	[tilespmem:$0x1F000] =	vst v63  }
0x57: {  	s10 =	simm.s32 @p0 $0x1C800;
	s3 =	simm.s32 @p0 $0x180  }
0x58: {  	[tilespmem:s10], [sflag:$0x4] =	stream.indirect.gather @p0 [hbm4b:s6+s8], $0x80, s3, s8, $0xb8;
	[tilespmem:$0x1F000] =	vst v63  }
0x59: {  	s16 =	simm.s32 @!p0 $0x50;
	s3 =	simm.s32 @!p0 $0x0;
	s10 =	simm.s32 @!p0 $0x15000  }
0x5a: {  	[tilespmem:s10], [sflag:$0x1] =	stream.indirect.gather @!p0 [hbm4b:s5+s16], $0x80, s3, s16, $0xb8;
	[tilespmem:$0x1F000] =	vst v63  }
0x5b: {  	s11 =	simm.s32 @!p0 $0x17800;
	s3 =	simm.s32 @!p0 $0x80  }
0x5c: {  	[tilespmem:s11], [sflag:$0x2] =	stream.indirect.gather @!p0 [hbm4b:s5+s16], $0x80, s3, s16, $0xb8;
	[tilespmem:$0x1F000] =	vst v63  }
0x5d: {  	s12 =	simm.s32 @!p0 $0x1A000;
	s3 =	simm.s32 @!p0 $0x100  }
0x5e: {  	[tilespmem:s12], [sflag:$0x3] =	stream.indirect.gather @!p0 [hbm4b:s5+s16], $0x80, s3, s16, $0xb8;
	[tilespmem:$0x1F000] =	vst v63  }
0x5f: {  	s14 =	simm.s32 @!p0 $0x1C800;
	s3 =	simm.s32 @!p0 $0x180  }
0x60: {  	[tilespmem:s14], [sflag:$0x4] =	stream.indirect.gather @!p0 [hbm4b:s5+s16], $0x80, s3, s16, $0xb8;
	[tilespmem:$0x1F000] =	vst v63  }
0x61: {  	_ =	swait.ge [sflag:s20], $0x2800  }
0x62: {  	[sflag:s20] =	ssyncset.done $0x0  }
0x63: {  	[sflag:s20] =	ssyncadd.s32 $0xFFFFD800  }
0x64: {  	[spmem:s2] =	stream.indirect.scatter.add.f32 [tilespmem:s13], [sflag:$0x5], $0x80, s4, s21, $0xb8;
	[tilespmem:$0x1F000] =	vst v63  }
0x65: {  	_ =	swait.ge [sflag:s22], $0x2800  }
0x66: {  	[sflag:s22] =	ssyncset.done $0x0  }
0x67: {  	s3 =	simm.s32 @p0 $0x200;
	[sflag:s22] =	ssyncadd.s32 $0xFFFFD800  }
0x68: {  	[tilespmem:s1], [sflag:$0x1] =	stream.indirect.gather @p0 [hbm4b:s6+s8], $0x80, s3, s8, $0xb8;
	[tilespmem:$0x1F000] =	vst v63  }
0x69: {  	s1 =	simm.s32 @!p0 $0x200  }
0x6a: {  	[tilespmem:s10], [sflag:$0x1] =	stream.indirect.gather @!p0 [hbm4b:s5+s16], $0x80, s1, s16, $0xb8;
	[tilespmem:$0x1F000] =	vst v63  }
0x6b: {  	_ =	swait.ge [sflag:s23], $0x2800  }
0x6c: {  	[sflag:s23] =	ssyncset.done $0x0  }
0x6d: {  	s3 =	simm.s32 $0x17800;
	s15 =	rddreg [dreg:$0x6];
	[sflag:s23] =	ssyncadd.s32 $0xFFFFD800  }
0x6e: {  	[spmem:s2] =	stream.indirect.scatter.add.f32 [tilespmem:s3], [sflag:$0x6], $0x80, s15, s21, $0xb8;
	[tilespmem:$0x1F000] =	vst v63  }
0x6f: {  	_ =	swait.ge [sflag:s25], $0x2800  }
0x70: {  	[sflag:s25] =	ssyncset.done $0x0  }
0x71: {  	s1 =	simm.s32 @p0 $0x280;
	[sflag:s25] =	ssyncadd.s32 $0xFFFFD800  }
0x72: {  	[tilespmem:s7], [sflag:$0x2] =	stream.indirect.gather @p0 [hbm4b:s6+s8], $0x80, s1, s8, $0xb8;
	[tilespmem:$0x1F000] =	vst v63  }
0x73: {  	s1 =	simm.s32 @!p0 $0x280  }
0x74: {  	[tilespmem:s11], [sflag:$0x2] =	stream.indirect.gather @!p0 [hbm4b:s5+s16], $0x80, s1, s16, $0xb8;
	[tilespmem:$0x1F000] =	vst v63  }
0x75: {  	_ =	swait.ge [sflag:s26], $0x2800  }
0x76: {  	[sflag:s26] =	ssyncset.done $0x0  }
0x77: {  	s10 =	simm.s32 $0x1A000;
	s17 =	rddreg [dreg:$0x7];
	[sflag:s26] =	ssyncadd.s32 $0xFFFFD800  }
0x78: {  	[spmem:s2] =	stream.indirect.scatter.add.f32 [tilespmem:s10], [sflag:$0x7], $0x80, s17, s21, $0xb8;
	[tilespmem:$0x1F000] =	vst v63  }
0x79: {  	_ =	swait.ge [sflag:s29], $0x2800  }
0x7a: {  	[sflag:s29] =	ssyncset.done $0x0  }
0x7b: {  	s1 =	simm.s32 @p0 $0x300;
	[sflag:s29] =	ssyncadd.s32 $0xFFFFD800  }
0x7c: {  	[tilespmem:s9], [sflag:$0x3] =	stream.indirect.gather @p0 [hbm4b:s6+s8], $0x80, s1, s8, $0xb8;
	[tilespmem:$0x1F000] =	vst v63  }
0x7d: {  	s1 =	simm.s32 @!p0 $0x300  }
0x7e: {  	[tilespmem:s12], [sflag:$0x3] =	stream.indirect.gather @!p0 [hbm4b:s5+s16], $0x80, s1, s16, $0xb8;
	[tilespmem:$0x1F000] =	vst v63  }
0x7f: {  	_ =	swait.ge [sflag:s30], $0x2800  }
0x80: {  	[sflag:s30] =	ssyncset.done $0x0  }
0x81: {  	s15 =	simm.s32 $0x1C800;
	s18 =	rddreg [dreg:$0x8];
	[sflag:s30] =	ssyncadd.s32 $0xFFFFD800  }
0x82: {  	[spmem:s2] =	stream.indirect.scatter.add.f32 [tilespmem:s15], [sflag:$0x8], $0x80, s18, s21, $0xb8;
	[tilespmem:$0x1F000] =	vst v63  }
0x83: {  	_ =	swait.ge [sflag:s0], $0x2800  }
0x84: {  	s7 =	simm.s32 @p1 $0x50;
	[sflag:s0] =	ssyncset.done $0x0  }
0x85: {  	s9 =	simm.s32 @p1 $0x1C800;
	s1 =	simm.s32 @p1 $0x380;
	[sflag:s0] =	ssyncadd.s32 $0xFFFFD800  }
0x86: {  	[tilespmem:s9], [sflag:$0x4] =	stream.indirect.gather @p1 [hbm4b:s5+s7], $0x80, s1, s7, $0xb8;
	[tilespmem:$0x1F000] =	vst v63  }
0x87: {  	s12 =	simm.s32 @!p1 $0x50;
	s18 =	simm.s32 @!p1 $0x1C800;
	s1 =	simm.s32 @!p1 $0x380  }
0x88: {  	[tilespmem:s18], [sflag:$0x4] =	stream.indirect.gather @!p1 [hbm4b:s6+s12], $0x80, s1, s12, $0xb8;
	[tilespmem:$0x1F000] =	vst v63  }
0x89: {  	_ =	swait.ge [sflag:s20], $0x2800  }
0x8a: {  	[sflag:s20] =	ssyncset.done $0x0  }
0x8b: {  	s19 =	rddreg [dreg:$0x9];
	[sflag:s20] =	ssyncadd.s32 $0xFFFFD800  }
0x8c: {  	[spmem:s2] =	stream.indirect.scatter.add.f32 [tilespmem:s13], [sflag:$0x5], $0x80, s19, s21, $0xb8;
	[tilespmem:$0x1F000] =	vst v63  }
0x8d: {  	_ =	swait.ge [sflag:s22], $0x2800  }
0x8e: {  	[sflag:s22] =	ssyncset.done $0x0  }
0x8f: {  	s11 =	simm.s32 @p1 $0x15000;
	s1 =	simm.s32 @p1 $0x400;
	[sflag:s22] =	ssyncadd.s32 $0xFFFFD800  }
0x90: {  	[tilespmem:s11], [sflag:$0x1] =	stream.indirect.gather @p1 [hbm4b:s5+s7], $0x80, s1, s7, $0xb8;
	[tilespmem:$0x1F000] =	vst v63  }
0x91: {  	s14 =	simm.s32 @!p1 $0x15000;
	s1 =	simm.s32 @!p1 $0x400  }
0x92: {  	[tilespmem:s14], [sflag:$0x1] =	stream.indirect.gather @!p1 [hbm4b:s6+s12], $0x80, s1, s12, $0xb8;
	[tilespmem:$0x1F000] =	vst v63  }
0x93: {  	_ =	swait.ge [sflag:s23], $0x2800  }
0x94: {  	[sflag:s23] =	ssyncset.done $0x0  }
0x95: {  	s24 =	rddreg [dreg:$0xa];
	[sflag:s23] =	ssyncadd.s32 $0xFFFFD800  }
0x96: {  	[spmem:s2] =	stream.indirect.scatter.add.f32 [tilespmem:s3], [sflag:$0x6], $0x80, s24, s21, $0xb8;
	[tilespmem:$0x1F000] =	vst v63  }
0x97: {  	_ =	swait.ge [sflag:s25], $0x2800  }
0x98: {  	[sflag:s25] =	ssyncset.done $0x0  }
0x99: {  	s17 =	simm.s32 @p1 $0x17800;
	s1 =	simm.s32 @p1 $0x480;
	[sflag:s25] =	ssyncadd.s32 $0xFFFFD800  }
0x9a: {  	[tilespmem:s17], [sflag:$0x2] =	stream.indirect.gather @p1 [hbm4b:s5+s7], $0x80, s1, s7, $0xb8;
	[tilespmem:$0x1F000] =	vst v63  }
0x9b: {  	s19 =	simm.s32 @!p1 $0x17800;
	s1 =	simm.s32 @!p1 $0x480  }
0x9c: {  	[tilespmem:s19], [sflag:$0x2] =	stream.indirect.gather @!p1 [hbm4b:s6+s12], $0x80, s1, s12, $0xb8;
	[tilespmem:$0x1F000] =	vst v63  }
0x9d: {  	_ =	swait.ge [sflag:s26], $0x2800  }
0x9e: {  	[sflag:s26] =	ssyncset.done $0x0  }
0x9f: {  	s28 =	rddreg [dreg:$0xb];
	[sflag:s26] =	ssyncadd.s32 $0xFFFFD800  }
0xa0: {  	[spmem:s2] =	stream.indirect.scatter.add.f32 [tilespmem:s10], [sflag:$0x7], $0x80, s28, s21, $0xb8;
	[tilespmem:$0x1F000] =	vst v63  }
0xa1: {  	_ =	swait.ge [sflag:s29], $0x2800  }
0xa2: {  	[sflag:s29] =	ssyncset.done $0x0  }
0xa3: {  	s24 =	simm.s32 @p1 $0x1A000;
	s1 =	simm.s32 @p1 $0x500;
	[sflag:s29] =	ssyncadd.s32 $0xFFFFD800  }
0xa4: {  	[tilespmem:s24], [sflag:$0x3] =	stream.indirect.gather @p1 [hbm4b:s5+s7], $0x80, s1, s7, $0xb8;
	[tilespmem:$0x1F000] =	vst v63  }
0xa5: {  	s28 =	simm.s32 @!p1 $0x1A000;
	s1 =	simm.s32 @!p1 $0x500  }
0xa6: {  	[tilespmem:s28], [sflag:$0x3] =	stream.indirect.gather @!p1 [hbm4b:s6+s12], $0x80, s1, s12, $0xb8;
	[tilespmem:$0x1F000] =	vst v63  }
0xa7: {  	_ =	swait.ge [sflag:s30], $0x2800  }
0xa8: {  	[sflag:s30] =	ssyncset.done $0x0  }
0xa9: {  	s31 =	rddreg [dreg:$0xc];
	[sflag:s30] =	ssyncadd.s32 $0xFFFFD800  }
0xaa: {  	[spmem:s2] =	stream.indirect.scatter.add.f32 [tilespmem:s15], [sflag:$0x8], $0x80, s31, s21, $0xb8;
	[tilespmem:$0x1F000] =	vst v63  }
0xab: {  	_ =	swait.ge [sflag:s0], $0x2800  }
0xac: {  	[sflag:s0] =	ssyncset.done $0x0  }
0xad: {  	s1 =	simm.s32 @p1 $0x580;
	[sflag:s0] =	ssyncadd.s32 $0xFFFFD800  }
0xae: {  	[tilespmem:s9], [sflag:$0x4] =	stream.indirect.gather @p1 [hbm4b:s5+s7], $0x80, s1, s7, $0xb8;
	[tilespmem:$0x1F000] =	vst v63  }
0xaf: {  	s1 =	simm.s32 @!p1 $0x580  }
0xb0: {  	[tilespmem:s18], [sflag:$0x4] =	stream.indirect.gather @!p1 [hbm4b:s6+s12], $0x80, s1, s12, $0xb8;
	[tilespmem:$0x1F000] =	vst v63  }
0xb1: {  	_ =	swait.ge [sflag:s20], $0x2800  }
0xb2: {  	[sflag:s20] =	ssyncset.done $0x0  }
0xb3: {  	s1 =	rddreg [dreg:$0xd];
	[sflag:s20] =	ssyncadd.s32 $0xFFFFD800  }
0xb4: {  	[spmem:s2] =	stream.indirect.scatter.add.f32 [tilespmem:s13], [sflag:$0x5], $0x80, s1, s21, $0xb8;
	[tilespmem:$0x1F000] =	vst v63  }
0xb5: {  	_ =	swait.ge [sflag:s22], $0x2800  }
0xb6: {  	[sflag:s22] =	ssyncset.done $0x0  }
0xb7: {  	s1 =	simm.s32 @p1 $0x600;
	[sflag:s22] =	ssyncadd.s32 $0xFFFFD800  }
0xb8: {  	[tilespmem:s11], [sflag:$0x1] =	stream.indirect.gather @p1 [hbm4b:s5+s7], $0x80, s1, s7, $0xb8;
	[tilespmem:$0x1F000] =	vst v63  }
0xb9: {  	s1 =	simm.s32 @!p1 $0x600  }
0xba: {  	[tilespmem:s14], [sflag:$0x1] =	stream.indirect.gather @!p1 [hbm4b:s6+s12], $0x80, s1, s12, $0xb8;
	[tilespmem:$0x1F000] =	vst v63  }
0xbb: {  	_ =	swait.ge [sflag:s23], $0x2800  }
0xbc: {  	[sflag:s23] =	ssyncset.done $0x0  }
0xbd: {  	s11 =	rddreg [dreg:$0xe];
	[sflag:s23] =	ssyncadd.s32 $0xFFFFD800  }
0xbe: {  	[spmem:s2] =	stream.indirect.scatter.add.f32 [tilespmem:s3], [sflag:$0x6], $0x80, s11, s21, $0xb8;
	[tilespmem:$0x1F000] =	vst v63  }
0xbf: {  	_ =	swait.ge [sflag:s25], $0x2800  }
0xc0: {  	[sflag:s25] =	ssyncset.done $0x0  }
0xc1: {  	s1 =	simm.s32 @p1 $0x680;
	[sflag:s25] =	ssyncadd.s32 $0xFFFFD800  }
0xc2: {  	[tilespmem:s17], [sflag:$0x2] =	stream.indirect.gather @p1 [hbm4b:s5+s7], $0x80, s1, s7, $0xb8;
	[tilespmem:$0x1F000] =	vst v63  }
0xc3: {  	s1 =	simm.s32 @!p1 $0x680  }
0xc4: {  	[tilespmem:s19], [sflag:$0x2] =	stream.indirect.gather @!p1 [hbm4b:s6+s12], $0x80, s1, s12, $0xb8;
	[tilespmem:$0x1F000] =	vst v63  }
0xc5: {  	_ =	swait.ge [sflag:s26], $0x2800  }
0xc6: {  	[sflag:s26] =	ssyncset.done $0x0  }
0xc7: {  	s14 =	rddreg [dreg:$0xf];
	[sflag:s26] =	ssyncadd.s32 $0xFFFFD800  }
0xc8: {  	[spmem:s2] =	stream.indirect.scatter.add.f32 [tilespmem:s10], [sflag:$0x7], $0x80, s14, s21, $0xb8;
	[tilespmem:$0x1F000] =	vst v63  }
0xc9: {  	_ =	swait.ge [sflag:s29], $0x2800  }
0xca: {  	[sflag:s29] =	ssyncset.done $0x0  }
0xcb: {  	s1 =	simm.s32 @p1 $0x700;
	[sflag:s29] =	ssyncadd.s32 $0xFFFFD800  }
0xcc: {  	[tilespmem:s24], [sflag:$0x3] =	stream.indirect.gather @p1 [hbm4b:s5+s7], $0x80, s1, s7, $0xb8;
	[tilespmem:$0x1F000] =	vst v63  }
0xcd: {  	s1 =	simm.s32 @!p1 $0x700  }
0xce: {  	[tilespmem:s28], [sflag:$0x3] =	stream.indirect.gather @!p1 [hbm4b:s6+s12], $0x80, s1, s12, $0xb8;
	[tilespmem:$0x1F000] =	vst v63  }
0xcf: {  	_ =	swait.ge [sflag:s30], $0x2800  }
0xd0: {  	[sflag:s30] =	ssyncset.done $0x0  }
0xd1: {  	s17 =	rddreg [dreg:$0x10];
	[sflag:s30] =	ssyncadd.s32 $0xFFFFD800  }
0xd2: {  	[spmem:s2] =	stream.indirect.scatter.add.f32 [tilespmem:s15], [sflag:$0x8], $0x80, s17, s21, $0xb8;
	[tilespmem:$0x1F000] =	vst v63  }
0xd3: {  	_ =	swait.ge [sflag:s0], $0x2800  }
0xd4: {  	[sflag:s0] =	ssyncset.done $0x0  }
0xd5: {  	s1 =	simm.s32 @p1 $0x780;
	[sflag:s0] =	ssyncadd.s32 $0xFFFFD800  }
0xd6: {  	[tilespmem:s9], [sflag:$0x4] =	stream.indirect.gather @p1 [hbm4b:s5+s7], $0x80, s1, s7, $0xb8;
	[tilespmem:$0x1F000] =	vst v63  }
0xd7: {  	s1 =	simm.s32 @!p1 $0x780  }
0xd8: {  	[tilespmem:s18], [sflag:$0x4] =	stream.indirect.gather @!p1 [hbm4b:s6+s12], $0x80, s1, s12, $0xb8;
	[tilespmem:$0x1F000] =	vst v63  }
0xd9: {  	_ =	swait.ge [sflag:s20], $0x2800  }
0xda: {  	[sflag:s20] =	ssyncset.done $0x0  }
0xdb: {  	s19 =	rddreg [dreg:$0x11];
	[sflag:s20] =	ssyncadd.s32 $0xFFFFD800  }
0xdc: {  	[spmem:s2] =	stream.indirect.scatter.add.f32 [tilespmem:s13], [sflag:$0x5], $0x80, s19, s21, $0xb8;
	[tilespmem:$0x1F000] =	vst v63  }
0xdd: {  	_ =	swait.ge [sflag:s22], $0x2800  }
0xde: {  	[sflag:s22] =	ssyncset.done $0x0  }
0xdf: {  	[sflag:s22] =	ssyncadd.s32 $0xFFFFD800  }
0xe0: {  	_ =	swait.ge [sflag:s23], $0x2800  }
0xe1: {  	[sflag:s23] =	ssyncset.done $0x0  }
0xe2: {  	s24 =	rddreg [dreg:$0x12];
	[sflag:s23] =	ssyncadd.s32 $0xFFFFD800  }
0xe3: {  	[spmem:s2] =	stream.indirect.scatter.add.f32 [tilespmem:s3], [sflag:$0x6], $0x80, s24, s21, $0xb8;
	[tilespmem:$0x1F000] =	vst v63  }
0xe4: {  	_ =	swait.ge [sflag:s25], $0x2800  }
0xe5: {  	[sflag:s25] =	ssyncset.done $0x0  }
0xe6: {  	[sflag:s25] =	ssyncadd.s32 $0xFFFFD800  }
0xe7: {  	_ =	swait.ge [sflag:s26], $0x2800  }
0xe8: {  	[sflag:s26] =	ssyncset.done $0x0  }
0xe9: {  	s28 =	rddreg [dreg:$0x13];
	[sflag:s26] =	ssyncadd.s32 $0xFFFFD800  }
0xea: {  	[spmem:s2] =	stream.indirect.scatter.add.f32 [tilespmem:s10], [sflag:$0x7], $0x80, s28, s21, $0xb8;
	[tilespmem:$0x1F000] =	vst v63  }
0xeb: {  	_ =	swait.ge [sflag:s29], $0x2800  }
0xec: {  	[sflag:s29] =	ssyncset.done $0x0  }
0xed: {  	[sflag:s29] =	ssyncadd.s32 $0xFFFFD800  }
0xee: {  	_ =	swait.ge [sflag:s30], $0x2800  }
0xef: {  	[sflag:s30] =	ssyncset.done $0x0  }
0xf0: {  	s31 =	rddreg [dreg:$0x14];
	[sflag:s30] =	ssyncadd.s32 $0xFFFFD800  }
0xf1: {  	[spmem:s2] =	stream.indirect.scatter.add.f32 [tilespmem:s15], [sflag:$0x8], $0x80, s31, s21, $0xb8;
	[tilespmem:$0x1F000] =	vst v63  }
0xf2: {  	s14 =	simm.s32 $0x200;
	_ =	swait.ge [sflag:s0], $0x2800  }
0xf3: {  	s10 =	simm.s32 $0x100;
	[sflag:s0] =	ssyncset.done $0x0;
	s4 =	rddreg [dreg:$0x5]  }
.LBB2_2:
0xf4: {  	[sflag:s0] =	ssyncadd.s32 $0xFFFFD800  }
0xf5: {  	s4 =	sadd.s32 s10, s4;
	s3 =	simm.s32 $0x0;
	s1 =	simm.s32 $0x9  }
0xf6: {  	[tilespmem:s3], [sflag:$0x9] =	stream.linear.gather [hbm4b:s4+s3], $0x800, $0x38;
	[tilespmem:$0x1F000] =	vst v63  }
0xf7: {  	_ =	swait.ge [sflag:s1], $0x800  }
0xf8: {  	s31 =	rddreg [dreg:$0x4];
	[sflag:s1] =	ssyncset.done $0x0  }
0xf9: {  	s9 =	simm.s32 $0x800;
	[sflag:s1] =	ssyncadd.s32 $0xFFFFF800;
	s4 =	sadd.s32 s10, s31  }
0xfa: {  	[tilespmem:s9], [sflag:$0x9] =	stream.linear.gather [hbm4b:s4+s3], $0x800, $0x38;
	[tilespmem:$0x1F000] =	vst v63  }
0xfb: {  	_ =	swait.ge [sflag:s1], $0x800  }
0xfc: {  	[sflag:s1] =	ssyncset.done $0x0  }
0xfd: {  	s3 =	simm.s32 @p0 $0x15000;
	s4 =	simm.s32 @p0 $0x0;
	[sflag:s1] =	ssyncadd.s32 $0xFFFFF800  }
0xfe: {  	[tilespmem:s3], [sflag:$0x1] =	stream.indirect.gather @p0 [hbm4b:s6+s8], $0x80, s4, s8, $0xb8;
	[tilespmem:$0x1F000] =	vst v63  }
0xff: {  	s11 =	simm.s32 @p0 $0x17800;
	s4 =	simm.s32 @p0 $0x80  }
0x100: {  	[tilespmem:s11], [sflag:$0x2] =	stream.indirect.gather @p0 [hbm4b:s6+s8], $0x80, s4, s8, $0xb8;
	[tilespmem:$0x1F000] =	vst v63  }
0x101: {  	s13 =	simm.s32 @p0 $0x1A000;
	s4 =	simm.s32 @p0 $0x100  }
0x102: {  	[tilespmem:s13], [sflag:$0x3] =	stream.indirect.gather @p0 [hbm4b:s6+s8], $0x80, s4, s8, $0xb8;
	[tilespmem:$0x1F000] =	vst v63  }
0x103: {  	s1 =	simm.s32 @p0 $0x1C800;
	s4 =	simm.s32 @p0 $0x180  }
0x104: {  	[tilespmem:s1], [sflag:$0x4] =	stream.indirect.gather @p0 [hbm4b:s6+s8], $0x80, s4, s8, $0xb8;
	[tilespmem:$0x1F000] =	vst v63  }
0x105: {  	s1 =	simm.s32 @!p0 $0x0;
	s4 =	simm.s32 @!p0 $0x15000  }
0x106: {  	[tilespmem:s4], [sflag:$0x1] =	stream.indirect.gather @!p0 [hbm4b:s5+s16], $0x80, s1, s16, $0xb8;
	[tilespmem:$0x1F000] =	vst v63  }
0x107: {  	s17 =	simm.s32 @!p0 $0x17800;
	s1 =	simm.s32 @!p0 $0x80  }
0x108: {  	[tilespmem:s17], [sflag:$0x2] =	stream.indirect.gather @!p0 [hbm4b:s5+s16], $0x80, s1, s16, $0xb8;
	[tilespmem:$0x1F000] =	vst v63  }
0x109: {  	s24 =	simm.s32 @!p0 $0x1A000;
	s1 =	simm.s32 @!p0 $0x100  }
0x10a: {  	[tilespmem:s24], [sflag:$0x3] =	stream.indirect.gather @!p0 [hbm4b:s5+s16], $0x80, s1, s16, $0xb8;
	[tilespmem:$0x1F000] =	vst v63  }
0x10b: {  	s28 =	simm.s32 @!p0 $0x1C800;
	s1 =	simm.s32 @!p0 $0x180  }
0x10c: {  	[tilespmem:s28], [sflag:$0x4] =	stream.indirect.gather @!p0 [hbm4b:s5+s16], $0x80, s1, s16, $0xb8;
	[tilespmem:$0x1F000] =	vst v63  }
0x10d: {  	_ =	swait.ge [sflag:s20], $0x2800  }
0x10e: {  	[sflag:s20] =	ssyncset.done $0x0  }
0x10f: {  	s1 =	simm.s32 $0x15000;
	[sflag:s20] =	ssyncadd.s32 $0xFFFFD800  }
0x110: {  	[spmem:s2] =	stream.indirect.scatter.add.f32 [tilespmem:s1], [sflag:$0x5], $0x80, s9, s21, $0xb8;
	[tilespmem:$0x1F000] =	vst v63  }
0x111: {  	_ =	swait.ge [sflag:s22], $0x2800  }
0x112: {  	s19 =	smov.u32 s14;
	[sflag:s22] =	ssyncset.done $0x0  }
0x113: {  	s10 =	smov.u32 s19;
	s19 =	simm.s32 @p0 $0x200;
	[sflag:s22] =	ssyncadd.s32 $0xFFFFD800  }
0x114: {  	[tilespmem:s3], [sflag:$0x1] =	stream.indirect.gather @p0 [hbm4b:s6+s8], $0x80, s19, s8, $0xb8;
	[tilespmem:$0x1F000] =	vst v63  }
0x115: {  	s3 =	simm.s32 @!p0 $0x200  }
0x116: {  	[tilespmem:s4], [sflag:$0x1] =	stream.indirect.gather @!p0 [hbm4b:s5+s16], $0x80, s3, s16, $0xb8;
	[tilespmem:$0x1F000] =	vst v63  }
0x117: {  	_ =	swait.ge [sflag:s23], $0x2800  }
0x118: {  	[sflag:s23] =	ssyncset.done $0x0  }
0x119: {  	s3 =	simm.s32 $0x17800;
	s15 =	rddreg [dreg:$0x6];
	[sflag:s23] =	ssyncadd.s32 $0xFFFFD800  }
0x11a: {  	[spmem:s2] =	stream.indirect.scatter.add.f32 [tilespmem:s3], [sflag:$0x6], $0x80, s15, s21, $0xb8;
	[tilespmem:$0x1F000] =	vst v63  }
0x11b: {  	_ =	swait.ge [sflag:s25], $0x2800  }
0x11c: {  	[sflag:s25] =	ssyncset.done $0x0  }
0x11d: {  	s4 =	simm.s32 @p0 $0x280;
	[sflag:s25] =	ssyncadd.s32 $0xFFFFD800  }
0x11e: {  	[tilespmem:s11], [sflag:$0x2] =	stream.indirect.gather @p0 [hbm4b:s6+s8], $0x80, s4, s8, $0xb8;
	[tilespmem:$0x1F000] =	vst v63  }
0x11f: {  	s4 =	simm.s32 @!p0 $0x280  }
0x120: {  	[tilespmem:s17], [sflag:$0x2] =	stream.indirect.gather @!p0 [hbm4b:s5+s16], $0x80, s4, s16, $0xb8;
	[tilespmem:$0x1F000] =	vst v63  }
0x121: {  	_ =	swait.ge [sflag:s26], $0x2800  }
0x122: {  	[sflag:s26] =	ssyncset.done $0x0  }
0x123: {  	s11 =	simm.s32 $0x1A000;
	s18 =	rddreg [dreg:$0x7];
	[sflag:s26] =	ssyncadd.s32 $0xFFFFD800  }
0x124: {  	[spmem:s2] =	stream.indirect.scatter.add.f32 [tilespmem:s11], [sflag:$0x7], $0x80, s18, s21, $0xb8;
	[tilespmem:$0x1F000] =	vst v63  }
0x125: {  	_ =	swait.ge [sflag:s29], $0x2800  }
0x126: {  	[sflag:s29] =	ssyncset.done $0x0  }
0x127: {  	s4 =	simm.s32 @p0 $0x300;
	[sflag:s29] =	ssyncadd.s32 $0xFFFFD800  }
0x128: {  	[tilespmem:s13], [sflag:$0x3] =	stream.indirect.gather @p0 [hbm4b:s6+s8], $0x80, s4, s8, $0xb8;
	[tilespmem:$0x1F000] =	vst v63  }
0x129: {  	s4 =	simm.s32 @!p0 $0x300  }
0x12a: {  	[tilespmem:s24], [sflag:$0x3] =	stream.indirect.gather @!p0 [hbm4b:s5+s16], $0x80, s4, s16, $0xb8;
	[tilespmem:$0x1F000] =	vst v63  }
0x12b: {  	_ =	swait.ge [sflag:s30], $0x2800  }
0x12c: {  	[sflag:s30] =	ssyncset.done $0x0  }
0x12d: {  	s15 =	simm.s32 $0x1C800;
	s19 =	rddreg [dreg:$0x8];
	[sflag:s30] =	ssyncadd.s32 $0xFFFFD800  }
0x12e: {  	[spmem:s2] =	stream.indirect.scatter.add.f32 [tilespmem:s15], [sflag:$0x8], $0x80, s19, s21, $0xb8;
	[tilespmem:$0x1F000] =	vst v63  }
0x12f: {  	_ =	swait.ge [sflag:s0], $0x2800  }
0x130: {  	[sflag:s0] =	ssyncset.done $0x0  }
0x131: {  	s9 =	simm.s32 @p1 $0x1C800;
	s4 =	simm.s32 @p1 $0x380;
	[sflag:s0] =	ssyncadd.s32 $0xFFFFD800  }
0x132: {  	[tilespmem:s9], [sflag:$0x4] =	stream.indirect.gather @p1 [hbm4b:s5+s7], $0x80, s4, s7, $0xb8;
	[tilespmem:$0x1F000] =	vst v63  }
0x133: {  	s18 =	simm.s32 @!p1 $0x1C800;
	s4 =	simm.s32 @!p1 $0x380  }
0x134: {  	[tilespmem:s18], [sflag:$0x4] =	stream.indirect.gather @!p1 [hbm4b:s6+s12], $0x80, s4, s12, $0xb8;
	[tilespmem:$0x1F000] =	vst v63  }
0x135: {  	_ =	swait.ge [sflag:s20], $0x2800  }
0x136: {  	[sflag:s20] =	ssyncset.done $0x0  }
0x137: {  	s24 =	rddreg [dreg:$0x9];
	[sflag:s20] =	ssyncadd.s32 $0xFFFFD800  }
0x138: {  	[spmem:s2] =	stream.indirect.scatter.add.f32 [tilespmem:s1], [sflag:$0x5], $0x80, s24, s21, $0xb8;
	[tilespmem:$0x1F000] =	vst v63  }
0x139: {  	_ =	swait.ge [sflag:s22], $0x2800  }
0x13a: {  	[sflag:s22] =	ssyncset.done $0x0  }
0x13b: {  	s13 =	simm.s32 @p1 $0x15000;
	s4 =	simm.s32 @p1 $0x400;
	[sflag:s22] =	ssyncadd.s32 $0xFFFFD800  }
0x13c: {  	[tilespmem:s13], [sflag:$0x1] =	stream.indirect.gather @p1 [hbm4b:s5+s7], $0x80, s4, s7, $0xb8;
	[tilespmem:$0x1F000] =	vst v63  }
0x13d: {  	s17 =	simm.s32 @!p1 $0x15000;
	s4 =	simm.s32 @!p1 $0x400  }
0x13e: {  	[tilespmem:s17], [sflag:$0x1] =	stream.indirect.gather @!p1 [hbm4b:s6+s12], $0x80, s4, s12, $0xb8;
	[tilespmem:$0x1F000] =	vst v63  }
0x13f: {  	_ =	swait.ge [sflag:s23], $0x2800  }
0x140: {  	[sflag:s23] =	ssyncset.done $0x0  }
0x141: {  	s28 =	rddreg [dreg:$0xa];
	[sflag:s23] =	ssyncadd.s32 $0xFFFFD800  }
0x142: {  	[spmem:s2] =	stream.indirect.scatter.add.f32 [tilespmem:s3], [sflag:$0x6], $0x80, s28, s21, $0xb8;
	[tilespmem:$0x1F000] =	vst v63  }
0x143: {  	_ =	swait.ge [sflag:s25], $0x2800  }
0x144: {  	[sflag:s25] =	ssyncset.done $0x0  }
0x145: {  	s19 =	simm.s32 @p1 $0x17800;
	s4 =	simm.s32 @p1 $0x480;
	[sflag:s25] =	ssyncadd.s32 $0xFFFFD800  }
0x146: {  	[tilespmem:s19], [sflag:$0x2] =	stream.indirect.gather @p1 [hbm4b:s5+s7], $0x80, s4, s7, $0xb8;
	[tilespmem:$0x1F000] =	vst v63  }
0x147: {  	s24 =	simm.s32 @!p1 $0x17800;
	s4 =	simm.s32 @!p1 $0x480  }
0x148: {  	[tilespmem:s24], [sflag:$0x2] =	stream.indirect.gather @!p1 [hbm4b:s6+s12], $0x80, s4, s12, $0xb8;
	[tilespmem:$0x1F000] =	vst v63  }
0x149: {  	_ =	swait.ge [sflag:s26], $0x2800  }
0x14a: {  	[sflag:s26] =	ssyncset.done $0x0  }
0x14b: {  	s31 =	rddreg [dreg:$0xb];
	[sflag:s26] =	ssyncadd.s32 $0xFFFFD800  }
0x14c: {  	[spmem:s2] =	stream.indirect.scatter.add.f32 [tilespmem:s11], [sflag:$0x7], $0x80, s31, s21, $0xb8;
	[tilespmem:$0x1F000] =	vst v63  }
0x14d: {  	_ =	swait.ge [sflag:s29], $0x2800  }
0x14e: {  	[sflag:s29] =	ssyncset.done $0x0  }
0x14f: {  	s28 =	simm.s32 @p1 $0x1A000;
	s4 =	simm.s32 @p1 $0x500;
	[sflag:s29] =	ssyncadd.s32 $0xFFFFD800  }
0x150: {  	[tilespmem:s28], [sflag:$0x3] =	stream.indirect.gather @p1 [hbm4b:s5+s7], $0x80, s4, s7, $0xb8;
	[tilespmem:$0x1F000] =	vst v63  }
0x151: {  	s31 =	simm.s32 @!p1 $0x1A000;
	s4 =	simm.s32 @!p1 $0x500  }
0x152: {  	[tilespmem:s31], [sflag:$0x3] =	stream.indirect.gather @!p1 [hbm4b:s6+s12], $0x80, s4, s12, $0xb8;
	[tilespmem:$0x1F000] =	vst v63  }
0x153: {  	_ =	swait.ge [sflag:s30], $0x2800  }
0x154: {  	[sflag:s30] =	ssyncset.done $0x0  }
0x155: {  	s4 =	rddreg [dreg:$0xc];
	[sflag:s30] =	ssyncadd.s32 $0xFFFFD800  }
0x156: {  	[spmem:s2] =	stream.indirect.scatter.add.f32 [tilespmem:s15], [sflag:$0x8], $0x80, s4, s21, $0xb8;
	[tilespmem:$0x1F000] =	vst v63  }
0x157: {  	_ =	swait.ge [sflag:s0], $0x2800  }
0x158: {  	[sflag:s0] =	ssyncset.done $0x0  }
0x159: {  	s4 =	simm.s32 @p1 $0x580;
	[sflag:s0] =	ssyncadd.s32 $0xFFFFD800  }
0x15a: {  	[tilespmem:s9], [sflag:$0x4] =	stream.indirect.gather @p1 [hbm4b:s5+s7], $0x80, s4, s7, $0xb8;
	[tilespmem:$0x1F000] =	vst v63  }
0x15b: {  	s4 =	simm.s32 @!p1 $0x580  }
0x15c: {  	[tilespmem:s18], [sflag:$0x4] =	stream.indirect.gather @!p1 [hbm4b:s6+s12], $0x80, s4, s12, $0xb8;
	[tilespmem:$0x1F000] =	vst v63  }
0x15d: {  	_ =	swait.ge [sflag:s20], $0x2800  }
0x15e: {  	[sflag:s20] =	ssyncset.done $0x0  }
0x15f: {  	s4 =	rddreg [dreg:$0xd];
	[sflag:s20] =	ssyncadd.s32 $0xFFFFD800  }
0x160: {  	[spmem:s2] =	stream.indirect.scatter.add.f32 [tilespmem:s1], [sflag:$0x5], $0x80, s4, s21, $0xb8;
	[tilespmem:$0x1F000] =	vst v63  }
0x161: {  	_ =	swait.ge [sflag:s22], $0x2800  }
0x162: {  	[sflag:s22] =	ssyncset.done $0x0  }
0x163: {  	s4 =	simm.s32 @p1 $0x600;
	[sflag:s22] =	ssyncadd.s32 $0xFFFFD800  }
0x164: {  	[tilespmem:s13], [sflag:$0x1] =	stream.indirect.gather @p1 [hbm4b:s5+s7], $0x80, s4, s7, $0xb8;
	[tilespmem:$0x1F000] =	vst v63  }
0x165: {  	s4 =	simm.s32 @!p1 $0x600  }
0x166: {  	[tilespmem:s17], [sflag:$0x1] =	stream.indirect.gather @!p1 [hbm4b:s6+s12], $0x80, s4, s12, $0xb8;
	[tilespmem:$0x1F000] =	vst v63  }
0x167: {  	_ =	swait.ge [sflag:s23], $0x2800  }
0x168: {  	[sflag:s23] =	ssyncset.done $0x0  }
0x169: {  	s17 =	rddreg [dreg:$0xe];
	[sflag:s23] =	ssyncadd.s32 $0xFFFFD800  }
0x16a: {  	[spmem:s2] =	stream.indirect.scatter.add.f32 [tilespmem:s3], [sflag:$0x6], $0x80, s17, s21, $0xb8;
	[tilespmem:$0x1F000] =	vst v63  }
0x16b: {  	_ =	swait.ge [sflag:s25], $0x2800  }
0x16c: {  	[sflag:s25] =	ssyncset.done $0x0  }
0x16d: {  	s4 =	simm.s32 @p1 $0x680;
	[sflag:s25] =	ssyncadd.s32 $0xFFFFD800  }
0x16e: {  	[tilespmem:s19], [sflag:$0x2] =	stream.indirect.gather @p1 [hbm4b:s5+s7], $0x80, s4, s7, $0xb8;
	[tilespmem:$0x1F000] =	vst v63  }
0x16f: {  	s4 =	simm.s32 @!p1 $0x680  }
0x170: {  	[tilespmem:s24], [sflag:$0x2] =	stream.indirect.gather @!p1 [hbm4b:s6+s12], $0x80, s4, s12, $0xb8;
	[tilespmem:$0x1F000] =	vst v63  }
0x171: {  	_ =	swait.ge [sflag:s26], $0x2800  }
0x172: {  	[sflag:s26] =	ssyncset.done $0x0  }
0x173: {  	s13 =	rddreg [dreg:$0xf];
	[sflag:s26] =	ssyncadd.s32 $0xFFFFD800  }
0x174: {  	[spmem:s2] =	stream.indirect.scatter.add.f32 [tilespmem:s11], [sflag:$0x7], $0x80, s13, s21, $0xb8;
	[tilespmem:$0x1F000] =	vst v63  }
0x175: {  	_ =	swait.ge [sflag:s29], $0x2800  }
0x176: {  	[sflag:s29] =	ssyncset.done $0x0  }
0x177: {  	s4 =	simm.s32 @p1 $0x700;
	[sflag:s29] =	ssyncadd.s32 $0xFFFFD800  }
0x178: {  	[tilespmem:s28], [sflag:$0x3] =	stream.indirect.gather @p1 [hbm4b:s5+s7], $0x80, s4, s7, $0xb8;
	[tilespmem:$0x1F000] =	vst v63  }
0x179: {  	s4 =	simm.s32 @!p1 $0x700  }
0x17a: {  	[tilespmem:s31], [sflag:$0x3] =	stream.indirect.gather @!p1 [hbm4b:s6+s12], $0x80, s4, s12, $0xb8;
	[tilespmem:$0x1F000] =	vst v63  }
0x17b: {  	_ =	swait.ge [sflag:s30], $0x2800  }
0x17c: {  	[sflag:s30] =	ssyncset.done $0x0  }
0x17d: {  	s17 =	rddreg [dreg:$0x10];
	[sflag:s30] =	ssyncadd.s32 $0xFFFFD800  }
0x17e: {  	[spmem:s2] =	stream.indirect.scatter.add.f32 [tilespmem:s15], [sflag:$0x8], $0x80, s17, s21, $0xb8;
	[tilespmem:$0x1F000] =	vst v63  }
0x17f: {  	_ =	swait.ge [sflag:s0], $0x2800  }
0x180: {  	[sflag:s0] =	ssyncset.done $0x0  }
0x181: {  	s4 =	simm.s32 @p1 $0x780;
	[sflag:s0] =	ssyncadd.s32 $0xFFFFD800  }
0x182: {  	[tilespmem:s9], [sflag:$0x4] =	stream.indirect.gather @p1 [hbm4b:s5+s7], $0x80, s4, s7, $0xb8;
	[tilespmem:$0x1F000] =	vst v63  }
0x183: {  	s4 =	simm.s32 @!p1 $0x780  }
0x184: {  	[tilespmem:s18], [sflag:$0x4] =	stream.indirect.gather @!p1 [hbm4b:s6+s12], $0x80, s4, s12, $0xb8;
	[tilespmem:$0x1F000] =	vst v63  }
0x185: {  	_ =	swait.ge [sflag:s20], $0x2800  }
0x186: {  	[sflag:s20] =	ssyncset.done $0x0  }
0x187: {  	s19 =	rddreg [dreg:$0x11];
	[sflag:s20] =	ssyncadd.s32 $0xFFFFD800  }
0x188: {  	[spmem:s2] =	stream.indirect.scatter.add.f32 [tilespmem:s1], [sflag:$0x5], $0x80, s19, s21, $0xb8;
	[tilespmem:$0x1F000] =	vst v63  }
0x189: {  	_ =	swait.ge [sflag:s22], $0x2800  }
0x18a: {  	[sflag:s22] =	ssyncset.done $0x0  }
0x18b: {  	[sflag:s22] =	ssyncadd.s32 $0xFFFFD800  }
0x18c: {  	_ =	swait.ge [sflag:s23], $0x2800  }
0x18d: {  	[sflag:s23] =	ssyncset.done $0x0  }
0x18e: {  	s24 =	rddreg [dreg:$0x12];
	[sflag:s23] =	ssyncadd.s32 $0xFFFFD800  }
0x18f: {  	[spmem:s2] =	stream.indirect.scatter.add.f32 [tilespmem:s3], [sflag:$0x6], $0x80, s24, s21, $0xb8;
	[tilespmem:$0x1F000] =	vst v63  }
0x190: {  	_ =	swait.ge [sflag:s25], $0x2800  }
0x191: {  	[sflag:s25] =	ssyncset.done $0x0  }
0x192: {  	[sflag:s25] =	ssyncadd.s32 $0xFFFFD800  }
0x193: {  	_ =	swait.ge [sflag:s26], $0x2800  }
0x194: {  	[sflag:s26] =	ssyncset.done $0x0  }
0x195: {  	s28 =	rddreg [dreg:$0x13];
	[sflag:s26] =	ssyncadd.s32 $0xFFFFD800  }
0x196: {  	[spmem:s2] =	stream.indirect.scatter.add.f32 [tilespmem:s11], [sflag:$0x7], $0x80, s28, s21, $0xb8;
	[tilespmem:$0x1F000] =	vst v63  }
0x197: {  	_ =	swait.ge [sflag:s29], $0x2800  }
0x198: {  	[sflag:s29] =	ssyncset.done $0x0  }
0x199: {  	s14 =	sadd.s32 $0x100, s14;
	[sflag:s29] =	ssyncadd.s32 $0xFFFFD800  }
0x19a: {  	p2 =	sne.s32 s14, $0x800;
	_ =	swait.ge [sflag:s30], $0x2800  }
.Ltmp0:
0x19b: {  	[sflag:s30] =	ssyncset.done $0x0;
	(pc) =	sbr.rel @p2 .LBB2_2-.Ltmp0, $4  }
0x19c: {  	s31 =	rddreg [dreg:$0x14];
	[sflag:s30] =	ssyncadd.s32 $0xFFFFD800  }
0x19d: {  	[spmem:s2] =	stream.indirect.scatter.add.f32 [tilespmem:s15], [sflag:$0x8], $0x80, s31, s21, $0xb8;
	[tilespmem:$0x1F000] =	vst v63  }
0x19e: {  	_ =	swait.ge [sflag:s0], $0x2800  }
0x19f: {  	s4 =	rddreg [dreg:$0x5];
	[sflag:s0] =	ssyncset.done $0x0  }
0x1a0: {  	[sflag:s0] =	ssyncadd.s32 $0xFFFFD800  }
0x1a1: {  	s1 =	sadd.s32 s10, s4;
	s3 =	simm.s32 $0x0;
	s18 =	simm.s32 $0x9  }
0x1a2: {  	[tilespmem:s3], [sflag:$0x9] =	stream.linear.gather [hbm4b:s1+s3], $0x800, $0x38;
	[tilespmem:$0x1F000] =	vst v63  }
0x1a3: {  	_ =	swait.ge [sflag:s18], $0x800  }
0x1a4: {  	s9 =	rddreg [dreg:$0x4];
	[sflag:s18] =	ssyncset.done $0x0  }
0x1a5: {  	s14 =	simm.s32 $0x800;
	[sflag:s18] =	ssyncadd.s32 $0xFFFFF800;
	s1 =	sadd.s32 s10, s9  }
0x1a6: {  	[tilespmem:s14], [sflag:$0x9] =	stream.linear.gather [hbm4b:s1+s3], $0x800, $0x38;
	[tilespmem:$0x1F000] =	vst v63  }
0x1a7: {  	_ =	swait.ge [sflag:s18], $0x800  }
0x1a8: {  	s4 =	simm.s32 @p0 $0x0;
	[sflag:s18] =	ssyncset.done $0x0  }
0x1a9: {  	s1 =	simm.s32 @p0 $0x15000;
	s3 =	simm.s32 @p0 $0x50;
	[sflag:s18] =	ssyncadd.s32 $0xFFFFF800  }
0x1aa: {  	[tilespmem:s1], [sflag:$0x1] =	stream.indirect.gather @p0 [hbm4b:s6+s3], $0x80, s4, s3, $0xb8;
	[tilespmem:$0x1F000] =	vst v63  }
0x1ab: {  	s7 =	simm.s32 @p0 $0x17800;
	s4 =	simm.s32 @p0 $0x80  }
0x1ac: {  	[tilespmem:s7], [sflag:$0x2] =	stream.indirect.gather @p0 [hbm4b:s6+s3], $0x80, s4, s3, $0xb8;
	[tilespmem:$0x1F000] =	vst v63  }
0x1ad: {  	s8 =	simm.s32 @p0 $0x1A000;
	s4 =	simm.s32 @p0 $0x100  }
0x1ae: {  	[tilespmem:s8], [sflag:$0x3] =	stream.indirect.gather @p0 [hbm4b:s6+s3], $0x80, s4, s3, $0xb8;
	[tilespmem:$0x1F000] =	vst v63  }
0x1af: {  	s9 =	simm.s32 @p0 $0x1C800;
	s4 =	simm.s32 @p0 $0x180  }
0x1b0: {  	[tilespmem:s9], [sflag:$0x4] =	stream.indirect.gather @p0 [hbm4b:s6+s3], $0x80, s4, s3, $0xb8;
	[tilespmem:$0x1F000] =	vst v63  }
0x1b1: {  	s10 =	simm.s32 @!p0 $0x15000;
	s4 =	simm.s32 @!p0 $0x50;
	s9 =	simm.s32 @!p0 $0x0  }
0x1b2: {  	[tilespmem:s10], [sflag:$0x1] =	stream.indirect.gather @!p0 [hbm4b:s5+s4], $0x80, s9, s4, $0xb8;
	[tilespmem:$0x1F000] =	vst v63  }
0x1b3: {  	s11 =	simm.s32 @!p0 $0x17800;
	s9 =	simm.s32 @!p0 $0x80  }
0x1b4: {  	[tilespmem:s11], [sflag:$0x2] =	stream.indirect.gather @!p0 [hbm4b:s5+s4], $0x80, s9, s4, $0xb8;
	[tilespmem:$0x1F000] =	vst v63  }
0x1b5: {  	s12 =	simm.s32 @!p0 $0x1A000;
	s9 =	simm.s32 @!p0 $0x100  }
0x1b6: {  	[tilespmem:s12], [sflag:$0x3] =	stream.indirect.gather @!p0 [hbm4b:s5+s4], $0x80, s9, s4, $0xb8;
	[tilespmem:$0x1F000] =	vst v63  }
0x1b7: {  	s13 =	simm.s32 @!p0 $0x1C800;
	s9 =	simm.s32 @!p0 $0x180  }
0x1b8: {  	[tilespmem:s13], [sflag:$0x4] =	stream.indirect.gather @!p0 [hbm4b:s5+s4], $0x80, s9, s4, $0xb8;
	[tilespmem:$0x1F000] =	vst v63  }
0x1b9: {  	_ =	swait.ge [sflag:s20], $0x2800  }
0x1ba: {  	[sflag:s20] =	ssyncset.done $0x0  }
0x1bb: {  	s15 =	simm.s32 $0x15000;
	[sflag:s20] =	ssyncadd.s32 $0xFFFFD800  }
0x1bc: {  	[spmem:s2] =	stream.indirect.scatter.add.f32 [tilespmem:s15], [sflag:$0x5], $0x80, s14, s21, $0xb8;
	[tilespmem:$0x1F000] =	vst v63  }
0x1bd: {  	_ =	swait.ge [sflag:s22], $0x2800  }
0x1be: {  	[sflag:s22] =	ssyncset.done $0x0  }
0x1bf: {  	s9 =	simm.s32 @p0 $0x200;
	[sflag:s22] =	ssyncadd.s32 $0xFFFFD800  }
0x1c0: {  	[tilespmem:s1], [sflag:$0x1] =	stream.indirect.gather @p0 [hbm4b:s6+s3], $0x80, s9, s3, $0xb8;
	[tilespmem:$0x1F000] =	vst v63  }
0x1c1: {  	s1 =	simm.s32 @!p0 $0x200  }
0x1c2: {  	[tilespmem:s10], [sflag:$0x1] =	stream.indirect.gather @!p0 [hbm4b:s5+s4], $0x80, s1, s4, $0xb8;
	[tilespmem:$0x1F000] =	vst v63  }
0x1c3: {  	_ =	swait.ge [sflag:s23], $0x2800  }
0x1c4: {  	[sflag:s23] =	ssyncset.done $0x0  }
0x1c5: {  	s16 =	simm.s32 $0x17800;
	s10 =	rddreg [dreg:$0x6];
	[sflag:s23] =	ssyncadd.s32 $0xFFFFD800  }
0x1c6: {  	[spmem:s2] =	stream.indirect.scatter.add.f32 [tilespmem:s16], [sflag:$0x6], $0x80, s10, s21, $0xb8;
	[tilespmem:$0x1F000] =	vst v63  }
0x1c7: {  	_ =	swait.ge [sflag:s25], $0x2800  }
0x1c8: {  	[sflag:s25] =	ssyncset.done $0x0  }
0x1c9: {  	s1 =	simm.s32 @p0 $0x280;
	[sflag:s25] =	ssyncadd.s32 $0xFFFFD800  }
0x1ca: {  	[tilespmem:s7], [sflag:$0x2] =	stream.indirect.gather @p0 [hbm4b:s6+s3], $0x80, s1, s3, $0xb8;
	[tilespmem:$0x1F000] =	vst v63  }
0x1cb: {  	s1 =	simm.s32 @!p0 $0x280  }
0x1cc: {  	[tilespmem:s11], [sflag:$0x2] =	stream.indirect.gather @!p0 [hbm4b:s5+s4], $0x80, s1, s4, $0xb8;
	[tilespmem:$0x1F000] =	vst v63  }
0x1cd: {  	_ =	swait.ge [sflag:s26], $0x2800  }
0x1ce: {  	[sflag:s26] =	ssyncset.done $0x0  }
0x1cf: {  	s17 =	simm.s32 $0x1A000;
	s11 =	rddreg [dreg:$0x7];
	[sflag:s26] =	ssyncadd.s32 $0xFFFFD800  }
0x1d0: {  	[spmem:s2] =	stream.indirect.scatter.add.f32 [tilespmem:s17], [sflag:$0x7], $0x80, s11, s21, $0xb8;
	[tilespmem:$0x1F000] =	vst v63  }
0x1d1: {  	_ =	swait.ge [sflag:s29], $0x2800  }
0x1d2: {  	[sflag:s29] =	ssyncset.done $0x0  }
0x1d3: {  	s1 =	simm.s32 @p0 $0x300;
	[sflag:s29] =	ssyncadd.s32 $0xFFFFD800  }
0x1d4: {  	[tilespmem:s8], [sflag:$0x3] =	stream.indirect.gather @p0 [hbm4b:s6+s3], $0x80, s1, s3, $0xb8;
	[tilespmem:$0x1F000] =	vst v63  }
0x1d5: {  	s1 =	simm.s32 @!p0 $0x300  }
0x1d6: {  	[tilespmem:s12], [sflag:$0x3] =	stream.indirect.gather @!p0 [hbm4b:s5+s4], $0x80, s1, s4, $0xb8;
	[tilespmem:$0x1F000] =	vst v63  }
0x1d7: {  	_ =	swait.ge [sflag:s30], $0x2800  }
0x1d8: {  	[sflag:s30] =	ssyncset.done $0x0  }
0x1d9: {  	s19 =	simm.s32 $0x1C800;
	s12 =	rddreg [dreg:$0x8];
	[sflag:s30] =	ssyncadd.s32 $0xFFFFD800  }
0x1da: {  	[spmem:s2] =	stream.indirect.scatter.add.f32 [tilespmem:s19], [sflag:$0x8], $0x80, s12, s21, $0xb8;
	[tilespmem:$0x1F000] =	vst v63  }
0x1db: {  	_ =	swait.ge [sflag:s0], $0x2800  }
0x1dc: {  	s3 =	simm.s32 @p1 $0x50;
	[sflag:s0] =	ssyncset.done $0x0  }
0x1dd: {  	s1 =	simm.s32 @p1 $0x1C800;
	s4 =	simm.s32 @p1 $0x380;
	[sflag:s0] =	ssyncadd.s32 $0xFFFFD800  }
0x1de: {  	[tilespmem:s1], [sflag:$0x4] =	stream.indirect.gather @p1 [hbm4b:s5+s3], $0x80, s4, s3, $0xb8;
	[tilespmem:$0x1F000] =	vst v63  }
0x1df: {  	s7 =	simm.s32 @!p1 $0x1C800;
	s8 =	simm.s32 @!p1 $0x380;
	s4 =	simm.s32 @!p1 $0x50  }
0x1e0: {  	[tilespmem:s7], [sflag:$0x4] =	stream.indirect.gather @!p1 [hbm4b:s6+s4], $0x80, s8, s4, $0xb8;
	[tilespmem:$0x1F000] =	vst v63  }
0x1e1: {  	_ =	swait.ge [sflag:s20], $0x2800  }
0x1e2: {  	[sflag:s20] =	ssyncset.done $0x0  }
0x1e3: {  	s13 =	rddreg [dreg:$0x9];
	[sflag:s20] =	ssyncadd.s32 $0xFFFFD800  }
0x1e4: {  	[spmem:s2] =	stream.indirect.scatter.add.f32 [tilespmem:s15], [sflag:$0x5], $0x80, s13, s21, $0xb8;
	[tilespmem:$0x1F000] =	vst v63  }
0x1e5: {  	_ =	swait.ge [sflag:s22], $0x2800  }
0x1e6: {  	[sflag:s22] =	ssyncset.done $0x0  }
0x1e7: {  	s9 =	simm.s32 @p1 $0x15000;
	s8 =	simm.s32 @p1 $0x400;
	[sflag:s22] =	ssyncadd.s32 $0xFFFFD800  }
0x1e8: {  	[tilespmem:s9], [sflag:$0x1] =	stream.indirect.gather @p1 [hbm4b:s5+s3], $0x80, s8, s3, $0xb8;
	[tilespmem:$0x1F000] =	vst v63  }
0x1e9: {  	s10 =	simm.s32 @!p1 $0x15000;
	s8 =	simm.s32 @!p1 $0x400  }
0x1ea: {  	[tilespmem:s10], [sflag:$0x1] =	stream.indirect.gather @!p1 [hbm4b:s6+s4], $0x80, s8, s4, $0xb8;
	[tilespmem:$0x1F000] =	vst v63  }
0x1eb: {  	_ =	swait.ge [sflag:s23], $0x2800  }
0x1ec: {  	[sflag:s23] =	ssyncset.done $0x0  }
0x1ed: {  	s14 =	rddreg [dreg:$0xa];
	[sflag:s23] =	ssyncadd.s32 $0xFFFFD800  }
0x1ee: {  	[spmem:s2] =	stream.indirect.scatter.add.f32 [tilespmem:s16], [sflag:$0x6], $0x80, s14, s21, $0xb8;
	[tilespmem:$0x1F000] =	vst v63  }
0x1ef: {  	_ =	swait.ge [sflag:s25], $0x2800  }
0x1f0: {  	[sflag:s25] =	ssyncset.done $0x0  }
0x1f1: {  	s11 =	simm.s32 @p1 $0x17800;
	s8 =	simm.s32 @p1 $0x480;
	[sflag:s25] =	ssyncadd.s32 $0xFFFFD800  }
0x1f2: {  	[tilespmem:s11], [sflag:$0x2] =	stream.indirect.gather @p1 [hbm4b:s5+s3], $0x80, s8, s3, $0xb8;
	[tilespmem:$0x1F000] =	vst v63  }
0x1f3: {  	s12 =	simm.s32 @!p1 $0x17800;
	s8 =	simm.s32 @!p1 $0x480  }
0x1f4: {  	[tilespmem:s12], [sflag:$0x2] =	stream.indirect.gather @!p1 [hbm4b:s6+s4], $0x80, s8, s4, $0xb8;
	[tilespmem:$0x1F000] =	vst v63  }
0x1f5: {  	_ =	swait.ge [sflag:s26], $0x2800  }
0x1f6: {  	[sflag:s26] =	ssyncset.done $0x0  }
0x1f7: {  	s24 =	rddreg [dreg:$0xb];
	[sflag:s26] =	ssyncadd.s32 $0xFFFFD800  }
0x1f8: {  	[spmem:s2] =	stream.indirect.scatter.add.f32 [tilespmem:s17], [sflag:$0x7], $0x80, s24, s21, $0xb8;
	[tilespmem:$0x1F000] =	vst v63  }
0x1f9: {  	_ =	swait.ge [sflag:s29], $0x2800  }
0x1fa: {  	[sflag:s29] =	ssyncset.done $0x0  }
0x1fb: {  	s13 =	simm.s32 @p1 $0x1A000;
	s8 =	simm.s32 @p1 $0x500;
	[sflag:s29] =	ssyncadd.s32 $0xFFFFD800  }
0x1fc: {  	[tilespmem:s13], [sflag:$0x3] =	stream.indirect.gather @p1 [hbm4b:s5+s3], $0x80, s8, s3, $0xb8;
	[tilespmem:$0x1F000] =	vst v63  }
0x1fd: {  	s14 =	simm.s32 @!p1 $0x1A000;
	s8 =	simm.s32 @!p1 $0x500  }
0x1fe: {  	[tilespmem:s14], [sflag:$0x3] =	stream.indirect.gather @!p1 [hbm4b:s6+s4], $0x80, s8, s4, $0xb8;
	[tilespmem:$0x1F000] =	vst v63  }
0x1ff: {  	_ =	swait.ge [sflag:s30], $0x2800  }
0x200: {  	[sflag:s30] =	ssyncset.done $0x0  }
0x201: {  	s28 =	rddreg [dreg:$0xc];
	[sflag:s30] =	ssyncadd.s32 $0xFFFFD800  }
0x202: {  	[spmem:s2] =	stream.indirect.scatter.add.f32 [tilespmem:s19], [sflag:$0x8], $0x80, s28, s21, $0xb8;
	[tilespmem:$0x1F000] =	vst v63  }
0x203: {  	_ =	swait.ge [sflag:s0], $0x2800  }
0x204: {  	[sflag:s0] =	ssyncset.done $0x0  }
0x205: {  	s8 =	simm.s32 @p1 $0x580;
	[sflag:s0] =	ssyncadd.s32 $0xFFFFD800  }
0x206: {  	[tilespmem:s1], [sflag:$0x4] =	stream.indirect.gather @p1 [hbm4b:s5+s3], $0x80, s8, s3, $0xb8;
	[tilespmem:$0x1F000] =	vst v63  }
0x207: {  	s8 =	simm.s32 @!p1 $0x580  }
0x208: {  	[tilespmem:s7], [sflag:$0x4] =	stream.indirect.gather @!p1 [hbm4b:s6+s4], $0x80, s8, s4, $0xb8;
	[tilespmem:$0x1F000] =	vst v63  }
0x209: {  	_ =	swait.ge [sflag:s20], $0x2800  }
0x20a: {  	[sflag:s20] =	ssyncset.done $0x0  }
0x20b: {  	s31 =	rddreg [dreg:$0xd];
	[sflag:s20] =	ssyncadd.s32 $0xFFFFD800  }
0x20c: {  	[spmem:s2] =	stream.indirect.scatter.add.f32 [tilespmem:s15], [sflag:$0x5], $0x80, s31, s21, $0xb8;
	[tilespmem:$0x1F000] =	vst v63  }
0x20d: {  	_ =	swait.ge [sflag:s22], $0x2800  }
0x20e: {  	[sflag:s22] =	ssyncset.done $0x0  }
0x20f: {  	s8 =	simm.s32 @p1 $0x600;
	[sflag:s22] =	ssyncadd.s32 $0xFFFFD800  }
0x210: {  	[tilespmem:s9], [sflag:$0x1] =	stream.indirect.gather @p1 [hbm4b:s5+s3], $0x80, s8, s3, $0xb8;
	[tilespmem:$0x1F000] =	vst v63  }
0x211: {  	s8 =	simm.s32 @!p1 $0x600  }
0x212: {  	[tilespmem:s10], [sflag:$0x1] =	stream.indirect.gather @!p1 [hbm4b:s6+s4], $0x80, s8, s4, $0xb8;
	[tilespmem:$0x1F000] =	vst v63  }
0x213: {  	_ =	swait.ge [sflag:s23], $0x2800  }
0x214: {  	[sflag:s23] =	ssyncset.done $0x0  }
0x215: {  	s10 =	rddreg [dreg:$0xe];
	[sflag:s23] =	ssyncadd.s32 $0xFFFFD800  }
0x216: {  	[spmem:s2] =	stream.indirect.scatter.add.f32 [tilespmem:s16], [sflag:$0x6], $0x80, s10, s21, $0xb8;
	[tilespmem:$0x1F000] =	vst v63  }
0x217: {  	_ =	swait.ge [sflag:s25], $0x2800  }
0x218: {  	[sflag:s25] =	ssyncset.done $0x0  }
0x219: {  	s8 =	simm.s32 @p1 $0x680;
	[sflag:s25] =	ssyncadd.s32 $0xFFFFD800  }
0x21a: {  	[tilespmem:s11], [sflag:$0x2] =	stream.indirect.gather @p1 [hbm4b:s5+s3], $0x80, s8, s3, $0xb8;
	[tilespmem:$0x1F000] =	vst v63  }
0x21b: {  	s8 =	simm.s32 @!p1 $0x680  }
0x21c: {  	[tilespmem:s12], [sflag:$0x2] =	stream.indirect.gather @!p1 [hbm4b:s6+s4], $0x80, s8, s4, $0xb8;
	[tilespmem:$0x1F000] =	vst v63  }
0x21d: {  	_ =	swait.ge [sflag:s26], $0x2800  }
0x21e: {  	[sflag:s26] =	ssyncset.done $0x0  }
0x21f: {  	s11 =	rddreg [dreg:$0xf];
	[sflag:s26] =	ssyncadd.s32 $0xFFFFD800  }
0x220: {  	[spmem:s2] =	stream.indirect.scatter.add.f32 [tilespmem:s17], [sflag:$0x7], $0x80, s11, s21, $0xb8;
	[tilespmem:$0x1F000] =	vst v63  }
0x221: {  	_ =	swait.ge [sflag:s29], $0x2800  }
0x222: {  	[sflag:s29] =	ssyncset.done $0x0  }
0x223: {  	s8 =	simm.s32 @p1 $0x700;
	[sflag:s29] =	ssyncadd.s32 $0xFFFFD800  }
0x224: {  	[tilespmem:s13], [sflag:$0x3] =	stream.indirect.gather @p1 [hbm4b:s5+s3], $0x80, s8, s3, $0xb8;
	[tilespmem:$0x1F000] =	vst v63  }
0x225: {  	s8 =	simm.s32 @!p1 $0x700  }
0x226: {  	[tilespmem:s14], [sflag:$0x3] =	stream.indirect.gather @!p1 [hbm4b:s6+s4], $0x80, s8, s4, $0xb8;
	[tilespmem:$0x1F000] =	vst v63  }
0x227: {  	_ =	swait.ge [sflag:s30], $0x2800  }
0x228: {  	[sflag:s30] =	ssyncset.done $0x0  }
0x229: {  	s12 =	rddreg [dreg:$0x10];
	[sflag:s30] =	ssyncadd.s32 $0xFFFFD800  }
0x22a: {  	[spmem:s2] =	stream.indirect.scatter.add.f32 [tilespmem:s19], [sflag:$0x8], $0x80, s12, s21, $0xb8;
	[tilespmem:$0x1F000] =	vst v63  }
0x22b: {  	_ =	swait.ge [sflag:s0], $0x2800  }
0x22c: {  	[sflag:s0] =	ssyncset.done $0x0  }
0x22d: {  	s8 =	simm.s32 @p1 $0x780;
	[sflag:s0] =	ssyncadd.s32 $0xFFFFD800  }
0x22e: {  	[tilespmem:s1], [sflag:$0x4] =	stream.indirect.gather @p1 [hbm4b:s5+s3], $0x80, s8, s3, $0xb8;
	[tilespmem:$0x1F000] =	vst v63  }
0x22f: {  	s1 =	simm.s32 @!p1 $0x780  }
0x230: {  	[tilespmem:s7], [sflag:$0x4] =	stream.indirect.gather @!p1 [hbm4b:s6+s4], $0x80, s1, s4, $0xb8;
	[tilespmem:$0x1F000] =	vst v63  }
0x231: {  	_ =	swait.ge [sflag:s20], $0x2800  }
0x232: {  	[sflag:s20] =	ssyncset.done $0x0  }
0x233: {  	s13 =	rddreg [dreg:$0x11];
	[sflag:s20] =	ssyncadd.s32 $0xFFFFD800  }
0x234: {  	[spmem:s2] =	stream.indirect.scatter.add.f32 [tilespmem:s15], [sflag:$0x5], $0x80, s13, s21, $0xb8;
	[tilespmem:$0x1F000] =	vst v63  }
0x235: {  	_ =	swait.ge [sflag:s22], $0x2800  }
0x236: {  	[sflag:s22] =	ssyncset.done $0x0  }
0x237: {  	[sflag:s22] =	ssyncadd.s32 $0xFFFFD800  }
0x238: {  	_ =	swait.ge [sflag:s23], $0x2800  }
0x239: {  	[sflag:s23] =	ssyncset.done $0x0  }
0x23a: {  	s14 =	rddreg [dreg:$0x12];
	[sflag:s23] =	ssyncadd.s32 $0xFFFFD800  }
0x23b: {  	[spmem:s2] =	stream.indirect.scatter.add.f32 [tilespmem:s16], [sflag:$0x6], $0x80, s14, s21, $0xb8;
	[tilespmem:$0x1F000] =	vst v63  }
0x23c: {  	_ =	swait.ge [sflag:s25], $0x2800  }
0x23d: {  	[sflag:s25] =	ssyncset.done $0x0  }
0x23e: {  	[sflag:s25] =	ssyncadd.s32 $0xFFFFD800  }
0x23f: {  	_ =	swait.ge [sflag:s26], $0x2800  }
0x240: {  	[sflag:s26] =	ssyncset.done $0x0  }
0x241: {  	s15 =	rddreg [dreg:$0x13];
	[sflag:s26] =	ssyncadd.s32 $0xFFFFD800  }
0x242: {  	[spmem:s2] =	stream.indirect.scatter.add.f32 [tilespmem:s17], [sflag:$0x7], $0x80, s15, s21, $0xb8;
	[tilespmem:$0x1F000] =	vst v63  }
0x243: {  	_ =	swait.ge [sflag:s29], $0x2800  }
0x244: {  	[sflag:s29] =	ssyncset.done $0x0  }
0x245: {  	[sflag:s29] =	ssyncadd.s32 $0xFFFFD800  }
0x246: {  	_ =	swait.ge [sflag:s30], $0x2800  }
0x247: {  	[sflag:s30] =	ssyncset.done $0x0  }
0x248: {  	s16 =	rddreg [dreg:$0x14];
	[sflag:s30] =	ssyncadd.s32 $0xFFFFD800  }
0x249: {  	[spmem:s2] =	stream.indirect.scatter.add.f32 [tilespmem:s19], [sflag:$0x8], $0x80, s16, s21, $0xb8;
	[tilespmem:$0x1F000] =	vst v63  }
0x24a: {  	_ =	swait.ge [sflag:s0], $0x2800  }
0x24b: {  	[sflag:s0] =	ssyncset.done $0x0  }
0x24c: {  	[sflag:s0] =	ssyncadd.s32 $0xFFFFD800  }
0x24d: {  	s17 =	stileid.u32;
	[bflag:$0x0] =	sbarrier.arrive $0xFFFF  }
0x24e: {  	s1 =	sshll.u32 s17, $0x6;
	s9 =	rddreg [dreg:$0x15]  }
0x24f: {  	s1 =	sor.u32 $0x1C09, s1;
	s24 =	rddreg [dreg:$0x1d];
	s19 =	sshrl.u32 s9, $0x3  }
0x250: {  	[hbm:s24], [sflag:s1] =	dma.local [spmem:s19], $0x2800  }
0x251: {  	_ =	swait.ge [sflag:s18], $0x2800  }
0x252: {  	s28 =	rddreg [dreg:$0x1f]  }
0x253: {  	s31 =	rddreg [dreg:$0x1e];
	s3 =	sadd.s32 $0x1, s28  }
0x254: {  	p2 =	sne.s32 s3, s31  }
.Ltmp1:
0x255: {  	_ = 	snop;
	(pc) =	sbr.rel @p2 .LBB2_1-.Ltmp1, $3  }
0x256: {  	_ =	sdelay $0x1  }
0x257: {  	[sflag:s18] =	ssyncset.done $0x0  }
0x258: {  	[sflag:s18] =	ssyncadd.s32 $0xFFFFD800  }
0x259: {  	_ =	sfence.sel $0x180000  }
0x25a: {  	[bflag:$0x0] =	sbarrier.arrive $0xFFFF  }
0x25b: {  	_ =	strace $0x9000004A  }
0x25c: {  	s0 =	stileid.u32;
	[bflag:$0x2] =	sbarrier.arrive $0xFFFF  }
0x25d: {  	p0 =	sne.s32 s0, $0x0;
	s0 =	rddreg [dreg:$0x3]  }
0x25e: {  	s0 =	sadd.s32 @!p0 $0x100000, s0  }
0x25f: {  	[sflag:s0] =	ssyncadd.tile.s32 @!p0 $0x1;
	_ =	shalt  }
.Lfunc_end2:
_tile_overlayer_lowered:
.L_overlay_start_2:
0x260: {  	(tag) =	ssettag $0x2  }
0x261: {  	s0 =	rddreg [dreg:$0x0];
	s2 =	stileid.u32  }
0x262: {  	s1 =	rddreg [dreg:$0x1];
	p0 =	sne.s32 s2, $0x0  }
0x263: {  	s3 =	rddreg [dreg:$0x2];
	[bflag:$0x3] =	sbarrier.arrive $0xFFFF;
	s2 =	simm.s32 @!p0 $0x1C09  }
0x264: {  	[timem:s3], [sflag:s2] =	dma.local @!p0 [hbm:s0], s1  }
0x265: {  	s0 =	simm.s32 @!p0 $0x9  }
0x266: {  	_ =	swait.ge @!p0 [sflag:s0], s1  }
0x267: {  	s1 =	ssub.s32 @!p0 $0x0, s1;
	[sflag:s0] =	ssyncset.done @!p0 $0x0  }
0x268: {  	[sflag:s0] =	ssyncadd.s32 @!p0 s1  }
0x269: {  	[bflag:$0x3] =	sbarrier.arrive $0xFFFF  }
0x26a: {  	_ =	shalt  }

// kernel: kernel.14.cloned.1.call-start
scs
__scs_entry_jumppad:
0x0: {  	(pc) =	sbr.rel $0x88, $3  }
0x1: {  	(tag) =	ssettag $0x0;
	lr =	simm.s32 $0x1  }
0x2: {  	[smem:$0x3F9B] =	sst lr;
	_ =	strace $0xD0000000  }
0x3: {  	_ = 	snop  }
0x4: {  	_ = 	snop  }
0x5: {  	_ = 	snop  }
0x6: {  	_ = 	snop  }
0x7: {  	_ = 	snop  }
__scs_overlays_trampoline_lowered:
0x8: {  	[smem:$0x3FAA] =	sst s0  }
0x9: {  	[smem:$0x3FAB] =	sst s1  }
0xa: {  	[smem:$0x3FAC] =	sst s2  }
0xb: {  	[smem:$0x3FAD] =	sst s3  }
0xc: {  	[smem:$0x3FAE] =	sst s4  }
0xd: {  	[smem:$0x3FAF] =	sst s5  }
0xe: {  	[smem:$0x3FB0] =	sst s6  }
0xf: {  	[smem:$0x3FB1] =	sst s7  }
0x10: {  	[smem:$0x3FB2] =	sst s8  }
0x11: {  	[smem:$0x3FB3] =	sst s9;
	s0 =	simm.s32 @!p0 $0x0  }
0x12: {  	s1 =	sld [smem:$0x3F99];
	s0 =	simm.s32 @p0 $0x1  }
0x13: {  	[smem:$0x3FB4] =	sst s0;
	s0 =	simm.s32 @!p1 $0x0  }
0x14: {  	s2 =	sld [smem:$0x3F98];
	s0 =	simm.s32 @p1 $0x1  }
0x15: {  	[smem:$0x3FB5] =	sst s0;
	s0 =	simm.s32 @!p2 $0x0  }
0x16: {  	s3 =	sld [smem:$0x3FDB];
	s0 =	simm.s32 @p2 $0x1  }
0x17: {  	s4 =	simm.s32 $0x1BF5;
	[smem:$0x3FB7] =	sst s0  }
0x18: {  	s0 =	sld [smem:$0x3F9A];
	_ =	swait.ge [sflag:s4], $0x0  }
0x19: {  	s7 =	sld [smem:$0x3F9B]  }
0x1a: {  	s8 =	sadd.s32 $0xFFFFE003, lr  }
0x1b: {  	s9 =	sadd.s32 $0xFFFFFEF7, lr;
	s5 =	simm.s32 $0xFFFFFFFF;
	p2 =	slt.u32 s8, $0xFFFFF086  }
0x1c: {  	p1 =	slt.u32 s9, $0xF7A;
	s5 =	simm.s32 @!p2 $0x0  }
0x1d: {  	s5 =	simm.s32 @p1 $0x1;
	p0 =	seq.s32 s7, s2  }
0x1e: {  	s7 =	smul.u32 @!p0 $0xF7A, s2;
	p2 =	seq.s32 @!p0 s5, $0x0  }
0x1f: {  	s9 =	smul.u32 $0xF7A, s1;
	s8 =	simm.s32 @!p0 $0x1BF5;
	p2 =	por !p2, p0  }
0x20: {  	[sflag:s8] =	ssyncset.s32 @!p0 $0xFFFFF086;
	s6 =	sadd.s32 @!p0 s3, s7;
	s7 =	simm.s32 @!p0 $0x108  }
0x21: {  	s3 =	sadd.s32 s3, s9;
	s6 =	sadd.s32 @!p0 $0x88, s6;
	s7 =	simm.s32 @p2 $0x1082  }
0x22: {  	[simem:s7], [sflag:s8] =	dma.local @!p0 [hbm:s6], $0xF7A  }
0x23: {  	s9 =	sor.u32 $0xD0000000, s2;
	s6 =	simm.s32 $0x108;
	_ =	swait.ge @!p0 [sflag:s8], $0x0  }
0x24: {  	s3 =	sadd.s32 $0x88, s3;
	s6 =	simm.s32 @!p1 $0x1082;
	[sflag:s4] =	ssyncset.s32 $0xFFFFF086  }
0x25: {  	[simem:s6], [sflag:s4] =	dma.local [hbm:s3], $0xF7A  }
0x26: {  	[smem:$0x3F9B] =	sst s1;
	(tag) =	ssettag s2;
	_ =	strace s9  }
0x27: {  	s1 =	sld [smem:$0x3FAB]  }
0x28: {  	s2 =	sld [smem:$0x3FAC]  }
0x29: {  	s4 =	sld [smem:$0x3FAE]  }
0x2a: {  	p0 =	seq.s32 s5, $0x0;
	s5 =	sld [smem:$0x3FAF]  }
0x2b: {  	s6 =	sld [smem:$0x3FB0]  }
0x2c: {  	s7 =	sld [smem:$0x3FB1]  }
0x2d: {  	s3 =	simm.s32 $0x108;
	s8 =	sld [smem:$0x3FB2]  }
0x2e: {  	s3 =	simm.s32 @!p0 $0x1082;
	s9 =	sld [smem:$0x3FB3]  }
0x2f: {  	lr =	sadd.s32 s0, s3;
	s0 =	sld [smem:$0x3FAA]  }
0x30: {  	s3 =	sld [smem:$0x3FAD]  }
0x31: {  	[smem:$0x3FB6] =	sst s10  }
0x32: {  	s10 =	sld [smem:$0x3FB4];
	_ =	sdelay $0x3  }
0x33: {  	p0 =	seq.s32 s10, $0x1;
	s10 =	sld [smem:$0x3FB6];
	_ =	sdelay $0x3  }
0x34: {  	[smem:$0x3FB6] =	sst s10  }
0x35: {  	s10 =	sld [smem:$0x3FB5];
	_ =	sdelay $0x3  }
0x36: {  	p1 =	seq.s32 s10, $0x1;
	s10 =	sld [smem:$0x3FB6];
	_ =	sdelay $0x3  }
0x37: {  	[smem:$0x3FB6] =	sst s10  }
0x38: {  	s10 =	sld [smem:$0x3FB7]  }
0x39: {  	_ = 	snop;
	(pc) =	sbr.ind lr, $3  }
0x3a: {  	_ = 	snop  }
0x3b: {  	_ = 	snop  }
0x3c: {  	p2 =	seq.s32 s10, $0x1;
	s10 =	sld [smem:$0x3FB6]  }
0x3d: {  	_ =	shalt  }
0x3e: {  	_ =	shalt  }
0x3f: {  	_ =	shalt  }
0x40: {  	_ =	shalt  }
0x41: {  	_ =	shalt  }
0x42: {  	_ =	shalt  }
0x43: {  	_ =	shalt  }
0x44: {  	_ =	shalt  }
0x45: {  	_ =	shalt  }
0x46: {  	_ =	shalt  }
0x47: {  	_ =	shalt  }
0x48: {  	_ =	shalt  }
0x49: {  	_ =	shalt  }
0x4a: {  	_ =	shalt  }
0x4b: {  	_ =	shalt  }
0x4c: {  	_ =	shalt  }
0x4d: {  	_ =	shalt  }
0x4e: {  	_ =	shalt  }
0x4f: {  	_ =	shalt  }
0x50: {  	_ =	shalt  }
0x51: {  	_ =	shalt  }
0x52: {  	_ =	shalt  }
0x53: {  	_ =	shalt  }
0x54: {  	_ =	shalt  }
0x55: {  	_ =	shalt  }
0x56: {  	_ =	shalt  }
0x57: {  	_ =	shalt  }
0x58: {  	_ =	shalt  }
0x59: {  	_ =	shalt  }
0x5a: {  	_ =	shalt  }
0x5b: {  	_ =	shalt  }
0x5c: {  	_ =	shalt  }
0x5d: {  	_ =	shalt  }
0x5e: {  	_ =	shalt  }
0x5f: {  	_ =	shalt  }
0x60: {  	_ =	shalt  }
0x61: {  	_ =	shalt  }
0x62: {  	_ =	shalt  }
0x63: {  	_ =	shalt  }
0x64: {  	_ =	shalt  }
0x65: {  	_ =	shalt  }
0x66: {  	_ =	shalt  }
0x67: {  	_ =	shalt  }
0x68: {  	_ =	shalt  }
0x69: {  	_ =	shalt  }
0x6a: {  	_ =	shalt  }
0x6b: {  	_ =	shalt  }
0x6c: {  	_ =	shalt  }
0x6d: {  	_ =	shalt  }
0x6e: {  	_ =	shalt  }
0x6f: {  	_ =	shalt  }
0x70: {  	_ =	shalt  }
0x71: {  	_ =	shalt  }
0x72: {  	_ =	shalt  }
0x73: {  	_ =	shalt  }
0x74: {  	_ =	shalt  }
0x75: {  	_ =	shalt  }
0x76: {  	_ =	shalt  }
0x77: {  	_ =	shalt  }
0x78: {  	_ =	shalt  }
0x79: {  	_ =	shalt  }
0x7a: {  	_ =	shalt  }
0x7b: {  	_ =	shalt  }
0x7c: {  	_ =	shalt  }
0x7d: {  	_ =	shalt  }
0x7e: {  	_ =	shalt  }
0x7f: {  	_ =	shalt  }
0x80: {  	_ =	shalt  }
0x81: {  	_ =	shalt  }
0x82: {  	_ =	shalt  }
0x83: {  	_ =	shalt  }
0x84: {  	_ =	shalt  }
0x85: {  	_ =	shalt  }
0x86: {  	_ =	shalt  }
0x87: {  	_ =	shalt  }
.Lfunc_end0:
.L_simem_size_0:
called_computation.2_lowered:
.L_overlay_start_0:
0x88: {  	s2 =	sld [smem:$0x3FD9]  }
0x89: {  	s3 =	sld [smem:$0x3FFE];
	_ =	sdelay $0x1  }
0x8a: {  	s1 =	srdreg.scid  }
0x8b: {  	s0 =	sand.u32 $0x1, s1  }
0x8c: {  	s17 =	sshll.u32 s0, $0xA;
	s2 =	sadd.s32 s3, s2  }
0x8d: {  	s2 =	sadd.s32 s2, s17  }
0x8e: {  	[smem:$0x3FC2] =	sst s2  }
0x8f: {  	_ = 	snop  }
0x90: {  	s2 =	sld [smem:$0x3FD0];
	(tm) =	ssettm $0x1  }
0x91: {  	s18 =	sld [smem:$0x3FFB];
	_ =	sdelay $0x3  }
0x92: {  	_ =	strace s18  }
0x93: {  	s3 =	sld [smem:$0x3FFC];
	_ =	sdelay $0x3  }
0x94: {  	_ =	strace s3  }
0x95: {  	s3 =	sld [smem:$0x3FFD];
	_ =	sdelay $0x3  }
0x96: {  	_ =	strace s3  }
0x97: {  	_ =	strace $0x8FFFFFFF  }
0x98: {  	s19 =	sld [smem:$0x3FDB];
	_ =	sdelay $0x1  }
0x99: {  	s4 =	simm.s32 $_scs_section_size  }
0x9a: {  	s5 =	simm.s32 $_size__tile_overlayer_lowered;
	s6 =	simm.s32 $_tile_overlayer_lowered  }
0x9b: {  	s22 =	simm.s32 $0x1BFF;
	s21 =	sshll.u32 s6, $0x1;
	s3 =	sadd.s32 s4, s19  }
0x9c: {  	s7 =	simm.s32 $0x0;
	s20 =	sshll.u32 s5, $0x1;
	s5 =	sadd.s32 s21, s3  }
0x9d: {  	[timem:s7], [sflag:s22] =	dma.local [hbm:s5], s20  }
0x9e: {  	_ =	swait.ge [sflag:s22], s20  }
0x9f: {  	s4 =	ssub.s32 $0x0, s20;
	[sflag:s22] =	ssyncset.done $0x0  }
0xa0: {  	[sflag:s22] =	ssyncadd.s32 s4;
	_ =	sdelay $0x1  }
0xa1: {  	s23 =	simm.s32 $0x1B8B  }
0xa2: {  	_ =	swait.ge [sflag:s23], $0x1  }
0xa3: {  	[sflag:s23] =	ssyncset.done $0x0  }
0xa4: {  	s25 =	simm.s32 $0x1B8E;
	s24 =	sld [smem:$0x3FFE];
	[sflag:s23] =	ssyncadd.s32 $0xFFFFFFFF  }
0xa5: {  	s26 =	simm.s32 $execute0_lowered;
	[smem:$0x3FD2] =	sst s25  }
0xa6: {  	s5 =	sshll.u32 s26, $0x1;
	_ =	strace $0x8000004C;
	[dreg:$0x1] =	wrdreg $0xFFFFFFFF  }
0xa7: {  	s28 =	simm.s32 $_size_execute0_lowered;
	s3 =	sadd.s32 s3, s5;
	[dreg:$0x0] =	wrdreg $0x0  }
0xa8: {  	s5 =	sshll.u32 s28, $0x1;
	[dreg:$0x2] =	wrdreg s3  }
0xa9: {  	[dreg:$0x3] =	wrdreg s5  }
0xaa: {  	[dreg:$0x4] =	wrdreg $0xC0  }
0xab: {  	_ =	task [dreg:s7], $0x5FFFF  }
0xac: {  	[dreg:$0x1] =	wrdreg $0xFFFFFFFF  }
0xad: {  	[dreg:$0x0] =	wrdreg $0x60  }
0xae: {  	[dreg:$0x2] =	wrdreg s24  }
0xaf: {  	[dreg:$0x3] =	wrdreg s2  }
0xb0: {  	[dreg:$0x4] =	wrdreg $0x10000  }
0xb1: {  	[dreg:$0x5] =	wrdreg $0x9  }
0xb2: {  	_ =	task.clear_ibuf [dreg:s7], $0x6FFFF;
	_ =	strace $0x9000004C  }
0xb3: {  	s29 =	simm.s32 $0x9;
	_ =	strace $0x8000004E  }
0xb4: {  	_ =	swait.ge [sflag:s29], $0x1  }
0xb5: {  	[sflag:s29] =	ssyncadd.s32 $0xFFFFFFFF  }
0xb6: {  	_ =	strace $0x9000004E  }
0xb7: {  	_ =	sfence  }
0xb8: {  	s30 =	sld [smem:$0x0];
	_ =	sdelay $0x2  }
0xb9: {  	s31 =	sshll.u32 s1, $0xD;
	s1 =	sshrl.u32 s1, $0x2  }
0xba: {  	s3 =	sand.u32 $0x4000, s31;
	s1 =	sadd.s32 s1, s30  }
0xbb: {  	s0 =	sor.u32 s3, s0;
	s1 =	sshll.u32 s1, $0x11  }
0xbc: {  	s0 =	sor.u32 s1, s0  }
0xbd: {  	s0 =	sadd.s32 $0x8F2B, s0  }
0xbe: {  	[sflag:s0] =	ssyncadd.remote.s32 $0x1  }
0xbf: {  	_ =	sfence.sel $0xFFFF  }
0xc0: {  	[dreg:$0x0] =	wrdreg $0xFFFFFFFF;
	(pc) =	sbr.abs _section_cstart, $3  }
0xc1: {  	[dreg:$0x1] =	wrdreg $0xFFFFFFFF  }
0xc2: {  	_ =	task.clear_ibuf [dreg:s7], $0x2FFFF;
	_ =	strace $0x9FFFFFFF  }
0xc3: {  	(tm) =	ssettm $0x7FFFFFFF  }
tec
execute0_lowered:
.L_overlay_start_1:
0x0: {  	(tag) =	ssettag $0x1  }
0x1: {  	s1 =	rddreg [dreg:$0x0]  }
0x2: {  	s2 =	rddreg [dreg:$0x2];
	s0 =	srdreg.scid;
	s4 =	simm.s32 $0x0  }
0x3: {  	s6 =	stileid.u32;
	s12 =	simm.s32 $0x880;
	[smem:$0x7FF] =	sst s4  }
0x4: {  	s14 =	simm.s32 $0x900;
	_ =	strace $0x8000004D;
	[dreg:$0x6] =	wrdreg s12  }
0x5: {  	s16 =	simm.s32 $0x980;
	s17 =	simm.s32 $0xA00;
	[dreg:$0x7] =	wrdreg s14  }
0x6: {  	s18 =	simm.s32 $0xA80;
	s19 =	simm.s32 $0xB00;
	[dreg:$0x8] =	wrdreg s16  }
0x7: {  	s20 =	simm.s32 $0xB80;
	s21 =	smul.u32 $0x14000, s6;
	[dreg:$0x9] =	wrdreg s17  }
0x8: {  	s0 =	sand.u32 $0x1, s0;
	s22 =	smul.u32 $0x50000, s6;
	[dreg:$0xa] =	wrdreg s18  }
0x9: {  	s7 =	sshll.u32 s6, $0xC;
	s3 =	smul.u32 $0x140000, s0;
	[dreg:$0xb] =	wrdreg s19  }
0xa: {  	s7 =	sadd.s32 s7, s1;
	s24 =	sshll.u32 s0, $0xB;
	[dreg:$0xc] =	wrdreg s20  }
0xb: {  	s4 =	sshrl.u32 s22, $0x2;
	s22 =	simm.s32 $0xC80;
	s3 =	sadd.s32 s21, s3  }
0xc: {  	s9 =	sadd.s32 s4, s2;
	s21 =	simm.s32 $0xC00;
	[dreg:$0xe] =	wrdreg s22  }
0xd: {  	s4 =	sadd.s32 s24, s7;
	s24 =	simm.s32 $0xD80;
	[dreg:$0xd] =	wrdreg s21  }
0xe: {  	s29 =	simm.s32 $0x7;
	[dreg:$0x10] =	wrdreg s24  }
0xf: {  	s30 =	simm.s32 $0x4;
	s25 =	sadd.s32 $0x2800, s9;
	[dreg:$0x15] =	wrdreg s9  }
0x10: {  	s5 =	sadd.s32 $0x24400, s1;
	s26 =	sadd.s32 $0x5000, s9;
	[dreg:$0x16] =	wrdreg s25  }
0x11: {  	s6 =	sadd.s32 $0x4C400, s1;
	s28 =	sadd.s32 $0x7800, s9;
	[dreg:$0x17] =	wrdreg s26  }
0x12: {  	s23 =	ssub.s32 $0x2, s0;
	s10 =	sadd.s32 $0xA000, s9;
	[dreg:$0x18] =	wrdreg s28  }
0x13: {  	p0 =	sne.s32 s0, $0x0;
	s31 =	sadd.s32 $0x3200, s4;
	[dreg:$0x19] =	wrdreg s10  }
0x14: {  	s20 =	simm.s32 $0x1;
	s11 =	sadd.s32 $0xC800, s9;
	[dreg:$0x4] =	wrdreg s31  }
0x15: {  	s8 =	sshrl.u32 s23, $0x1;
	s4 =	sadd.s32 $0x14400, s4;
	[dreg:$0x1a] =	wrdreg s11  }
0x16: {  	s3 =	sshrl.u32 s3, $0x3;
	s13 =	sadd.s32 $0xF000, s9;
	[dreg:$0x5] =	wrdreg s4  }
0x17: {  	s15 =	sadd.s32 $0x11800, s9;
	s1 =	sadd.s32 s3, s1;
	[dreg:$0x1b] =	wrdreg s13  }
0x18: {  	s3 =	ssub.s32 s23, s8;
	[dreg:$0x1c] =	wrdreg s15;
	s23 =	simm.s32 $0xD00  }
0x19: {  	p1 =	seq.s32 s0, $0x0;
	s25 =	simm.s32 $0xE00;
	[dreg:$0xf] =	wrdreg s23  }
0x1a: {  	s0 =	simm.s32 $0x8;
	s26 =	simm.s32 $0xE80;
	[dreg:$0x11] =	wrdreg s25  }
0x1b: {  	s22 =	simm.s32 $0x5;
	s28 =	simm.s32 $0xF00;
	[dreg:$0x12] =	wrdreg s26  }
0x1c: {  	s21 =	simm.s32 $0x50;
	s31 =	simm.s32 $0xF80;
	[dreg:$0x13] =	wrdreg s28  }
0x1d: {  	s1 =	sadd.s32 $0x74400, s1;
	s3 =	smax.u32 s3, $0x1;
	[dreg:$0x14] =	wrdreg s31  }
0x1e: {  	s23 =	simm.s32 $0x2;
	s25 =	simm.s32 $0x6;
	[dreg:$0x1d] =	wrdreg s1  }
0x1f: {  	s26 =	simm.s32 $0x3;
	[dreg:$0x1e] =	wrdreg s3;
	s3 =	simm.s32 $0x0  }
.LBB2_1:
0x20: {  	[dreg:$0x1f] =	wrdreg s3  }
0x21: {  	s1 =	rddreg [dreg:$0x1]  }
0x22: {  	s24 =	simm.s32 $0x0;
	s13 =	simm.s32 $0x15000;
	s7 =	simm.s32 $0x9  }
0x23: {  	[tilespmem:s13], [sflag:$0x9] =	stream.linear.gather [hbm4b:s1+s24], $0x2800, $0x38;
	[tilespmem:$0x1F000] =	vst v63  }
0x24: {  	_ =	swait.ge [sflag:s7], $0x2800  }
0x25: {  	[sflag:s7] =	ssyncset.done $0x0  }
0x26: {  	[sflag:s7] =	ssyncadd.s32 $0xFFFFD800  }
0x27: {  	[spmem:s9] =	stream.linear.scatter [tilespmem:s13], [sflag:$0x9], $0x2800, $0x38;
	[tilespmem:$0x1F000] =	vst v63  }
0x28: {  	_ =	swait.ge [sflag:s7], $0x2800  }
0x29: {  	[sflag:s7] =	ssyncset.done $0x0  }
0x2a: {  	s28 =	rddreg [dreg:$0x16];
	[sflag:s7] =	ssyncadd.s32 $0xFFFFD800  }
0x2b: {  	[spmem:s28] =	stream.linear.scatter [tilespmem:s13], [sflag:$0x9], $0x2800, $0x38;
	[tilespmem:$0x1F000] =	vst v63  }
0x2c: {  	_ =	swait.ge [sflag:s7], $0x2800  }
0x2d: {  	[sflag:s7] =	ssyncset.done $0x0  }
0x2e: {  	s31 =	rddreg [dreg:$0x17];
	[sflag:s7] =	ssyncadd.s32 $0xFFFFD800  }
0x2f: {  	[spmem:s31] =	stream.linear.scatter [tilespmem:s13], [sflag:$0x9], $0x2800, $0x38;
	[tilespmem:$0x1F000] =	vst v63  }
0x30: {  	_ =	swait.ge [sflag:s7], $0x2800  }
0x31: {  	[sflag:s7] =	ssyncset.done $0x0  }
0x32: {  	s4 =	rddreg [dreg:$0x18];
	[sflag:s7] =	ssyncadd.s32 $0xFFFFD800  }
0x33: {  	[spmem:s4] =	stream.linear.scatter [tilespmem:s13], [sflag:$0x9], $0x2800, $0x38;
	[tilespmem:$0x1F000] =	vst v63  }
0x34: {  	_ =	swait.ge [sflag:s7], $0x2800  }
0x35: {  	[sflag:s7] =	ssyncset.done $0x0  }
0x36: {  	s8 =	rddreg [dreg:$0x19];
	[sflag:s7] =	ssyncadd.s32 $0xFFFFD800  }
0x37: {  	[spmem:s8] =	stream.linear.scatter [tilespmem:s13], [sflag:$0x9], $0x2800, $0x38;
	[tilespmem:$0x1F000] =	vst v63  }
0x38: {  	_ =	swait.ge [sflag:s7], $0x2800  }
0x39: {  	[sflag:s7] =	ssyncset.done $0x0  }
0x3a: {  	s9 =	rddreg [dreg:$0x1a];
	[sflag:s7] =	ssyncadd.s32 $0xFFFFD800  }
0x3b: {  	[spmem:s9] =	stream.linear.scatter [tilespmem:s13], [sflag:$0x9], $0x2800, $0x38;
	[tilespmem:$0x1F000] =	vst v63  }
0x3c: {  	_ =	swait.ge [sflag:s7], $0x2800  }
0x3d: {  	[sflag:s7] =	ssyncset.done $0x0  }
0x3e: {  	s10 =	rddreg [dreg:$0x1b];
	[sflag:s7] =	ssyncadd.s32 $0xFFFFD800  }
0x3f: {  	[spmem:s10] =	stream.linear.scatter [tilespmem:s13], [sflag:$0x9], $0x2800, $0x38;
	[tilespmem:$0x1F000] =	vst v63  }
0x40: {  	_ =	swait.ge [sflag:s7], $0x2800  }
0x41: {  	[sflag:s7] =	ssyncset.done $0x0  }
0x42: {  	s11 =	rddreg [dreg:$0x1c];
	[sflag:s7] =	ssyncadd.s32 $0xFFFFD800  }
0x43: {  	[spmem:s11] =	stream.linear.scatter [tilespmem:s13], [sflag:$0x9], $0x2800, $0x38;
	[tilespmem:$0x1F000] =	vst v63  }
0x44: {  	_ =	swait.ge [sflag:s7], $0x2800  }
0x45: {  	[sflag:s7] =	ssyncset.done $0x0  }
0x46: {  	[sflag:s7] =	ssyncadd.s32 $0xFFFFD800  }
0x47: {  	[bflag:$0x0] =	sbarrier.arrive $0xFFFF  }
0x48: {  	s12 =	rddreg [dreg:$0x5]  }
0x49: {  	s1 =	sadd.s32 $0x0, s12  }
0x4a: {  	[tilespmem:s24], [sflag:$0x9] =	stream.linear.gather [hbm4b:s1+s24], $0x800, $0x38;
	[tilespmem:$0x1F000] =	vst v63  }
0x4b: {  	_ =	swait.ge [sflag:s7], $0x800  }
0x4c: {  	s14 =	rddreg [dreg:$0x4];
	[sflag:s7] =	ssyncset.done $0x0  }
0x4d: {  	s4 =	simm.s32 $0x800;
	[sflag:s7] =	ssyncadd.s32 $0xFFFFF800;
	s1 =	sadd.s32 $0x0, s14  }
0x4e: {  	[tilespmem:s4], [sflag:$0x9] =	stream.linear.gather [hbm4b:s1+s24], $0x800, $0x38;
	[tilespmem:$0x1F000] =	vst v63  }
0x4f: {  	_ =	swait.ge [sflag:s7], $0x800  }
0x50: {  	s3 =	simm.s32 @p0 $0x0;
	[sflag:s7] =	ssyncset.done $0x0  }
0x51: {  	s8 =	simm.s32 @p0 $0x50;
	s1 =	simm.s32 @p0 $0x15000;
	[sflag:s7] =	ssyncadd.s32 $0xFFFFF800  }
0x52: {  	[tilespmem:s1], [sflag:$0x1] =	stream.indirect.gather @p0 [hbm4b:s6+s8], $0x80, s3, s8, $0xb8;
	[tilespmem:$0x1F000] =	vst v63  }
0x53: {  	s7 =	simm.s32 @p0 $0x17800;
	s3 =	simm.s32 @p0 $0x80  }
0x54: {  	[tilespmem:s7], [sflag:$0x2] =	stream.indirect.gather @p0 [hbm4b:s6+s8], $0x80, s3, s8, $0xb8;
	[tilespmem:$0x1F000] =	vst v63  }
0x55: {  	s9 =	simm.s32 @p0 $0x1A000;
	s3 =	simm.s32 @p0 $0x100  }
0x56: {  	[tilespmem:s9], [sflag:$0x3] =	stream.indirect.gather @p0 [hbm4b:s6+s8], $0x80, s3, s8, $0xb8;
	[tilespmem:$0x1F000] =	vst v63  }
0x57: {  	s10 =	simm.s32 @p0 $0x1C800;
	s3 =	simm.s32 @p0 $0x180  }
0x58: {  	[tilespmem:s10], [sflag:$0x4] =	stream.indirect.gather @p0 [hbm4b:s6+s8], $0x80, s3, s8, $0xb8;
	[tilespmem:$0x1F000] =	vst v63  }
0x59: {  	s16 =	simm.s32 @!p0 $0x50;
	s3 =	simm.s32 @!p0 $0x0;
	s10 =	simm.s32 @!p0 $0x15000  }
0x5a: {  	[tilespmem:s10], [sflag:$0x1] =	stream.indirect.gather @!p0 [hbm4b:s5+s16], $0x80, s3, s16, $0xb8;
	[tilespmem:$0x1F000] =	vst v63  }
0x5b: {  	s11 =	simm.s32 @!p0 $0x17800;
	s3 =	simm.s32 @!p0 $0x80  }
0x5c: {  	[tilespmem:s11], [sflag:$0x2] =	stream.indirect.gather @!p0 [hbm4b:s5+s16], $0x80, s3, s16, $0xb8;
	[tilespmem:$0x1F000] =	vst v63  }
0x5d: {  	s12 =	simm.s32 @!p0 $0x1A000;
	s3 =	simm.s32 @!p0 $0x100  }
0x5e: {  	[tilespmem:s12], [sflag:$0x3] =	stream.indirect.gather @!p0 [hbm4b:s5+s16], $0x80, s3, s16, $0xb8;
	[tilespmem:$0x1F000] =	vst v63  }
0x5f: {  	s14 =	simm.s32 @!p0 $0x1C800;
	s3 =	simm.s32 @!p0 $0x180  }
0x60: {  	[tilespmem:s14], [sflag:$0x4] =	stream.indirect.gather @!p0 [hbm4b:s5+s16], $0x80, s3, s16, $0xb8;
	[tilespmem:$0x1F000] =	vst v63  }
0x61: {  	_ =	swait.ge [sflag:s20], $0x2800  }
0x62: {  	[sflag:s20] =	ssyncset.done $0x0  }
0x63: {  	[sflag:s20] =	ssyncadd.s32 $0xFFFFD800  }
0x64: {  	[spmem:s2] =	stream.indirect.scatter.add.f32 [tilespmem:s13], [sflag:$0x5], $0x80, s4, s21, $0xb8;
	[tilespmem:$0x1F000] =	vst v63  }
0x65: {  	_ =	swait.ge [sflag:s22], $0x2800  }
0x66: {  	[sflag:s22] =	ssyncset.done $0x0  }
0x67: {  	s3 =	simm.s32 @p0 $0x200;
	[sflag:s22] =	ssyncadd.s32 $0xFFFFD800  }
0x68: {  	[tilespmem:s1], [sflag:$0x1] =	stream.indirect.gather @p0 [hbm4b:s6+s8], $0x80, s3, s8, $0xb8;
	[tilespmem:$0x1F000] =	vst v63  }
0x69: {  	s1 =	simm.s32 @!p0 $0x200  }
0x6a: {  	[tilespmem:s10], [sflag:$0x1] =	stream.indirect.gather @!p0 [hbm4b:s5+s16], $0x80, s1, s16, $0xb8;
	[tilespmem:$0x1F000] =	vst v63  }
0x6b: {  	_ =	swait.ge [sflag:s23], $0x2800  }
0x6c: {  	[sflag:s23] =	ssyncset.done $0x0  }
0x6d: {  	s3 =	simm.s32 $0x17800;
	s15 =	rddreg [dreg:$0x6];
	[sflag:s23] =	ssyncadd.s32 $0xFFFFD800  }
0x6e: {  	[spmem:s2] =	stream.indirect.scatter.add.f32 [tilespmem:s3], [sflag:$0x6], $0x80, s15, s21, $0xb8;
	[tilespmem:$0x1F000] =	vst v63  }
0x6f: {  	_ =	swait.ge [sflag:s25], $0x2800  }
0x70: {  	[sflag:s25] =	ssyncset.done $0x0  }
0x71: {  	s1 =	simm.s32 @p0 $0x280;
	[sflag:s25] =	ssyncadd.s32 $0xFFFFD800  }
0x72: {  	[tilespmem:s7], [sflag:$0x2] =	stream.indirect.gather @p0 [hbm4b:s6+s8], $0x80, s1, s8, $0xb8;
	[tilespmem:$0x1F000] =	vst v63  }
0x73: {  	s1 =	simm.s32 @!p0 $0x280  }
0x74: {  	[tilespmem:s11], [sflag:$0x2] =	stream.indirect.gather @!p0 [hbm4b:s5+s16], $0x80, s1, s16, $0xb8;
	[tilespmem:$0x1F000] =	vst v63  }
0x75: {  	_ =	swait.ge [sflag:s26], $0x2800  }
0x76: {  	[sflag:s26] =	ssyncset.done $0x0  }
0x77: {  	s10 =	simm.s32 $0x1A000;
	s17 =	rddreg [dreg:$0x7];
	[sflag:s26] =	ssyncadd.s32 $0xFFFFD800  }
0x78: {  	[spmem:s2] =	stream.indirect.scatter.add.f32 [tilespmem:s10], [sflag:$0x7], $0x80, s17, s21, $0xb8;
	[tilespmem:$0x1F000] =	vst v63  }
0x79: {  	_ =	swait.ge [sflag:s29], $0x2800  }
0x7a: {  	[sflag:s29] =	ssyncset.done $0x0  }
0x7b: {  	s1 =	simm.s32 @p0 $0x300;
	[sflag:s29] =	ssyncadd.s32 $0xFFFFD800  }
0x7c: {  	[tilespmem:s9], [sflag:$0x3] =	stream.indirect.gather @p0 [hbm4b:s6+s8], $0x80, s1, s8, $0xb8;
	[tilespmem:$0x1F000] =	vst v63  }
0x7d: {  	s1 =	simm.s32 @!p0 $0x300  }
0x7e: {  	[tilespmem:s12], [sflag:$0x3] =	stream.indirect.gather @!p0 [hbm4b:s5+s16], $0x80, s1, s16, $0xb8;
	[tilespmem:$0x1F000] =	vst v63  }
0x7f: {  	_ =	swait.ge [sflag:s30], $0x2800  }
0x80: {  	[sflag:s30] =	ssyncset.done $0x0  }
0x81: {  	s15 =	simm.s32 $0x1C800;
	s18 =	rddreg [dreg:$0x8];
	[sflag:s30] =	ssyncadd.s32 $0xFFFFD800  }
0x82: {  	[spmem:s2] =	stream.indirect.scatter.add.f32 [tilespmem:s15], [sflag:$0x8], $0x80, s18, s21, $0xb8;
	[tilespmem:$0x1F000] =	vst v63  }
0x83: {  	_ =	swait.ge [sflag:s0], $0x2800  }
0x84: {  	s7 =	simm.s32 @p1 $0x50;
	[sflag:s0] =	ssyncset.done $0x0  }
0x85: {  	s9 =	simm.s32 @p1 $0x1C800;
	s1 =	simm.s32 @p1 $0x380;
	[sflag:s0] =	ssyncadd.s32 $0xFFFFD800  }
0x86: {  	[tilespmem:s9], [sflag:$0x4] =	stream.indirect.gather @p1 [hbm4b:s5+s7], $0x80, s1, s7, $0xb8;
	[tilespmem:$0x1F000] =	vst v63  }
0x87: {  	s12 =	simm.s32 @!p1 $0x50;
	s18 =	simm.s32 @!p1 $0x1C800;
	s1 =	simm.s32 @!p1 $0x380  }
0x88: {  	[tilespmem:s18], [sflag:$0x4] =	stream.indirect.gather @!p1 [hbm4b:s6+s12], $0x80, s1, s12, $0xb8;
	[tilespmem:$0x1F000] =	vst v63  }
0x89: {  	_ =	swait.ge [sflag:s20], $0x2800  }
0x8a: {  	[sflag:s20] =	ssyncset.done $0x0  }
0x8b: {  	s19 =	rddreg [dreg:$0x9];
	[sflag:s20] =	ssyncadd.s32 $0xFFFFD800  }
0x8c: {  	[spmem:s2] =	stream.indirect.scatter.add.f32 [tilespmem:s13], [sflag:$0x5], $0x80, s19, s21, $0xb8;
	[tilespmem:$0x1F000] =	vst v63  }
0x8d: {  	_ =	swait.ge [sflag:s22], $0x2800  }
0x8e: {  	[sflag:s22] =	ssyncset.done $0x0  }
0x8f: {  	s11 =	simm.s32 @p1 $0x15000;
	s1 =	simm.s32 @p1 $0x400;
	[sflag:s22] =	ssyncadd.s32 $0xFFFFD800  }
0x90: {  	[tilespmem:s11], [sflag:$0x1] =	stream.indirect.gather @p1 [hbm4b:s5+s7], $0x80, s1, s7, $0xb8;
	[tilespmem:$0x1F000] =	vst v63  }
0x91: {  	s14 =	simm.s32 @!p1 $0x15000;
	s1 =	simm.s32 @!p1 $0x400  }
0x92: {  	[tilespmem:s14], [sflag:$0x1] =	stream.indirect.gather @!p1 [hbm4b:s6+s12], $0x80, s1, s12, $0xb8;
	[tilespmem:$0x1F000] =	vst v63  }
0x93: {  	_ =	swait.ge [sflag:s23], $0x2800  }
0x94: {  	[sflag:s23] =	ssyncset.done $0x0  }
0x95: {  	s24 =	rddreg [dreg:$0xa];
	[sflag:s23] =	ssyncadd.s32 $0xFFFFD800  }
0x96: {  	[spmem:s2] =	stream.indirect.scatter.add.f32 [tilespmem:s3], [sflag:$0x6], $0x80, s24, s21, $0xb8;
	[tilespmem:$0x1F000] =	vst v63  }
0x97: {  	_ =	swait.ge [sflag:s25], $0x2800  }
0x98: {  	[sflag:s25] =	ssyncset.done $0x0  }
0x99: {  	s17 =	simm.s32 @p1 $0x17800;
	s1 =	simm.s32 @p1 $0x480;
	[sflag:s25] =	ssyncadd.s32 $0xFFFFD800  }
0x9a: {  	[tilespmem:s17], [sflag:$0x2] =	stream.indirect.gather @p1 [hbm4b:s5+s7], $0x80, s1, s7, $0xb8;
	[tilespmem:$0x1F000] =	vst v63  }
0x9b: {  	s19 =	simm.s32 @!p1 $0x17800;
	s1 =	simm.s32 @!p1 $0x480  }
0x9c: {  	[tilespmem:s19], [sflag:$0x2] =	stream.indirect.gather @!p1 [hbm4b:s6+s12], $0x80, s1, s12, $0xb8;
	[tilespmem:$0x1F000] =	vst v63  }
0x9d: {  	_ =	swait.ge [sflag:s26], $0x2800  }
0x9e: {  	[sflag:s26] =	ssyncset.done $0x0  }
0x9f: {  	s28 =	rddreg [dreg:$0xb];
	[sflag:s26] =	ssyncadd.s32 $0xFFFFD800  }
0xa0: {  	[spmem:s2] =	stream.indirect.scatter.add.f32 [tilespmem:s10], [sflag:$0x7], $0x80, s28, s21, $0xb8;
	[tilespmem:$0x1F000] =	vst v63  }
0xa1: {  	_ =	swait.ge [sflag:s29], $0x2800  }
0xa2: {  	[sflag:s29] =	ssyncset.done $0x0  }
0xa3: {  	s24 =	simm.s32 @p1 $0x1A000;
	s1 =	simm.s32 @p1 $0x500;
	[sflag:s29] =	ssyncadd.s32 $0xFFFFD800  }
0xa4: {  	[tilespmem:s24], [sflag:$0x3] =	stream.indirect.gather @p1 [hbm4b:s5+s7], $0x80, s1, s7, $0xb8;
	[tilespmem:$0x1F000] =	vst v63  }
0xa5: {  	s28 =	simm.s32 @!p1 $0x1A000;
	s1 =	simm.s32 @!p1 $0x500  }
0xa6: {  	[tilespmem:s28], [sflag:$0x3] =	stream.indirect.gather @!p1 [hbm4b:s6+s12], $0x80, s1, s12, $0xb8;
	[tilespmem:$0x1F000] =	vst v63  }
0xa7: {  	_ =	swait.ge [sflag:s30], $0x2800  }
0xa8: {  	[sflag:s30] =	ssyncset.done $0x0  }
0xa9: {  	s31 =	rddreg [dreg:$0xc];
	[sflag:s30] =	ssyncadd.s32 $0xFFFFD800  }
0xaa: {  	[spmem:s2] =	stream.indirect.scatter.add.f32 [tilespmem:s15], [sflag:$0x8], $0x80, s31, s21, $0xb8;
	[tilespmem:$0x1F000] =	vst v63  }
0xab: {  	_ =	swait.ge [sflag:s0], $0x2800  }
0xac: {  	[sflag:s0] =	ssyncset.done $0x0  }
0xad: {  	s1 =	simm.s32 @p1 $0x580;
	[sflag:s0] =	ssyncadd.s32 $0xFFFFD800  }
0xae: {  	[tilespmem:s9], [sflag:$0x4] =	stream.indirect.gather @p1 [hbm4b:s5+s7], $0x80, s1, s7, $0xb8;
	[tilespmem:$0x1F000] =	vst v63  }
0xaf: {  	s1 =	simm.s32 @!p1 $0x580  }
0xb0: {  	[tilespmem:s18], [sflag:$0x4] =	stream.indirect.gather @!p1 [hbm4b:s6+s12], $0x80, s1, s12, $0xb8;
	[tilespmem:$0x1F000] =	vst v63  }
0xb1: {  	_ =	swait.ge [sflag:s20], $0x2800  }
0xb2: {  	[sflag:s20] =	ssyncset.done $0x0  }
0xb3: {  	s1 =	rddreg [dreg:$0xd];
	[sflag:s20] =	ssyncadd.s32 $0xFFFFD800  }
0xb4: {  	[spmem:s2] =	stream.indirect.scatter.add.f32 [tilespmem:s13], [sflag:$0x5], $0x80, s1, s21, $0xb8;
	[tilespmem:$0x1F000] =	vst v63  }
0xb5: {  	_ =	swait.ge [sflag:s22], $0x2800  }
0xb6: {  	[sflag:s22] =	ssyncset.done $0x0  }
0xb7: {  	s1 =	simm.s32 @p1 $0x600;
	[sflag:s22] =	ssyncadd.s32 $0xFFFFD800  }
0xb8: {  	[tilespmem:s11], [sflag:$0x1] =	stream.indirect.gather @p1 [hbm4b:s5+s7], $0x80, s1, s7, $0xb8;
	[tilespmem:$0x1F000] =	vst v63  }
0xb9: {  	s1 =	simm.s32 @!p1 $0x600  }
0xba: {  	[tilespmem:s14], [sflag:$0x1] =	stream.indirect.gather @!p1 [hbm4b:s6+s12], $0x80, s1, s12, $0xb8;
	[tilespmem:$0x1F000] =	vst v63  }
0xbb: {  	_ =	swait.ge [sflag:s23], $0x2800  }
0xbc: {  	[sflag:s23] =	ssyncset.done $0x0  }
0xbd: {  	s11 =	rddreg [dreg:$0xe];
	[sflag:s23] =	ssyncadd.s32 $0xFFFFD800  }
0xbe: {  	[spmem:s2] =	stream.indirect.scatter.add.f32 [tilespmem:s3], [sflag:$0x6], $0x80, s11, s21, $0xb8;
	[tilespmem:$0x1F000] =	vst v63  }
0xbf: {  	_ =	swait.ge [sflag:s25], $0x2800  }
0xc0: {  	[sflag:s25] =	ssyncset.done $0x0  }
0xc1: {  	s1 =	simm.s32 @p1 $0x680;
	[sflag:s25] =	ssyncadd.s32 $0xFFFFD800  }
0xc2: {  	[tilespmem:s17], [sflag:$0x2] =	stream.indirect.gather @p1 [hbm4b:s5+s7], $0x80, s1, s7, $0xb8;
	[tilespmem:$0x1F000] =	vst v63  }
0xc3: {  	s1 =	simm.s32 @!p1 $0x680  }
0xc4: {  	[tilespmem:s19], [sflag:$0x2] =	stream.indirect.gather @!p1 [hbm4b:s6+s12], $0x80, s1, s12, $0xb8;
	[tilespmem:$0x1F000] =	vst v63  }
0xc5: {  	_ =	swait.ge [sflag:s26], $0x2800  }
0xc6: {  	[sflag:s26] =	ssyncset.done $0x0  }
0xc7: {  	s14 =	rddreg [dreg:$0xf];
	[sflag:s26] =	ssyncadd.s32 $0xFFFFD800  }
0xc8: {  	[spmem:s2] =	stream.indirect.scatter.add.f32 [tilespmem:s10], [sflag:$0x7], $0x80, s14, s21, $0xb8;
	[tilespmem:$0x1F000] =	vst v63  }
0xc9: {  	_ =	swait.ge [sflag:s29], $0x2800  }
0xca: {  	[sflag:s29] =	ssyncset.done $0x0  }
0xcb: {  	s1 =	simm.s32 @p1 $0x700;
	[sflag:s29] =	ssyncadd.s32 $0xFFFFD800  }
0xcc: {  	[tilespmem:s24], [sflag:$0x3] =	stream.indirect.gather @p1 [hbm4b:s5+s7], $0x80, s1, s7, $0xb8;
	[tilespmem:$0x1F000] =	vst v63  }
0xcd: {  	s1 =	simm.s32 @!p1 $0x700  }
0xce: {  	[tilespmem:s28], [sflag:$0x3] =	stream.indirect.gather @!p1 [hbm4b:s6+s12], $0x80, s1, s12, $0xb8;
	[tilespmem:$0x1F000] =	vst v63  }
0xcf: {  	_ =	swait.ge [sflag:s30], $0x2800  }
0xd0: {  	[sflag:s30] =	ssyncset.done $0x0  }
0xd1: {  	s17 =	rddreg [dreg:$0x10];
	[sflag:s30] =	ssyncadd.s32 $0xFFFFD800  }
0xd2: {  	[spmem:s2] =	stream.indirect.scatter.add.f32 [tilespmem:s15], [sflag:$0x8], $0x80, s17, s21, $0xb8;
	[tilespmem:$0x1F000] =	vst v63  }
0xd3: {  	_ =	swait.ge [sflag:s0], $0x2800  }
0xd4: {  	[sflag:s0] =	ssyncset.done $0x0  }
0xd5: {  	s1 =	simm.s32 @p1 $0x780;
	[sflag:s0] =	ssyncadd.s32 $0xFFFFD800  }
0xd6: {  	[tilespmem:s9], [sflag:$0x4] =	stream.indirect.gather @p1 [hbm4b:s5+s7], $0x80, s1, s7, $0xb8;
	[tilespmem:$0x1F000] =	vst v63  }
0xd7: {  	s1 =	simm.s32 @!p1 $0x780  }
0xd8: {  	[tilespmem:s18], [sflag:$0x4] =	stream.indirect.gather @!p1 [hbm4b:s6+s12], $0x80, s1, s12, $0xb8;
	[tilespmem:$0x1F000] =	vst v63  }
0xd9: {  	_ =	swait.ge [sflag:s20], $0x2800  }
0xda: {  	[sflag:s20] =	ssyncset.done $0x0  }
0xdb: {  	s19 =	rddreg [dreg:$0x11];
	[sflag:s20] =	ssyncadd.s32 $0xFFFFD800  }
0xdc: {  	[spmem:s2] =	stream.indirect.scatter.add.f32 [tilespmem:s13], [sflag:$0x5], $0x80, s19, s21, $0xb8;
	[tilespmem:$0x1F000] =	vst v63  }
0xdd: {  	_ =	swait.ge [sflag:s22], $0x2800  }
0xde: {  	[sflag:s22] =	ssyncset.done $0x0  }
0xdf: {  	[sflag:s22] =	ssyncadd.s32 $0xFFFFD800  }
0xe0: {  	_ =	swait.ge [sflag:s23], $0x2800  }
0xe1: {  	[sflag:s23] =	ssyncset.done $0x0  }
0xe2: {  	s24 =	rddreg [dreg:$0x12];
	[sflag:s23] =	ssyncadd.s32 $0xFFFFD800  }
0xe3: {  	[spmem:s2] =	stream.indirect.scatter.add.f32 [tilespmem:s3], [sflag:$0x6], $0x80, s24, s21, $0xb8;
	[tilespmem:$0x1F000] =	vst v63  }
0xe4: {  	_ =	swait.ge [sflag:s25], $0x2800  }
0xe5: {  	[sflag:s25] =	ssyncset.done $0x0  }
0xe6: {  	[sflag:s25] =	ssyncadd.s32 $0xFFFFD800  }
0xe7: {  	_ =	swait.ge [sflag:s26], $0x2800  }
0xe8: {  	[sflag:s26] =	ssyncset.done $0x0  }
0xe9: {  	s28 =	rddreg [dreg:$0x13];
	[sflag:s26] =	ssyncadd.s32 $0xFFFFD800  }
0xea: {  	[spmem:s2] =	stream.indirect.scatter.add.f32 [tilespmem:s10], [sflag:$0x7], $0x80, s28, s21, $0xb8;
	[tilespmem:$0x1F000] =	vst v63  }
0xeb: {  	_ =	swait.ge [sflag:s29], $0x2800  }
0xec: {  	[sflag:s29] =	ssyncset.done $0x0  }
0xed: {  	[sflag:s29] =	ssyncadd.s32 $0xFFFFD800  }
0xee: {  	_ =	swait.ge [sflag:s30], $0x2800  }
0xef: {  	[sflag:s30] =	ssyncset.done $0x0  }
0xf0: {  	s31 =	rddreg [dreg:$0x14];
	[sflag:s30] =	ssyncadd.s32 $0xFFFFD800  }
0xf1: {  	[spmem:s2] =	stream.indirect.scatter.add.f32 [tilespmem:s15], [sflag:$0x8], $0x80, s31, s21, $0xb8;
	[tilespmem:$0x1F000] =	vst v63  }
0xf2: {  	s14 =	simm.s32 $0x200;
	_ =	swait.ge [sflag:s0], $0x2800  }
0xf3: {  	s10 =	simm.s32 $0x100;
	[sflag:s0] =	ssyncset.done $0x0;
	s4 =	rddreg [dreg:$0x5]  }
.LBB2_2:
0xf4: {  	[sflag:s0] =	ssyncadd.s32 $0xFFFFD800  }
0xf5: {  	s4 =	sadd.s32 s10, s4;
	s3 =	simm.s32 $0x0;
	s1 =	simm.s32 $0x9  }
0xf6: {  	[tilespmem:s3], [sflag:$0x9] =	stream.linear.gather [hbm4b:s4+s3], $0x800, $0x38;
	[tilespmem:$0x1F000] =	vst v63  }
0xf7: {  	_ =	swait.ge [sflag:s1], $0x800  }
0xf8: {  	s31 =	rddreg [dreg:$0x4];
	[sflag:s1] =	ssyncset.done $0x0  }
0xf9: {  	s9 =	simm.s32 $0x800;
	[sflag:s1] =	ssyncadd.s32 $0xFFFFF800;
	s4 =	sadd.s32 s10, s31  }
0xfa: {  	[tilespmem:s9], [sflag:$0x9] =	stream.linear.gather [hbm4b:s4+s3], $0x800, $0x38;
	[tilespmem:$0x1F000] =	vst v63  }
0xfb: {  	_ =	swait.ge [sflag:s1], $0x800  }
0xfc: {  	[sflag:s1] =	ssyncset.done $0x0  }
0xfd: {  	s3 =	simm.s32 @p0 $0x15000;
	s4 =	simm.s32 @p0 $0x0;
	[sflag:s1] =	ssyncadd.s32 $0xFFFFF800  }
0xfe: {  	[tilespmem:s3], [sflag:$0x1] =	stream.indirect.gather @p0 [hbm4b:s6+s8], $0x80, s4, s8, $0xb8;
	[tilespmem:$0x1F000] =	vst v63  }
0xff: {  	s11 =	simm.s32 @p0 $0x17800;
	s4 =	simm.s32 @p0 $0x80  }
0x100: {  	[tilespmem:s11], [sflag:$0x2] =	stream.indirect.gather @p0 [hbm4b:s6+s8], $0x80, s4, s8, $0xb8;
	[tilespmem:$0x1F000] =	vst v63  }
0x101: {  	s13 =	simm.s32 @p0 $0x1A000;
	s4 =	simm.s32 @p0 $0x100  }
0x102: {  	[tilespmem:s13], [sflag:$0x3] =	stream.indirect.gather @p0 [hbm4b:s6+s8], $0x80, s4, s8, $0xb8;
	[tilespmem:$0x1F000] =	vst v63  }
0x103: {  	s1 =	simm.s32 @p0 $0x1C800;
	s4 =	simm.s32 @p0 $0x180  }
0x104: {  	[tilespmem:s1], [sflag:$0x4] =	stream.indirect.gather @p0 [hbm4b:s6+s8], $0x80, s4, s8, $0xb8;
	[tilespmem:$0x1F000] =	vst v63  }
0x105: {  	s1 =	simm.s32 @!p0 $0x0;
	s4 =	simm.s32 @!p0 $0x15000  }
0x106: {  	[tilespmem:s4], [sflag:$0x1] =	stream.indirect.gather @!p0 [hbm4b:s5+s16], $0x80, s1, s16, $0xb8;
	[tilespmem:$0x1F000] =	vst v63  }
0x107: {  	s17 =	simm.s32 @!p0 $0x17800;
	s1 =	simm.s32 @!p0 $0x80  }
0x108: {  	[tilespmem:s17], [sflag:$0x2] =	stream.indirect.gather @!p0 [hbm4b:s5+s16], $0x80, s1, s16, $0xb8;
	[tilespmem:$0x1F000] =	vst v63  }
0x109: {  	s24 =	simm.s32 @!p0 $0x1A000;
	s1 =	simm.s32 @!p0 $0x100  }
0x10a: {  	[tilespmem:s24], [sflag:$0x3] =	stream.indirect.gather @!p0 [hbm4b:s5+s16], $0x80, s1, s16, $0xb8;
	[tilespmem:$0x1F000] =	vst v63  }
0x10b: {  	s28 =	simm.s32 @!p0 $0x1C800;
	s1 =	simm.s32 @!p0 $0x180  }
0x10c: {  	[tilespmem:s28], [sflag:$0x4] =	stream.indirect.gather @!p0 [hbm4b:s5+s16], $0x80, s1, s16, $0xb8;
	[tilespmem:$0x1F000] =	vst v63  }
0x10d: {  	_ =	swait.ge [sflag:s20], $0x2800  }
0x10e: {  	[sflag:s20] =	ssyncset.done $0x0  }
0x10f: {  	s1 =	simm.s32 $0x15000;
	[sflag:s20] =	ssyncadd.s32 $0xFFFFD800  }
0x110: {  	[spmem:s2] =	stream.indirect.scatter.add.f32 [tilespmem:s1], [sflag:$0x5], $0x80, s9, s21, $0xb8;
	[tilespmem:$0x1F000] =	vst v63  }
0x111: {  	_ =	swait.ge [sflag:s22], $0x2800  }
0x112: {  	s19 =	smov.u32 s14;
	[sflag:s22] =	ssyncset.done $0x0  }
0x113: {  	s10 =	smov.u32 s19;
	s19 =	simm.s32 @p0 $0x200;
	[sflag:s22] =	ssyncadd.s32 $0xFFFFD800  }
0x114: {  	[tilespmem:s3], [sflag:$0x1] =	stream.indirect.gather @p0 [hbm4b:s6+s8], $0x80, s19, s8, $0xb8;
	[tilespmem:$0x1F000] =	vst v63  }
0x115: {  	s3 =	simm.s32 @!p0 $0x200  }
0x116: {  	[tilespmem:s4], [sflag:$0x1] =	stream.indirect.gather @!p0 [hbm4b:s5+s16], $0x80, s3, s16, $0xb8;
	[tilespmem:$0x1F000] =	vst v63  }
0x117: {  	_ =	swait.ge [sflag:s23], $0x2800  }
0x118: {  	[sflag:s23] =	ssyncset.done $0x0  }
0x119: {  	s3 =	simm.s32 $0x17800;
	s15 =	rddreg [dreg:$0x6];
	[sflag:s23] =	ssyncadd.s32 $0xFFFFD800  }
0x11a: {  	[spmem:s2] =	stream.indirect.scatter.add.f32 [tilespmem:s3], [sflag:$0x6], $0x80, s15, s21, $0xb8;
	[tilespmem:$0x1F000] =	vst v63  }
0x11b: {  	_ =	swait.ge [sflag:s25], $0x2800  }
0x11c: {  	[sflag:s25] =	ssyncset.done $0x0  }
0x11d: {  	s4 =	simm.s32 @p0 $0x280;
	[sflag:s25] =	ssyncadd.s32 $0xFFFFD800  }
0x11e: {  	[tilespmem:s11], [sflag:$0x2] =	stream.indirect.gather @p0 [hbm4b:s6+s8], $0x80, s4, s8, $0xb8;
	[tilespmem:$0x1F000] =	vst v63  }
0x11f: {  	s4 =	simm.s32 @!p0 $0x280  }
0x120: {  	[tilespmem:s17], [sflag:$0x2] =	stream.indirect.gather @!p0 [hbm4b:s5+s16], $0x80, s4, s16, $0xb8;
	[tilespmem:$0x1F000] =	vst v63  }
0x121: {  	_ =	swait.ge [sflag:s26], $0x2800  }
0x122: {  	[sflag:s26] =	ssyncset.done $0x0  }
0x123: {  	s11 =	simm.s32 $0x1A000;
	s18 =	rddreg [dreg:$0x7];
	[sflag:s26] =	ssyncadd.s32 $0xFFFFD800  }
0x124: {  	[spmem:s2] =	stream.indirect.scatter.add.f32 [tilespmem:s11], [sflag:$0x7], $0x80, s18, s21, $0xb8;
	[tilespmem:$0x1F000] =	vst v63  }
0x125: {  	_ =	swait.ge [sflag:s29], $0x2800  }
0x126: {  	[sflag:s29] =	ssyncset.done $0x0  }
0x127: {  	s4 =	simm.s32 @p0 $0x300;
	[sflag:s29] =	ssyncadd.s32 $0xFFFFD800  }
0x128: {  	[tilespmem:s13], [sflag:$0x3] =	stream.indirect.gather @p0 [hbm4b:s6+s8], $0x80, s4, s8, $0xb8;
	[tilespmem:$0x1F000] =	vst v63  }
0x129: {  	s4 =	simm.s32 @!p0 $0x300  }
0x12a: {  	[tilespmem:s24], [sflag:$0x3] =	stream.indirect.gather @!p0 [hbm4b:s5+s16], $0x80, s4, s16, $0xb8;
	[tilespmem:$0x1F000] =	vst v63  }
0x12b: {  	_ =	swait.ge [sflag:s30], $0x2800  }
0x12c: {  	[sflag:s30] =	ssyncset.done $0x0  }
0x12d: {  	s15 =	simm.s32 $0x1C800;
	s19 =	rddreg [dreg:$0x8];
	[sflag:s30] =	ssyncadd.s32 $0xFFFFD800  }
0x12e: {  	[spmem:s2] =	stream.indirect.scatter.add.f32 [tilespmem:s15], [sflag:$0x8], $0x80, s19, s21, $0xb8;
	[tilespmem:$0x1F000] =	vst v63  }
0x12f: {  	_ =	swait.ge [sflag:s0], $0x2800  }
0x130: {  	[sflag:s0] =	ssyncset.done $0x0  }
0x131: {  	s9 =	simm.s32 @p1 $0x1C800;
	s4 =	simm.s32 @p1 $0x380;
	[sflag:s0] =	ssyncadd.s32 $0xFFFFD800  }
0x132: {  	[tilespmem:s9], [sflag:$0x4] =	stream.indirect.gather @p1 [hbm4b:s5+s7], $0x80, s4, s7, $0xb8;
	[tilespmem:$0x1F000] =	vst v63  }
0x133: {  	s18 =	simm.s32 @!p1 $0x1C800;
	s4 =	simm.s32 @!p1 $0x380  }
0x134: {  	[tilespmem:s18], [sflag:$0x4] =	stream.indirect.gather @!p1 [hbm4b:s6+s12], $0x80, s4, s12, $0xb8;
	[tilespmem:$0x1F000] =	vst v63  }
0x135: {  	_ =	swait.ge [sflag:s20], $0x2800  }
0x136: {  	[sflag:s20] =	ssyncset.done $0x0  }
0x137: {  	s24 =	rddreg [dreg:$0x9];
	[sflag:s20] =	ssyncadd.s32 $0xFFFFD800  }
0x138: {  	[spmem:s2] =	stream.indirect.scatter.add.f32 [tilespmem:s1], [sflag:$0x5], $0x80, s24, s21, $0xb8;
	[tilespmem:$0x1F000] =	vst v63  }
0x139: {  	_ =	swait.ge [sflag:s22], $0x2800  }
0x13a: {  	[sflag:s22] =	ssyncset.done $0x0  }
0x13b: {  	s13 =	simm.s32 @p1 $0x15000;
	s4 =	simm.s32 @p1 $0x400;
	[sflag:s22] =	ssyncadd.s32 $0xFFFFD800  }
0x13c: {  	[tilespmem:s13], [sflag:$0x1] =	stream.indirect.gather @p1 [hbm4b:s5+s7], $0x80, s4, s7, $0xb8;
	[tilespmem:$0x1F000] =	vst v63  }
0x13d: {  	s17 =	simm.s32 @!p1 $0x15000;
	s4 =	simm.s32 @!p1 $0x400  }
0x13e: {  	[tilespmem:s17], [sflag:$0x1] =	stream.indirect.gather @!p1 [hbm4b:s6+s12], $0x80, s4, s12, $0xb8;
	[tilespmem:$0x1F000] =	vst v63  }
0x13f: {  	_ =	swait.ge [sflag:s23], $0x2800  }
0x140: {  	[sflag:s23] =	ssyncset.done $0x0  }
0x141: {  	s28 =	rddreg [dreg:$0xa];
	[sflag:s23] =	ssyncadd.s32 $0xFFFFD800  }
0x142: {  	[spmem:s2] =	stream.indirect.scatter.add.f32 [tilespmem:s3], [sflag:$0x6], $0x80, s28, s21, $0xb8;
	[tilespmem:$0x1F000] =	vst v63  }
0x143: {  	_ =	swait.ge [sflag:s25], $0x2800  }
0x144: {  	[sflag:s25] =	ssyncset.done $0x0  }
0x145: {  	s19 =	simm.s32 @p1 $0x17800;
	s4 =	simm.s32 @p1 $0x480;
	[sflag:s25] =	ssyncadd.s32 $0xFFFFD800  }
0x146: {  	[tilespmem:s19], [sflag:$0x2] =	stream.indirect.gather @p1 [hbm4b:s5+s7], $0x80, s4, s7, $0xb8;
	[tilespmem:$0x1F000] =	vst v63  }
0x147: {  	s24 =	simm.s32 @!p1 $0x17800;
	s4 =	simm.s32 @!p1 $0x480  }
0x148: {  	[tilespmem:s24], [sflag:$0x2] =	stream.indirect.gather @!p1 [hbm4b:s6+s12], $0x80, s4, s12, $0xb8;
	[tilespmem:$0x1F000] =	vst v63  }
0x149: {  	_ =	swait.ge [sflag:s26], $0x2800  }
0x14a: {  	[sflag:s26] =	ssyncset.done $0x0  }
0x14b: {  	s31 =	rddreg [dreg:$0xb];
	[sflag:s26] =	ssyncadd.s32 $0xFFFFD800  }
0x14c: {  	[spmem:s2] =	stream.indirect.scatter.add.f32 [tilespmem:s11], [sflag:$0x7], $0x80, s31, s21, $0xb8;
	[tilespmem:$0x1F000] =	vst v63  }
0x14d: {  	_ =	swait.ge [sflag:s29], $0x2800  }
0x14e: {  	[sflag:s29] =	ssyncset.done $0x0  }
0x14f: {  	s28 =	simm.s32 @p1 $0x1A000;
	s4 =	simm.s32 @p1 $0x500;
	[sflag:s29] =	ssyncadd.s32 $0xFFFFD800  }
0x150: {  	[tilespmem:s28], [sflag:$0x3] =	stream.indirect.gather @p1 [hbm4b:s5+s7], $0x80, s4, s7, $0xb8;
	[tilespmem:$0x1F000] =	vst v63  }
0x151: {  	s31 =	simm.s32 @!p1 $0x1A000;
	s4 =	simm.s32 @!p1 $0x500  }
0x152: {  	[tilespmem:s31], [sflag:$0x3] =	stream.indirect.gather @!p1 [hbm4b:s6+s12], $0x80, s4, s12, $0xb8;
	[tilespmem:$0x1F000] =	vst v63  }
0x153: {  	_ =	swait.ge [sflag:s30], $0x2800  }
0x154: {  	[sflag:s30] =	ssyncset.done $0x0  }
0x155: {  	s4 =	rddreg [dreg:$0xc];
	[sflag:s30] =	ssyncadd.s32 $0xFFFFD800  }
0x156: {  	[spmem:s2] =	stream.indirect.scatter.add.f32 [tilespmem:s15], [sflag:$0x8], $0x80, s4, s21, $0xb8;
	[tilespmem:$0x1F000] =	vst v63  }
0x157: {  	_ =	swait.ge [sflag:s0], $0x2800  }
0x158: {  	[sflag:s0] =	ssyncset.done $0x0  }
0x159: {  	s4 =	simm.s32 @p1 $0x580;
	[sflag:s0] =	ssyncadd.s32 $0xFFFFD800  }
0x15a: {  	[tilespmem:s9], [sflag:$0x4] =	stream.indirect.gather @p1 [hbm4b:s5+s7], $0x80, s4, s7, $0xb8;
	[tilespmem:$0x1F000] =	vst v63  }
0x15b: {  	s4 =	simm.s32 @!p1 $0x580  }
0x15c: {  	[tilespmem:s18], [sflag:$0x4] =	stream.indirect.gather @!p1 [hbm4b:s6+s12], $0x80, s4, s12, $0xb8;
	[tilespmem:$0x1F000] =	vst v63  }
0x15d: {  	_ =	swait.ge [sflag:s20], $0x2800  }
0x15e: {  	[sflag:s20] =	ssyncset.done $0x0  }
0x15f: {  	s4 =	rddreg [dreg:$0xd];
	[sflag:s20] =	ssyncadd.s32 $0xFFFFD800  }
0x160: {  	[spmem:s2] =	stream.indirect.scatter.add.f32 [tilespmem:s1], [sflag:$0x5], $0x80, s4, s21, $0xb8;
	[tilespmem:$0x1F000] =	vst v63  }
0x161: {  	_ =	swait.ge [sflag:s22], $0x2800  }
0x162: {  	[sflag:s22] =	ssyncset.done $0x0  }
0x163: {  	s4 =	simm.s32 @p1 $0x600;
	[sflag:s22] =	ssyncadd.s32 $0xFFFFD800  }
0x164: {  	[tilespmem:s13], [sflag:$0x1] =	stream.indirect.gather @p1 [hbm4b:s5+s7], $0x80, s4, s7, $0xb8;
	[tilespmem:$0x1F000] =	vst v63  }
0x165: {  	s4 =	simm.s32 @!p1 $0x600  }
0x166: {  	[tilespmem:s17], [sflag:$0x1] =	stream.indirect.gather @!p1 [hbm4b:s6+s12], $0x80, s4, s12, $0xb8;
	[tilespmem:$0x1F000] =	vst v63  }
0x167: {  	_ =	swait.ge [sflag:s23], $0x2800  }
0x168: {  	[sflag:s23] =	ssyncset.done $0x0  }
0x169: {  	s17 =	rddreg [dreg:$0xe];
	[sflag:s23] =	ssyncadd.s32 $0xFFFFD800  }
0x16a: {  	[spmem:s2] =	stream.indirect.scatter.add.f32 [tilespmem:s3], [sflag:$0x6], $0x80, s17, s21, $0xb8;
	[tilespmem:$0x1F000] =	vst v63  }
0x16b: {  	_ =	swait.ge [sflag:s25], $0x2800  }
0x16c: {  	[sflag:s25] =	ssyncset.done $0x0  }
0x16d: {  	s4 =	simm.s32 @p1 $0x680;
	[sflag:s25] =	ssyncadd.s32 $0xFFFFD800  }
0x16e: {  	[tilespmem:s19], [sflag:$0x2] =	stream.indirect.gather @p1 [hbm4b:s5+s7], $0x80, s4, s7, $0xb8;
	[tilespmem:$0x1F000] =	vst v63  }
0x16f: {  	s4 =	simm.s32 @!p1 $0x680  }
0x170: {  	[tilespmem:s24], [sflag:$0x2] =	stream.indirect.gather @!p1 [hbm4b:s6+s12], $0x80, s4, s12, $0xb8;
	[tilespmem:$0x1F000] =	vst v63  }
0x171: {  	_ =	swait.ge [sflag:s26], $0x2800  }
0x172: {  	[sflag:s26] =	ssyncset.done $0x0  }
0x173: {  	s13 =	rddreg [dreg:$0xf];
	[sflag:s26] =	ssyncadd.s32 $0xFFFFD800  }
0x174: {  	[spmem:s2] =	stream.indirect.scatter.add.f32 [tilespmem:s11], [sflag:$0x7], $0x80, s13, s21, $0xb8;
	[tilespmem:$0x1F000] =	vst v63  }
0x175: {  	_ =	swait.ge [sflag:s29], $0x2800  }
0x176: {  	[sflag:s29] =	ssyncset.done $0x0  }
0x177: {  	s4 =	simm.s32 @p1 $0x700;
	[sflag:s29] =	ssyncadd.s32 $0xFFFFD800  }
0x178: {  	[tilespmem:s28], [sflag:$0x3] =	stream.indirect.gather @p1 [hbm4b:s5+s7], $0x80, s4, s7, $0xb8;
	[tilespmem:$0x1F000] =	vst v63  }
0x179: {  	s4 =	simm.s32 @!p1 $0x700  }
0x17a: {  	[tilespmem:s31], [sflag:$0x3] =	stream.indirect.gather @!p1 [hbm4b:s6+s12], $0x80, s4, s12, $0xb8;
	[tilespmem:$0x1F000] =	vst v63  }
0x17b: {  	_ =	swait.ge [sflag:s30], $0x2800  }
0x17c: {  	[sflag:s30] =	ssyncset.done $0x0  }
0x17d: {  	s17 =	rddreg [dreg:$0x10];
	[sflag:s30] =	ssyncadd.s32 $0xFFFFD800  }
0x17e: {  	[spmem:s2] =	stream.indirect.scatter.add.f32 [tilespmem:s15], [sflag:$0x8], $0x80, s17, s21, $0xb8;
	[tilespmem:$0x1F000] =	vst v63  }
0x17f: {  	_ =	swait.ge [sflag:s0], $0x2800  }
0x180: {  	[sflag:s0] =	ssyncset.done $0x0  }
0x181: {  	s4 =	simm.s32 @p1 $0x780;
	[sflag:s0] =	ssyncadd.s32 $0xFFFFD800  }
0x182: {  	[tilespmem:s9], [sflag:$0x4] =	stream.indirect.gather @p1 [hbm4b:s5+s7], $0x80, s4, s7, $0xb8;
	[tilespmem:$0x1F000] =	vst v63  }
0x183: {  	s4 =	simm.s32 @!p1 $0x780  }
0x184: {  	[tilespmem:s18], [sflag:$0x4] =	stream.indirect.gather @!p1 [hbm4b:s6+s12], $0x80, s4, s12, $0xb8;
	[tilespmem:$0x1F000] =	vst v63  }
0x185: {  	_ =	swait.ge [sflag:s20], $0x2800  }
0x186: {  	[sflag:s20] =	ssyncset.done $0x0  }
0x187: {  	s19 =	rddreg [dreg:$0x11];
	[sflag:s20] =	ssyncadd.s32 $0xFFFFD800  }
0x188: {  	[spmem:s2] =	stream.indirect.scatter.add.f32 [tilespmem:s1], [sflag:$0x5], $0x80, s19, s21, $0xb8;
	[tilespmem:$0x1F000] =	vst v63  }
0x189: {  	_ =	swait.ge [sflag:s22], $0x2800  }
0x18a: {  	[sflag:s22] =	ssyncset.done $0x0  }
0x18b: {  	[sflag:s22] =	ssyncadd.s32 $0xFFFFD800  }
0x18c: {  	_ =	swait.ge [sflag:s23], $0x2800  }
0x18d: {  	[sflag:s23] =	ssyncset.done $0x0  }
0x18e: {  	s24 =	rddreg [dreg:$0x12];
	[sflag:s23] =	ssyncadd.s32 $0xFFFFD800  }
0x18f: {  	[spmem:s2] =	stream.indirect.scatter.add.f32 [tilespmem:s3], [sflag:$0x6], $0x80, s24, s21, $0xb8;
	[tilespmem:$0x1F000] =	vst v63  }
0x190: {  	_ =	swait.ge [sflag:s25], $0x2800  }
0x191: {  	[sflag:s25] =	ssyncset.done $0x0  }
0x192: {  	[sflag:s25] =	ssyncadd.s32 $0xFFFFD800  }
0x193: {  	_ =	swait.ge [sflag:s26], $0x2800  }
0x194: {  	[sflag:s26] =	ssyncset.done $0x0  }
0x195: {  	s28 =	rddreg [dreg:$0x13];
	[sflag:s26] =	ssyncadd.s32 $0xFFFFD800  }
0x196: {  	[spmem:s2] =	stream.indirect.scatter.add.f32 [tilespmem:s11], [sflag:$0x7], $0x80, s28, s21, $0xb8;
	[tilespmem:$0x1F000] =	vst v63  }
0x197: {  	_ =	swait.ge [sflag:s29], $0x2800  }
0x198: {  	[sflag:s29] =	ssyncset.done $0x0  }
0x199: {  	s14 =	sadd.s32 $0x100, s14;
	[sflag:s29] =	ssyncadd.s32 $0xFFFFD800  }
0x19a: {  	p2 =	sne.s32 s14, $0x800;
	_ =	swait.ge [sflag:s30], $0x2800  }
.Ltmp0:
0x19b: {  	[sflag:s30] =	ssyncset.done $0x0;
	(pc) =	sbr.rel @p2 .LBB2_2-.Ltmp0, $4  }
0x19c: {  	s31 =	rddreg [dreg:$0x14];
	[sflag:s30] =	ssyncadd.s32 $0xFFFFD800  }
0x19d: {  	[spmem:s2] =	stream.indirect.scatter.add.f32 [tilespmem:s15], [sflag:$0x8], $0x80, s31, s21, $0xb8;
	[tilespmem:$0x1F000] =	vst v63  }
0x19e: {  	_ =	swait.ge [sflag:s0], $0x2800  }
0x19f: {  	s4 =	rddreg [dreg:$0x5];
	[sflag:s0] =	ssyncset.done $0x0  }
0x1a0: {  	[sflag:s0] =	ssyncadd.s32 $0xFFFFD800  }
0x1a1: {  	s1 =	sadd.s32 s10, s4;
	s3 =	simm.s32 $0x0;
	s18 =	simm.s32 $0x9  }
0x1a2: {  	[tilespmem:s3], [sflag:$0x9] =	stream.linear.gather [hbm4b:s1+s3], $0x800, $0x38;
	[tilespmem:$0x1F000] =	vst v63  }
0x1a3: {  	_ =	swait.ge [sflag:s18], $0x800  }
0x1a4: {  	s9 =	rddreg [dreg:$0x4];
	[sflag:s18] =	ssyncset.done $0x0  }
0x1a5: {  	s14 =	simm.s32 $0x800;
	[sflag:s18] =	ssyncadd.s32 $0xFFFFF800;
	s1 =	sadd.s32 s10, s9  }
0x1a6: {  	[tilespmem:s14], [sflag:$0x9] =	stream.linear.gather [hbm4b:s1+s3], $0x800, $0x38;
	[tilespmem:$0x1F000] =	vst v63  }
0x1a7: {  	_ =	swait.ge [sflag:s18], $0x800  }
0x1a8: {  	s4 =	simm.s32 @p0 $0x0;
	[sflag:s18] =	ssyncset.done $0x0  }
0x1a9: {  	s1 =	simm.s32 @p0 $0x15000;
	s3 =	simm.s32 @p0 $0x50;
	[sflag:s18] =	ssyncadd.s32 $0xFFFFF800  }
0x1aa: {  	[tilespmem:s1], [sflag:$0x1] =	stream.indirect.gather @p0 [hbm4b:s6+s3], $0x80, s4, s3, $0xb8;
	[tilespmem:$0x1F000] =	vst v63  }
0x1ab: {  	s7 =	simm.s32 @p0 $0x17800;
	s4 =	simm.s32 @p0 $0x80  }
0x1ac: {  	[tilespmem:s7], [sflag:$0x2] =	stream.indirect.gather @p0 [hbm4b:s6+s3], $0x80, s4, s3, $0xb8;
	[tilespmem:$0x1F000] =	vst v63  }
0x1ad: {  	s8 =	simm.s32 @p0 $0x1A000;
	s4 =	simm.s32 @p0 $0x100  }
0x1ae: {  	[tilespmem:s8], [sflag:$0x3] =	stream.indirect.gather @p0 [hbm4b:s6+s3], $0x80, s4, s3, $0xb8;
	[tilespmem:$0x1F000] =	vst v63  }
0x1af: {  	s9 =	simm.s32 @p0 $0x1C800;
	s4 =	simm.s32 @p0 $0x180  }
0x1b0: {  	[tilespmem:s9], [sflag:$0x4] =	stream.indirect.gather @p0 [hbm4b:s6+s3], $0x80, s4, s3, $0xb8;
	[tilespmem:$0x1F000] =	vst v63  }
0x1b1: {  	s10 =	simm.s32 @!p0 $0x15000;
	s4 =	simm.s32 @!p0 $0x50;
	s9 =	simm.s32 @!p0 $0x0  }
0x1b2: {  	[tilespmem:s10], [sflag:$0x1] =	stream.indirect.gather @!p0 [hbm4b:s5+s4], $0x80, s9, s4, $0xb8;
	[tilespmem:$0x1F000] =	vst v63  }
0x1b3: {  	s11 =	simm.s32 @!p0 $0x17800;
	s9 =	simm.s32 @!p0 $0x80  }
0x1b4: {  	[tilespmem:s11], [sflag:$0x2] =	stream.indirect.gather @!p0 [hbm4b:s5+s4], $0x80, s9, s4, $0xb8;
	[tilespmem:$0x1F000] =	vst v63  }
0x1b5: {  	s12 =	simm.s32 @!p0 $0x1A000;
	s9 =	simm.s32 @!p0 $0x100  }
0x1b6: {  	[tilespmem:s12], [sflag:$0x3] =	stream.indirect.gather @!p0 [hbm4b:s5+s4], $0x80, s9, s4, $0xb8;
	[tilespmem:$0x1F000] =	vst v63  }
0x1b7: {  	s13 =	simm.s32 @!p0 $0x1C800;
	s9 =	simm.s32 @!p0 $0x180  }
0x1b8: {  	[tilespmem:s13], [sflag:$0x4] =	stream.indirect.gather @!p0 [hbm4b:s5+s4], $0x80, s9, s4, $0xb8;
	[tilespmem:$0x1F000] =	vst v63  }
0x1b9: {  	_ =	swait.ge [sflag:s20], $0x2800  }
0x1ba: {  	[sflag:s20] =	ssyncset.done $0x0  }
0x1bb: {  	s15 =	simm.s32 $0x15000;
	[sflag:s20] =	ssyncadd.s32 $0xFFFFD800  }
0x1bc: {  	[spmem:s2] =	stream.indirect.scatter.add.f32 [tilespmem:s15], [sflag:$0x5], $0x80, s14, s21, $0xb8;
	[tilespmem:$0x1F000] =	vst v63  }
0x1bd: {  	_ =	swait.ge [sflag:s22], $0x2800  }
0x1be: {  	[sflag:s22] =	ssyncset.done $0x0  }
0x1bf: {  	s9 =	simm.s32 @p0 $0x200;
	[sflag:s22] =	ssyncadd.s32 $0xFFFFD800  }
0x1c0: {  	[tilespmem:s1], [sflag:$0x1] =	stream.indirect.gather @p0 [hbm4b:s6+s3], $0x80, s9, s3, $0xb8;
	[tilespmem:$0x1F000] =	vst v63  }
0x1c1: {  	s1 =	simm.s32 @!p0 $0x200  }
0x1c2: {  	[tilespmem:s10], [sflag:$0x1] =	stream.indirect.gather @!p0 [hbm4b:s5+s4], $0x80, s1, s4, $0xb8;
	[tilespmem:$0x1F000] =	vst v63  }
0x1c3: {  	_ =	swait.ge [sflag:s23], $0x2800  }
0x1c4: {  	[sflag:s23] =	ssyncset.done $0x0  }
0x1c5: {  	s16 =	simm.s32 $0x17800;
	s10 =	rddreg [dreg:$0x6];
	[sflag:s23] =	ssyncadd.s32 $0xFFFFD800  }
0x1c6: {  	[spmem:s2] =	stream.indirect.scatter.add.f32 [tilespmem:s16], [sflag:$0x6], $0x80, s10, s21, $0xb8;
	[tilespmem:$0x1F000] =	vst v63  }
0x1c7: {  	_ =	swait.ge [sflag:s25], $0x2800  }
0x1c8: {  	[sflag:s25] =	ssyncset.done $0x0  }
0x1c9: {  	s1 =	simm.s32 @p0 $0x280;
	[sflag:s25] =	ssyncadd.s32 $0xFFFFD800  }
0x1ca: {  	[tilespmem:s7], [sflag:$0x2] =	stream.indirect.gather @p0 [hbm4b:s6+s3], $0x80, s1, s3, $0xb8;
	[tilespmem:$0x1F000] =	vst v63  }
0x1cb: {  	s1 =	simm.s32 @!p0 $0x280  }
0x1cc: {  	[tilespmem:s11], [sflag:$0x2] =	stream.indirect.gather @!p0 [hbm4b:s5+s4], $0x80, s1, s4, $0xb8;
	[tilespmem:$0x1F000] =	vst v63  }
0x1cd: {  	_ =	swait.ge [sflag:s26], $0x2800  }
0x1ce: {  	[sflag:s26] =	ssyncset.done $0x0  }
0x1cf: {  	s17 =	simm.s32 $0x1A000;
	s11 =	rddreg [dreg:$0x7];
	[sflag:s26] =	ssyncadd.s32 $0xFFFFD800  }
0x1d0: {  	[spmem:s2] =	stream.indirect.scatter.add.f32 [tilespmem:s17], [sflag:$0x7], $0x80, s11, s21, $0xb8;
	[tilespmem:$0x1F000] =	vst v63  }
0x1d1: {  	_ =	swait.ge [sflag:s29], $0x2800  }
0x1d2: {  	[sflag:s29] =	ssyncset.done $0x0  }
0x1d3: {  	s1 =	simm.s32 @p0 $0x300;
	[sflag:s29] =	ssyncadd.s32 $0xFFFFD800  }
0x1d4: {  	[tilespmem:s8], [sflag:$0x3] =	stream.indirect.gather @p0 [hbm4b:s6+s3], $0x80, s1, s3, $0xb8;
	[tilespmem:$0x1F000] =	vst v63  }
0x1d5: {  	s1 =	simm.s32 @!p0 $0x300  }
0x1d6: {  	[tilespmem:s12], [sflag:$0x3] =	stream.indirect.gather @!p0 [hbm4b:s5+s4], $0x80, s1, s4, $0xb8;
	[tilespmem:$0x1F000] =	vst v63  }
0x1d7: {  	_ =	swait.ge [sflag:s30], $0x2800  }
0x1d8: {  	[sflag:s30] =	ssyncset.done $0x0  }
0x1d9: {  	s19 =	simm.s32 $0x1C800;
	s12 =	rddreg [dreg:$0x8];
	[sflag:s30] =	ssyncadd.s32 $0xFFFFD800  }
0x1da: {  	[spmem:s2] =	stream.indirect.scatter.add.f32 [tilespmem:s19], [sflag:$0x8], $0x80, s12, s21, $0xb8;
	[tilespmem:$0x1F000] =	vst v63  }
0x1db: {  	_ =	swait.ge [sflag:s0], $0x2800  }
0x1dc: {  	s3 =	simm.s32 @p1 $0x50;
	[sflag:s0] =	ssyncset.done $0x0  }
0x1dd: {  	s1 =	simm.s32 @p1 $0x1C800;
	s4 =	simm.s32 @p1 $0x380;
	[sflag:s0] =	ssyncadd.s32 $0xFFFFD800  }
0x1de: {  	[tilespmem:s1], [sflag:$0x4] =	stream.indirect.gather @p1 [hbm4b:s5+s3], $0x80, s4, s3, $0xb8;
	[tilespmem:$0x1F000] =	vst v63  }
0x1df: {  	s7 =	simm.s32 @!p1 $0x1C800;
	s8 =	simm.s32 @!p1 $0x380;
	s4 =	simm.s32 @!p1 $0x50  }
0x1e0: {  	[tilespmem:s7], [sflag:$0x4] =	stream.indirect.gather @!p1 [hbm4b:s6+s4], $0x80, s8, s4, $0xb8;
	[tilespmem:$0x1F000] =	vst v63  }
0x1e1: {  	_ =	swait.ge [sflag:s20], $0x2800  }
0x1e2: {  	[sflag:s20] =	ssyncset.done $0x0  }
0x1e3: {  	s13 =	rddreg [dreg:$0x9];
	[sflag:s20] =	ssyncadd.s32 $0xFFFFD800  }
0x1e4: {  	[spmem:s2] =	stream.indirect.scatter.add.f32 [tilespmem:s15], [sflag:$0x5], $0x80, s13, s21, $0xb8;
	[tilespmem:$0x1F000] =	vst v63  }
0x1e5: {  	_ =	swait.ge [sflag:s22], $0x2800  }
0x1e6: {  	[sflag:s22] =	ssyncset.done $0x0  }
0x1e7: {  	s9 =	simm.s32 @p1 $0x15000;
	s8 =	simm.s32 @p1 $0x400;
	[sflag:s22] =	ssyncadd.s32 $0xFFFFD800  }
0x1e8: {  	[tilespmem:s9], [sflag:$0x1] =	stream.indirect.gather @p1 [hbm4b:s5+s3], $0x80, s8, s3, $0xb8;
	[tilespmem:$0x1F000] =	vst v63  }
0x1e9: {  	s10 =	simm.s32 @!p1 $0x15000;
	s8 =	simm.s32 @!p1 $0x400  }
0x1ea: {  	[tilespmem:s10], [sflag:$0x1] =	stream.indirect.gather @!p1 [hbm4b:s6+s4], $0x80, s8, s4, $0xb8;
	[tilespmem:$0x1F000] =	vst v63  }
0x1eb: {  	_ =	swait.ge [sflag:s23], $0x2800  }
0x1ec: {  	[sflag:s23] =	ssyncset.done $0x0  }
0x1ed: {  	s14 =	rddreg [dreg:$0xa];
	[sflag:s23] =	ssyncadd.s32 $0xFFFFD800  }
0x1ee: {  	[spmem:s2] =	stream.indirect.scatter.add.f32 [tilespmem:s16], [sflag:$0x6], $0x80, s14, s21, $0xb8;
	[tilespmem:$0x1F000] =	vst v63  }
0x1ef: {  	_ =	swait.ge [sflag:s25], $0x2800  }
0x1f0: {  	[sflag:s25] =	ssyncset.done $0x0  }
0x1f1: {  	s11 =	simm.s32 @p1 $0x17800;
	s8 =	simm.s32 @p1 $0x480;
	[sflag:s25] =	ssyncadd.s32 $0xFFFFD800  }
0x1f2: {  	[tilespmem:s11], [sflag:$0x2] =	stream.indirect.gather @p1 [hbm4b:s5+s3], $0x80, s8, s3, $0xb8;
	[tilespmem:$0x1F000] =	vst v63  }
0x1f3: {  	s12 =	simm.s32 @!p1 $0x17800;
	s8 =	simm.s32 @!p1 $0x480  }
0x1f4: {  	[tilespmem:s12], [sflag:$0x2] =	stream.indirect.gather @!p1 [hbm4b:s6+s4], $0x80, s8, s4, $0xb8;
	[tilespmem:$0x1F000] =	vst v63  }
0x1f5: {  	_ =	swait.ge [sflag:s26], $0x2800  }
0x1f6: {  	[sflag:s26] =	ssyncset.done $0x0  }
0x1f7: {  	s24 =	rddreg [dreg:$0xb];
	[sflag:s26] =	ssyncadd.s32 $0xFFFFD800  }
0x1f8: {  	[spmem:s2] =	stream.indirect.scatter.add.f32 [tilespmem:s17], [sflag:$0x7], $0x80, s24, s21, $0xb8;
	[tilespmem:$0x1F000] =	vst v63  }
0x1f9: {  	_ =	swait.ge [sflag:s29], $0x2800  }
0x1fa: {  	[sflag:s29] =	ssyncset.done $0x0  }
0x1fb: {  	s13 =	simm.s32 @p1 $0x1A000;
	s8 =	simm.s32 @p1 $0x500;
	[sflag:s29] =	ssyncadd.s32 $0xFFFFD800  }
0x1fc: {  	[tilespmem:s13], [sflag:$0x3] =	stream.indirect.gather @p1 [hbm4b:s5+s3], $0x80, s8, s3, $0xb8;
	[tilespmem:$0x1F000] =	vst v63  }
0x1fd: {  	s14 =	simm.s32 @!p1 $0x1A000;
	s8 =	simm.s32 @!p1 $0x500  }
0x1fe: {  	[tilespmem:s14], [sflag:$0x3] =	stream.indirect.gather @!p1 [hbm4b:s6+s4], $0x80, s8, s4, $0xb8;
	[tilespmem:$0x1F000] =	vst v63  }
0x1ff: {  	_ =	swait.ge [sflag:s30], $0x2800  }
0x200: {  	[sflag:s30] =	ssyncset.done $0x0  }
0x201: {  	s28 =	rddreg [dreg:$0xc];
	[sflag:s30] =	ssyncadd.s32 $0xFFFFD800  }
0x202: {  	[spmem:s2] =	stream.indirect.scatter.add.f32 [tilespmem:s19], [sflag:$0x8], $0x80, s28, s21, $0xb8;
	[tilespmem:$0x1F000] =	vst v63  }
0x203: {  	_ =	swait.ge [sflag:s0], $0x2800  }
0x204: {  	[sflag:s0] =	ssyncset.done $0x0  }
0x205: {  	s8 =	simm.s32 @p1 $0x580;
	[sflag:s0] =	ssyncadd.s32 $0xFFFFD800  }
0x206: {  	[tilespmem:s1], [sflag:$0x4] =	stream.indirect.gather @p1 [hbm4b:s5+s3], $0x80, s8, s3, $0xb8;
	[tilespmem:$0x1F000] =	vst v63  }
0x207: {  	s8 =	simm.s32 @!p1 $0x580  }
0x208: {  	[tilespmem:s7], [sflag:$0x4] =	stream.indirect.gather @!p1 [hbm4b:s6+s4], $0x80, s8, s4, $0xb8;
	[tilespmem:$0x1F000] =	vst v63  }
0x209: {  	_ =	swait.ge [sflag:s20], $0x2800  }
0x20a: {  	[sflag:s20] =	ssyncset.done $0x0  }
0x20b: {  	s31 =	rddreg [dreg:$0xd];
	[sflag:s20] =	ssyncadd.s32 $0xFFFFD800  }
0x20c: {  	[spmem:s2] =	stream.indirect.scatter.add.f32 [tilespmem:s15], [sflag:$0x5], $0x80, s31, s21, $0xb8;
	[tilespmem:$0x1F000] =	vst v63  }
0x20d: {  	_ =	swait.ge [sflag:s22], $0x2800  }
0x20e: {  	[sflag:s22] =	ssyncset.done $0x0  }
0x20f: {  	s8 =	simm.s32 @p1 $0x600;
	[sflag:s22] =	ssyncadd.s32 $0xFFFFD800  }
0x210: {  	[tilespmem:s9], [sflag:$0x1] =	stream.indirect.gather @p1 [hbm4b:s5+s3], $0x80, s8, s3, $0xb8;
	[tilespmem:$0x1F000] =	vst v63  }
0x211: {  	s8 =	simm.s32 @!p1 $0x600  }
0x212: {  	[tilespmem:s10], [sflag:$0x1] =	stream.indirect.gather @!p1 [hbm4b:s6+s4], $0x80, s8, s4, $0xb8;
	[tilespmem:$0x1F000] =	vst v63  }
0x213: {  	_ =	swait.ge [sflag:s23], $0x2800  }
0x214: {  	[sflag:s23] =	ssyncset.done $0x0  }
0x215: {  	s10 =	rddreg [dreg:$0xe];
	[sflag:s23] =	ssyncadd.s32 $0xFFFFD800  }
0x216: {  	[spmem:s2] =	stream.indirect.scatter.add.f32 [tilespmem:s16], [sflag:$0x6], $0x80, s10, s21, $0xb8;
	[tilespmem:$0x1F000] =	vst v63  }
0x217: {  	_ =	swait.ge [sflag:s25], $0x2800  }
0x218: {  	[sflag:s25] =	ssyncset.done $0x0  }
0x219: {  	s8 =	simm.s32 @p1 $0x680;
	[sflag:s25] =	ssyncadd.s32 $0xFFFFD800  }
0x21a: {  	[tilespmem:s11], [sflag:$0x2] =	stream.indirect.gather @p1 [hbm4b:s5+s3], $0x80, s8, s3, $0xb8;
	[tilespmem:$0x1F000] =	vst v63  }
0x21b: {  	s8 =	simm.s32 @!p1 $0x680  }
0x21c: {  	[tilespmem:s12], [sflag:$0x2] =	stream.indirect.gather @!p1 [hbm4b:s6+s4], $0x80, s8, s4, $0xb8;
	[tilespmem:$0x1F000] =	vst v63  }
0x21d: {  	_ =	swait.ge [sflag:s26], $0x2800  }
0x21e: {  	[sflag:s26] =	ssyncset.done $0x0  }
0x21f: {  	s11 =	rddreg [dreg:$0xf];
	[sflag:s26] =	ssyncadd.s32 $0xFFFFD800  }
0x220: {  	[spmem:s2] =	stream.indirect.scatter.add.f32 [tilespmem:s17], [sflag:$0x7], $0x80, s11, s21, $0xb8;
	[tilespmem:$0x1F000] =	vst v63  }
0x221: {  	_ =	swait.ge [sflag:s29], $0x2800  }
0x222: {  	[sflag:s29] =	ssyncset.done $0x0  }
0x223: {  	s8 =	simm.s32 @p1 $0x700;
	[sflag:s29] =	ssyncadd.s32 $0xFFFFD800  }
0x224: {  	[tilespmem:s13], [sflag:$0x3] =	stream.indirect.gather @p1 [hbm4b:s5+s3], $0x80, s8, s3, $0xb8;
	[tilespmem:$0x1F000] =	vst v63  }
0x225: {  	s8 =	simm.s32 @!p1 $0x700  }
0x226: {  	[tilespmem:s14], [sflag:$0x3] =	stream.indirect.gather @!p1 [hbm4b:s6+s4], $0x80, s8, s4, $0xb8;
	[tilespmem:$0x1F000] =	vst v63  }
0x227: {  	_ =	swait.ge [sflag:s30], $0x2800  }
0x228: {  	[sflag:s30] =	ssyncset.done $0x0  }
0x229: {  	s12 =	rddreg [dreg:$0x10];
	[sflag:s30] =	ssyncadd.s32 $0xFFFFD800  }
0x22a: {  	[spmem:s2] =	stream.indirect.scatter.add.f32 [tilespmem:s19], [sflag:$0x8], $0x80, s12, s21, $0xb8;
	[tilespmem:$0x1F000] =	vst v63  }
0x22b: {  	_ =	swait.ge [sflag:s0], $0x2800  }
0x22c: {  	[sflag:s0] =	ssyncset.done $0x0  }
0x22d: {  	s8 =	simm.s32 @p1 $0x780;
	[sflag:s0] =	ssyncadd.s32 $0xFFFFD800  }
0x22e: {  	[tilespmem:s1], [sflag:$0x4] =	stream.indirect.gather @p1 [hbm4b:s5+s3], $0x80, s8, s3, $0xb8;
	[tilespmem:$0x1F000] =	vst v63  }
0x22f: {  	s1 =	simm.s32 @!p1 $0x780  }
0x230: {  	[tilespmem:s7], [sflag:$0x4] =	stream.indirect.gather @!p1 [hbm4b:s6+s4], $0x80, s1, s4, $0xb8;
	[tilespmem:$0x1F000] =	vst v63  }
0x231: {  	_ =	swait.ge [sflag:s20], $0x2800  }
0x232: {  	[sflag:s20] =	ssyncset.done $0x0  }
0x233: {  	s13 =	rddreg [dreg:$0x11];
	[sflag:s20] =	ssyncadd.s32 $0xFFFFD800  }
0x234: {  	[spmem:s2] =	stream.indirect.scatter.add.f32 [tilespmem:s15], [sflag:$0x5], $0x80, s13, s21, $0xb8;
	[tilespmem:$0x1F000] =	vst v63  }
0x235: {  	_ =	swait.ge [sflag:s22], $0x2800  }
0x236: {  	[sflag:s22] =	ssyncset.done $0x0  }
0x237: {  	[sflag:s22] =	ssyncadd.s32 $0xFFFFD800  }
0x238: {  	_ =	swait.ge [sflag:s23], $0x2800  }
0x239: {  	[sflag:s23] =	ssyncset.done $0x0  }
0x23a: {  	s14 =	rddreg [dreg:$0x12];
	[sflag:s23] =	ssyncadd.s32 $0xFFFFD800  }
0x23b: {  	[spmem:s2] =	stream.indirect.scatter.add.f32 [tilespmem:s16], [sflag:$0x6], $0x80, s14, s21, $0xb8;
	[tilespmem:$0x1F000] =	vst v63  }
0x23c: {  	_ =	swait.ge [sflag:s25], $0x2800  }
0x23d: {  	[sflag:s25] =	ssyncset.done $0x0  }
0x23e: {  	[sflag:s25] =	ssyncadd.s32 $0xFFFFD800  }
0x23f: {  	_ =	swait.ge [sflag:s26], $0x2800  }
0x240: {  	[sflag:s26] =	ssyncset.done $0x0  }
0x241: {  	s15 =	rddreg [dreg:$0x13];
	[sflag:s26] =	ssyncadd.s32 $0xFFFFD800  }
0x242: {  	[spmem:s2] =	stream.indirect.scatter.add.f32 [tilespmem:s17], [sflag:$0x7], $0x80, s15, s21, $0xb8;
	[tilespmem:$0x1F000] =	vst v63  }
0x243: {  	_ =	swait.ge [sflag:s29], $0x2800  }
0x244: {  	[sflag:s29] =	ssyncset.done $0x0  }
0x245: {  	[sflag:s29] =	ssyncadd.s32 $0xFFFFD800  }
0x246: {  	_ =	swait.ge [sflag:s30], $0x2800  }
0x247: {  	[sflag:s30] =	ssyncset.done $0x0  }
0x248: {  	s16 =	rddreg [dreg:$0x14];
	[sflag:s30] =	ssyncadd.s32 $0xFFFFD800  }
0x249: {  	[spmem:s2] =	stream.indirect.scatter.add.f32 [tilespmem:s19], [sflag:$0x8], $0x80, s16, s21, $0xb8;
	[tilespmem:$0x1F000] =	vst v63  }
0x24a: {  	_ =	swait.ge [sflag:s0], $0x2800  }
0x24b: {  	[sflag:s0] =	ssyncset.done $0x0  }
0x24c: {  	[sflag:s0] =	ssyncadd.s32 $0xFFFFD800  }
0x24d: {  	s17 =	stileid.u32;
	[bflag:$0x0] =	sbarrier.arrive $0xFFFF  }
0x24e: {  	s1 =	sshll.u32 s17, $0x6;
	s9 =	rddreg [dreg:$0x15]  }
0x24f: {  	s1 =	sor.u32 $0x1C09, s1;
	s24 =	rddreg [dreg:$0x1d];
	s19 =	sshrl.u32 s9, $0x3  }
0x250: {  	[hbm:s24], [sflag:s1] =	dma.local [spmem:s19], $0x2800  }
0x251: {  	_ =	swait.ge [sflag:s18], $0x2800  }
0x252: {  	s28 =	rddreg [dreg:$0x1f]  }
0x253: {  	s31 =	rddreg [dreg:$0x1e];
	s3 =	sadd.s32 $0x1, s28  }
0x254: {  	p2 =	sne.s32 s3, s31  }
.Ltmp1:
0x255: {  	_ = 	snop;
	(pc) =	sbr.rel @p2 .LBB2_1-.Ltmp1, $3  }
0x256: {  	_ =	sdelay $0x1  }
0x257: {  	[sflag:s18] =	ssyncset.done $0x0  }
0x258: {  	[sflag:s18] =	ssyncadd.s32 $0xFFFFD800  }
0x259: {  	_ =	sfence.sel $0x180000  }
0x25a: {  	[bflag:$0x0] =	sbarrier.arrive $0xFFFF  }
0x25b: {  	_ =	strace $0x9000004D  }
0x25c: {  	s0 =	stileid.u32;
	[bflag:$0x2] =	sbarrier.arrive $0xFFFF  }
0x25d: {  	p0 =	sne.s32 s0, $0x0;
	s0 =	rddreg [dreg:$0x3]  }
0x25e: {  	s0 =	sadd.s32 @!p0 $0x100000, s0  }
0x25f: {  	[sflag:s0] =	ssyncadd.tile.s32 @!p0 $0x1;
	_ =	shalt  }
.Lfunc_end2:
_tile_overlayer_lowered:
.L_overlay_start_2:
0x260: {  	(tag) =	ssettag $0x2  }
0x261: {  	s0 =	rddreg [dreg:$0x0];
	s2 =	stileid.u32  }
0x262: {  	s1 =	rddreg [dreg:$0x1];
	p0 =	sne.s32 s2, $0x0  }
0x263: {  	s3 =	rddreg [dreg:$0x2];
	[bflag:$0x3] =	sbarrier.arrive $0xFFFF;
	s2 =	simm.s32 @!p0 $0x1C09  }
0x264: {  	[timem:s3], [sflag:s2] =	dma.local @!p0 [hbm:s0], s1  }
0x265: {  	s0 =	simm.s32 @!p0 $0x9  }
0x266: {  	_ =	swait.ge @!p0 [sflag:s0], s1  }
0x267: {  	s1 =	ssub.s32 @!p0 $0x0, s1;
	[sflag:s0] =	ssyncset.done @!p0 $0x0  }
0x268: {  	[sflag:s0] =	ssyncadd.s32 @!p0 s1  }
0x269: {  	[bflag:$0x3] =	sbarrier.arrive $0xFFFF  }
0x26a: {  	_ =	shalt  }

// kernel: kernel.8.cloned.1.call-start
scs
__scs_entry_jumppad:
0x0: {  	(pc) =	sbr.rel $0x88, $3  }
0x1: {  	(tag) =	ssettag $0x0;
	lr =	simm.s32 $0x1  }
0x2: {  	[smem:$0x3F9B] =	sst lr;
	_ =	strace $0xD0000000  }
0x3: {  	_ = 	snop  }
0x4: {  	_ = 	snop  }
0x5: {  	_ = 	snop  }
0x6: {  	_ = 	snop  }
0x7: {  	_ = 	snop  }
__scs_overlays_trampoline_lowered:
0x8: {  	[smem:$0x3FAA] =	sst s0  }
0x9: {  	[smem:$0x3FAB] =	sst s1  }
0xa: {  	[smem:$0x3FAC] =	sst s2  }
0xb: {  	[smem:$0x3FAD] =	sst s3  }
0xc: {  	[smem:$0x3FAE] =	sst s4  }
0xd: {  	[smem:$0x3FAF] =	sst s5  }
0xe: {  	[smem:$0x3FB0] =	sst s6  }
0xf: {  	[smem:$0x3FB1] =	sst s7  }
0x10: {  	[smem:$0x3FB2] =	sst s8  }
0x11: {  	[smem:$0x3FB3] =	sst s9;
	s0 =	simm.s32 @!p0 $0x0  }
0x12: {  	s1 =	sld [smem:$0x3F99];
	s0 =	simm.s32 @p0 $0x1  }
0x13: {  	[smem:$0x3FB4] =	sst s0;
	s0 =	simm.s32 @!p1 $0x0  }
0x14: {  	s2 =	sld [smem:$0x3F98];
	s0 =	simm.s32 @p1 $0x1  }
0x15: {  	[smem:$0x3FB5] =	sst s0;
	s0 =	simm.s32 @!p2 $0x0  }
0x16: {  	s3 =	sld [smem:$0x3FDB];
	s0 =	simm.s32 @p2 $0x1  }
0x17: {  	s4 =	simm.s32 $0x1BF5;
	[smem:$0x3FB7] =	sst s0  }
0x18: {  	s0 =	sld [smem:$0x3F9A];
	_ =	swait.ge [sflag:s4], $0x0  }
0x19: {  	s7 =	sld [smem:$0x3F9B]  }
0x1a: {  	s8 =	sadd.s32 $0xFFFFE003, lr  }
0x1b: {  	s9 =	sadd.s32 $0xFFFFFEF7, lr;
	s5 =	simm.s32 $0xFFFFFFFF;
	p2 =	slt.u32 s8, $0xFFFFF086  }
0x1c: {  	p1 =	slt.u32 s9, $0xF7A;
	s5 =	simm.s32 @!p2 $0x0  }
0x1d: {  	s5 =	simm.s32 @p1 $0x1;
	p0 =	seq.s32 s7, s2  }
0x1e: {  	s7 =	smul.u32 @!p0 $0xF7A, s2;
	p2 =	seq.s32 @!p0 s5, $0x0  }
0x1f: {  	s9 =	smul.u32 $0xF7A, s1;
	s8 =	simm.s32 @!p0 $0x1BF5;
	p2 =	por !p2, p0  }
0x20: {  	[sflag:s8] =	ssyncset.s32 @!p0 $0xFFFFF086;
	s6 =	sadd.s32 @!p0 s3, s7;
	s7 =	simm.s32 @!p0 $0x108  }
0x21: {  	s3 =	sadd.s32 s3, s9;
	s6 =	sadd.s32 @!p0 $0x88, s6;
	s7 =	simm.s32 @p2 $0x1082  }
0x22: {  	[simem:s7], [sflag:s8] =	dma.local @!p0 [hbm:s6], $0xF7A  }
0x23: {  	s9 =	sor.u32 $0xD0000000, s2;
	s6 =	simm.s32 $0x108;
	_ =	swait.ge @!p0 [sflag:s8], $0x0  }
0x24: {  	s3 =	sadd.s32 $0x88, s3;
	s6 =	simm.s32 @!p1 $0x1082;
	[sflag:s4] =	ssyncset.s32 $0xFFFFF086  }
0x25: {  	[simem:s6], [sflag:s4] =	dma.local [hbm:s3], $0xF7A  }
0x26: {  	[smem:$0x3F9B] =	sst s1;
	(tag) =	ssettag s2;
	_ =	strace s9  }
0x27: {  	s1 =	sld [smem:$0x3FAB]  }
0x28: {  	s2 =	sld [smem:$0x3FAC]  }
0x29: {  	s4 =	sld [smem:$0x3FAE]  }
0x2a: {  	p0 =	seq.s32 s5, $0x0;
	s5 =	sld [smem:$0x3FAF]  }
0x2b: {  	s6 =	sld [smem:$0x3FB0]  }
0x2c: {  	s7 =	sld [smem:$0x3FB1]  }
0x2d: {  	s3 =	simm.s32 $0x108;
	s8 =	sld [smem:$0x3FB2]  }
0x2e: {  	s3 =	simm.s32 @!p0 $0x1082;
	s9 =	sld [smem:$0x3FB3]  }
0x2f: {  	lr =	sadd.s32 s0, s3;
	s0 =	sld [smem:$0x3FAA]  }
0x30: {  	s3 =	sld [smem:$0x3FAD]  }
0x31: {  	[smem:$0x3FB6] =	sst s10  }
0x32: {  	s10 =	sld [smem:$0x3FB4];
	_ =	sdelay $0x3  }
0x33: {  	p0 =	seq.s32 s10, $0x1;
	s10 =	sld [smem:$0x3FB6];
	_ =	sdelay $0x3  }
0x34: {  	[smem:$0x3FB6] =	sst s10  }
0x35: {  	s10 =	sld [smem:$0x3FB5];
	_ =	sdelay $0x3  }
0x36: {  	p1 =	seq.s32 s10, $0x1;
	s10 =	sld [smem:$0x3FB6];
	_ =	sdelay $0x3  }
0x37: {  	[smem:$0x3FB6] =	sst s10  }
0x38: {  	s10 =	sld [smem:$0x3FB7]  }
0x39: {  	_ = 	snop;
	(pc) =	sbr.ind lr, $3  }
0x3a: {  	_ = 	snop  }
0x3b: {  	_ = 	snop  }
0x3c: {  	p2 =	seq.s32 s10, $0x1;
	s10 =	sld [smem:$0x3FB6]  }
0x3d: {  	_ =	shalt  }
0x3e: {  	_ =	shalt  }
0x3f: {  	_ =	shalt  }
0x40: {  	_ =	shalt  }
0x41: {  	_ =	shalt  }
0x42: {  	_ =	shalt  }
0x43: {  	_ =	shalt  }
0x44: {  	_ =	shalt  }
0x45: {  	_ =	shalt  }
0x46: {  	_ =	shalt  }
0x47: {  	_ =	shalt  }
0x48: {  	_ =	shalt  }
0x49: {  	_ =	shalt  }
0x4a: {  	_ =	shalt  }
0x4b: {  	_ =	shalt  }
0x4c: {  	_ =	shalt  }
0x4d: {  	_ =	shalt  }
0x4e: {  	_ =	shalt  }
0x4f: {  	_ =	shalt  }
0x50: {  	_ =	shalt  }
0x51: {  	_ =	shalt  }
0x52: {  	_ =	shalt  }
0x53: {  	_ =	shalt  }
0x54: {  	_ =	shalt  }
0x55: {  	_ =	shalt  }
0x56: {  	_ =	shalt  }
0x57: {  	_ =	shalt  }
0x58: {  	_ =	shalt  }
0x59: {  	_ =	shalt  }
0x5a: {  	_ =	shalt  }
0x5b: {  	_ =	shalt  }
0x5c: {  	_ =	shalt  }
0x5d: {  	_ =	shalt  }
0x5e: {  	_ =	shalt  }
0x5f: {  	_ =	shalt  }
0x60: {  	_ =	shalt  }
0x61: {  	_ =	shalt  }
0x62: {  	_ =	shalt  }
0x63: {  	_ =	shalt  }
0x64: {  	_ =	shalt  }
0x65: {  	_ =	shalt  }
0x66: {  	_ =	shalt  }
0x67: {  	_ =	shalt  }
0x68: {  	_ =	shalt  }
0x69: {  	_ =	shalt  }
0x6a: {  	_ =	shalt  }
0x6b: {  	_ =	shalt  }
0x6c: {  	_ =	shalt  }
0x6d: {  	_ =	shalt  }
0x6e: {  	_ =	shalt  }
0x6f: {  	_ =	shalt  }
0x70: {  	_ =	shalt  }
0x71: {  	_ =	shalt  }
0x72: {  	_ =	shalt  }
0x73: {  	_ =	shalt  }
0x74: {  	_ =	shalt  }
0x75: {  	_ =	shalt  }
0x76: {  	_ =	shalt  }
0x77: {  	_ =	shalt  }
0x78: {  	_ =	shalt  }
0x79: {  	_ =	shalt  }
0x7a: {  	_ =	shalt  }
0x7b: {  	_ =	shalt  }
0x7c: {  	_ =	shalt  }
0x7d: {  	_ =	shalt  }
0x7e: {  	_ =	shalt  }
0x7f: {  	_ =	shalt  }
0x80: {  	_ =	shalt  }
0x81: {  	_ =	shalt  }
0x82: {  	_ =	shalt  }
0x83: {  	_ =	shalt  }
0x84: {  	_ =	shalt  }
0x85: {  	_ =	shalt  }
0x86: {  	_ =	shalt  }
0x87: {  	_ =	shalt  }
.Lfunc_end0:
.L_simem_size_0:
called_computation_lowered:
.L_overlay_start_0:
0x88: {  	s2 =	sld [smem:$0x3FD9]  }
0x89: {  	s3 =	sld [smem:$0x3FFE];
	_ =	sdelay $0x1  }
0x8a: {  	s1 =	srdreg.scid  }
0x8b: {  	s0 =	sand.u32 $0x1, s1  }
0x8c: {  	s17 =	sshll.u32 s0, $0xA;
	s2 =	sadd.s32 s3, s2  }
0x8d: {  	s2 =	sadd.s32 s2, s17  }
0x8e: {  	[smem:$0x3FC2] =	sst s2  }
0x8f: {  	_ = 	snop  }
0x90: {  	s2 =	sld [smem:$0x3FD0];
	(tm) =	ssettm $0x1  }
0x91: {  	s18 =	sld [smem:$0x3FFB];
	_ =	sdelay $0x3  }
0x92: {  	_ =	strace s18  }
0x93: {  	s3 =	sld [smem:$0x3FFC];
	_ =	sdelay $0x3  }
0x94: {  	_ =	strace s3  }
0x95: {  	s3 =	sld [smem:$0x3FFD];
	_ =	sdelay $0x3  }
0x96: {  	_ =	strace s3  }
0x97: {  	_ =	strace $0x8FFFFFFF  }
0x98: {  	s19 =	sld [smem:$0x3FDB];
	_ =	sdelay $0x1  }
0x99: {  	s4 =	simm.s32 $_scs_section_size  }
0x9a: {  	s5 =	simm.s32 $_size__tile_overlayer_lowered;
	s6 =	simm.s32 $_tile_overlayer_lowered  }
0x9b: {  	s22 =	simm.s32 $0x1BFF;
	s21 =	sshll.u32 s6, $0x1;
	s3 =	sadd.s32 s4, s19  }
0x9c: {  	s7 =	simm.s32 $0x0;
	s20 =	sshll.u32 s5, $0x1;
	s5 =	sadd.s32 s21, s3  }
0x9d: {  	[timem:s7], [sflag:s22] =	dma.local [hbm:s5], s20  }
0x9e: {  	_ =	swait.ge [sflag:s22], s20  }
0x9f: {  	s4 =	ssub.s32 $0x0, s20;
	[sflag:s22] =	ssyncset.done $0x0  }
0xa0: {  	[sflag:s22] =	ssyncadd.s32 s4;
	_ =	sdelay $0x1  }
0xa1: {  	s23 =	simm.s32 $0x1B8B  }
0xa2: {  	_ =	swait.ge [sflag:s23], $0x1  }
0xa3: {  	[sflag:s23] =	ssyncset.done $0x0  }
0xa4: {  	s25 =	simm.s32 $0x1B8E;
	s24 =	sld [smem:$0x3FFE];
	[sflag:s23] =	ssyncadd.s32 $0xFFFFFFFF  }
0xa5: {  	s26 =	simm.s32 $execute0_lowered;
	[smem:$0x3FD2] =	sst s25  }
0xa6: {  	s5 =	sshll.u32 s26, $0x1;
	_ =	strace $0x80000046;
	[dreg:$0x1] =	wrdreg $0xFFFFFFFF  }
0xa7: {  	s28 =	simm.s32 $_size_execute0_lowered;
	s3 =	sadd.s32 s3, s5;
	[dreg:$0x0] =	wrdreg $0x0  }
0xa8: {  	s5 =	sshll.u32 s28, $0x1;
	[dreg:$0x2] =	wrdreg s3  }
0xa9: {  	[dreg:$0x3] =	wrdreg s5  }
0xaa: {  	[dreg:$0x4] =	wrdreg $0xC0  }
0xab: {  	_ =	task [dreg:s7], $0x5FFFF  }
0xac: {  	[dreg:$0x1] =	wrdreg $0xFFFFFFFF  }
0xad: {  	[dreg:$0x0] =	wrdreg $0x60  }
0xae: {  	[dreg:$0x2] =	wrdreg s2  }
0xaf: {  	[dreg:$0x3] =	wrdreg s24  }
0xb0: {  	[dreg:$0x4] =	wrdreg $0x93000  }
0xb1: {  	[dreg:$0x5] =	wrdreg $0xBB000  }
0xb2: {  	[dreg:$0x6] =	wrdreg $0x9  }
0xb3: {  	_ =	task.clear_ibuf [dreg:s7], $0x7FFFF;
	_ =	strace $0x90000046  }
0xb4: {  	s29 =	simm.s32 $0x9;
	_ =	strace $0x80000048  }
0xb5: {  	_ =	swait.ge [sflag:s29], $0x1  }
0xb6: {  	[sflag:s29] =	ssyncadd.s32 $0xFFFFFFFF  }
0xb7: {  	_ =	strace $0x90000048  }
0xb8: {  	_ =	sfence  }
0xb9: {  	s30 =	sld [smem:$0x0];
	_ =	sdelay $0x2  }
0xba: {  	s31 =	sshll.u32 s1, $0xD;
	s1 =	sshrl.u32 s1, $0x2  }
0xbb: {  	s3 =	sand.u32 $0x4000, s31;
	s1 =	sadd.s32 s1, s30  }
0xbc: {  	s0 =	sor.u32 s3, s0;
	s1 =	sshll.u32 s1, $0x11  }
0xbd: {  	s0 =	sor.u32 s1, s0  }
0xbe: {  	s0 =	sadd.s32 $0x8F2B, s0  }
0xbf: {  	[sflag:s0] =	ssyncadd.remote.s32 $0x1  }
0xc0: {  	_ =	sfence.sel $0xFFFF  }
0xc1: {  	[dreg:$0x0] =	wrdreg $0xFFFFFFFF;
	(pc) =	sbr.abs _section_cstart, $3  }
0xc2: {  	[dreg:$0x1] =	wrdreg $0xFFFFFFFF  }
0xc3: {  	_ =	task.clear_ibuf [dreg:s7], $0x2FFFF;
	_ =	strace $0x9FFFFFFF  }
0xc4: {  	(tm) =	ssettm $0x7FFFFFFF  }
0xc5: {  	_ =	shalt  }
tec
execute0_lowered:
.L_overlay_start_1:
0x0: {  	(tag) =	ssettag $0x1  }
0x1: {  	s0 =	rddreg [dreg:$0x0]  }
0x2: {  	s1 =	rddreg [dreg:$0x1]  }
0x3: {  	s2 =	rddreg [dreg:$0x2]  }
0x4: {  	s3 =	rddreg [dreg:$0x3];
	s11 =	stileid.u32  }
0x5: {  	s5 =	srdreg.scid;
	s4 =	simm.s32 $0x0;
	s6 =	smul.u32 $0x500, s11  }
0x6: {  	s5 =	sand.u32 $0x1, s5;
	[smem:$0x7FF] =	sst s4;
	s8 =	smul.u32 $0x2800, s11  }
0x7: {  	s14 =	sadd.s32 $0x13200, s1;
	s10 =	smul.u32 $0x280, s11;
	s17 =	sshll.u32 s11, $0xC  }
0x8: {  	s7 =	sshll.u32 s5, $0x7;
	_ =	strace $0x80000047;
	[dreg:$0x5] =	wrdreg s14  }
0x9: {  	s15 =	ssub.s32 $0x2, s5;
	s5 =	sshll.u32 s5, $0xB;
	s18 =	sadd.s32 s8, s2  }
0xa: {  	s9 =	sshrl.u32 s15, $0x1;
	s20 =	sadd.s32 s8, s3;
	[smem:$0x77D] =	sst s18  }
0xb: {  	s0 =	sadd.s32 s0, s5;
	s16 =	ssub.s32 s15, s9;
	[smem:$0x77F] =	sst s20  }
0xc: {  	s19 =	sadd.s32 $0x2800, s10;
	s0 =	sadd.s32 s17, s0;
	[smem:$0x77B] =	sst s16  }
0xd: {  	s7 =	sor.u32 s7, s6;
	s11 =	sadd.s32 s19, s2;
	[dreg:$0x6] =	wrdreg s0  }
0xe: {  	s21 =	sadd.s32 $0x5000, s10;
	s12 =	sadd.s32 s19, s3;
	[dreg:$0x7] =	wrdreg s11  }
0xf: {  	s6 =	sadd.s32 $0x13400, s1;
	s13 =	sadd.s32 s21, s2;
	[dreg:$0x8] =	wrdreg s12  }
0x10: {  	s22 =	sadd.s32 $0x7800, s10;
	s14 =	sadd.s32 s21, s3;
	[dreg:$0x9] =	wrdreg s13  }
0x11: {  	s23 =	sadd.s32 $0xA000, s10;
	s15 =	sadd.s32 s22, s2;
	[dreg:$0xa] =	wrdreg s14  }
0x12: {  	s24 =	sadd.s32 $0xC800, s10;
	s17 =	sadd.s32 s23, s2;
	[dreg:$0xb] =	wrdreg s15  }
0x13: {  	s25 =	sadd.s32 $0xF000, s10;
	s18 =	sadd.s32 s23, s3;
	[dreg:$0xd] =	wrdreg s17  }
0x14: {  	s26 =	sadd.s32 $0x11800, s10;
	s19 =	sadd.s32 s24, s2;
	[dreg:$0xe] =	wrdreg s18  }
0x15: {  	s8 =	sadd.s32 $0x1B800, s10;
	s20 =	sadd.s32 s24, s3;
	[dreg:$0xf] =	wrdreg s19  }
0x16: {  	s5 =	sadd.s32 $0x20800, s10;
	s21 =	sadd.s32 s25, s2;
	[dreg:$0x10] =	wrdreg s20  }
0x17: {  	s7 =	sshrl.u32 s7, $0x3;
	s23 =	sadd.s32 s26, s2;
	[dreg:$0x11] =	wrdreg s21  }
0x18: {  	s24 =	sadd.s32 s26, s3;
	s1 =	sadd.s32 s7, s1;
	[dreg:$0x13] =	wrdreg s23  }
0x19: {  	s16 =	sadd.s32 s22, s3;
	s22 =	sadd.s32 s25, s3;
	[dreg:$0x14] =	wrdreg s24  }
0x1a: {  	s0 =	sor.u32 $0x14000, s10;
	s7 =	sadd.s32 $0x19000, s10;
	[smem:$0x779] =	sst s1  }
0x1b: {  	s25 =	sadd.s32 s0, s2;
	s1 =	sadd.s32 $0x16800, s10;
	s26 =	sadd.s32 s0, s3  }
0x1c: {  	s30 =	sadd.s32 s7, s2;
	s31 =	sadd.s32 s7, s3;
	s0 =	sadd.s32 $0x1E000, s10  }
0x1d: {  	s7 =	sadd.s32 s8, s3;
	[dreg:$0xc] =	wrdreg s16;
	s28 =	sadd.s32 s1, s2  }
0x1e: {  	s29 =	sadd.s32 s1, s3;
	s1 =	sadd.s32 s8, s2;
	s9 =	sadd.s32 s0, s3  }
0x1f: {  	s8 =	sadd.s32 s0, s2;
	[dreg:$0x1e] =	wrdreg s9;
	s9 =	sadd.s32 s5, s2  }
0x20: {  	s5 =	sadd.s32 s5, s3;
	[dreg:$0x1f] =	wrdreg s9;
	s9 =	sadd.s32 $0x23000, s10  }
0x21: {  	s0 =	sadd.s32 s10, s3;
	[smem:$0x7EF] =	sst s5;
	s5 =	sadd.s32 s9, s2  }
0x22: {  	s9 =	sadd.s32 s9, s3;
	[smem:$0x7F4] =	sst s5;
	s5 =	sadd.s32 $0x25800, s10  }
0x23: {  	[smem:$0x7F9] =	sst s9;
	s9 =	sadd.s32 s10, s2;
	s10 =	sadd.s32 s5, s2  }
0x24: {  	[smem:$0x7FD] =	sst s10  }
0x25: {  	s10 =	sld [smem:$0x779]  }
0x26: {  	[dreg:$0x12] =	wrdreg s22  }
0x27: {  	[dreg:$0x15] =	wrdreg s25  }
0x28: {  	[dreg:$0x16] =	wrdreg s26;
	s10 =	sadd.s32 $0x13A00, s10  }
0x29: {  	[smem:$0x77A] =	sst s10  }
0x2a: {  	s10 =	sld [smem:$0x77B]  }
0x2b: {  	[dreg:$0x19] =	wrdreg s30  }
0x2c: {  	[dreg:$0x1a] =	wrdreg s31  }
0x2d: {  	[dreg:$0x1c] =	wrdreg s7;
	s10 =	smax.u32 s10, $0x1  }
0x2e: {  	[smem:$0x77C] =	sst s10  }
0x2f: {  	s10 =	sld [smem:$0x77D]  }
0x30: {  	[smem:$0x789] =	sst s0  }
0x31: {  	[dreg:$0x17] =	wrdreg s28  }
0x32: {  	[dreg:$0x18] =	wrdreg s29;
	s10 =	sshrl.u32 s10, $0x3  }
0x33: {  	[smem:$0x77E] =	sst s10  }
0x34: {  	s10 =	sld [smem:$0x77F]  }
0x35: {  	[dreg:$0x1b] =	wrdreg s1  }
0x36: {  	[dreg:$0x1d] =	wrdreg s8  }
0x37: {  	[smem:$0x784] =	sst s9;
	s10 =	sshrl.u32 s10, $0x3  }
0x38: {  	[smem:$0x780] =	sst s10;
	s10 =	sadd.s32 $0x80, s9  }
0x39: {  	[smem:$0x781] =	sst s10;
	s10 =	sadd.s32 $0x100, s9  }
0x3a: {  	[smem:$0x782] =	sst s10;
	s10 =	sadd.s32 $0x180, s9  }
0x3b: {  	s9 =	sadd.s32 $0x200, s9;
	[smem:$0x783] =	sst s10  }
0x3c: {  	[smem:$0x785] =	sst s9;
	s10 =	sadd.s32 $0x80, s0  }
0x3d: {  	s9 =	sadd.s32 $0x100, s11;
	[smem:$0x786] =	sst s10  }
0x3e: {  	s10 =	sadd.s32 $0x100, s0;
	[smem:$0x78C] =	sst s9  }
0x3f: {  	s9 =	sadd.s32 $0x200, s11;
	[smem:$0x787] =	sst s10  }
0x40: {  	s10 =	sadd.s32 $0x180, s0;
	[smem:$0x78E] =	sst s9  }
0x41: {  	s0 =	sadd.s32 $0x200, s0;
	[smem:$0x788] =	sst s10  }
0x42: {  	s9 =	sadd.s32 $0x180, s12;
	[smem:$0x78A] =	sst s0  }
0x43: {  	s10 =	sadd.s32 $0x80, s11;
	[smem:$0x791] =	sst s9  }
0x44: {  	s9 =	sadd.s32 $0x180, s13;
	[smem:$0x78B] =	sst s10  }
0x45: {  	s10 =	sadd.s32 $0x180, s11;
	[smem:$0x795] =	sst s9  }
0x46: {  	s11 =	sadd.s32 $0x100, s12;
	[smem:$0x78D] =	sst s10  }
0x47: {  	s9 =	sadd.s32 $0x80, s15;
	[smem:$0x790] =	sst s11  }
0x48: {  	s10 =	sadd.s32 $0x80, s12;
	[smem:$0x79B] =	sst s9  }
0x49: {  	s11 =	sadd.s32 $0x80, s13;
	[smem:$0x78F] =	sst s10  }
0x4a: {  	s9 =	sadd.s32 $0x200, s16;
	[smem:$0x793] =	sst s11  }
0x4b: {  	s10 =	sadd.s32 $0x200, s12;
	[smem:$0x7A2] =	sst s9  }
0x4c: {  	s12 =	sadd.s32 $0x100, s13;
	[smem:$0x792] =	sst s10  }
0x4d: {  	s11 =	sadd.s32 $0x80, s14;
	[smem:$0x794] =	sst s12  }
0x4e: {  	s9 =	sadd.s32 $0x100, s19;
	[smem:$0x797] =	sst s11  }
0x4f: {  	s10 =	sadd.s32 $0x200, s13;
	[smem:$0x7AC] =	sst s9  }
0x50: {  	s12 =	sadd.s32 $0x100, s14;
	[smem:$0x796] =	sst s10  }
0x51: {  	s13 =	sadd.s32 $0x180, s14;
	[smem:$0x798] =	sst s12  }
0x52: {  	s14 =	sadd.s32 $0x200, s14;
	[smem:$0x799] =	sst s13  }
0x53: {  	s11 =	sadd.s32 $0x180, s15;
	[smem:$0x79A] =	sst s14  }
0x54: {  	s9 =	sadd.s32 $0x180, s22;
	[smem:$0x79D] =	sst s11  }
0x55: {  	s10 =	sadd.s32 $0x100, s15;
	[smem:$0x7B9] =	sst s9  }
0x56: {  	s12 =	sadd.s32 $0x200, s15;
	[smem:$0x79C] =	sst s10  }
0x57: {  	s13 =	sadd.s32 $0x80, s16;
	[smem:$0x79E] =	sst s12  }
0x58: {  	s14 =	sadd.s32 $0x100, s16;
	[smem:$0x79F] =	sst s13  }
0x59: {  	s15 =	sadd.s32 $0x180, s16;
	[smem:$0x7A0] =	sst s14  }
0x5a: {  	s11 =	sadd.s32 $0x100, s17;
	[smem:$0x7A1] =	sst s15  }
0x5b: {  	s16 =	sadd.s32 $0x180, s18;
	[smem:$0x7A4] =	sst s11  }
0x5c: {  	s9 =	sadd.s32 $0x200, s26;
	[smem:$0x7A9] =	sst s16  }
0x5d: {  	s10 =	sadd.s32 $0x80, s17;
	[smem:$0x7CA] =	sst s9  }
0x5e: {  	s12 =	sadd.s32 $0x180, s17;
	[smem:$0x7A3] =	sst s10  }
0x5f: {  	s13 =	sadd.s32 $0x200, s17;
	[smem:$0x7A5] =	sst s12  }
0x60: {  	s14 =	sadd.s32 $0x80, s18;
	[smem:$0x7A6] =	sst s13  }
0x61: {  	s15 =	sadd.s32 $0x100, s18;
	[smem:$0x7A7] =	sst s14  }
0x62: {  	s17 =	sadd.s32 $0x200, s18;
	[smem:$0x7A8] =	sst s15  }
0x63: {  	s18 =	sadd.s32 $0x80, s19;
	[smem:$0x7AA] =	sst s17  }
0x64: {  	s11 =	sadd.s32 $0x200, s19;
	[smem:$0x7AB] =	sst s18  }
0x65: {  	s16 =	sadd.s32 $0x80, s21;
	[smem:$0x7AE] =	sst s11  }
0x66: {  	s9 =	sadd.s32 $0x100, s1;
	[smem:$0x7B3] =	sst s16  }
0x67: {  	s10 =	sadd.s32 $0x180, s19;
	[smem:$0x7DC] =	sst s9  }
0x68: {  	s12 =	sadd.s32 $0x80, s20;
	[smem:$0x7AD] =	sst s10  }
0x69: {  	s13 =	sadd.s32 $0x100, s20;
	[smem:$0x7AF] =	sst s12  }
0x6a: {  	s14 =	sadd.s32 $0x180, s20;
	[smem:$0x7B0] =	sst s13  }
0x6b: {  	s15 =	sadd.s32 $0x200, s20;
	[smem:$0x7B1] =	sst s14  }
0x6c: {  	s17 =	sadd.s32 $0x100, s21;
	[smem:$0x7B2] =	sst s15  }
0x6d: {  	s18 =	sadd.s32 $0x180, s21;
	[smem:$0x7B4] =	sst s17  }
0x6e: {  	s19 =	sadd.s32 $0x200, s21;
	[smem:$0x7B5] =	sst s18  }
0x6f: {  	s20 =	sadd.s32 $0x80, s22;
	[smem:$0x7B6] =	sst s19  }
0x70: {  	s21 =	sadd.s32 $0x100, s22;
	[smem:$0x7B7] =	sst s20  }
0x71: {  	s11 =	sadd.s32 $0x80, s23;
	[smem:$0x7B8] =	sst s21  }
0x72: {  	s16 =	sadd.s32 $0x100, s24;
	[smem:$0x7BB] =	sst s11  }
0x73: {  	s10 =	sadd.s32 $0x200, s22;
	[smem:$0x7C0] =	sst s16  }
0x74: {  	s12 =	sadd.s32 $0x100, s23;
	[smem:$0x7BA] =	sst s10  }
0x75: {  	s13 =	sadd.s32 $0x180, s23;
	[smem:$0x7BC] =	sst s12  }
0x76: {  	s14 =	sadd.s32 $0x200, s23;
	[smem:$0x7BD] =	sst s13  }
0x77: {  	s15 =	sadd.s32 $0x80, s24;
	[smem:$0x7BE] =	sst s14  }
0x78: {  	s17 =	sadd.s32 $0x180, s24;
	[smem:$0x7BF] =	sst s15  }
0x79: {  	s18 =	sadd.s32 $0x200, s24;
	[smem:$0x7C1] =	sst s17  }
0x7a: {  	s19 =	sadd.s32 $0x80, s25;
	[smem:$0x7C2] =	sst s18  }
0x7b: {  	s20 =	sadd.s32 $0x100, s25;
	[smem:$0x7C3] =	sst s19  }
0x7c: {  	s21 =	sadd.s32 $0x180, s25;
	[smem:$0x7C4] =	sst s20  }
0x7d: {  	s22 =	sadd.s32 $0x200, s25;
	[smem:$0x7C5] =	sst s21  }
0x7e: {  	s23 =	sadd.s32 $0x80, s26;
	[smem:$0x7C6] =	sst s22  }
0x7f: {  	s24 =	sadd.s32 $0x100, s26;
	[smem:$0x7C7] =	sst s23  }
0x80: {  	s25 =	sadd.s32 $0x180, s26;
	[smem:$0x7C8] =	sst s24  }
0x81: {  	s11 =	sadd.s32 $0x100, s28;
	[smem:$0x7C9] =	sst s25  }
0x82: {  	s16 =	sadd.s32 $0x180, s29;
	[smem:$0x7CC] =	sst s11  }
0x83: {  	s26 =	sadd.s32 $0x80, s1;
	[smem:$0x7D1] =	sst s16  }
0x84: {  	s10 =	sadd.s32 $0x80, s28;
	[smem:$0x7DB] =	sst s26  }
0x85: {  	s12 =	sadd.s32 $0x180, s28;
	[smem:$0x7CB] =	sst s10  }
0x86: {  	s13 =	sadd.s32 $0x200, s28;
	[smem:$0x7CD] =	sst s12  }
0x87: {  	s14 =	sadd.s32 $0x80, s29;
	[smem:$0x7CE] =	sst s13  }
0x88: {  	s15 =	sadd.s32 $0x100, s29;
	[smem:$0x7CF] =	sst s14  }
0x89: {  	s17 =	sadd.s32 $0x200, s29;
	[smem:$0x7D0] =	sst s15  }
0x8a: {  	s18 =	sadd.s32 $0x80, s30;
	[smem:$0x7D2] =	sst s17  }
0x8b: {  	s19 =	sadd.s32 $0x100, s30;
	[smem:$0x7D3] =	sst s18  }
0x8c: {  	s20 =	sadd.s32 $0x180, s30;
	[smem:$0x7D4] =	sst s19  }
0x8d: {  	s21 =	sadd.s32 $0x200, s30;
	[smem:$0x7D5] =	sst s20  }
0x8e: {  	s22 =	sadd.s32 $0x80, s31;
	[smem:$0x7D6] =	sst s21  }
0x8f: {  	s23 =	sadd.s32 $0x100, s31;
	[smem:$0x7D7] =	sst s22  }
0x90: {  	s24 =	sadd.s32 $0x180, s31;
	[smem:$0x7D8] =	sst s23  }
0x91: {  	s25 =	sadd.s32 $0x200, s31;
	[smem:$0x7D9] =	sst s24  }
0x92: {  	s11 =	sadd.s32 $0x200, s1;
	[smem:$0x7DA] =	sst s25  }
0x93: {  	s16 =	sadd.s32 $0x80, s8;
	[smem:$0x7DE] =	sst s11  }
0x94: {  	[smem:$0x7E3] =	sst s16  }
0x95: {  	s20 =	rddreg [dreg:$0x1e]  }
0x96: {  	s10 =	sadd.s32 $0x180, s1;
	s25 =	rddreg [dreg:$0x1f]  }
0x97: {  	s12 =	sadd.s32 $0x80, s7;
	[smem:$0x7DD] =	sst s10  }
0x98: {  	s13 =	sadd.s32 $0x100, s7;
	[smem:$0x7DF] =	sst s12  }
0x99: {  	s14 =	sadd.s32 $0x180, s7;
	[smem:$0x7E0] =	sst s13  }
0x9a: {  	s15 =	sadd.s32 $0x200, s7;
	[smem:$0x7E1] =	sst s14  }
0x9b: {  	s17 =	sadd.s32 $0x100, s8;
	[smem:$0x7E2] =	sst s15  }
0x9c: {  	s18 =	sadd.s32 $0x180, s8;
	[smem:$0x7E4] =	sst s17  }
0x9d: {  	s19 =	sadd.s32 $0x200, s8;
	[smem:$0x7E5] =	sst s18  }
0x9e: {  	[smem:$0x7E6] =	sst s19  }
0x9f: {  	s10 =	sld [smem:$0x7EF]  }
0xa0: {  	s21 =	sadd.s32 $0x80, s20;
	s22 =	sadd.s32 $0x100, s20;
	s15 =	sld [smem:$0x7F4]  }
0xa1: {  	s23 =	sadd.s32 $0x180, s20;
	s24 =	sadd.s32 $0x200, s20;
	s20 =	sld [smem:$0x7F9]  }
0xa2: {  	[smem:$0x7E7] =	sst s21  }
0xa3: {  	[smem:$0x7E8] =	sst s22  }
0xa4: {  	[smem:$0x7E9] =	sst s23  }
0xa5: {  	s26 =	sadd.s32 $0x80, s25;
	[smem:$0x7EA] =	sst s24  }
0xa6: {  	s7 =	sadd.s32 $0x100, s25;
	[smem:$0x7EB] =	sst s26  }
0xa7: {  	s8 =	sadd.s32 $0x180, s25;
	[smem:$0x7EC] =	sst s7  }
0xa8: {  	s9 =	sadd.s32 $0x200, s25;
	[smem:$0x7ED] =	sst s8  }
0xa9: {  	[smem:$0x7EE] =	sst s9  }
0xaa: {  	s5 =	sadd.s32 s5, s3;
	s24 =	sld [smem:$0x7FD];
	s11 =	sadd.s32 $0x80, s10  }
0xab: {  	s0 =	simm.s32 $0x0;
	s12 =	sadd.s32 $0x100, s10;
	[smem:$0x7F0] =	sst s11  }
0xac: {  	s28 =	sadd.s32 $0x100, s5;
	s13 =	sadd.s32 $0x180, s10;
	[smem:$0x7F1] =	sst s12  }
0xad: {  	s29 =	sadd.s32 $0x180, s5;
	s14 =	sadd.s32 $0x200, s10;
	[smem:$0x7F2] =	sst s13  }
0xae: {  	s30 =	simm.s32 $0x4000;
	s16 =	sadd.s32 $0x80, s15;
	[smem:$0x7F3] =	sst s14  }
0xaf: {  	s31 =	simm.s32 $0x80;
	s17 =	sadd.s32 $0x100, s15;
	[smem:$0x7F5] =	sst s16  }
0xb0: {  	s7 =	smov.u32 s10;
	s18 =	sadd.s32 $0x180, s15;
	[smem:$0x7F6] =	sst s17  }
0xb1: {  	s8 =	smov.u32 s15;
	s19 =	sadd.s32 $0x200, s15;
	[smem:$0x7F7] =	sst s18  }
0xb2: {  	s21 =	sadd.s32 $0x80, s20;
	s22 =	sadd.s32 $0x100, s20;
	[smem:$0x7F8] =	sst s19  }
0xb3: {  	s23 =	sadd.s32 $0x180, s20;
	s25 =	smov.u32 s20;
	[smem:$0x7FA] =	sst s21  }
0xb4: {  	s10 =	sadd.s32 $0x200, s20;
	s20 =	smov.u32 s5;
	[smem:$0x7FB] =	sst s22  }
0xb5: {  	[smem:$0x7FC] =	sst s23;
	s26 =	sadd.s32 $0x80, s24;
	s17 =	sadd.s32 $0x100, s24  }
0xb6: {  	s11 =	sadd.s32 $0x180, s24;
	s9 =	smov.u32 s24;
	s15 =	sadd.s32 $0x200, s24  }
0xb7: {  	s12 =	sadd.s32 $0x80, s5;
	s21 =	sadd.s32 $0x200, s5;
	s22 =	simm.s32 $0x3  }
0xb8: {  	s18 =	simm.s32 $0x50;
	s16 =	simm.s32 $0x1;
	s23 =	simm.s32 $0x2  }
.LBB2_1:
0xb9: {  	s1 =	rddreg [dreg:$0x6]  }
0xba: {  	[tilespmem:s4], [sflag:$0x3] =	stream.linear.gather [hbm4b:s1+s4], $0x4000, $0x38;
	[tilespmem:$0xE300] =	vst v63  }
0xbb: {  	_ =	swait.ge [sflag:s22], $0x4000  }
0xbc: {  	[sflag:s22] =	ssyncset.done $0x0  }
0xbd: {  	s13 =	rddreg [dreg:$0x5];
	[sflag:s22] =	ssyncadd.s32 $0xFFFFC000  }
0xbe: {  	[tilespmem:s30], [sflag:$0x3] =	stream.linear.gather [hbm4b:s13+s4], $0x80, $0x38;
	[tilespmem:$0xE300] =	vst v63  }
0xbf: {  	_ =	swait.ge [sflag:s22], $0x80  }
0xc0: {  	s14 =	stileid.u32;
	s5 =	sld [smem:$0x77E]  }
0xc1: {  	s1 =	sshll.u32 s14, $0x6;
	[sflag:s22] =	ssyncset.done $0x0  }
0xc2: {  	s1 =	sor.u32 $0x1C03, s1;
	[sflag:s22] =	ssyncadd.s32 $0xFFFFFF80  }
0xc3: {  	[spmem:s5], [sflag:s1] =	dma.local [hbm:s6], $0x500  }
0xc4: {  	_ =	swait.ge [sflag:s22], $0x500  }
0xc5: {  	s19 =	sld [smem:$0x780]  }
0xc6: {  	[sflag:s22] =	ssyncset.done $0x0  }
0xc7: {  	[sflag:s22] =	ssyncadd.s32 $0xFFFFFB00  }
0xc8: {  	[spmem:s19], [sflag:s1] =	dma.local [hbm:s6], $0x500  }
0xc9: {  	_ =	swait.ge [sflag:s22], $0x500  }
0xca: {  	[sflag:s22] =	ssyncset.done $0x0  }
0xcb: {  	[sflag:s22] =	ssyncadd.s32 $0xFFFFFB00  }
0xcc: {  	[spmem:s2] =	stream.indirect.scatter.add.f32 [tilespmem:s30], [sflag:$0x1], $0x1, s4, s18, $0xb8;
	[tilespmem:$0xE300] =	vst v63  }
0xcd: {  	_ = 	snop  }
0xce: {  	[spmem:s3] =	stream.indirect.scatter.add.f32 [tilespmem:s30], [sflag:$0x2], $0x1, s31, s18, $0xb8;
	[tilespmem:$0xE300] =	vst v63  }
0xcf: {  	_ =	swait.ge [sflag:s16], $0x50  }
0xd0: {  	[sflag:s16] =	ssyncset.done $0x0  }
0xd1: {  	s24 =	simm.s32 $0x100;
	[sflag:s16] =	ssyncadd.s32 $0xFFFFFFB0  }
0xd2: {  	[spmem:s2] =	stream.indirect.scatter.add.f32 [tilespmem:s30], [sflag:$0x1], $0x1, s24, s18, $0xb8;
	[tilespmem:$0xE300] =	vst v63  }
0xd3: {  	_ =	swait.ge [sflag:s23], $0x50  }
0xd4: {  	[sflag:s23] =	ssyncset.done $0x0  }
0xd5: {  	s5 =	simm.s32 $0x180;
	s1 =	simm.s32 $0xFFFF0800;
	[sflag:s23] =	ssyncadd.s32 $0xFFFFFFB0  }
.LBB2_2:
0xd6: {  	[spmem:s3] =	stream.indirect.scatter.add.f32 [tilespmem:s30], [sflag:$0x2], $0x1, s5, s18, $0xb8;
	[tilespmem:$0xE300] =	vst v63  }
0xd7: {  	s5 =	smov.u32 s1  }
0xd8: {  	p0 =	sne.s32 s1, $0xFFFFFC00;
	s1 =	sadd.s32 $0x400, s1;
	_ =	swait.ge [sflag:s16], $0x50  }
0xd9: {  	s5 =	sshra.s32 s5, $0x2;
	[sflag:s16] =	ssyncset.done $0x0  }
.Ltmp0:
0xda: {  	s13 =	sadd.s32 $0x4000, s5;
	[sflag:s16] =	ssyncadd.s32 $0xFFFFFFB0;
	(pc) =	sbr.rel @p0 .LBB2_2-.Ltmp0, $4  }
0xdb: {  	[spmem:s2] =	stream.indirect.scatter.add.f32 [tilespmem:s30], [sflag:$0x1], $0x1, s13, s18, $0xb8;
	[tilespmem:$0xE300] =	vst v63  }
0xdc: {  	_ =	swait.ge [sflag:s23], $0x50  }
0xdd: {  	[sflag:s23] =	ssyncset.done $0x0  }
0xde: {  	s5 =	sadd.s32 $0x4080, s5;
	[sflag:s23] =	ssyncadd.s32 $0xFFFFFFB0  }
0xdf: {  	[spmem:s3] =	stream.indirect.scatter.add.f32 [tilespmem:s30], [sflag:$0x2], $0x1, s5, s18, $0xb8;
	[tilespmem:$0xE300] =	vst v63  }
0xe0: {  	_ =	swait.ge [sflag:s16], $0x50  }
0xe1: {  	[sflag:s16] =	ssyncset.done $0x0  }
0xe2: {  	[sflag:s16] =	ssyncadd.s32 $0xFFFFFFB0  }
0xe3: {  	_ =	swait.ge [sflag:s23], $0x50  }
0xe4: {  	[sflag:s23] =	ssyncset.done $0x0  }
0xe5: {  	[sflag:s23] =	ssyncadd.s32 $0xFFFFFFB0  }
0xe6: {  	[bflag:$0x0] =	sbarrier.arrive $0xFFFF  }
0xe7: {  	s1 =	sld [smem:$0x784];
	_ =	sdelay $0x1  }
0xe8: {  	s24 =	simm.s32 $0x4080;
	s13 =	sld [smem:$0x781]  }
0xe9: {  	[tilespmem:s24], [sflag:$0x3] =	stream.linear.gather [spmem:s1], $0x80, $0x38;
	[tilespmem:$0xE300] =	vst v63  }
0xea: {  	s14 =	simm.s32 $0x4480;
	s19 =	sld [smem:$0x782]  }
0xeb: {  	[tilespmem:s14], [sflag:$0x3] =	stream.linear.gather [spmem:s13], $0x80, $0x38;
	[tilespmem:$0xE300] =	vst v63  }
0xec: {  	s24 =	simm.s32 $0x4880;
	s13 =	sld [smem:$0x783]  }
0xed: {  	[tilespmem:s24], [sflag:$0x3] =	stream.linear.gather [spmem:s19], $0x80, $0x38;
	[tilespmem:$0xE300] =	vst v63  }
0xee: {  	s14 =	simm.s32 $0x4C80;
	s19 =	sld [smem:$0x785]  }
0xef: {  	[tilespmem:s14], [sflag:$0x3] =	stream.linear.gather [spmem:s13], $0x80, $0x38;
	[tilespmem:$0xE300] =	vst v63  }
0xf0: {  	s24 =	simm.s32 $0x5080  }
0xf1: {  	[tilespmem:s24], [sflag:$0x3] =	stream.linear.gather [spmem:s19], $0x80, $0x38;
	[tilespmem:$0xE300] =	vst v63  }
0xf2: {  	_ =	swait.ge [sflag:s22], $0x280  }
0xf3: {  	s13 =	sld [smem:$0x789]  }
0xf4: {  	[sflag:s22] =	ssyncset.done $0x0  }
0xf5: {  	s14 =	simm.s32 $0x6880;
	s19 =	sld [smem:$0x786];
	[sflag:s22] =	ssyncadd.s32 $0xFFFFFD80  }
0xf6: {  	[tilespmem:s14], [sflag:$0x3] =	stream.linear.gather [spmem:s13], $0x80, $0x38;
	[tilespmem:$0xE300] =	vst v63  }
0xf7: {  	s24 =	simm.s32 $0x6C80;
	s13 =	sld [smem:$0x787]  }
0xf8: {  	[tilespmem:s24], [sflag:$0x3] =	stream.linear.gather [spmem:s19], $0x80, $0x38;
	[tilespmem:$0xE300] =	vst v63  }
0xf9: {  	s14 =	simm.s32 $0x7080;
	s19 =	sld [smem:$0x788]  }
0xfa: {  	[tilespmem:s14], [sflag:$0x3] =	stream.linear.gather [spmem:s13], $0x80, $0x38;
	[tilespmem:$0xE300] =	vst v63  }
0xfb: {  	s24 =	simm.s32 $0x7480;
	s13 =	sld [smem:$0x78A]  }
0xfc: {  	[tilespmem:s24], [sflag:$0x3] =	stream.linear.gather [spmem:s19], $0x80, $0x38;
	[tilespmem:$0xE300] =	vst v63  }
0xfd: {  	s14 =	simm.s32 $0x7880  }
0xfe: {  	[tilespmem:s14], [sflag:$0x3] =	stream.linear.gather [spmem:s13], $0x80, $0x38;
	[tilespmem:$0xE300] =	vst v63  }
0xff: {  	_ =	swait.ge [sflag:s22], $0x280  }
0x100: {  	[sflag:s22] =	ssyncset.done $0x0;
	s19 =	rddreg [dreg:$0x7]  }
0x101: {  	s24 =	simm.s32 $0x4100;
	s13 =	sld [smem:$0x78B];
	[sflag:s22] =	ssyncadd.s32 $0xFFFFFD80  }
0x102: {  	[tilespmem:s24], [sflag:$0x3] =	stream.linear.gather [spmem:s19], $0x80, $0x38;
	[tilespmem:$0xE300] =	vst v63  }
0x103: {  	s14 =	simm.s32 $0x4500;
	s19 =	sld [smem:$0x78C]  }
0x104: {  	[tilespmem:s14], [sflag:$0x3] =	stream.linear.gather [spmem:s13], $0x80, $0x38;
	[tilespmem:$0xE300] =	vst v63  }
0x105: {  	s24 =	simm.s32 $0x4900;
	s13 =	sld [smem:$0x78D]  }
0x106: {  	[tilespmem:s24], [sflag:$0x3] =	stream.linear.gather [spmem:s19], $0x80, $0x38;
	[tilespmem:$0xE300] =	vst v63  }
0x107: {  	s14 =	simm.s32 $0x4D00;
	s19 =	sld [smem:$0x78E]  }
0x108: {  	[tilespmem:s14], [sflag:$0x3] =	stream.linear.gather [spmem:s13], $0x80, $0x38;
	[tilespmem:$0xE300] =	vst v63  }
0x109: {  	s24 =	simm.s32 $0x5100  }
0x10a: {  	[tilespmem:s24], [sflag:$0x3] =	stream.linear.gather [spmem:s19], $0x80, $0x38;
	[tilespmem:$0xE300] =	vst v63  }
0x10b: {  	_ =	swait.ge [sflag:s22], $0x280  }
0x10c: {  	[sflag:s22] =	ssyncset.done $0x0;
	s13 =	rddreg [dreg:$0x8]  }
0x10d: {  	s14 =	simm.s32 $0x6900;
	s19 =	sld [smem:$0x78F];
	[sflag:s22] =	ssyncadd.s32 $0xFFFFFD80  }
0x10e: {  	[tilespmem:s14], [sflag:$0x3] =	stream.linear.gather [spmem:s13], $0x80, $0x38;
	[tilespmem:$0xE300] =	vst v63  }
0x10f: {  	s24 =	simm.s32 $0x6D00;
	s13 =	sld [smem:$0x790]  }
0x110: {  	[tilespmem:s24], [sflag:$0x3] =	stream.linear.gather [spmem:s19], $0x80, $0x38;
	[tilespmem:$0xE300] =	vst v63  }
0x111: {  	s14 =	simm.s32 $0x7100;
	s19 =	sld [smem:$0x791]  }
0x112: {  	[tilespmem:s14], [sflag:$0x3] =	stream.linear.gather [spmem:s13], $0x80, $0x38;
	[tilespmem:$0xE300] =	vst v63  }
0x113: {  	s24 =	simm.s32 $0x7500;
	s13 =	sld [smem:$0x792]  }
0x114: {  	[tilespmem:s24], [sflag:$0x3] =	stream.linear.gather [spmem:s19], $0x80, $0x38;
	[tilespmem:$0xE300] =	vst v63  }
0x115: {  	s14 =	simm.s32 $0x7900  }
0x116: {  	[tilespmem:s14], [sflag:$0x3] =	stream.linear.gather [spmem:s13], $0x80, $0x38;
	[tilespmem:$0xE300] =	vst v63  }
0x117: {  	_ =	swait.ge [sflag:s22], $0x280  }
0x118: {  	[sflag:s22] =	ssyncset.done $0x0;
	s19 =	rddreg [dreg:$0x9]  }
0x119: {  	s24 =	simm.s32 $0x4180;
	s13 =	sld [smem:$0x793];
	[sflag:s22] =	ssyncadd.s32 $0xFFFFFD80  }
0x11a: {  	[tilespmem:s24], [sflag:$0x3] =	stream.linear.gather [spmem:s19], $0x80, $0x38;
	[tilespmem:$0xE300] =	vst v63  }
0x11b: {  	s14 =	simm.s32 $0x4580;
	s19 =	sld [smem:$0x794]  }
0x11c: {  	[tilespmem:s14], [sflag:$0x3] =	stream.linear.gather [spmem:s13], $0x80, $0x38;
	[tilespmem:$0xE300] =	vst v63  }
0x11d: {  	s24 =	simm.s32 $0x4980;
	s13 =	sld [smem:$0x795]  }
0x11e: {  	[tilespmem:s24], [sflag:$0x3] =	stream.linear.gather [spmem:s19], $0x80, $0x38;
	[tilespmem:$0xE300] =	vst v63  }
0x11f: {  	s14 =	simm.s32 $0x4D80;
	s19 =	sld [smem:$0x796]  }
0x120: {  	[tilespmem:s14], [sflag:$0x3] =	stream.linear.gather [spmem:s13], $0x80, $0x38;
	[tilespmem:$0xE300] =	vst v63  }
0x121: {  	s24 =	simm.s32 $0x5180  }
0x122: {  	[tilespmem:s24], [sflag:$0x3] =	stream.linear.gather [spmem:s19], $0x80, $0x38;
	[tilespmem:$0xE300] =	vst v63  }
0x123: {  	_ =	swait.ge [sflag:s22], $0x280  }
0x124: {  	[sflag:s22] =	ssyncset.done $0x0;
	s13 =	rddreg [dreg:$0xa]  }
0x125: {  	s14 =	simm.s32 $0x6980;
	s19 =	sld [smem:$0x797];
	[sflag:s22] =	ssyncadd.s32 $0xFFFFFD80  }
0x126: {  	[tilespmem:s14], [sflag:$0x3] =	stream.linear.gather [spmem:s13], $0x80, $0x38;
	[tilespmem:$0xE300] =	vst v63  }
0x127: {  	s24 =	simm.s32 $0x6D80;
	s13 =	sld [smem:$0x798]  }
0x128: {  	[tilespmem:s24], [sflag:$0x3] =	stream.linear.gather [spmem:s19], $0x80, $0x38;
	[tilespmem:$0xE300] =	vst v63  }
0x129: {  	s14 =	simm.s32 $0x7180;
	s19 =	sld [smem:$0x799]  }
0x12a: {  	[tilespmem:s14], [sflag:$0x3] =	stream.linear.gather [spmem:s13], $0x80, $0x38;
	[tilespmem:$0xE300] =	vst v63  }
0x12b: {  	s24 =	simm.s32 $0x7580;
	s13 =	sld [smem:$0x79A]  }
0x12c: {  	[tilespmem:s24], [sflag:$0x3] =	stream.linear.gather [spmem:s19], $0x80, $0x38;
	[tilespmem:$0xE300] =	vst v63  }
0x12d: {  	s14 =	simm.s32 $0x7980  }
0x12e: {  	[tilespmem:s14], [sflag:$0x3] =	stream.linear.gather [spmem:s13], $0x80, $0x38;
	[tilespmem:$0xE300] =	vst v63  }
0x12f: {  	_ =	swait.ge [sflag:s22], $0x280  }
0x130: {  	[sflag:s22] =	ssyncset.done $0x0;
	s19 =	rddreg [dreg:$0xb]  }
0x131: {  	s24 =	simm.s32 $0x4200;
	s13 =	sld [smem:$0x79B];
	[sflag:s22] =	ssyncadd.s32 $0xFFFFFD80  }
0x132: {  	[tilespmem:s24], [sflag:$0x3] =	stream.linear.gather [spmem:s19], $0x80, $0x38;
	[tilespmem:$0xE300] =	vst v63  }
0x133: {  	s14 =	simm.s32 $0x4600;
	s19 =	sld [smem:$0x79C]  }
0x134: {  	[tilespmem:s14], [sflag:$0x3] =	stream.linear.gather [spmem:s13], $0x80, $0x38;
	[tilespmem:$0xE300] =	vst v63  }
0x135: {  	s24 =	simm.s32 $0x4A00;
	s13 =	sld [smem:$0x79D]  }
0x136: {  	[tilespmem:s24], [sflag:$0x3] =	stream.linear.gather [spmem:s19], $0x80, $0x38;
	[tilespmem:$0xE300] =	vst v63  }
0x137: {  	s14 =	simm.s32 $0x4E00;
	s19 =	sld [smem:$0x79E]  }
0x138: {  	[tilespmem:s14], [sflag:$0x3] =	stream.linear.gather [spmem:s13], $0x80, $0x38;
	[tilespmem:$0xE300] =	vst v63  }
0x139: {  	s24 =	simm.s32 $0x5200  }
0x13a: {  	[tilespmem:s24], [sflag:$0x3] =	stream.linear.gather [spmem:s19], $0x80, $0x38;
	[tilespmem:$0xE300] =	vst v63  }
0x13b: {  	_ =	swait.ge [sflag:s22], $0x280  }
0x13c: {  	[sflag:s22] =	ssyncset.done $0x0;
	s13 =	rddreg [dreg:$0xc]  }
0x13d: {  	s14 =	simm.s32 $0x6A00;
	s19 =	sld [smem:$0x79F];
	[sflag:s22] =	ssyncadd.s32 $0xFFFFFD80  }
0x13e: {  	[tilespmem:s14], [sflag:$0x3] =	stream.linear.gather [spmem:s13], $0x80, $0x38;
	[tilespmem:$0xE300] =	vst v63  }
0x13f: {  	s24 =	simm.s32 $0x6E00;
	s13 =	sld [smem:$0x7A0]  }
0x140: {  	[tilespmem:s24], [sflag:$0x3] =	stream.linear.gather [spmem:s19], $0x80, $0x38;
	[tilespmem:$0xE300] =	vst v63  }
0x141: {  	s14 =	simm.s32 $0x7200;
	s19 =	sld [smem:$0x7A1]  }
0x142: {  	[tilespmem:s14], [sflag:$0x3] =	stream.linear.gather [spmem:s13], $0x80, $0x38;
	[tilespmem:$0xE300] =	vst v63  }
0x143: {  	s24 =	simm.s32 $0x7600;
	s13 =	sld [smem:$0x7A2]  }
0x144: {  	[tilespmem:s24], [sflag:$0x3] =	stream.linear.gather [spmem:s19], $0x80, $0x38;
	[tilespmem:$0xE300] =	vst v63  }
0x145: {  	s14 =	simm.s32 $0x7A00  }
0x146: {  	[tilespmem:s14], [sflag:$0x3] =	stream.linear.gather [spmem:s13], $0x80, $0x38;
	[tilespmem:$0xE300] =	vst v63  }
0x147: {  	_ =	swait.ge [sflag:s22], $0x280  }
0x148: {  	[sflag:s22] =	ssyncset.done $0x0;
	s19 =	rddreg [dreg:$0xd]  }
0x149: {  	s24 =	simm.s32 $0x4280;
	s13 =	sld [smem:$0x7A3];
	[sflag:s22] =	ssyncadd.s32 $0xFFFFFD80  }
0x14a: {  	[tilespmem:s24], [sflag:$0x3] =	stream.linear.gather [spmem:s19], $0x80, $0x38;
	[tilespmem:$0xE300] =	vst v63  }
0x14b: {  	s14 =	simm.s32 $0x4680;
	s19 =	sld [smem:$0x7A4]  }
0x14c: {  	[tilespmem:s14], [sflag:$0x3] =	stream.linear.gather [spmem:s13], $0x80, $0x38;
	[tilespmem:$0xE300] =	vst v63  }
0x14d: {  	s24 =	simm.s32 $0x4A80;
	s13 =	sld [smem:$0x7A5]  }
0x14e: {  	[tilespmem:s24], [sflag:$0x3] =	stream.linear.gather [spmem:s19], $0x80, $0x38;
	[tilespmem:$0xE300] =	vst v63  }
0x14f: {  	s14 =	simm.s32 $0x4E80;
	s19 =	sld [smem:$0x7A6]  }
0x150: {  	[tilespmem:s14], [sflag:$0x3] =	stream.linear.gather [spmem:s13], $0x80, $0x38;
	[tilespmem:$0xE300] =	vst v63  }
0x151: {  	s24 =	simm.s32 $0x5280  }
0x152: {  	[tilespmem:s24], [sflag:$0x3] =	stream.linear.gather [spmem:s19], $0x80, $0x38;
	[tilespmem:$0xE300] =	vst v63  }
0x153: {  	_ =	swait.ge [sflag:s22], $0x280  }
0x154: {  	[sflag:s22] =	ssyncset.done $0x0;
	s13 =	rddreg [dreg:$0xe]  }
0x155: {  	s14 =	simm.s32 $0x6A80;
	s19 =	sld [smem:$0x7A7];
	[sflag:s22] =	ssyncadd.s32 $0xFFFFFD80  }
0x156: {  	[tilespmem:s14], [sflag:$0x3] =	stream.linear.gather [spmem:s13], $0x80, $0x38;
	[tilespmem:$0xE300] =	vst v63  }
0x157: {  	s24 =	simm.s32 $0x6E80;
	s13 =	sld [smem:$0x7A8]  }
0x158: {  	[tilespmem:s24], [sflag:$0x3] =	stream.linear.gather [spmem:s19], $0x80, $0x38;
	[tilespmem:$0xE300] =	vst v63  }
0x159: {  	s14 =	simm.s32 $0x7280;
	s19 =	sld [smem:$0x7A9]  }
0x15a: {  	[tilespmem:s14], [sflag:$0x3] =	stream.linear.gather [spmem:s13], $0x80, $0x38;
	[tilespmem:$0xE300] =	vst v63  }
0x15b: {  	s24 =	simm.s32 $0x7680;
	s13 =	sld [smem:$0x7AA]  }
0x15c: {  	[tilespmem:s24], [sflag:$0x3] =	stream.linear.gather [spmem:s19], $0x80, $0x38;
	[tilespmem:$0xE300] =	vst v63  }
0x15d: {  	s14 =	simm.s32 $0x7A80  }
0x15e: {  	[tilespmem:s14], [sflag:$0x3] =	stream.linear.gather [spmem:s13], $0x80, $0x38;
	[tilespmem:$0xE300] =	vst v63  }
0x15f: {  	_ =	swait.ge [sflag:s22], $0x280  }
0x160: {  	[sflag:s22] =	ssyncset.done $0x0;
	s19 =	rddreg [dreg:$0xf]  }
0x161: {  	s24 =	simm.s32 $0x4300;
	s13 =	sld [smem:$0x7AB];
	[sflag:s22] =	ssyncadd.s32 $0xFFFFFD80  }
0x162: {  	[tilespmem:s24], [sflag:$0x3] =	stream.linear.gather [spmem:s19], $0x80, $0x38;
	[tilespmem:$0xE300] =	vst v63  }
0x163: {  	s14 =	simm.s32 $0x4700;
	s19 =	sld [smem:$0x7AC]  }
0x164: {  	[tilespmem:s14], [sflag:$0x3] =	stream.linear.gather [spmem:s13], $0x80, $0x38;
	[tilespmem:$0xE300] =	vst v63  }
0x165: {  	s24 =	simm.s32 $0x4B00;
	s13 =	sld [smem:$0x7AD]  }
0x166: {  	[tilespmem:s24], [sflag:$0x3] =	stream.linear.gather [spmem:s19], $0x80, $0x38;
	[tilespmem:$0xE300] =	vst v63  }
0x167: {  	s14 =	simm.s32 $0x4F00;
	s19 =	sld [smem:$0x7AE]  }
0x168: {  	[tilespmem:s14], [sflag:$0x3] =	stream.linear.gather [spmem:s13], $0x80, $0x38;
	[tilespmem:$0xE300] =	vst v63  }
0x169: {  	s24 =	simm.s32 $0x5300  }
0x16a: {  	[tilespmem:s24], [sflag:$0x3] =	stream.linear.gather [spmem:s19], $0x80, $0x38;
	[tilespmem:$0xE300] =	vst v63  }
0x16b: {  	_ =	swait.ge [sflag:s22], $0x280  }
0x16c: {  	[sflag:s22] =	ssyncset.done $0x0;
	s13 =	rddreg [dreg:$0x10]  }
0x16d: {  	s14 =	simm.s32 $0x6B00;
	s19 =	sld [smem:$0x7AF];
	[sflag:s22] =	ssyncadd.s32 $0xFFFFFD80  }
0x16e: {  	[tilespmem:s14], [sflag:$0x3] =	stream.linear.gather [spmem:s13], $0x80, $0x38;
	[tilespmem:$0xE300] =	vst v63  }
0x16f: {  	s24 =	simm.s32 $0x6F00;
	s13 =	sld [smem:$0x7B0]  }
0x170: {  	[tilespmem:s24], [sflag:$0x3] =	stream.linear.gather [spmem:s19], $0x80, $0x38;
	[tilespmem:$0xE300] =	vst v63  }
0x171: {  	s14 =	simm.s32 $0x7300;
	s19 =	sld [smem:$0x7B1]  }
0x172: {  	[tilespmem:s14], [sflag:$0x3] =	stream.linear.gather [spmem:s13], $0x80, $0x38;
	[tilespmem:$0xE300] =	vst v63  }
0x173: {  	s24 =	simm.s32 $0x7700;
	s13 =	sld [smem:$0x7B2]  }
0x174: {  	[tilespmem:s24], [sflag:$0x3] =	stream.linear.gather [spmem:s19], $0x80, $0x38;
	[tilespmem:$0xE300] =	vst v63  }
0x175: {  	s14 =	simm.s32 $0x7B00  }
0x176: {  	[tilespmem:s14], [sflag:$0x3] =	stream.linear.gather [spmem:s13], $0x80, $0x38;
	[tilespmem:$0xE300] =	vst v63  }
0x177: {  	_ =	swait.ge [sflag:s22], $0x280  }
0x178: {  	[sflag:s22] =	ssyncset.done $0x0;
	s19 =	rddreg [dreg:$0x11]  }
0x179: {  	s24 =	simm.s32 $0x4380;
	s13 =	sld [smem:$0x7B3];
	[sflag:s22] =	ssyncadd.s32 $0xFFFFFD80  }
0x17a: {  	[tilespmem:s24], [sflag:$0x3] =	stream.linear.gather [spmem:s19], $0x80, $0x38;
	[tilespmem:$0xE300] =	vst v63  }
0x17b: {  	s14 =	simm.s32 $0x4780;
	s19 =	sld [smem:$0x7B4]  }
0x17c: {  	[tilespmem:s14], [sflag:$0x3] =	stream.linear.gather [spmem:s13], $0x80, $0x38;
	[tilespmem:$0xE300] =	vst v63  }
0x17d: {  	s24 =	simm.s32 $0x4B80;
	s13 =	sld [smem:$0x7B5]  }
0x17e: {  	[tilespmem:s24], [sflag:$0x3] =	stream.linear.gather [spmem:s19], $0x80, $0x38;
	[tilespmem:$0xE300] =	vst v63  }
0x17f: {  	s14 =	simm.s32 $0x4F80;
	s19 =	sld [smem:$0x7B6]  }
0x180: {  	[tilespmem:s14], [sflag:$0x3] =	stream.linear.gather [spmem:s13], $0x80, $0x38;
	[tilespmem:$0xE300] =	vst v63  }
0x181: {  	s24 =	simm.s32 $0x5380  }
0x182: {  	[tilespmem:s24], [sflag:$0x3] =	stream.linear.gather [spmem:s19], $0x80, $0x38;
	[tilespmem:$0xE300] =	vst v63  }
0x183: {  	_ =	swait.ge [sflag:s22], $0x280  }
0x184: {  	[sflag:s22] =	ssyncset.done $0x0;
	s13 =	rddreg [dreg:$0x12]  }
0x185: {  	s14 =	simm.s32 $0x6B80;
	s19 =	sld [smem:$0x7B7];
	[sflag:s22] =	ssyncadd.s32 $0xFFFFFD80  }
0x186: {  	[tilespmem:s14], [sflag:$0x3] =	stream.linear.gather [spmem:s13], $0x80, $0x38;
	[tilespmem:$0xE300] =	vst v63  }
0x187: {  	s24 =	simm.s32 $0x6F80;
	s13 =	sld [smem:$0x7B8]  }
0x188: {  	[tilespmem:s24], [sflag:$0x3] =	stream.linear.gather [spmem:s19], $0x80, $0x38;
	[tilespmem:$0xE300] =	vst v63  }
0x189: {  	s14 =	simm.s32 $0x7380;
	s19 =	sld [smem:$0x7B9]  }
0x18a: {  	[tilespmem:s14], [sflag:$0x3] =	stream.linear.gather [spmem:s13], $0x80, $0x38;
	[tilespmem:$0xE300] =	vst v63  }
0x18b: {  	s24 =	simm.s32 $0x7780;
	s13 =	sld [smem:$0x7BA]  }
0x18c: {  	[tilespmem:s24], [sflag:$0x3] =	stream.linear.gather [spmem:s19], $0x80, $0x38;
	[tilespmem:$0xE300] =	vst v63  }
0x18d: {  	s14 =	simm.s32 $0x7B80  }
0x18e: {  	[tilespmem:s14], [sflag:$0x3] =	stream.linear.gather [spmem:s13], $0x80, $0x38;
	[tilespmem:$0xE300] =	vst v63  }
0x18f: {  	_ =	swait.ge [sflag:s22], $0x280  }
0x190: {  	[sflag:s22] =	ssyncset.done $0x0;
	s19 =	rddreg [dreg:$0x13]  }
0x191: {  	s24 =	simm.s32 $0x4400;
	s13 =	sld [smem:$0x7BB];
	[sflag:s22] =	ssyncadd.s32 $0xFFFFFD80  }
0x192: {  	[tilespmem:s24], [sflag:$0x3] =	stream.linear.gather [spmem:s19], $0x80, $0x38;
	[tilespmem:$0xE300] =	vst v63  }
0x193: {  	s14 =	simm.s32 $0x4800;
	s19 =	sld [smem:$0x7BC]  }
0x194: {  	[tilespmem:s14], [sflag:$0x3] =	stream.linear.gather [spmem:s13], $0x80, $0x38;
	[tilespmem:$0xE300] =	vst v63  }
0x195: {  	s24 =	simm.s32 $0x4C00;
	s13 =	sld [smem:$0x7BD]  }
0x196: {  	[tilespmem:s24], [sflag:$0x3] =	stream.linear.gather [spmem:s19], $0x80, $0x38;
	[tilespmem:$0xE300] =	vst v63  }
0x197: {  	s14 =	simm.s32 $0x5000;
	s19 =	sld [smem:$0x7BE]  }
0x198: {  	[tilespmem:s14], [sflag:$0x3] =	stream.linear.gather [spmem:s13], $0x80, $0x38;
	[tilespmem:$0xE300] =	vst v63  }
0x199: {  	s24 =	simm.s32 $0x5400  }
0x19a: {  	[tilespmem:s24], [sflag:$0x3] =	stream.linear.gather [spmem:s19], $0x80, $0x38;
	[tilespmem:$0xE300] =	vst v63  }
0x19b: {  	_ =	swait.ge [sflag:s22], $0x280  }
0x19c: {  	[sflag:s22] =	ssyncset.done $0x0;
	s13 =	rddreg [dreg:$0x14]  }
0x19d: {  	s14 =	simm.s32 $0x6C00;
	s19 =	sld [smem:$0x7BF];
	[sflag:s22] =	ssyncadd.s32 $0xFFFFFD80  }
0x19e: {  	[tilespmem:s14], [sflag:$0x3] =	stream.linear.gather [spmem:s13], $0x80, $0x38;
	[tilespmem:$0xE300] =	vst v63  }
0x19f: {  	s24 =	simm.s32 $0x7000;
	s13 =	sld [smem:$0x7C0]  }
0x1a0: {  	[tilespmem:s24], [sflag:$0x3] =	stream.linear.gather [spmem:s19], $0x80, $0x38;
	[tilespmem:$0xE300] =	vst v63  }
0x1a1: {  	s14 =	simm.s32 $0x7400;
	s19 =	sld [smem:$0x7C1]  }
0x1a2: {  	[tilespmem:s14], [sflag:$0x3] =	stream.linear.gather [spmem:s13], $0x80, $0x38;
	[tilespmem:$0xE300] =	vst v63  }
0x1a3: {  	s24 =	simm.s32 $0x7800;
	s13 =	sld [smem:$0x7C2]  }
0x1a4: {  	[tilespmem:s24], [sflag:$0x3] =	stream.linear.gather [spmem:s19], $0x80, $0x38;
	[tilespmem:$0xE300] =	vst v63  }
0x1a5: {  	s14 =	simm.s32 $0x7C00  }
0x1a6: {  	[tilespmem:s14], [sflag:$0x3] =	stream.linear.gather [spmem:s13], $0x80, $0x38;
	[tilespmem:$0xE300] =	vst v63  }
0x1a7: {  	_ =	swait.ge [sflag:s22], $0x280  }
0x1a8: {  	[sflag:s22] =	ssyncset.done $0x0;
	s19 =	rddreg [dreg:$0x15]  }
0x1a9: {  	s24 =	simm.s32 $0x5480;
	s13 =	sld [smem:$0x7C3];
	[sflag:s22] =	ssyncadd.s32 $0xFFFFFD80  }
0x1aa: {  	[tilespmem:s24], [sflag:$0x3] =	stream.linear.gather [spmem:s19], $0x80, $0x38;
	[tilespmem:$0xE300] =	vst v63  }
0x1ab: {  	s14 =	simm.s32 $0x5880;
	s19 =	sld [smem:$0x7C4]  }
0x1ac: {  	[tilespmem:s14], [sflag:$0x3] =	stream.linear.gather [spmem:s13], $0x80, $0x38;
	[tilespmem:$0xE300] =	vst v63  }
0x1ad: {  	s24 =	simm.s32 $0x5C80;
	s13 =	sld [smem:$0x7C5]  }
0x1ae: {  	[tilespmem:s24], [sflag:$0x3] =	stream.linear.gather [spmem:s19], $0x80, $0x38;
	[tilespmem:$0xE300] =	vst v63  }
0x1af: {  	s14 =	simm.s32 $0x6080;
	s19 =	sld [smem:$0x7C6]  }
0x1b0: {  	[tilespmem:s14], [sflag:$0x3] =	stream.linear.gather [spmem:s13], $0x80, $0x38;
	[tilespmem:$0xE300] =	vst v63  }
0x1b1: {  	s24 =	simm.s32 $0x6480  }
0x1b2: {  	[tilespmem:s24], [sflag:$0x3] =	stream.linear.gather [spmem:s19], $0x80, $0x38;
	[tilespmem:$0xE300] =	vst v63  }
0x1b3: {  	_ =	swait.ge [sflag:s22], $0x280  }
0x1b4: {  	[sflag:s22] =	ssyncset.done $0x0;
	s13 =	rddreg [dreg:$0x16]  }
0x1b5: {  	s14 =	simm.s32 $0x7C80;
	s19 =	sld [smem:$0x7C7];
	[sflag:s22] =	ssyncadd.s32 $0xFFFFFD80  }
0x1b6: {  	[tilespmem:s14], [sflag:$0x3] =	stream.linear.gather [spmem:s13], $0x80, $0x38;
	[tilespmem:$0xE300] =	vst v63  }
0x1b7: {  	s24 =	simm.s32 $0x8080;
	s13 =	sld [smem:$0x7C8]  }
0x1b8: {  	[tilespmem:s24], [sflag:$0x3] =	stream.linear.gather [spmem:s19], $0x80, $0x38;
	[tilespmem:$0xE300] =	vst v63  }
0x1b9: {  	s14 =	simm.s32 $0x8480;
	s19 =	sld [smem:$0x7C9]  }
0x1ba: {  	[tilespmem:s14], [sflag:$0x3] =	stream.linear.gather [spmem:s13], $0x80, $0x38;
	[tilespmem:$0xE300] =	vst v63  }
0x1bb: {  	s24 =	simm.s32 $0x8880;
	s13 =	sld [smem:$0x7CA]  }
0x1bc: {  	[tilespmem:s24], [sflag:$0x3] =	stream.linear.gather [spmem:s19], $0x80, $0x38;
	[tilespmem:$0xE300] =	vst v63  }
0x1bd: {  	s14 =	simm.s32 $0x8C80  }
0x1be: {  	[tilespmem:s14], [sflag:$0x3] =	stream.linear.gather [spmem:s13], $0x80, $0x38;
	[tilespmem:$0xE300] =	vst v63  }
0x1bf: {  	_ =	swait.ge [sflag:s22], $0x280  }
0x1c0: {  	[sflag:s22] =	ssyncset.done $0x0;
	s19 =	rddreg [dreg:$0x17]  }
0x1c1: {  	s24 =	simm.s32 $0x5500;
	s13 =	sld [smem:$0x7CB];
	[sflag:s22] =	ssyncadd.s32 $0xFFFFFD80  }
0x1c2: {  	[tilespmem:s24], [sflag:$0x3] =	stream.linear.gather [spmem:s19], $0x80, $0x38;
	[tilespmem:$0xE300] =	vst v63  }
0x1c3: {  	s14 =	simm.s32 $0x5900;
	s19 =	sld [smem:$0x7CC]  }
0x1c4: {  	[tilespmem:s14], [sflag:$0x3] =	stream.linear.gather [spmem:s13], $0x80, $0x38;
	[tilespmem:$0xE300] =	vst v63  }
0x1c5: {  	s24 =	simm.s32 $0x5D00;
	s13 =	sld [smem:$0x7CD]  }
0x1c6: {  	[tilespmem:s24], [sflag:$0x3] =	stream.linear.gather [spmem:s19], $0x80, $0x38;
	[tilespmem:$0xE300] =	vst v63  }
0x1c7: {  	s14 =	simm.s32 $0x6100;
	s19 =	sld [smem:$0x7CE]  }
0x1c8: {  	[tilespmem:s14], [sflag:$0x3] =	stream.linear.gather [spmem:s13], $0x80, $0x38;
	[tilespmem:$0xE300] =	vst v63  }
0x1c9: {  	s24 =	simm.s32 $0x6500  }
0x1ca: {  	[tilespmem:s24], [sflag:$0x3] =	stream.linear.gather [spmem:s19], $0x80, $0x38;
	[tilespmem:$0xE300] =	vst v63  }
0x1cb: {  	_ =	swait.ge [sflag:s22], $0x280  }
0x1cc: {  	[sflag:s22] =	ssyncset.done $0x0;
	s13 =	rddreg [dreg:$0x18]  }
0x1cd: {  	s14 =	simm.s32 $0x7D00;
	s19 =	sld [smem:$0x7CF];
	[sflag:s22] =	ssyncadd.s32 $0xFFFFFD80  }
0x1ce: {  	[tilespmem:s14], [sflag:$0x3] =	stream.linear.gather [spmem:s13], $0x80, $0x38;
	[tilespmem:$0xE300] =	vst v63  }
0x1cf: {  	s24 =	simm.s32 $0x8100;
	s13 =	sld [smem:$0x7D0]  }
0x1d0: {  	[tilespmem:s24], [sflag:$0x3] =	stream.linear.gather [spmem:s19], $0x80, $0x38;
	[tilespmem:$0xE300] =	vst v63  }
0x1d1: {  	s14 =	simm.s32 $0x8500;
	s19 =	sld [smem:$0x7D1]  }
0x1d2: {  	[tilespmem:s14], [sflag:$0x3] =	stream.linear.gather [spmem:s13], $0x80, $0x38;
	[tilespmem:$0xE300] =	vst v63  }
0x1d3: {  	s24 =	simm.s32 $0x8900;
	s13 =	sld [smem:$0x7D2]  }
0x1d4: {  	[tilespmem:s24], [sflag:$0x3] =	stream.linear.gather [spmem:s19], $0x80, $0x38;
	[tilespmem:$0xE300] =	vst v63  }
0x1d5: {  	s14 =	simm.s32 $0x8D00  }
0x1d6: {  	[tilespmem:s14], [sflag:$0x3] =	stream.linear.gather [spmem:s13], $0x80, $0x38;
	[tilespmem:$0xE300] =	vst v63  }
0x1d7: {  	_ =	swait.ge [sflag:s22], $0x280  }
0x1d8: {  	[sflag:s22] =	ssyncset.done $0x0;
	s19 =	rddreg [dreg:$0x19]  }
0x1d9: {  	s24 =	simm.s32 $0x5580;
	s13 =	sld [smem:$0x7D3];
	[sflag:s22] =	ssyncadd.s32 $0xFFFFFD80  }
0x1da: {  	[tilespmem:s24], [sflag:$0x3] =	stream.linear.gather [spmem:s19], $0x80, $0x38;
	[tilespmem:$0xE300] =	vst v63  }
0x1db: {  	s14 =	simm.s32 $0x5980;
	s19 =	sld [smem:$0x7D4]  }
0x1dc: {  	[tilespmem:s14], [sflag:$0x3] =	stream.linear.gather [spmem:s13], $0x80, $0x38;
	[tilespmem:$0xE300] =	vst v63  }
0x1dd: {  	s24 =	simm.s32 $0x5D80;
	s13 =	sld [smem:$0x7D5]  }
0x1de: {  	[tilespmem:s24], [sflag:$0x3] =	stream.linear.gather [spmem:s19], $0x80, $0x38;
	[tilespmem:$0xE300] =	vst v63  }
0x1df: {  	s14 =	simm.s32 $0x6180;
	s19 =	sld [smem:$0x7D6]  }
0x1e0: {  	[tilespmem:s14], [sflag:$0x3] =	stream.linear.gather [spmem:s13], $0x80, $0x38;
	[tilespmem:$0xE300] =	vst v63  }
0x1e1: {  	s24 =	simm.s32 $0x6580  }
0x1e2: {  	[tilespmem:s24], [sflag:$0x3] =	stream.linear.gather [spmem:s19], $0x80, $0x38;
	[tilespmem:$0xE300] =	vst v63  }
0x1e3: {  	_ =	swait.ge [sflag:s22], $0x280  }
0x1e4: {  	[sflag:s22] =	ssyncset.done $0x0;
	s13 =	rddreg [dreg:$0x1a]  }
0x1e5: {  	s14 =	simm.s32 $0x7D80;
	s19 =	sld [smem:$0x7D7];
	[sflag:s22] =	ssyncadd.s32 $0xFFFFFD80  }
0x1e6: {  	[tilespmem:s14], [sflag:$0x3] =	stream.linear.gather [spmem:s13], $0x80, $0x38;
	[tilespmem:$0xE300] =	vst v63  }
0x1e7: {  	s24 =	simm.s32 $0x8180;
	s13 =	sld [smem:$0x7D8]  }
0x1e8: {  	[tilespmem:s24], [sflag:$0x3] =	stream.linear.gather [spmem:s19], $0x80, $0x38;
	[tilespmem:$0xE300] =	vst v63  }
0x1e9: {  	s14 =	simm.s32 $0x8580;
	s19 =	sld [smem:$0x7D9]  }
0x1ea: {  	[tilespmem:s14], [sflag:$0x3] =	stream.linear.gather [spmem:s13], $0x80, $0x38;
	[tilespmem:$0xE300] =	vst v63  }
0x1eb: {  	s24 =	simm.s32 $0x8980;
	s13 =	sld [smem:$0x7DA]  }
0x1ec: {  	[tilespmem:s24], [sflag:$0x3] =	stream.linear.gather [spmem:s19], $0x80, $0x38;
	[tilespmem:$0xE300] =	vst v63  }
0x1ed: {  	s14 =	simm.s32 $0x8D80  }
0x1ee: {  	[tilespmem:s14], [sflag:$0x3] =	stream.linear.gather [spmem:s13], $0x80, $0x38;
	[tilespmem:$0xE300] =	vst v63  }
0x1ef: {  	_ =	swait.ge [sflag:s22], $0x280  }
0x1f0: {  	[sflag:s22] =	ssyncset.done $0x0;
	s19 =	rddreg [dreg:$0x1b]  }
0x1f1: {  	s24 =	simm.s32 $0x5600;
	s13 =	sld [smem:$0x7DB];
	[sflag:s22] =	ssyncadd.s32 $0xFFFFFD80  }
0x1f2: {  	[tilespmem:s24], [sflag:$0x3] =	stream.linear.gather [spmem:s19], $0x80, $0x38;
	[tilespmem:$0xE300] =	vst v63  }
0x1f3: {  	s14 =	simm.s32 $0x5A00;
	s19 =	sld [smem:$0x7DC]  }
0x1f4: {  	[tilespmem:s14], [sflag:$0x3] =	stream.linear.gather [spmem:s13], $0x80, $0x38;
	[tilespmem:$0xE300] =	vst v63  }
0x1f5: {  	s24 =	simm.s32 $0x5E00;
	s13 =	sld [smem:$0x7DD]  }
0x1f6: {  	[tilespmem:s24], [sflag:$0x3] =	stream.linear.gather [spmem:s19], $0x80, $0x38;
	[tilespmem:$0xE300] =	vst v63  }
0x1f7: {  	s14 =	simm.s32 $0x6200;
	s19 =	sld [smem:$0x7DE]  }
0x1f8: {  	[tilespmem:s14], [sflag:$0x3] =	stream.linear.gather [spmem:s13], $0x80, $0x38;
	[tilespmem:$0xE300] =	vst v63  }
0x1f9: {  	s24 =	simm.s32 $0x6600  }
0x1fa: {  	[tilespmem:s24], [sflag:$0x3] =	stream.linear.gather [spmem:s19], $0x80, $0x38;
	[tilespmem:$0xE300] =	vst v63  }
0x1fb: {  	_ =	swait.ge [sflag:s22], $0x280  }
0x1fc: {  	[sflag:s22] =	ssyncset.done $0x0;
	s13 =	rddreg [dreg:$0x1c]  }
0x1fd: {  	s14 =	simm.s32 $0x7E00;
	s19 =	sld [smem:$0x7DF];
	[sflag:s22] =	ssyncadd.s32 $0xFFFFFD80  }
0x1fe: {  	[tilespmem:s14], [sflag:$0x3] =	stream.linear.gather [spmem:s13], $0x80, $0x38;
	[tilespmem:$0xE300] =	vst v63  }
0x1ff: {  	s24 =	simm.s32 $0x8200;
	s13 =	sld [smem:$0x7E0]  }
0x200: {  	[tilespmem:s24], [sflag:$0x3] =	stream.linear.gather [spmem:s19], $0x80, $0x38;
	[tilespmem:$0xE300] =	vst v63  }
0x201: {  	s14 =	simm.s32 $0x8600;
	s19 =	sld [smem:$0x7E1]  }
0x202: {  	[tilespmem:s14], [sflag:$0x3] =	stream.linear.gather [spmem:s13], $0x80, $0x38;
	[tilespmem:$0xE300] =	vst v63  }
0x203: {  	s24 =	simm.s32 $0x8A00;
	s13 =	sld [smem:$0x7E2]  }
0x204: {  	[tilespmem:s24], [sflag:$0x3] =	stream.linear.gather [spmem:s19], $0x80, $0x38;
	[tilespmem:$0xE300] =	vst v63  }
0x205: {  	s14 =	simm.s32 $0x8E00  }
0x206: {  	[tilespmem:s14], [sflag:$0x3] =	stream.linear.gather [spmem:s13], $0x80, $0x38;
	[tilespmem:$0xE300] =	vst v63  }
0x207: {  	_ =	swait.ge [sflag:s22], $0x280  }
0x208: {  	[sflag:s22] =	ssyncset.done $0x0;
	s19 =	rddreg [dreg:$0x1d]  }
0x209: {  	s24 =	simm.s32 $0x5680;
	s13 =	sld [smem:$0x7E3];
	[sflag:s22] =	ssyncadd.s32 $0xFFFFFD80  }
0x20a: {  	[tilespmem:s24], [sflag:$0x3] =	stream.linear.gather [spmem:s19], $0x80, $0x38;
	[tilespmem:$0xE300] =	vst v63  }
0x20b: {  	s14 =	simm.s32 $0x5A80;
	s19 =	sld [smem:$0x7E4]  }
0x20c: {  	[tilespmem:s14], [sflag:$0x3] =	stream.linear.gather [spmem:s13], $0x80, $0x38;
	[tilespmem:$0xE300] =	vst v63  }
0x20d: {  	s24 =	simm.s32 $0x5E80;
	s13 =	sld [smem:$0x7E5]  }
0x20e: {  	[tilespmem:s24], [sflag:$0x3] =	stream.linear.gather [spmem:s19], $0x80, $0x38;
	[tilespmem:$0xE300] =	vst v63  }
0x20f: {  	s14 =	simm.s32 $0x6280;
	s19 =	sld [smem:$0x7E6]  }
0x210: {  	[tilespmem:s14], [sflag:$0x3] =	stream.linear.gather [spmem:s13], $0x80, $0x38;
	[tilespmem:$0xE300] =	vst v63  }
0x211: {  	s24 =	simm.s32 $0x6680  }
0x212: {  	[tilespmem:s24], [sflag:$0x3] =	stream.linear.gather [spmem:s19], $0x80, $0x38;
	[tilespmem:$0xE300] =	vst v63  }
0x213: {  	_ =	swait.ge [sflag:s22], $0x280  }
0x214: {  	[sflag:s22] =	ssyncset.done $0x0;
	s13 =	rddreg [dreg:$0x1e]  }
0x215: {  	s14 =	simm.s32 $0x7E80;
	s19 =	sld [smem:$0x7E7];
	[sflag:s22] =	ssyncadd.s32 $0xFFFFFD80  }
0x216: {  	[tilespmem:s14], [sflag:$0x3] =	stream.linear.gather [spmem:s13], $0x80, $0x38;
	[tilespmem:$0xE300] =	vst v63  }
0x217: {  	s24 =	simm.s32 $0x8280;
	s13 =	sld [smem:$0x7E8]  }
0x218: {  	[tilespmem:s24], [sflag:$0x3] =	stream.linear.gather [spmem:s19], $0x80, $0x38;
	[tilespmem:$0xE300] =	vst v63  }
0x219: {  	s14 =	simm.s32 $0x8680;
	s19 =	sld [smem:$0x7E9]  }
0x21a: {  	[tilespmem:s14], [sflag:$0x3] =	stream.linear.gather [spmem:s13], $0x80, $0x38;
	[tilespmem:$0xE300] =	vst v63  }
0x21b: {  	s24 =	simm.s32 $0x8A80;
	s13 =	sld [smem:$0x7EA]  }
0x21c: {  	[tilespmem:s24], [sflag:$0x3] =	stream.linear.gather [spmem:s19], $0x80, $0x38;
	[tilespmem:$0xE300] =	vst v63  }
0x21d: {  	s14 =	simm.s32 $0x8E80  }
0x21e: {  	[tilespmem:s14], [sflag:$0x3] =	stream.linear.gather [spmem:s13], $0x80, $0x38;
	[tilespmem:$0xE300] =	vst v63  }
0x21f: {  	_ =	swait.ge [sflag:s22], $0x280  }
0x220: {  	[sflag:s22] =	ssyncset.done $0x0;
	s19 =	rddreg [dreg:$0x1f]  }
0x221: {  	s24 =	simm.s32 $0x5700;
	s13 =	sld [smem:$0x7EB];
	[sflag:s22] =	ssyncadd.s32 $0xFFFFFD80  }
0x222: {  	[tilespmem:s24], [sflag:$0x3] =	stream.linear.gather [spmem:s19], $0x80, $0x38;
	[tilespmem:$0xE300] =	vst v63  }
0x223: {  	s14 =	simm.s32 $0x5B00;
	s19 =	sld [smem:$0x7EC]  }
0x224: {  	[tilespmem:s14], [sflag:$0x3] =	stream.linear.gather [spmem:s13], $0x80, $0x38;
	[tilespmem:$0xE300] =	vst v63  }
0x225: {  	s24 =	simm.s32 $0x5F00;
	s13 =	sld [smem:$0x7ED]  }
0x226: {  	[tilespmem:s24], [sflag:$0x3] =	stream.linear.gather [spmem:s19], $0x80, $0x38;
	[tilespmem:$0xE300] =	vst v63  }
0x227: {  	s14 =	simm.s32 $0x6300;
	s19 =	sld [smem:$0x7EE]  }
0x228: {  	[tilespmem:s14], [sflag:$0x3] =	stream.linear.gather [spmem:s13], $0x80, $0x38;
	[tilespmem:$0xE300] =	vst v63  }
0x229: {  	s24 =	simm.s32 $0x6700  }
0x22a: {  	[tilespmem:s24], [sflag:$0x3] =	stream.linear.gather [spmem:s19], $0x80, $0x38;
	[tilespmem:$0xE300] =	vst v63  }
0x22b: {  	_ =	swait.ge [sflag:s22], $0x280  }
0x22c: {  	[sflag:s22] =	ssyncset.done $0x0  }
0x22d: {  	s5 =	simm.s32 $0x7F00;
	s13 =	sld [smem:$0x7F0];
	[sflag:s22] =	ssyncadd.s32 $0xFFFFFD80  }
0x22e: {  	[tilespmem:s5], [sflag:$0x3] =	stream.linear.gather [spmem:s7], $0x80, $0x38;
	[tilespmem:$0xE300] =	vst v63  }
0x22f: {  	s14 =	simm.s32 $0x8300;
	s19 =	sld [smem:$0x7F1]  }
0x230: {  	[tilespmem:s14], [sflag:$0x3] =	stream.linear.gather [spmem:s13], $0x80, $0x38;
	[tilespmem:$0xE300] =	vst v63  }
0x231: {  	s24 =	simm.s32 $0x8700;
	s13 =	sld [smem:$0x7F2]  }
0x232: {  	[tilespmem:s24], [sflag:$0x3] =	stream.linear.gather [spmem:s19], $0x80, $0x38;
	[tilespmem:$0xE300] =	vst v63  }
0x233: {  	s14 =	simm.s32 $0x8B00;
	s19 =	sld [smem:$0x7F3]  }
0x234: {  	[tilespmem:s14], [sflag:$0x3] =	stream.linear.gather [spmem:s13], $0x80, $0x38;
	[tilespmem:$0xE300] =	vst v63  }
0x235: {  	s24 =	simm.s32 $0x8F00  }
0x236: {  	[tilespmem:s24], [sflag:$0x3] =	stream.linear.gather [spmem:s19], $0x80, $0x38;
	[tilespmem:$0xE300] =	vst v63  }
0x237: {  	_ =	swait.ge [sflag:s22], $0x280  }
0x238: {  	[sflag:s22] =	ssyncset.done $0x0  }
0x239: {  	s5 =	simm.s32 $0x5780;
	s13 =	sld [smem:$0x7F5];
	[sflag:s22] =	ssyncadd.s32 $0xFFFFFD80  }
0x23a: {  	[tilespmem:s5], [sflag:$0x3] =	stream.linear.gather [spmem:s8], $0x80, $0x38;
	[tilespmem:$0xE300] =	vst v63  }
0x23b: {  	s14 =	simm.s32 $0x5B80;
	s19 =	sld [smem:$0x7F6]  }
0x23c: {  	[tilespmem:s14], [sflag:$0x3] =	stream.linear.gather [spmem:s13], $0x80, $0x38;
	[tilespmem:$0xE300] =	vst v63  }
0x23d: {  	s24 =	simm.s32 $0x5F80;
	s13 =	sld [smem:$0x7F7]  }
0x23e: {  	[tilespmem:s24], [sflag:$0x3] =	stream.linear.gather [spmem:s19], $0x80, $0x38;
	[tilespmem:$0xE300] =	vst v63  }
0x23f: {  	s14 =	simm.s32 $0x6380;
	s19 =	sld [smem:$0x7F8]  }
0x240: {  	[tilespmem:s14], [sflag:$0x3] =	stream.linear.gather [spmem:s13], $0x80, $0x38;
	[tilespmem:$0xE300] =	vst v63  }
0x241: {  	s24 =	simm.s32 $0x6780  }
0x242: {  	[tilespmem:s24], [sflag:$0x3] =	stream.linear.gather [spmem:s19], $0x80, $0x38;
	[tilespmem:$0xE300] =	vst v63  }
0x243: {  	_ =	swait.ge [sflag:s22], $0x280  }
0x244: {  	[sflag:s22] =	ssyncset.done $0x0  }
0x245: {  	s5 =	simm.s32 $0x7F80;
	s13 =	sld [smem:$0x7FA];
	[sflag:s22] =	ssyncadd.s32 $0xFFFFFD80  }
0x246: {  	[tilespmem:s5], [sflag:$0x3] =	stream.linear.gather [spmem:s25], $0x80, $0x38;
	[tilespmem:$0xE300] =	vst v63  }
0x247: {  	s14 =	simm.s32 $0x8380;
	s19 =	sld [smem:$0x7FB]  }
0x248: {  	[tilespmem:s14], [sflag:$0x3] =	stream.linear.gather [spmem:s13], $0x80, $0x38;
	[tilespmem:$0xE300] =	vst v63  }
0x249: {  	s24 =	simm.s32 $0x8780;
	s5 =	sld [smem:$0x7FC]  }
0x24a: {  	[tilespmem:s24], [sflag:$0x3] =	stream.linear.gather [spmem:s19], $0x80, $0x38;
	[tilespmem:$0xE300] =	vst v63  }
0x24b: {  	s13 =	simm.s32 $0x8B80  }
0x24c: {  	[tilespmem:s13], [sflag:$0x3] =	stream.linear.gather [spmem:s5], $0x80, $0x38;
	[tilespmem:$0xE300] =	vst v63  }
0x24d: {  	s14 =	simm.s32 $0x8F80  }
0x24e: {  	[tilespmem:s14], [sflag:$0x3] =	stream.linear.gather [spmem:s10], $0x80, $0x38;
	[tilespmem:$0xE300] =	vst v63  }
0x24f: {  	_ =	swait.ge [sflag:s22], $0x280  }
0x250: {  	[sflag:s22] =	ssyncset.done $0x0  }
0x251: {  	s19 =	simm.s32 $0x5800;
	[sflag:s22] =	ssyncadd.s32 $0xFFFFFD80  }
0x252: {  	[tilespmem:s19], [sflag:$0x3] =	stream.linear.gather [spmem:s9], $0x80, $0x38;
	[tilespmem:$0xE300] =	vst v63  }
0x253: {  	s24 =	simm.s32 $0x5C00  }
0x254: {  	[tilespmem:s24], [sflag:$0x3] =	stream.linear.gather [spmem:s26], $0x80, $0x38;
	[tilespmem:$0xE300] =	vst v63  }
0x255: {  	s5 =	simm.s32 $0x6000  }
0x256: {  	[tilespmem:s5], [sflag:$0x3] =	stream.linear.gather [spmem:s17], $0x80, $0x38;
	[tilespmem:$0xE300] =	vst v63  }
0x257: {  	s13 =	simm.s32 $0x6400  }
0x258: {  	[tilespmem:s13], [sflag:$0x3] =	stream.linear.gather [spmem:s11], $0x80, $0x38;
	[tilespmem:$0xE300] =	vst v63  }
0x259: {  	s14 =	simm.s32 $0x6800  }
0x25a: {  	[tilespmem:s14], [sflag:$0x3] =	stream.linear.gather [spmem:s15], $0x80, $0x38;
	[tilespmem:$0xE300] =	vst v63  }
0x25b: {  	_ =	swait.ge [sflag:s22], $0x280  }
0x25c: {  	[sflag:s22] =	ssyncset.done $0x0  }
0x25d: {  	s19 =	simm.s32 $0x8000;
	[sflag:s22] =	ssyncadd.s32 $0xFFFFFD80  }
0x25e: {  	[tilespmem:s19], [sflag:$0x3] =	stream.linear.gather [spmem:s20], $0x80, $0x38;
	[tilespmem:$0xE300] =	vst v63  }
0x25f: {  	s24 =	simm.s32 $0x8400  }
0x260: {  	[tilespmem:s24], [sflag:$0x3] =	stream.linear.gather [spmem:s12], $0x80, $0x38;
	[tilespmem:$0xE300] =	vst v63  }
0x261: {  	s5 =	simm.s32 $0x8800  }
0x262: {  	[tilespmem:s5], [sflag:$0x3] =	stream.linear.gather [spmem:s28], $0x80, $0x38;
	[tilespmem:$0xE300] =	vst v63  }
0x263: {  	s13 =	simm.s32 $0x8C00  }
0x264: {  	[tilespmem:s13], [sflag:$0x3] =	stream.linear.gather [spmem:s29], $0x80, $0x38;
	[tilespmem:$0xE300] =	vst v63  }
0x265: {  	s14 =	simm.s32 $0x9000  }
0x266: {  	[tilespmem:s14], [sflag:$0x3] =	stream.linear.gather [spmem:s21], $0x80, $0x38;
	[tilespmem:$0xE300] =	vst v63  }
0x267: {  	s19 =	simm.s32 $0x0;
	_ =	swait.ge [sflag:s22], $0x280  }
0x268: {  	s24 =	sand.u32 $0x70, s19;
	s13 =	sand.u32 $0x1C00, s19;
	[sflag:s22] =	ssyncset.done $0x0  }
0x269: {  	s5 =	sor.u32 s24, s13;
	[sflag:s22] =	ssyncadd.s32 $0xFFFFFD80  }
0x26a: {  	v0 =	vld [tilespmem:s5+$0x6880]  }
0x26b: {  	v1 =	vld [tilespmem:s5+$0x4080];
	_ =	sdelay $0x1  }
0x26c: {  	v2 =	vld [tilespmem:s5+$0x4100];
	_ =	sdelay $0x1  }
0x26d: {  	v3 =	vld [tilespmem:s5+$0x6900]  }
0x26e: {  	v0 =	vadd.f32 v0, v1  }
0x26f: {  	v36 =	vld [tilespmem:s5+$0x4180]  }
0x270: {  	v0 =	vadd.f32 v2, v0  }
0x271: {  	v37 =	vld [tilespmem:s5+$0x6980]  }
0x272: {  	v0 =	vadd.f32 v3, v0  }
0x273: {  	v38 =	vld [tilespmem:s5+$0x4200]  }
0x274: {  	v0 =	vadd.f32 v36, v0  }
0x275: {  	v39 =	vld [tilespmem:s5+$0x6A00]  }
0x276: {  	v0 =	vadd.f32 v37, v0  }
0x277: {  	v40 =	vld [tilespmem:s5+$0x4280]  }
0x278: {  	v0 =	vadd.f32 v38, v0  }
0x279: {  	v41 =	vld [tilespmem:s5+$0x6A80]  }
0x27a: {  	v0 =	vadd.f32 v39, v0  }
0x27b: {  	v42 =	vld [tilespmem:s5+$0x4300]  }
0x27c: {  	v0 =	vadd.f32 v40, v0  }
0x27d: {  	v43 =	vld [tilespmem:s5+$0x6B00]  }
0x27e: {  	v0 =	vadd.f32 v41, v0  }
0x27f: {  	v44 =	vld [tilespmem:s5+$0x4380]  }
0x280: {  	v0 =	vadd.f32 v42, v0  }
0x281: {  	s1 =	sor.u32 s19, s19;
	v45 =	vld [tilespmem:s5+$0x6B80]  }
0x282: {  	s1 =	sor.u32 $0x380, s1;
	v0 =	vadd.f32 v43, v0  }
0x283: {  	v46 =	vld [tilespmem:s1+$0x4080]  }
0x284: {  	v0 =	vadd.f32 v44, v0  }
0x285: {  	v47 =	vld [tilespmem:s1+$0x6880]  }
0x286: {  	v0 =	vadd.f32 v45, v0  }
0x287: {  	v48 =	vld [tilespmem:s5+$0x5480]  }
0x288: {  	v0 =	vadd.f32 v46, v0  }
0x289: {  	v49 =	vld [tilespmem:s5+$0x7C80]  }
0x28a: {  	v0 =	vadd.f32 v47, v0  }
0x28b: {  	v50 =	vld [tilespmem:s5+$0x5500]  }
0x28c: {  	v0 =	vadd.f32 v48, v0  }
0x28d: {  	v51 =	vld [tilespmem:s5+$0x7D00]  }
0x28e: {  	v0 =	vadd.f32 v49, v0  }
0x28f: {  	v52 =	vld [tilespmem:s5+$0x5580]  }
0x290: {  	v0 =	vadd.f32 v50, v0  }
0x291: {  	v53 =	vld [tilespmem:s5+$0x7D80]  }
0x292: {  	v0 =	vadd.f32 v51, v0  }
0x293: {  	v54 =	vld [tilespmem:s5+$0x5600]  }
0x294: {  	v0 =	vadd.f32 v52, v0  }
0x295: {  	v55 =	vld [tilespmem:s5+$0x7E00]  }
0x296: {  	v0 =	vadd.f32 v53, v0  }
0x297: {  	v56 =	vld [tilespmem:s5+$0x5680]  }
0x298: {  	v0 =	vadd.f32 v54, v0  }
0x299: {  	v57 =	vld [tilespmem:s5+$0x7E80]  }
0x29a: {  	v0 =	vadd.f32 v55, v0  }
0x29b: {  	v58 =	vld [tilespmem:s5+$0x5700]  }
0x29c: {  	v0 =	vadd.f32 v56, v0  }
0x29d: {  	v59 =	vld [tilespmem:s5+$0x7F00]  }
0x29e: {  	v0 =	vadd.f32 v57, v0  }
0x29f: {  	v60 =	vld [tilespmem:s5+$0x5780]  }
0x2a0: {  	v0 =	vadd.f32 v58, v0  }
0x2a1: {  	v61 =	vld [tilespmem:s5+$0x7F80]  }
0x2a2: {  	v0 =	vadd.f32 v59, v0  }
0x2a3: {  	v62 =	vld [tilespmem:s5+$0x5800]  }
0x2a4: {  	v0 =	vadd.f32 v60, v0  }
0x2a5: {  	v63 =	vld [tilespmem:s5+$0x8000]  }
0x2a6: {  	v0 =	vadd.f32 v61, v0;
	_ =	sdelay $0x1  }
0x2a7: {  	v0 =	vadd.f32 v62, v0;
	_ =	sdelay $0x1  }
0x2a8: {  	s19 =	simm.s32 $0x80;
	s24 =	simm.s32 $0x10;
	v0 =	vadd.f32 v63, v0  }
0x2a9: {  	s13 =	simm.s32 $0x9080;
	s14 =	sand.u32 $0x1C00, s19;
	s5 =	sand.u32 $0x70, s24  }
0x2aa: {  	s1 =	sor.u32 s5, s14;
	s5 =	simm.s32 $0x20;
	[tilespmem:s13+$0x0] =	vst v0  }
.LBB2_4:
0x2ab: {  	p0 =	sne.s32 s5, $0x270;
	v0 =	vld [tilespmem:s1+$0x6880]  }
0x2ac: {  	v1 =	vld [tilespmem:s1+$0x4080];
	_ =	sdelay $0x1  }
0x2ad: {  	v2 =	vld [tilespmem:s1+$0x4100];
	_ =	sdelay $0x1  }
0x2ae: {  	v3 =	vld [tilespmem:s1+$0x6900]  }
0x2af: {  	v0 =	vadd.f32 v0, v1  }
0x2b0: {  	v1 =	vld [tilespmem:s1+$0x4180]  }
0x2b1: {  	v0 =	vadd.f32 v2, v0  }
0x2b2: {  	v2 =	vld [tilespmem:s1+$0x6980]  }
0x2b3: {  	v0 =	vadd.f32 v3, v0  }
0x2b4: {  	v3 =	vld [tilespmem:s1+$0x4200]  }
0x2b5: {  	v0 =	vadd.f32 v1, v0  }
0x2b6: {  	v1 =	vld [tilespmem:s1+$0x6A00]  }
0x2b7: {  	v0 =	vadd.f32 v2, v0  }
0x2b8: {  	v2 =	vld [tilespmem:s1+$0x4280]  }
0x2b9: {  	v0 =	vadd.f32 v3, v0  }
0x2ba: {  	v3 =	vld [tilespmem:s1+$0x6A80]  }
0x2bb: {  	v0 =	vadd.f32 v1, v0  }
0x2bc: {  	v1 =	vld [tilespmem:s1+$0x4300]  }
0x2bd: {  	v0 =	vadd.f32 v2, v0  }
0x2be: {  	v2 =	vld [tilespmem:s1+$0x6B00]  }
0x2bf: {  	v0 =	vadd.f32 v3, v0  }
0x2c0: {  	v3 =	vld [tilespmem:s1+$0x4380]  }
0x2c1: {  	v0 =	vadd.f32 v1, v0  }
0x2c2: {  	s14 =	sor.u32 s19, s24;
	s24 =	smov.u32 s5;
	v1 =	vld [tilespmem:s1+$0x6B80]  }
0x2c3: {  	s14 =	sor.u32 $0x380, s14;
	v0 =	vadd.f32 v2, v0  }
0x2c4: {  	v2 =	vld [tilespmem:s14+$0x4080]  }
0x2c5: {  	v0 =	vadd.f32 v3, v0  }
0x2c6: {  	v3 =	vld [tilespmem:s14+$0x6880]  }
0x2c7: {  	v0 =	vadd.f32 v1, v0  }
0x2c8: {  	v1 =	vld [tilespmem:s1+$0x5480]  }
0x2c9: {  	v0 =	vadd.f32 v2, v0  }
0x2ca: {  	v2 =	vld [tilespmem:s1+$0x7C80]  }
0x2cb: {  	v0 =	vadd.f32 v3, v0  }
0x2cc: {  	v3 =	vld [tilespmem:s1+$0x5500]  }
0x2cd: {  	v0 =	vadd.f32 v1, v0  }
0x2ce: {  	v1 =	vld [tilespmem:s1+$0x7D00]  }
0x2cf: {  	v0 =	vadd.f32 v2, v0  }
0x2d0: {  	v2 =	vld [tilespmem:s1+$0x5580]  }
0x2d1: {  	v0 =	vadd.f32 v3, v0  }
0x2d2: {  	v3 =	vld [tilespmem:s1+$0x7D80]  }
0x2d3: {  	v0 =	vadd.f32 v1, v0  }
0x2d4: {  	v1 =	vld [tilespmem:s1+$0x5600]  }
0x2d5: {  	v0 =	vadd.f32 v2, v0  }
0x2d6: {  	v2 =	vld [tilespmem:s1+$0x7E00]  }
0x2d7: {  	v0 =	vadd.f32 v3, v0  }
0x2d8: {  	v3 =	vld [tilespmem:s1+$0x5680]  }
0x2d9: {  	v0 =	vadd.f32 v1, v0  }
0x2da: {  	v1 =	vld [tilespmem:s1+$0x7E80]  }
0x2db: {  	v0 =	vadd.f32 v2, v0  }
0x2dc: {  	v2 =	vld [tilespmem:s1+$0x5700]  }
0x2dd: {  	v0 =	vadd.f32 v3, v0  }
0x2de: {  	v3 =	vld [tilespmem:s1+$0x7F00]  }
0x2df: {  	v0 =	vadd.f32 v1, v0  }
0x2e0: {  	v1 =	vld [tilespmem:s1+$0x5780]  }
0x2e1: {  	v0 =	vadd.f32 v2, v0  }
0x2e2: {  	v2 =	vld [tilespmem:s1+$0x7F80]  }
0x2e3: {  	v0 =	vadd.f32 v3, v0  }
0x2e4: {  	v3 =	vld [tilespmem:s1+$0x5800]  }
0x2e5: {  	v0 =	vadd.f32 v1, v0  }
0x2e6: {  	v1 =	vld [tilespmem:s1+$0x8000]  }
0x2e7: {  	v0 =	vadd.f32 v2, v0;
	_ =	sdelay $0x1  }
.Ltmp1:
0x2e8: {  	v0 =	vadd.f32 v3, v0;
	(pc) =	sbr.rel @p0 .LBB2_4-.Ltmp1, $4  }
0x2e9: {  	_ = 	snop  }
0x2ea: {  	s19 =	sadd.s32 $0x80, s19;
	v0 =	vadd.f32 v1, v0  }
0x2eb: {  	s13 =	sadd.s32 $0x10, s13;
	s14 =	sand.u32 $0x1C00, s19;
	s1 =	sand.u32 $0x70, s5  }
0x2ec: {  	s5 =	sadd.s32 $0x10, s5;
	s1 =	sor.u32 s1, s14;
	[tilespmem:s13+$0x0] =	vst v0  }
0x2ed: {  	v0 =	vld [tilespmem:s1+$0x6880]  }
0x2ee: {  	v1 =	vld [tilespmem:s1+$0x4080];
	_ =	sdelay $0x1  }
0x2ef: {  	v2 =	vld [tilespmem:s1+$0x4100];
	_ =	sdelay $0x1  }
0x2f0: {  	v3 =	vld [tilespmem:s1+$0x6900]  }
0x2f1: {  	v0 =	vadd.f32 v0, v1  }
0x2f2: {  	v36 =	vld [tilespmem:s1+$0x4180]  }
0x2f3: {  	v0 =	vadd.f32 v2, v0  }
0x2f4: {  	v37 =	vld [tilespmem:s1+$0x6980]  }
0x2f5: {  	v0 =	vadd.f32 v3, v0  }
0x2f6: {  	v38 =	vld [tilespmem:s1+$0x4200]  }
0x2f7: {  	v0 =	vadd.f32 v36, v0  }
0x2f8: {  	v39 =	vld [tilespmem:s1+$0x6A00]  }
0x2f9: {  	v0 =	vadd.f32 v37, v0  }
0x2fa: {  	v40 =	vld [tilespmem:s1+$0x4280]  }
0x2fb: {  	v0 =	vadd.f32 v38, v0  }
0x2fc: {  	v41 =	vld [tilespmem:s1+$0x6A80]  }
0x2fd: {  	v0 =	vadd.f32 v39, v0  }
0x2fe: {  	v42 =	vld [tilespmem:s1+$0x4300]  }
0x2ff: {  	v0 =	vadd.f32 v40, v0  }
0x300: {  	v43 =	vld [tilespmem:s1+$0x6B00]  }
0x301: {  	v0 =	vadd.f32 v41, v0  }
0x302: {  	v44 =	vld [tilespmem:s1+$0x4380]  }
0x303: {  	v0 =	vadd.f32 v42, v0  }
0x304: {  	v45 =	vld [tilespmem:s1+$0x6B80];
	s5 =	sor.u32 s19, s24  }
0x305: {  	s5 =	sor.u32 $0x380, s5;
	v0 =	vadd.f32 v43, v0  }
0x306: {  	v46 =	vld [tilespmem:s5+$0x4080]  }
0x307: {  	v0 =	vadd.f32 v44, v0  }
0x308: {  	v47 =	vld [tilespmem:s5+$0x6880]  }
0x309: {  	v0 =	vadd.f32 v45, v0  }
0x30a: {  	v48 =	vld [tilespmem:s1+$0x5480]  }
0x30b: {  	v0 =	vadd.f32 v46, v0  }
0x30c: {  	v49 =	vld [tilespmem:s1+$0x7C80]  }
0x30d: {  	v0 =	vadd.f32 v47, v0  }
0x30e: {  	v50 =	vld [tilespmem:s1+$0x5500]  }
0x30f: {  	v0 =	vadd.f32 v48, v0  }
0x310: {  	v51 =	vld [tilespmem:s1+$0x7D00]  }
0x311: {  	v0 =	vadd.f32 v49, v0  }
0x312: {  	v52 =	vld [tilespmem:s1+$0x5580]  }
0x313: {  	v0 =	vadd.f32 v50, v0  }
0x314: {  	v53 =	vld [tilespmem:s1+$0x7D80]  }
0x315: {  	v0 =	vadd.f32 v51, v0  }
0x316: {  	v54 =	vld [tilespmem:s1+$0x5600]  }
0x317: {  	v0 =	vadd.f32 v52, v0  }
0x318: {  	v55 =	vld [tilespmem:s1+$0x7E00]  }
0x319: {  	v0 =	vadd.f32 v53, v0  }
0x31a: {  	v56 =	vld [tilespmem:s1+$0x5680]  }
0x31b: {  	v0 =	vadd.f32 v54, v0  }
0x31c: {  	v57 =	vld [tilespmem:s1+$0x7E80]  }
0x31d: {  	v0 =	vadd.f32 v55, v0  }
0x31e: {  	v58 =	vld [tilespmem:s1+$0x5700]  }
0x31f: {  	v0 =	vadd.f32 v56, v0  }
0x320: {  	v59 =	vld [tilespmem:s1+$0x7F00]  }
0x321: {  	v0 =	vadd.f32 v57, v0  }
0x322: {  	v60 =	vld [tilespmem:s1+$0x5780]  }
0x323: {  	v0 =	vadd.f32 v58, v0  }
0x324: {  	v61 =	vld [tilespmem:s1+$0x7F80]  }
0x325: {  	v0 =	vadd.f32 v59, v0  }
0x326: {  	v62 =	vld [tilespmem:s1+$0x5800]  }
0x327: {  	v0 =	vadd.f32 v60, v0  }
0x328: {  	v63 =	vld [tilespmem:s1+$0x8000]  }
0x329: {  	v0 =	vadd.f32 v61, v0;
	_ =	sdelay $0x1  }
0x32a: {  	v0 =	vadd.f32 v62, v0;
	_ =	sdelay $0x1  }
0x32b: {  	s5 =	sadd.s32 $0x10, s13;
	s13 =	sld [smem:$0x77A];
	v0 =	vadd.f32 v63, v0;
	_ =	sdelay $0x1  }
0x32c: {  	s14 =	simm.s32 $0x100;
	s19 =	simm.s32 $0x9080;
	[tilespmem:s5+$0x0] =	vst v0  }
0x32d: {  	[hbm4b:s13+s31] =	stream.strided.scatter [tilespmem:s19], [sflag:$0x3], $0x280, s14, s31, $0x38;
	[tilespmem:$0xE300] =	vst v63  }
0x32e: {  	_ =	swait.ge [sflag:s22], $0x280  }
0x32f: {  	s24 =	sld [smem:$0x77C];
	_ =	sdelay $0x1  }
0x330: {  	s0 =	sadd.s32 $0x1, s0  }
0x331: {  	p0 =	sne.s32 s0, s24  }
.Ltmp2:
0x332: {  	_ = 	snop;
	(pc) =	sbr.rel @p0 .LBB2_1-.Ltmp2, $3  }
0x333: {  	_ =	sdelay $0x1  }
0x334: {  	[sflag:s22] =	ssyncset.done $0x0  }
0x335: {  	[sflag:s22] =	ssyncadd.s32 $0xFFFFFD80  }
0x336: {  	_ =	sfence.sel $0x180000  }
0x337: {  	[bflag:$0x0] =	sbarrier.arrive $0xFFFF  }
0x338: {  	_ =	strace $0x90000047  }
0x339: {  	s0 =	stileid.u32;
	[bflag:$0x2] =	sbarrier.arrive $0xFFFF  }
0x33a: {  	p0 =	sne.s32 s0, $0x0;
	s0 =	rddreg [dreg:$0x4]  }
0x33b: {  	s0 =	sadd.s32 @!p0 $0x100000, s0  }
0x33c: {  	[sflag:s0] =	ssyncadd.tile.s32 @!p0 $0x1;
	_ =	shalt  }
.Lfunc_end2:
_tile_overlayer_lowered:
.L_overlay_start_2:
0x33d: {  	(tag) =	ssettag $0x2  }
0x33e: {  	s0 =	rddreg [dreg:$0x0];
	s2 =	stileid.u32  }
0x33f: {  	s1 =	rddreg [dreg:$0x1];
	p0 =	sne.s32 s2, $0x0  }
0x340: {  	s3 =	rddreg [dreg:$0x2];
	[bflag:$0x3] =	sbarrier.arrive $0xFFFF;
	s2 =	simm.s32 @!p0 $0x1C03  }
0x341: {  	[timem:s3], [sflag:s2] =	dma.local @!p0 [hbm:s0], s1  }
0x342: {  	s0 =	simm.s32 @!p0 $0x3  }
0x343: {  	_ =	swait.ge @!p0 [sflag:s0], s1  }
0x344: {  	s1 =	ssub.s32 @!p0 $0x0, s1;
	[sflag:s0] =	ssyncset.done @!p0 $0x0  }
0x345: {  	[sflag:s0] =	ssyncadd.s32 @!p0 s1  }
0x346: {  	[bflag:$0x3] =	sbarrier.arrive $0xFFFF  }
0x347: {  	_ =	shalt  }

</sc_bundles>
